<compile_context>
chip_gen: v7x
topology: tpu7x:2x2x1
jax: 0.10.2.dev20260603
libtpu: 0.0.44.dev20260713+nightly
codegen_flags: <defaults>
</compile_context>

<pallas_src>
import jax
import jax.numpy as jnp
from jax.experimental import pallas as pl
from jax.experimental.pallas import tpu as pltpu


def _node_kernel(x_ref, w_ref, as_ref, ad_ref, h_ref, ss_ref, sd_ref):
    h = jnp.dot(x_ref[...], w_ref[...], preferred_element_type=jnp.float32)
    h_ref[...] = h
    ss_ref[...] = jnp.dot(h, as_ref[...], preferred_element_type=jnp.float32)
    sd_ref[...] = jnp.dot(h, ad_ref[...], preferred_element_type=jnp.float32)


def _node_pass(x, W, As, Ad, blk=1000):
    n, d = x.shape
    f = W.shape[1]
    H = As.shape[1]
    return pl.pallas_call(
        _node_kernel,
        grid=(n // blk,),
        in_specs=[
            pl.BlockSpec((blk, d), lambda i: (i, 0)),
            pl.BlockSpec((d, f), lambda i: (0, 0)),
            pl.BlockSpec((f, H), lambda i: (0, 0)),
            pl.BlockSpec((f, H), lambda i: (0, 0)),
        ],
        out_specs=[
            pl.BlockSpec((blk, f), lambda i: (i, 0)),
            pl.BlockSpec((blk, H), lambda i: (i, 0)),
            pl.BlockSpec((blk, H), lambda i: (i, 0)),
        ],
        out_shape=[
            jax.ShapeDtypeStruct((n, f), jnp.float32),
            jax.ShapeDtypeStruct((n, H), jnp.float32),
            jax.ShapeDtypeStruct((n, H), jnp.float32),
        ],
    )(x, W, As, Ad)


def _ex_kernel(ss_ref, sd_ref, ea_ref, m_ref, ub_ref, ex_ref):
    a = ss_ref[...] + sd_ref[...] + jnp.dot(
        ea_ref[...], m_ref[...], preferred_element_type=jnp.float32
    )
    a = jnp.where(a > 0, a, 0.2 * a)
    ex_ref[...] = jnp.exp(a - ub_ref[...])


def _ex_pass(ss_g, sd_g, ea, M, ub, blk=1000):
    e, H = ss_g.shape
    de = ea.shape[1]
    return pl.pallas_call(
        _ex_kernel,
        grid=(e // blk,),
        in_specs=[
            pl.BlockSpec((blk, H), lambda i: (i, 0)),
            pl.BlockSpec((blk, H), lambda i: (i, 0)),
            pl.BlockSpec((blk, de), lambda i: (i, 0)),
            pl.BlockSpec((de, H), lambda i: (0, 0)),
            pl.BlockSpec((1, H), lambda i: (0, 0)),
        ],
        out_specs=pl.BlockSpec((blk, H), lambda i: (i, 0)),
        out_shape=jax.ShapeDtypeStruct((e, H), jnp.float32),
    )(ss_g, sd_g, ea, M, ub)


def _msg_kernel(hs_ref, ex_ref, k_ref, msg_ref):
    msg_ref[...] = hs_ref[...] * jnp.dot(
        ex_ref[...], k_ref[...], preferred_element_type=jnp.float32
    )


def _msg_pass(h_src, ex, K, blk=1000):
    e, f = h_src.shape
    H = ex.shape[1]
    return pl.pallas_call(
        _msg_kernel,
        grid=(e // blk,),
        in_specs=[
            pl.BlockSpec((blk, f), lambda i: (i, 0)),
            pl.BlockSpec((blk, H), lambda i: (i, 0)),
            pl.BlockSpec((H, f), lambda i: (0, 0)),
        ],
        out_specs=pl.BlockSpec((blk, f), lambda i: (i, 0)),
        out_shape=jax.ShapeDtypeStruct((e, f), jnp.float32),
    )(h_src, ex, K)


def _norm_kernel_elu(num_ref, den_ref, k_ref, b_ref, o_ref):
    den = jnp.dot(den_ref[...], k_ref[...], preferred_element_type=jnp.float32)
    o = num_ref[...] / (den + 1e-16) + b_ref[...]
    o_ref[...] = jnp.where(o > 0, o, jnp.exp(o) - 1.0)


def _norm_kernel_plain(num_ref, den_ref, k_ref, b_ref, o_ref):
    den = jnp.dot(den_ref[...], k_ref[...], preferred_element_type=jnp.float32)
    o_ref[...] = num_ref[...] / (den + 1e-16) + b_ref[...]


def _norm_pass(num, den, K, b, elu, blk=1000):
    n, f = num.shape
    H = den.shape[1]
    body = _norm_kernel_elu if elu else _norm_kernel_plain
    return pl.pallas_call(
        body,
        grid=(n // blk,),
        in_specs=[
            pl.BlockSpec((blk, f), lambda i: (i, 0)),
            pl.BlockSpec((blk, H), lambda i: (i, 0)),
            pl.BlockSpec((H, f), lambda i: (0, 0)),
            pl.BlockSpec((1, f), lambda i: (0, 0)),
        ],
        out_specs=pl.BlockSpec((blk, f), lambda i: (i, 0)),
        out_shape=jax.ShapeDtypeStruct((n, f), jnp.float32),
    )(num, den, K, b)


def _amat(a):
    H, C = a.shape
    return (a[:, :, None] * jnp.eye(H, dtype=a.dtype)[:, None, :]).reshape(H * C, H)


def _kmat(H, C):
    return jnp.repeat(jnp.eye(H, dtype=jnp.float32), C, axis=1)


def _gat_layer(x, src, dst, ea, W, a_s, a_d, We, a_e, b, H, C, elu):
    n = x.shape[0]
    f = H * C
    As = _amat(a_s)
    Ad = _amat(a_d)
    M = We @ _amat(a_e)
    K = _kmat(H, C)

    h, ss, sd = _node_pass(x, W, As, Ad)

    ea_lo = jnp.min(ea)
    ea_hi = jnp.max(ea)
    se_max = jnp.maximum(M * ea_lo, M * ea_hi)
    ub_a = (
        jnp.max(ss, axis=0, keepdims=True)
        + jnp.max(sd, axis=0, keepdims=True)
        + se_max
    )
    ub = jnp.where(ub_a > 0, ub_a, 0.2 * ub_a)

    ss_g = jnp.take(ss, src, axis=0)
    sd_g = jnp.take(sd, dst, axis=0)
    ex = _ex_pass(ss_g, sd_g, ea, M, ub)

    den = jax.ops.segment_sum(ex, dst, num_segments=n)
    h_src = jnp.take(h, src, axis=0)
    msg = _msg_pass(h_src, ex, K)
    num = jax.ops.segment_sum(msg, dst, num_segments=n)

    return _norm_pass(num, den, K, b.reshape(1, f), elu)


def _with_self_loops(edge_index, edge_attr, n):
    loop = jnp.arange(n, dtype=edge_index.dtype)
    ei = jnp.concatenate([edge_index, jnp.stack([loop, loop])], axis=1)
    mean_ea = jnp.mean(edge_attr, axis=0, keepdims=True)
    ea = jnp.concatenate(
        [edge_attr, jnp.broadcast_to(mean_ea, (n, edge_attr.shape[1]))], axis=0
    )
    return ei, ea


def kernel(x, edge_index, edge_attr, W1, as1, ad1, We1, ae1, b1, W2, as2, ad2, We2, ae2, b2, W3, as3, ad3, We3, ae3, b3):
    ei, ea = _with_self_loops(edge_index, edge_attr, x.shape[0])
    src, dst = ei[0], ei[1]
    h = _gat_layer(x, src, dst, ea, W1, as1, ad1, We1, ae1, b1, 4, 32, True)
    h = _gat_layer(h, src, dst, ea, W2, as2, ad2, We2, ae2, b2, 4, 32, True)
    return _gat_layer(h, src, dst, ea, W3, as3, ad3, We3, ae3, b3, 1, 1, False)

# --- scband reference (transcript-rebuilt; emitter-appended) ---
"""Pipeline reference for scband-contagion-gat-65807488909417 (READ-ONLY COPY).

The authoritative reference and input builder live on the scoring server;
editing this copy changes nothing except your own understanding.
"""

import jax, jax.numpy as jnp
import numpy as np

N = 50000
E = 800000
D_IN = 4
D_EDGE = 1


def _p(key, shape, scale=0.1):
    return jax.random.normal(key, shape, dtype=jnp.float32) * scale


def setup_inputs(seed: int = 0) -> dict:
    key = jax.random.key(seed)
    ks = jax.random.split(key, 32)
    inp = {}
    inp["x"] = jax.random.normal(ks[0], (N, D_IN), dtype=jnp.float32)
    inp["edge_index"] = jax.random.randint(ks[1], (2, E), 0, N, dtype=jnp.int32)
    inp["edge_attr"] = jax.random.uniform(ks[2], (E, D_EDGE), dtype=jnp.float32)
    # layer 1: GATConv(4 -> 32, heads=4, edge_dim=1), concat -> 128
    inp["W1"] = _p(ks[3], (4, 128)); inp["as1"] = _p(ks[4], (4, 32)); inp["ad1"] = _p(ks[5], (4, 32))
    inp["We1"] = _p(ks[6], (1, 128)); inp["ae1"] = _p(ks[7], (4, 32)); inp["b1"] = jnp.zeros((128,), jnp.float32)
    # layer 2: GATConv(128 -> 32, heads=4, edge_dim=1), concat -> 128
    inp["W2"] = _p(ks[8], (128, 128)); inp["as2"] = _p(ks[9], (4, 32)); inp["ad2"] = _p(ks[10], (4, 32))
    inp["We2"] = _p(ks[11], (1, 128)); inp["ae2"] = _p(ks[12], (4, 32)); inp["b2"] = jnp.zeros((128,), jnp.float32)
    # layer 3: GATConv(128 -> 1, heads=1, concat=False, edge_dim=1)
    inp["W3"] = _p(ks[13], (128, 1)); inp["as3"] = _p(ks[14], (1, 1)); inp["ad3"] = _p(ks[15], (1, 1))
    inp["We3"] = _p(ks[16], (1, 1)); inp["ae3"] = _p(ks[17], (1, 1)); inp["b3"] = jnp.zeros((1,), jnp.float32)
    return inp


def _with_self_loops(edge_index, edge_attr, n):
    loop = jnp.arange(n, dtype=edge_index.dtype)
    ei = jnp.concatenate([edge_index, jnp.stack([loop, loop])], axis=1)
    mean_ea = jnp.mean(edge_attr, axis=0, keepdims=True)  # PyG fill_value='mean'
    ea = jnp.concatenate([edge_attr, jnp.broadcast_to(mean_ea, (n, edge_attr.shape[1]))], axis=0)
    return ei, ea


def _gat(x, src, dst, ea, W, a_s, a_d, We, a_e, b, H, C, concat):
    n = x.shape[0]
    h = (x @ W).reshape(n, H, C)
    he = (ea @ We).reshape(-1, H, C)
    alpha = (h * a_s).sum(-1)[src] + (h * a_d).sum(-1)[dst] + (he * a_e).sum(-1)  # [E', H]
    alpha = jax.nn.leaky_relu(alpha, 0.2)
    amax = jax.ops.segment_max(alpha, dst, num_segments=n)
    amax = jnp.where(jnp.isneginf(amax), 0.0, amax)
    ex = jnp.exp(alpha - amax[dst])
    den = jax.ops.segment_sum(ex, dst, num_segments=n)
    alpha = ex / (den[dst] + 1e-16)
    out = jax.ops.segment_sum(h[src] * alpha[:, :, None], dst, num_segments=n)
    out = out.reshape(n, H * C) if concat else out.mean(axis=1)
    return out + b


def reference(x, edge_index, edge_attr, W1, as1, ad1, We1, ae1, b1, W2, as2, ad2, We2, ae2, b2, W3, as3, ad3, We3, ae3, b3):
    ei, ea = _with_self_loops(edge_index, edge_attr, x.shape[0])
    src, dst = ei[0], ei[1]
    h = jax.nn.elu(_gat(x, src, dst, ea, W1, as1, ad1, We1, ae1, b1, 4, 32, True))
    # dropout p=0.6 is identity at inference
    h = jax.nn.elu(_gat(h, src, dst, ea, W2, as2, ad2, We2, ae2, b2, 4, 32, True))
    out = _gat(h, src, dst, ea, W3, as3, ad3, We3, ae3, b3, 1, 1, False)
    return out

if __name__ == "__main__":
    import jax
    _d = setup_inputs()
    print(jax.jit(kernel)(*tuple(_d.values())))

</pallas_src>

<mosaic_0001>
module attributes {stable_mosaic.version = 14 : i64} {
  func.func @_node_kernel(%arg0: i32, %arg1: memref<1000x4xf32, #tpu.memory_space<vmem>>, %arg2: memref<4x128xf32, #tpu.memory_space<vmem>>, %arg3: memref<128x4xf32, #tpu.memory_space<vmem>>, %arg4: memref<128x4xf32, #tpu.memory_space<vmem>>, %arg5: memref<1000x128xf32, #tpu.memory_space<vmem>>, %arg6: memref<1000x4xf32, #tpu.memory_space<vmem>>, %arg7: memref<1000x4xf32, #tpu.memory_space<vmem>>) attributes {dimension_semantics = [#tpu.dimension_semantics<arbitrary>], iteration_bounds = array<i64: 50>, scalar_prefetch = 0 : i64, scratch_operands = 0 : i64, tpu.core_type = #tpu.core_type<tc>, window_params = [{transform_indices = @transform_0, window_bounds = array<i64: 1000, 4>}, {pipeline_mode = #tpu.pipeline_mode<synchronous>, transform_indices = @transform_1, window_bounds = array<i64: 4, 128>}, {pipeline_mode = #tpu.pipeline_mode<synchronous>, transform_indices = @transform_2, window_bounds = array<i64: 128, 4>}, {pipeline_mode = #tpu.pipeline_mode<synchronous>, transform_indices = @transform_3, window_bounds = array<i64: 128, 4>}, {transform_indices = @transform_4, window_bounds = array<i64: 1000, 128>}, {transform_indices = @transform_5, window_bounds = array<i64: 1000, 4>}, {transform_indices = @transform_6, window_bounds = array<i64: 1000, 4>}]} {
    %get3A = arith.constant 0 : index
    %get3A_0 = arith.constant 0 : index
    %get3A_1 = vector.load %arg1[%get3A, %get3A_0] : memref<1000x4xf32, #tpu.memory_space<vmem>>, vector<1000x4xf32>
    %get3A_2 = arith.constant 0 : index
    %get3A_3 = arith.constant 0 : index
    %get3A_4 = vector.load %arg2[%get3A_2, %get3A_3] : memref<4x128xf32, #tpu.memory_space<vmem>>, vector<4x128xf32>
    %dot_general3A = arith.constant dense<0.000000e+00> : vector<1000x128xf32>
    %dot_general3A_5 = tpu.matmul %get3A_1, %get3A_4, %dot_general3A {dimension_numbers = #tpu.dot_dimension_numbers<[1], [0], [0], [1], [0, 0, 1, 1], [], []>, transpose_lhs_hint = false} : vector<1000x4xf32>, vector<4x128xf32>, vector<1000x128xf32> -> vector<1000x128xf32>
    %swap3A = arith.constant 0 : index
    %swap3A_6 = arith.constant 0 : index
    %swap3A_7 = vector.load %arg5[%swap3A, %swap3A_6] : memref<1000x128xf32, #tpu.memory_space<vmem>>, vector<1000x128xf32>
    tpu.vector_store %arg5[%swap3A, %swap3A_6], %dot_general3A_5 {strides = array<i32>} : memref<1000x128xf32, #tpu.memory_space<vmem>>, vector<1000x128xf32>,
    %get3A_8 = arith.constant 0 : index
    %get3A_9 = arith.constant 0 : index
    %get3A_10 = vector.load %arg3[%get3A_8, %get3A_9] : memref<128x4xf32, #tpu.memory_space<vmem>>, vector<128x4xf32>
    %dot_general3A_11 = arith.constant dense<0.000000e+00> : vector<1000x4xf32>
    %dot_general3A_12 = tpu.matmul %dot_general3A_5, %get3A_10, %dot_general3A_11 {dimension_numbers = #tpu.dot_dimension_numbers<[1], [0], [0], [1], [0, 0, 1, 1], [], []>, transpose_lhs_hint = false} : vector<1000x128xf32>, vector<128x4xf32>, vector<1000x4xf32> -> vector<1000x4xf32>
    %swap3A_13 = arith.constant 0 : index
    %swap3A_14 = arith.constant 0 : index
    %swap3A_15 = vector.load %arg6[%swap3A_13, %swap3A_14] : memref<1000x4xf32, #tpu.memory_space<vmem>>, vector<1000x4xf32>
    tpu.vector_store %arg6[%swap3A_13, %swap3A_14], %dot_general3A_12 {strides = array<i32>} : memref<1000x4xf32, #tpu.memory_space<vmem>>, vector<1000x4xf32>,
    %get3A_16 = arith.constant 0 : index
    %get3A_17 = arith.constant 0 : index
    %get3A_18 = vector.load %arg4[%get3A_16, %get3A_17] : memref<128x4xf32, #tpu.memory_space<vmem>>, vector<128x4xf32>
    %dot_general3A_19 = arith.constant dense<0.000000e+00> : vector<1000x4xf32>
    %dot_general3A_20 = tpu.matmul %dot_general3A_5, %get3A_18, %dot_general3A_19 {dimension_numbers = #tpu.dot_dimension_numbers<[1], [0], [0], [1], [0, 0, 1, 1], [], []>, transpose_lhs_hint = false} : vector<1000x128xf32>, vector<128x4xf32>, vector<1000x4xf32> -> vector<1000x4xf32>
    %swap3A_21 = arith.constant 0 : index
    %swap3A_22 = arith.constant 0 : index
    %swap3A_23 = vector.load %arg7[%swap3A_21, %swap3A_22] : memref<1000x4xf32, #tpu.memory_space<vmem>>, vector<1000x4xf32>
    tpu.vector_store %arg7[%swap3A_21, %swap3A_22], %dot_general3A_20 {strides = array<i32>} : memref<1000x4xf32, #tpu.memory_space<vmem>>, vector<1000x4xf32>,
    return
  }
  func.func @transform_0(%arg0: i32) -> (i32, i32) {
    %c0_i32 = arith.constant 0 : i32
    %c0_i32_0 = arith.constant 0 : i32
    return %arg0, %c0_i32 : i32, i32
  }
  func.func @transform_1(%arg0: i32) -> (i32, i32) {
    %c0_i32 = arith.constant 0 : i32
    %c0_i32_0 = arith.constant 0 : i32
    %c0_i32_1 = arith.constant 0 : i32
    return %c0_i32, %c0_i32_0 : i32, i32
  }
  func.func @transform_2(%arg0: i32) -> (i32, i32) {
    %c0_i32 = arith.constant 0 : i32
    %c0_i32_0 = arith.constant 0 : i32
    %c0_i32_1 = arith.constant 0 : i32
    return %c0_i32, %c0_i32_0 : i32, i32
  }
  func.func @transform_3(%arg0: i32) -> (i32, i32) {
    %c0_i32 = arith.constant 0 : i32
    %c0_i32_0 = arith.constant 0 : i32
    %c0_i32_1 = arith.constant 0 : i32
    return %c0_i32, %c0_i32_0 : i32, i32
  }
  func.func @transform_4(%arg0: i32) -> (i32, i32) {
    %c0_i32 = arith.constant 0 : i32
    %c0_i32_0 = arith.constant 0 : i32
    return %arg0, %c0_i32 : i32, i32
  }
  func.func @transform_5(%arg0: i32) -> (i32, i32) {
    %c0_i32 = arith.constant 0 : i32
    %c0_i32_0 = arith.constant 0 : i32
    return %arg0, %c0_i32 : i32, i32
  }
  func.func @transform_6(%arg0: i32) -> (i32, i32) {
    %c0_i32 = arith.constant 0 : i32
    %c0_i32_0 = arith.constant 0 : i32
    return %arg0, %c0_i32 : i32, i32
  }
}

module attributes {stable_mosaic.version = 14 : i64} {
  func.func @_ex_kernel(%arg0: i32, %arg1: memref<1000x4xf32, #tpu.memory_space<vmem>>, %arg2: memref<1000x4xf32, #tpu.memory_space<vmem>>, %arg3: memref<1000x1xf32, #tpu.memory_space<vmem>>, %arg4: memref<1x4xf32, #tpu.memory_space<vmem>>, %arg5: memref<1x4xf32, #tpu.memory_space<vmem>>, %arg6: memref<1000x4xf32, #tpu.memory_space<vmem>>) attributes {dimension_semantics = [#tpu.dimension_semantics<arbitrary>], iteration_bounds = array<i64: 850>, scalar_prefetch = 0 : i64, scratch_operands = 0 : i64, tpu.core_type = #tpu.core_type<tc>, window_params = [{transform_indices = @transform_0, window_bounds = array<i64: 1000, 4>}, {transform_indices = @transform_1, window_bounds = array<i64: 1000, 4>}, {transform_indices = @transform_2, window_bounds = array<i64: 1000, 1>}, {pipeline_mode = #tpu.pipeline_mode<synchronous>, transform_indices = @transform_3, window_bounds = array<i64: 1, 4>}, {pipeline_mode = #tpu.pipeline_mode<synchronous>, transform_indices = @transform_4, window_bounds = array<i64: 1, 4>}, {transform_indices = @transform_5, window_bounds = array<i64: 1000, 4>}]} {
    %get3A = arith.constant 0 : index
    %get3A_0 = arith.constant 0 : index
    %get3A_1 = vector.load %arg1[%get3A, %get3A_0] : memref<1000x4xf32, #tpu.memory_space<vmem>>, vector<1000x4xf32>
    %get3A_2 = arith.constant 0 : index
    %get3A_3 = arith.constant 0 : index
    %get3A_4 = vector.load %arg2[%get3A_2, %get3A_3] : memref<1000x4xf32, #tpu.memory_space<vmem>>, vector<1000x4xf32>
    %add3A = arith.addf %get3A_1, %get3A_4 : vector<1000x4xf32>
    %get3A_5 = arith.constant 0 : index
    %get3A_6 = arith.constant 0 : index
    %get3A_7 = vector.load %arg3[%get3A_5, %get3A_6] : memref<1000x1xf32, #tpu.memory_space<vmem>>, vector<1000x1xf32>
    %get3A_8 = arith.constant 0 : index
    %get3A_9 = arith.constant 0 : index
    %get3A_10 = vector.load %arg4[%get3A_8, %get3A_9] : memref<1x4xf32, #tpu.memory_space<vmem>>, vector<1x4xf32>
    %dot_general3A = arith.constant dense<0.000000e+00> : vector<1000x4xf32>
    %dot_general3A_11 = tpu.matmul %get3A_7, %get3A_10, %dot_general3A {dimension_numbers = #tpu.dot_dimension_numbers<[1], [0], [0], [1], [0, 0, 1, 1], [], []>, transpose_lhs_hint = false} : vector<1000x1xf32>, vector<1x4xf32>, vector<1000x4xf32> -> vector<1000x4xf32>
    %add3A_12 = arith.addf %add3A, %dot_general3A_11 : vector<1000x4xf32>
    %gt3A = arith.constant 0.000000e+00 : f32
    %gt3A_13 = vector.broadcast %gt3A : f32 to vector<1000x4xf32>
    %gt3A_14 = arith.cmpf ogt, %add3A_12, %gt3A_13 : vector<1000x4xf32>
    %mul3A = arith.constant 2.000000e-01 : f32
    %mul3A_15 = vector.broadcast %mul3A : f32 to vector<1000x4xf32>
    %mul3A_16 = arith.mulf %mul3A_15, %add3A_12 : vector<1000x4xf32>
    %select_n3A = arith.select %gt3A_14, %add3A_12, %mul3A_16 : vector<1000x4xi1>, vector<1000x4xf32>
    %get3A_17 = arith.constant 0 : index
    %get3A_18 = arith.constant 0 : index
    %get3A_19 = vector.load %arg5[%get3A_17, %get3A_18] : memref<1x4xf32, #tpu.memory_space<vmem>>, vector<1x4xf32>
    %sub3A = vector.broadcast %get3A_19 : vector<1x4xf32> to vector<1000x4xf32>
    %sub3A_20 = arith.subf %select_n3A, %sub3A : vector<1000x4xf32>
    %exp3A = math.exp %sub3A_20 : vector<1000x4xf32>
    %swap3A = arith.constant 0 : index
    %swap3A_21 = arith.constant 0 : index
    %swap3A_22 = vector.load %arg6[%swap3A, %swap3A_21] : memref<1000x4xf32, #tpu.memory_space<vmem>>, vector<1000x4xf32>
    tpu.vector_store %arg6[%swap3A, %swap3A_21], %exp3A {strides = array<i32>} : memref<1000x4xf32, #tpu.memory_space<vmem>>, vector<1000x4xf32>,
    return
  }
  func.func @transform_0(%arg0: i32) -> (i32, i32) {
    %c0_i32 = arith.constant 0 : i32
    %c0_i32_0 = arith.constant 0 : i32
    return %arg0, %c0_i32 : i32, i32
  }
  func.func @transform_1(%arg0: i32) -> (i32, i32) {
    %c0_i32 = arith.constant 0 : i32
    %c0_i32_0 = arith.constant 0 : i32
    return %arg0, %c0_i32 : i32, i32
  }
  func.func @transform_2(%arg0: i32) -> (i32, i32) {
    %c0_i32 = arith.constant 0 : i32
    %c0_i32_0 = arith.constant 0 : i32
    return %arg0, %c0_i32 : i32, i32
  }
  func.func @transform_3(%arg0: i32) -> (i32, i32) {
    %c0_i32 = arith.constant 0 : i32
    %c0_i32_0 = arith.constant 0 : i32
    %c0_i32_1 = arith.constant 0 : i32
    return %c0_i32, %c0_i32_0 : i32, i32
  }
  func.func @transform_4(%arg0: i32) -> (i32, i32) {
    %c0_i32 = arith.constant 0 : i32
    %c0_i32_0 = arith.constant 0 : i32
    %c0_i32_1 = arith.constant 0 : i32
    return %c0_i32, %c0_i32_0 : i32, i32
  }
  func.func @transform_5(%arg0: i32) -> (i32, i32) {
    %c0_i32 = arith.constant 0 : i32
    %c0_i32_0 = arith.constant 0 : i32
    return %arg0, %c0_i32 : i32, i32
  }
}

module attributes {stable_mosaic.version = 14 : i64} {
  func.func @_msg_kernel(%arg0: i32, %arg1: memref<1000x128xf32, #tpu.memory_space<vmem>>, %arg2: memref<1000x4xf32, #tpu.memory_space<vmem>>, %arg3: memref<4x128xf32, #tpu.memory_space<vmem>>, %arg4: memref<1000x128xf32, #tpu.memory_space<vmem>>) attributes {dimension_semantics = [#tpu.dimension_semantics<arbitrary>], iteration_bounds = array<i64: 850>, scalar_prefetch = 0 : i64, scratch_operands = 0 : i64, tpu.core_type = #tpu.core_type<tc>, window_params = [{transform_indices = @transform_0, window_bounds = array<i64: 1000, 128>}, {transform_indices = @transform_1, window_bounds = array<i64: 1000, 4>}, {pipeline_mode = #tpu.pipeline_mode<synchronous>, transform_indices = @transform_2, window_bounds = array<i64: 4, 128>}, {transform_indices = @transform_3, window_bounds = array<i64: 1000, 128>}]} {
    %get3A = arith.constant 0 : index
    %get3A_0 = arith.constant 0 : index
    %get3A_1 = vector.load %arg1[%get3A, %get3A_0] : memref<1000x128xf32, #tpu.memory_space<vmem>>, vector<1000x128xf32>
    %get3A_2 = arith.constant 0 : index
    %get3A_3 = arith.constant 0 : index
    %get3A_4 = vector.load %arg2[%get3A_2, %get3A_3] : memref<1000x4xf32, #tpu.memory_space<vmem>>, vector<1000x4xf32>
    %get3A_5 = arith.constant 0 : index
    %get3A_6 = arith.constant 0 : index
    %get3A_7 = vector.load %arg3[%get3A_5, %get3A_6] : memref<4x128xf32, #tpu.memory_space<vmem>>, vector<4x128xf32>
    %dot_general3A = arith.constant dense<0.000000e+00> : vector<1000x128xf32>
    %dot_general3A_8 = tpu.matmul %get3A_4, %get3A_7, %dot_general3A {dimension_numbers = #tpu.dot_dimension_numbers<[1], [0], [0], [1], [0, 0, 1, 1], [], []>, transpose_lhs_hint = false} : vector<1000x4xf32>, vector<4x128xf32>, vector<1000x128xf32> -> vector<1000x128xf32>
    %mul3A = arith.mulf %get3A_1, %dot_general3A_8 : vector<1000x128xf32>
    %swap3A = arith.constant 0 : index
    %swap3A_9 = arith.constant 0 : index
    %swap3A_10 = vector.load %arg4[%swap3A, %swap3A_9] : memref<1000x128xf32, #tpu.memory_space<vmem>>, vector<1000x128xf32>
    tpu.vector_store %arg4[%swap3A, %swap3A_9], %mul3A {strides = array<i32>} : memref<1000x128xf32, #tpu.memory_space<vmem>>, vector<1000x128xf32>,
    return
  }
  func.func @transform_0(%arg0: i32) -> (i32, i32) {
    %c0_i32 = arith.constant 0 : i32
    %c0_i32_0 = arith.constant 0 : i32
    return %arg0, %c0_i32 : i32, i32
  }
  func.func @transform_1(%arg0: i32) -> (i32, i32) {
    %c0_i32 = arith.constant 0 : i32
    %c0_i32_0 = arith.constant 0 : i32
    return %arg0, %c0_i32 : i32, i32
  }
  func.func @transform_2(%arg0: i32) -> (i32, i32) {
    %c0_i32 = arith.constant 0 : i32
    %c0_i32_0 = arith.constant 0 : i32
    %c0_i32_1 = arith.constant 0 : i32
    return %c0_i32, %c0_i32_0 : i32, i32
  }
  func.func @transform_3(%arg0: i32) -> (i32, i32) {
    %c0_i32 = arith.constant 0 : i32
    %c0_i32_0 = arith.constant 0 : i32
    return %arg0, %c0_i32 : i32, i32
  }
}

module attributes {stable_mosaic.version = 14 : i64} {
  func.func @_norm_kernel_elu(%arg0: i32, %arg1: memref<1000x128xf32, #tpu.memory_space<vmem>>, %arg2: memref<1000x4xf32, #tpu.memory_space<vmem>>, %arg3: memref<4x128xf32, #tpu.memory_space<vmem>>, %arg4: memref<1x128xf32, #tpu.memory_space<vmem>>, %arg5: memref<1000x128xf32, #tpu.memory_space<vmem>>) attributes {dimension_semantics = [#tpu.dimension_semantics<arbitrary>], iteration_bounds = array<i64: 50>, scalar_prefetch = 0 : i64, scratch_operands = 0 : i64, tpu.core_type = #tpu.core_type<tc>, window_params = [{transform_indices = @transform_0, window_bounds = array<i64: 1000, 128>}, {transform_indices = @transform_1, window_bounds = array<i64: 1000, 4>}, {pipeline_mode = #tpu.pipeline_mode<synchronous>, transform_indices = @transform_2, window_bounds = array<i64: 4, 128>}, {pipeline_mode = #tpu.pipeline_mode<synchronous>, transform_indices = @transform_3, window_bounds = array<i64: 1, 128>}, {transform_indices = @transform_4, window_bounds = array<i64: 1000, 128>}]} {
    %get3A = arith.constant 0 : index
    %get3A_0 = arith.constant 0 : index
    %get3A_1 = vector.load %arg2[%get3A, %get3A_0] : memref<1000x4xf32, #tpu.memory_space<vmem>>, vector<1000x4xf32>
    %get3A_2 = arith.constant 0 : index
    %get3A_3 = arith.constant 0 : index
    %get3A_4 = vector.load %arg3[%get3A_2, %get3A_3] : memref<4x128xf32, #tpu.memory_space<vmem>>, vector<4x128xf32>
    %dot_general3A = arith.constant dense<0.000000e+00> : vector<1000x128xf32>
    %dot_general3A_5 = tpu.matmul %get3A_1, %get3A_4, %dot_general3A {dimension_numbers = #tpu.dot_dimension_numbers<[1], [0], [0], [1], [0, 0, 1, 1], [], []>, transpose_lhs_hint = false} : vector<1000x4xf32>, vector<4x128xf32>, vector<1000x128xf32> -> vector<1000x128xf32>
    %get3A_6 = arith.constant 0 : index
    %get3A_7 = arith.constant 0 : index
    %get3A_8 = vector.load %arg1[%get3A_6, %get3A_7] : memref<1000x128xf32, #tpu.memory_space<vmem>>, vector<1000x128xf32>
    %add3A = arith.constant 1.000000e-16 : f32
    %add3A_9 = vector.broadcast %add3A : f32 to vector<1000x128xf32>
    %add3A_10 = arith.addf %dot_general3A_5, %add3A_9 : vector<1000x128xf32>
    %div3A = arith.divf %get3A_8, %add3A_10 : vector<1000x128xf32>
    %get3A_11 = arith.constant 0 : index
    %get3A_12 = arith.constant 0 : index
    %get3A_13 = vector.load %arg4[%get3A_11, %get3A_12] : memref<1x128xf32, #tpu.memory_space<vmem>>, vector<1x128xf32>
    %add3A_14 = vector.broadcast %get3A_13 : vector<1x128xf32> to vector<1000x128xf32>
    %add3A_15 = arith.addf %div3A, %add3A_14 : vector<1000x128xf32>
    %gt3A = arith.constant 0.000000e+00 : f32
    %gt3A_16 = vector.broadcast %gt3A : f32 to vector<1000x128xf32>
    %gt3A_17 = arith.cmpf ogt, %add3A_15, %gt3A_16 : vector<1000x128xf32>
    %exp3A = math.exp %add3A_15 : vector<1000x128xf32>
    %sub3A = arith.constant 1.000000e+00 : f32
    %sub3A_18 = vector.broadcast %sub3A : f32 to vector<1000x128xf32>
    %sub3A_19 = arith.subf %exp3A, %sub3A_18 : vector<1000x128xf32>
    %select_n3A = arith.select %gt3A_17, %add3A_15, %sub3A_19 : vector<1000x128xi1>, vector<1000x128xf32>
    %swap3A = arith.constant 0 : index
    %swap3A_20 = arith.constant 0 : index
    %swap3A_21 = vector.load %arg5[%swap3A, %swap3A_20] : memref<1000x128xf32, #tpu.memory_space<vmem>>, vector<1000x128xf32>
    tpu.vector_store %arg5[%swap3A, %swap3A_20], %select_n3A {strides = array<i32>} : memref<1000x128xf32, #tpu.memory_space<vmem>>, vector<1000x128xf32>,
    return
  }
  func.func @transform_0(%arg0: i32) -> (i32, i32) {
    %c0_i32 = arith.constant 0 : i32
    %c0_i32_0 = arith.constant 0 : i32
    return %arg0, %c0_i32 : i32, i32
  }
  func.func @transform_1(%arg0: i32) -> (i32, i32) {
    %c0_i32 = arith.constant 0 : i32
    %c0_i32_0 = arith.constant 0 : i32
    return %arg0, %c0_i32 : i32, i32
  }
  func.func @transform_2(%arg0: i32) -> (i32, i32) {
    %c0_i32 = arith.constant 0 : i32
    %c0_i32_0 = arith.constant 0 : i32
    %c0_i32_1 = arith.constant 0 : i32
    return %c0_i32, %c0_i32_0 : i32, i32
  }
  func.func @transform_3(%arg0: i32) -> (i32, i32) {
    %c0_i32 = arith.constant 0 : i32
    %c0_i32_0 = arith.constant 0 : i32
    %c0_i32_1 = arith.constant 0 : i32
    return %c0_i32, %c0_i32_0 : i32, i32
  }
  func.func @transform_4(%arg0: i32) -> (i32, i32) {
    %c0_i32 = arith.constant 0 : i32
    %c0_i32_0 = arith.constant 0 : i32
    return %arg0, %c0_i32 : i32, i32
  }
}

module attributes {stable_mosaic.version = 14 : i64} {
  func.func @_node_kernel(%arg0: i32, %arg1: memref<1000x128xf32, #tpu.memory_space<vmem>>, %arg2: memref<128x128xf32, #tpu.memory_space<vmem>>, %arg3: memref<128x4xf32, #tpu.memory_space<vmem>>, %arg4: memref<128x4xf32, #tpu.memory_space<vmem>>, %arg5: memref<1000x128xf32, #tpu.memory_space<vmem>>, %arg6: memref<1000x4xf32, #tpu.memory_space<vmem>>, %arg7: memref<1000x4xf32, #tpu.memory_space<vmem>>) attributes {dimension_semantics = [#tpu.dimension_semantics<arbitrary>], iteration_bounds = array<i64: 50>, scalar_prefetch = 0 : i64, scratch_operands = 0 : i64, tpu.core_type = #tpu.core_type<tc>, window_params = [{transform_indices = @transform_0, window_bounds = array<i64: 1000, 128>}, {pipeline_mode = #tpu.pipeline_mode<synchronous>, transform_indices = @transform_1, window_bounds = array<i64: 128, 128>}, {pipeline_mode = #tpu.pipeline_mode<synchronous>, transform_indices = @transform_2, window_bounds = array<i64: 128, 4>}, {pipeline_mode = #tpu.pipeline_mode<synchronous>, transform_indices = @transform_3, window_bounds = array<i64: 128, 4>}, {transform_indices = @transform_4, window_bounds = array<i64: 1000, 128>}, {transform_indices = @transform_5, window_bounds = array<i64: 1000, 4>}, {transform_indices = @transform_6, window_bounds = array<i64: 1000, 4>}]} {
    %get3A = arith.constant 0 : index
    %get3A_0 = arith.constant 0 : index
    %get3A_1 = vector.load %arg1[%get3A, %get3A_0] : memref<1000x128xf32, #tpu.memory_space<vmem>>, vector<1000x128xf32>
    %get3A_2 = arith.constant 0 : index
    %get3A_3 = arith.constant 0 : index
    %get3A_4 = vector.load %arg2[%get3A_2, %get3A_3] : memref<128x128xf32, #tpu.memory_space<vmem>>, vector<128x128xf32>
    %dot_general3A = arith.constant dense<0.000000e+00> : vector<1000x128xf32>
    %dot_general3A_5 = tpu.matmul %get3A_1, %get3A_4, %dot_general3A {dimension_numbers = #tpu.dot_dimension_numbers<[1], [0], [0], [1], [0, 0, 1, 1], [], []>, transpose_lhs_hint = false} : vector<1000x128xf32>, vector<128x128xf32>, vector<1000x128xf32> -> vector<1000x128xf32>
    %swap3A = arith.constant 0 : index
    %swap3A_6 = arith.constant 0 : index
    %swap3A_7 = vector.load %arg5[%swap3A, %swap3A_6] : memref<1000x128xf32, #tpu.memory_space<vmem>>, vector<1000x128xf32>
    tpu.vector_store %arg5[%swap3A, %swap3A_6], %dot_general3A_5 {strides = array<i32>} : memref<1000x128xf32, #tpu.memory_space<vmem>>, vector<1000x128xf32>,
    %get3A_8 = arith.constant 0 : index
    %get3A_9 = arith.constant 0 : index
    %get3A_10 = vector.load %arg3[%get3A_8, %get3A_9] : memref<128x4xf32, #tpu.memory_space<vmem>>, vector<128x4xf32>
    %dot_general3A_11 = arith.constant dense<0.000000e+00> : vector<1000x4xf32>
    %dot_general3A_12 = tpu.matmul %dot_general3A_5, %get3A_10, %dot_general3A_11 {dimension_numbers = #tpu.dot_dimension_numbers<[1], [0], [0], [1], [0, 0, 1, 1], [], []>, transpose_lhs_hint = false} : vector<1000x128xf32>, vector<128x4xf32>, vector<1000x4xf32> -> vector<1000x4xf32>
    %swap3A_13 = arith.constant 0 : index
    %swap3A_14 = arith.constant 0 : index
    %swap3A_15 = vector.load %arg6[%swap3A_13, %swap3A_14] : memref<1000x4xf32, #tpu.memory_space<vmem>>, vector<1000x4xf32>
    tpu.vector_store %arg6[%swap3A_13, %swap3A_14], %dot_general3A_12 {strides = array<i32>} : memref<1000x4xf32, #tpu.memory_space<vmem>>, vector<1000x4xf32>,
    %get3A_16 = arith.constant 0 : index
    %get3A_17 = arith.constant 0 : index
    %get3A_18 = vector.load %arg4[%get3A_16, %get3A_17] : memref<128x4xf32, #tpu.memory_space<vmem>>, vector<128x4xf32>
    %dot_general3A_19 = arith.constant dense<0.000000e+00> : vector<1000x4xf32>
    %dot_general3A_20 = tpu.matmul %dot_general3A_5, %get3A_18, %dot_general3A_19 {dimension_numbers = #tpu.dot_dimension_numbers<[1], [0], [0], [1], [0, 0, 1, 1], [], []>, transpose_lhs_hint = false} : vector<1000x128xf32>, vector<128x4xf32>, vector<1000x4xf32> -> vector<1000x4xf32>
    %swap3A_21 = arith.constant 0 : index
    %swap3A_22 = arith.constant 0 : index
    %swap3A_23 = vector.load %arg7[%swap3A_21, %swap3A_22] : memref<1000x4xf32, #tpu.memory_space<vmem>>, vector<1000x4xf32>
    tpu.vector_store %arg7[%swap3A_21, %swap3A_22], %dot_general3A_20 {strides = array<i32>} : memref<1000x4xf32, #tpu.memory_space<vmem>>, vector<1000x4xf32>,
    return
  }
  func.func @transform_0(%arg0: i32) -> (i32, i32) {
    %c0_i32 = arith.constant 0 : i32
    %c0_i32_0 = arith.constant 0 : i32
    return %arg0, %c0_i32 : i32, i32
  }
  func.func @transform_1(%arg0: i32) -> (i32, i32) {
    %c0_i32 = arith.constant 0 : i32
    %c0_i32_0 = arith.constant 0 : i32
    %c0_i32_1 = arith.constant 0 : i32
    return %c0_i32, %c0_i32_0 : i32, i32
  }
  func.func @transform_2(%arg0: i32) -> (i32, i32) {
    %c0_i32 = arith.constant 0 : i32
    %c0_i32_0 = arith.constant 0 : i32
    %c0_i32_1 = arith.constant 0 : i32
    return %c0_i32, %c0_i32_0 : i32, i32
  }
  func.func @transform_3(%arg0: i32) -> (i32, i32) {
    %c0_i32 = arith.constant 0 : i32
    %c0_i32_0 = arith.constant 0 : i32
    %c0_i32_1 = arith.constant 0 : i32
    return %c0_i32, %c0_i32_0 : i32, i32
  }
  func.func @transform_4(%arg0: i32) -> (i32, i32) {
    %c0_i32 = arith.constant 0 : i32
    %c0_i32_0 = arith.constant 0 : i32
    return %arg0, %c0_i32 : i32, i32
  }
  func.func @transform_5(%arg0: i32) -> (i32, i32) {
    %c0_i32 = arith.constant 0 : i32
    %c0_i32_0 = arith.constant 0 : i32
    return %arg0, %c0_i32 : i32, i32
  }
  func.func @transform_6(%arg0: i32) -> (i32, i32) {
    %c0_i32 = arith.constant 0 : i32
    %c0_i32_0 = arith.constant 0 : i32
    return %arg0, %c0_i32 : i32, i32
  }
}

module attributes {stable_mosaic.version = 14 : i64} {
  func.func @_node_kernel(%arg0: i32, %arg1: memref<1000x128xf32, #tpu.memory_space<vmem>>, %arg2: memref<128x1xf32, #tpu.memory_space<vmem>>, %arg3: memref<1x1xf32, #tpu.memory_space<vmem>>, %arg4: memref<1x1xf32, #tpu.memory_space<vmem>>, %arg5: memref<1000x1xf32, #tpu.memory_space<vmem>>, %arg6: memref<1000x1xf32, #tpu.memory_space<vmem>>, %arg7: memref<1000x1xf32, #tpu.memory_space<vmem>>) attributes {dimension_semantics = [#tpu.dimension_semantics<arbitrary>], iteration_bounds = array<i64: 50>, scalar_prefetch = 0 : i64, scratch_operands = 0 : i64, tpu.core_type = #tpu.core_type<tc>, window_params = [{transform_indices = @transform_0, window_bounds = array<i64: 1000, 128>}, {pipeline_mode = #tpu.pipeline_mode<synchronous>, transform_indices = @transform_1, window_bounds = array<i64: 128, 1>}, {pipeline_mode = #tpu.pipeline_mode<synchronous>, transform_indices = @transform_2, window_bounds = array<i64: 1, 1>}, {pipeline_mode = #tpu.pipeline_mode<synchronous>, transform_indices = @transform_3, window_bounds = array<i64: 1, 1>}, {transform_indices = @transform_4, window_bounds = array<i64: 1000, 1>}, {transform_indices = @transform_5, window_bounds = array<i64: 1000, 1>}, {transform_indices = @transform_6, window_bounds = array<i64: 1000, 1>}]} {
    %get3A = arith.constant 0 : index
    %get3A_0 = arith.constant 0 : index
    %get3A_1 = vector.load %arg1[%get3A, %get3A_0] : memref<1000x128xf32, #tpu.memory_space<vmem>>, vector<1000x128xf32>
    %get3A_2 = arith.constant 0 : index
    %get3A_3 = arith.constant 0 : index
    %get3A_4 = vector.load %arg2[%get3A_2, %get3A_3] : memref<128x1xf32, #tpu.memory_space<vmem>>, vector<128x1xf32>
    %dot_general3A = arith.constant dense<0.000000e+00> : vector<1000x1xf32>
    %dot_general3A_5 = tpu.matmul %get3A_1, %get3A_4, %dot_general3A {dimension_numbers = #tpu.dot_dimension_numbers<[1], [0], [0], [1], [0, 0, 1, 1], [], []>, transpose_lhs_hint = false} : vector<1000x128xf32>, vector<128x1xf32>, vector<1000x1xf32> -> vector<1000x1xf32>
    %swap3A = arith.constant 0 : index
    %swap3A_6 = arith.constant 0 : index
    %swap3A_7 = vector.load %arg5[%swap3A, %swap3A_6] : memref<1000x1xf32, #tpu.memory_space<vmem>>, vector<1000x1xf32>
    tpu.vector_store %arg5[%swap3A, %swap3A_6], %dot_general3A_5 {strides = array<i32>} : memref<1000x1xf32, #tpu.memory_space<vmem>>, vector<1000x1xf32>,
    %get3A_8 = arith.constant 0 : index
    %get3A_9 = arith.constant 0 : index
    %get3A_10 = vector.load %arg3[%get3A_8, %get3A_9] : memref<1x1xf32, #tpu.memory_space<vmem>>, vector<1x1xf32>
    %dot_general3A_11 = arith.constant dense<0.000000e+00> : vector<1000x1xf32>
    %dot_general3A_12 = tpu.matmul %dot_general3A_5, %get3A_10, %dot_general3A_11 {dimension_numbers = #tpu.dot_dimension_numbers<[1], [0], [0], [1], [0, 0, 1, 1], [], []>, transpose_lhs_hint = false} : vector<1000x1xf32>, vector<1x1xf32>, vector<1000x1xf32> -> vector<1000x1xf32>
    %swap3A_13 = arith.constant 0 : index
    %swap3A_14 = arith.constant 0 : index
    %swap3A_15 = vector.load %arg6[%swap3A_13, %swap3A_14] : memref<1000x1xf32, #tpu.memory_space<vmem>>, vector<1000x1xf32>
    tpu.vector_store %arg6[%swap3A_13, %swap3A_14], %dot_general3A_12 {strides = array<i32>} : memref<1000x1xf32, #tpu.memory_space<vmem>>, vector<1000x1xf32>,
    %get3A_16 = arith.constant 0 : index
    %get3A_17 = arith.constant 0 : index
    %get3A_18 = vector.load %arg4[%get3A_16, %get3A_17] : memref<1x1xf32, #tpu.memory_space<vmem>>, vector<1x1xf32>
    %dot_general3A_19 = arith.constant dense<0.000000e+00> : vector<1000x1xf32>
    %dot_general3A_20 = tpu.matmul %dot_general3A_5, %get3A_18, %dot_general3A_19 {dimension_numbers = #tpu.dot_dimension_numbers<[1], [0], [0], [1], [0, 0, 1, 1], [], []>, transpose_lhs_hint = false} : vector<1000x1xf32>, vector<1x1xf32>, vector<1000x1xf32> -> vector<1000x1xf32>
    %swap3A_21 = arith.constant 0 : index
    %swap3A_22 = arith.constant 0 : index
    %swap3A_23 = vector.load %arg7[%swap3A_21, %swap3A_22] : memref<1000x1xf32, #tpu.memory_space<vmem>>, vector<1000x1xf32>
    tpu.vector_store %arg7[%swap3A_21, %swap3A_22], %dot_general3A_20 {strides = array<i32>} : memref<1000x1xf32, #tpu.memory_space<vmem>>, vector<1000x1xf32>,
    return
  }
  func.func @transform_0(%arg0: i32) -> (i32, i32) {
    %c0_i32 = arith.constant 0 : i32
    %c0_i32_0 = arith.constant 0 : i32
    return %arg0, %c0_i32 : i32, i32
  }
  func.func @transform_1(%arg0: i32) -> (i32, i32) {
    %c0_i32 = arith.constant 0 : i32
    %c0_i32_0 = arith.constant 0 : i32
    %c0_i32_1 = arith.constant 0 : i32
    return %c0_i32, %c0_i32_0 : i32, i32
  }
  func.func @transform_2(%arg0: i32) -> (i32, i32) {
    %c0_i32 = arith.constant 0 : i32
    %c0_i32_0 = arith.constant 0 : i32
    %c0_i32_1 = arith.constant 0 : i32
    return %c0_i32, %c0_i32_0 : i32, i32
  }
  func.func @transform_3(%arg0: i32) -> (i32, i32) {
    %c0_i32 = arith.constant 0 : i32
    %c0_i32_0 = arith.constant 0 : i32
    %c0_i32_1 = arith.constant 0 : i32
    return %c0_i32, %c0_i32_0 : i32, i32
  }
  func.func @transform_4(%arg0: i32) -> (i32, i32) {
    %c0_i32 = arith.constant 0 : i32
    %c0_i32_0 = arith.constant 0 : i32
    return %arg0, %c0_i32 : i32, i32
  }
  func.func @transform_5(%arg0: i32) -> (i32, i32) {
    %c0_i32 = arith.constant 0 : i32
    %c0_i32_0 = arith.constant 0 : i32
    return %arg0, %c0_i32 : i32, i32
  }
  func.func @transform_6(%arg0: i32) -> (i32, i32) {
    %c0_i32 = arith.constant 0 : i32
    %c0_i32_0 = arith.constant 0 : i32
    return %arg0, %c0_i32 : i32, i32
  }
}

module attributes {stable_mosaic.version = 14 : i64} {
  func.func @_ex_kernel(%arg0: i32, %arg1: memref<1000x1xf32, #tpu.memory_space<vmem>>, %arg2: memref<1000x1xf32, #tpu.memory_space<vmem>>, %arg3: memref<1000x1xf32, #tpu.memory_space<vmem>>, %arg4: memref<1x1xf32, #tpu.memory_space<vmem>>, %arg5: memref<1x1xf32, #tpu.memory_space<vmem>>, %arg6: memref<1000x1xf32, #tpu.memory_space<vmem>>) attributes {dimension_semantics = [#tpu.dimension_semantics<arbitrary>], iteration_bounds = array<i64: 850>, scalar_prefetch = 0 : i64, scratch_operands = 0 : i64, tpu.core_type = #tpu.core_type<tc>, window_params = [{transform_indices = @transform_0, window_bounds = array<i64: 1000, 1>}, {transform_indices = @transform_1, window_bounds = array<i64: 1000, 1>}, {transform_indices = @transform_2, window_bounds = array<i64: 1000, 1>}, {pipeline_mode = #tpu.pipeline_mode<synchronous>, transform_indices = @transform_3, window_bounds = array<i64: 1, 1>}, {pipeline_mode = #tpu.pipeline_mode<synchronous>, transform_indices = @transform_4, window_bounds = array<i64: 1, 1>}, {transform_indices = @transform_5, window_bounds = array<i64: 1000, 1>}]} {
    %get3A = arith.constant 0 : index
    %get3A_0 = arith.constant 0 : index
    %get3A_1 = vector.load %arg1[%get3A, %get3A_0] : memref<1000x1xf32, #tpu.memory_space<vmem>>, vector<1000x1xf32>
    %get3A_2 = arith.constant 0 : index
    %get3A_3 = arith.constant 0 : index
    %get3A_4 = vector.load %arg2[%get3A_2, %get3A_3] : memref<1000x1xf32, #tpu.memory_space<vmem>>, vector<1000x1xf32>
    %add3A = arith.addf %get3A_1, %get3A_4 : vector<1000x1xf32>
    %get3A_5 = arith.constant 0 : index
    %get3A_6 = arith.constant 0 : index
    %get3A_7 = vector.load %arg3[%get3A_5, %get3A_6] : memref<1000x1xf32, #tpu.memory_space<vmem>>, vector<1000x1xf32>
    %get3A_8 = arith.constant 0 : index
    %get3A_9 = arith.constant 0 : index
    %get3A_10 = vector.load %arg4[%get3A_8, %get3A_9] : memref<1x1xf32, #tpu.memory_space<vmem>>, vector<1x1xf32>
    %dot_general3A = arith.constant dense<0.000000e+00> : vector<1000x1xf32>
    %dot_general3A_11 = tpu.matmul %get3A_7, %get3A_10, %dot_general3A {dimension_numbers = #tpu.dot_dimension_numbers<[1], [0], [0], [1], [0, 0, 1, 1], [], []>, transpose_lhs_hint = false} : vector<1000x1xf32>, vector<1x1xf32>, vector<1000x1xf32> -> vector<1000x1xf32>
    %add3A_12 = arith.addf %add3A, %dot_general3A_11 : vector<1000x1xf32>
    %gt3A = arith.constant 0.000000e+00 : f32
    %gt3A_13 = vector.broadcast %gt3A : f32 to vector<1000x1xf32>
    %gt3A_14 = arith.cmpf ogt, %add3A_12, %gt3A_13 : vector<1000x1xf32>
    %mul3A = arith.constant 2.000000e-01 : f32
    %mul3A_15 = vector.broadcast %mul3A : f32 to vector<1000x1xf32>
    %mul3A_16 = arith.mulf %mul3A_15, %add3A_12 : vector<1000x1xf32>
    %select_n3A = arith.select %gt3A_14, %add3A_12, %mul3A_16 : vector<1000x1xi1>, vector<1000x1xf32>
    %get3A_17 = arith.constant 0 : index
    %get3A_18 = arith.constant 0 : index
    %get3A_19 = vector.load %arg5[%get3A_17, %get3A_18] : memref<1x1xf32, #tpu.memory_space<vmem>>, vector<1x1xf32>
    %sub3A = vector.broadcast %get3A_19 : vector<1x1xf32> to vector<1000x1xf32>
    %sub3A_20 = arith.subf %select_n3A, %sub3A : vector<1000x1xf32>
    %exp3A = math.exp %sub3A_20 : vector<1000x1xf32>
    %swap3A = arith.constant 0 : index
    %swap3A_21 = arith.constant 0 : index
    %swap3A_22 = vector.load %arg6[%swap3A, %swap3A_21] : memref<1000x1xf32, #tpu.memory_space<vmem>>, vector<1000x1xf32>
    tpu.vector_store %arg6[%swap3A, %swap3A_21], %exp3A {strides = array<i32>} : memref<1000x1xf32, #tpu.memory_space<vmem>>, vector<1000x1xf32>,
    return
  }
  func.func @transform_0(%arg0: i32) -> (i32, i32) {
    %c0_i32 = arith.constant 0 : i32
    %c0_i32_0 = arith.constant 0 : i32
    return %arg0, %c0_i32 : i32, i32
  }
  func.func @transform_1(%arg0: i32) -> (i32, i32) {
    %c0_i32 = arith.constant 0 : i32
    %c0_i32_0 = arith.constant 0 : i32
    return %arg0, %c0_i32 : i32, i32
  }
  func.func @transform_2(%arg0: i32) -> (i32, i32) {
    %c0_i32 = arith.constant 0 : i32
    %c0_i32_0 = arith.constant 0 : i32
    return %arg0, %c0_i32 : i32, i32
  }
  func.func @transform_3(%arg0: i32) -> (i32, i32) {
    %c0_i32 = arith.constant 0 : i32
    %c0_i32_0 = arith.constant 0 : i32
    %c0_i32_1 = arith.constant 0 : i32
    return %c0_i32, %c0_i32_0 : i32, i32
  }
  func.func @transform_4(%arg0: i32) -> (i32, i32) {
    %c0_i32 = arith.constant 0 : i32
    %c0_i32_0 = arith.constant 0 : i32
    %c0_i32_1 = arith.constant 0 : i32
    return %c0_i32, %c0_i32_0 : i32, i32
  }
  func.func @transform_5(%arg0: i32) -> (i32, i32) {
    %c0_i32 = arith.constant 0 : i32
    %c0_i32_0 = arith.constant 0 : i32
    return %arg0, %c0_i32 : i32, i32
  }
}

module attributes {stable_mosaic.version = 14 : i64} {
  func.func @_msg_kernel(%arg0: i32, %arg1: memref<1000x1xf32, #tpu.memory_space<vmem>>, %arg2: memref<1000x1xf32, #tpu.memory_space<vmem>>, %arg3: memref<1x1xf32, #tpu.memory_space<vmem>>, %arg4: memref<1000x1xf32, #tpu.memory_space<vmem>>) attributes {dimension_semantics = [#tpu.dimension_semantics<arbitrary>], iteration_bounds = array<i64: 850>, scalar_prefetch = 0 : i64, scratch_operands = 0 : i64, tpu.core_type = #tpu.core_type<tc>, window_params = [{transform_indices = @transform_0, window_bounds = array<i64: 1000, 1>}, {transform_indices = @transform_1, window_bounds = array<i64: 1000, 1>}, {pipeline_mode = #tpu.pipeline_mode<synchronous>, transform_indices = @transform_2, window_bounds = array<i64: 1, 1>}, {transform_indices = @transform_3, window_bounds = array<i64: 1000, 1>}]} {
    %get3A = arith.constant 0 : index
    %get3A_0 = arith.constant 0 : index
    %get3A_1 = vector.load %arg1[%get3A, %get3A_0] : memref<1000x1xf32, #tpu.memory_space<vmem>>, vector<1000x1xf32>
    %get3A_2 = arith.constant 0 : index
    %get3A_3 = arith.constant 0 : index
    %get3A_4 = vector.load %arg2[%get3A_2, %get3A_3] : memref<1000x1xf32, #tpu.memory_space<vmem>>, vector<1000x1xf32>
    %get3A_5 = arith.constant 0 : index
    %get3A_6 = arith.constant 0 : index
    %get3A_7 = vector.load %arg3[%get3A_5, %get3A_6] : memref<1x1xf32, #tpu.memory_space<vmem>>, vector<1x1xf32>
    %dot_general3A = arith.constant dense<0.000000e+00> : vector<1000x1xf32>
    %dot_general3A_8 = tpu.matmul %get3A_4, %get3A_7, %dot_general3A {dimension_numbers = #tpu.dot_dimension_numbers<[1], [0], [0], [1], [0, 0, 1, 1], [], []>, transpose_lhs_hint = false} : vector<1000x1xf32>, vector<1x1xf32>, vector<1000x1xf32> -> vector<1000x1xf32>
    %mul3A = arith.mulf %get3A_1, %dot_general3A_8 : vector<1000x1xf32>
    %swap3A = arith.constant 0 : index
    %swap3A_9 = arith.constant 0 : index
    %swap3A_10 = vector.load %arg4[%swap3A, %swap3A_9] : memref<1000x1xf32, #tpu.memory_space<vmem>>, vector<1000x1xf32>
    tpu.vector_store %arg4[%swap3A, %swap3A_9], %mul3A {strides = array<i32>} : memref<1000x1xf32, #tpu.memory_space<vmem>>, vector<1000x1xf32>,
    return
  }
  func.func @transform_0(%arg0: i32) -> (i32, i32) {
    %c0_i32 = arith.constant 0 : i32
    %c0_i32_0 = arith.constant 0 : i32
    return %arg0, %c0_i32 : i32, i32
  }
  func.func @transform_1(%arg0: i32) -> (i32, i32) {
    %c0_i32 = arith.constant 0 : i32
    %c0_i32_0 = arith.constant 0 : i32
    return %arg0, %c0_i32 : i32, i32
  }
  func.func @transform_2(%arg0: i32) -> (i32, i32) {
    %c0_i32 = arith.constant 0 : i32
    %c0_i32_0 = arith.constant 0 : i32
    %c0_i32_1 = arith.constant 0 : i32
    return %c0_i32, %c0_i32_0 : i32, i32
  }
  func.func @transform_3(%arg0: i32) -> (i32, i32) {
    %c0_i32 = arith.constant 0 : i32
    %c0_i32_0 = arith.constant 0 : i32
    return %arg0, %c0_i32 : i32, i32
  }
}

module attributes {stable_mosaic.version = 14 : i64} {
  func.func @_norm_kernel_plain(%arg0: i32, %arg1: memref<1000x1xf32, #tpu.memory_space<vmem>>, %arg2: memref<1000x1xf32, #tpu.memory_space<vmem>>, %arg3: memref<1x1xf32, #tpu.memory_space<vmem>>, %arg4: memref<1x1xf32, #tpu.memory_space<vmem>>, %arg5: memref<1000x1xf32, #tpu.memory_space<vmem>>) attributes {dimension_semantics = [#tpu.dimension_semantics<arbitrary>], iteration_bounds = array<i64: 50>, scalar_prefetch = 0 : i64, scratch_operands = 0 : i64, tpu.core_type = #tpu.core_type<tc>, window_params = [{transform_indices = @transform_0, window_bounds = array<i64: 1000, 1>}, {transform_indices = @transform_1, window_bounds = array<i64: 1000, 1>}, {pipeline_mode = #tpu.pipeline_mode<synchronous>, transform_indices = @transform_2, window_bounds = array<i64: 1, 1>}, {pipeline_mode = #tpu.pipeline_mode<synchronous>, transform_indices = @transform_3, window_bounds = array<i64: 1, 1>}, {transform_indices = @transform_4, window_bounds = array<i64: 1000, 1>}]} {
    %get3A = arith.constant 0 : index
    %get3A_0 = arith.constant 0 : index
    %get3A_1 = vector.load %arg2[%get3A, %get3A_0] : memref<1000x1xf32, #tpu.memory_space<vmem>>, vector<1000x1xf32>
    %get3A_2 = arith.constant 0 : index
    %get3A_3 = arith.constant 0 : index
    %get3A_4 = vector.load %arg3[%get3A_2, %get3A_3] : memref<1x1xf32, #tpu.memory_space<vmem>>, vector<1x1xf32>
    %dot_general3A = arith.constant dense<0.000000e+00> : vector<1000x1xf32>
    %dot_general3A_5 = tpu.matmul %get3A_1, %get3A_4, %dot_general3A {dimension_numbers = #tpu.dot_dimension_numbers<[1], [0], [0], [1], [0, 0, 1, 1], [], []>, transpose_lhs_hint = false} : vector<1000x1xf32>, vector<1x1xf32>, vector<1000x1xf32> -> vector<1000x1xf32>
    %get3A_6 = arith.constant 0 : index
    %get3A_7 = arith.constant 0 : index
    %get3A_8 = vector.load %arg1[%get3A_6, %get3A_7] : memref<1000x1xf32, #tpu.memory_space<vmem>>, vector<1000x1xf32>
    %add3A = arith.constant 1.000000e-16 : f32
    %add3A_9 = vector.broadcast %add3A : f32 to vector<1000x1xf32>
    %add3A_10 = arith.addf %dot_general3A_5, %add3A_9 : vector<1000x1xf32>
    %div3A = arith.divf %get3A_8, %add3A_10 : vector<1000x1xf32>
    %get3A_11 = arith.constant 0 : index
    %get3A_12 = arith.constant 0 : index
    %get3A_13 = vector.load %arg4[%get3A_11, %get3A_12] : memref<1x1xf32, #tpu.memory_space<vmem>>, vector<1x1xf32>
    %add3A_14 = vector.broadcast %get3A_13 : vector<1x1xf32> to vector<1000x1xf32>
    %add3A_15 = arith.addf %div3A, %add3A_14 : vector<1000x1xf32>
    %swap3A = arith.constant 0 : index
    %swap3A_16 = arith.constant 0 : index
    %swap3A_17 = vector.load %arg5[%swap3A, %swap3A_16] : memref<1000x1xf32, #tpu.memory_space<vmem>>, vector<1000x1xf32>
    tpu.vector_store %arg5[%swap3A, %swap3A_16], %add3A_15 {strides = array<i32>} : memref<1000x1xf32, #tpu.memory_space<vmem>>, vector<1000x1xf32>,
    return
  }
  func.func @transform_0(%arg0: i32) -> (i32, i32) {
    %c0_i32 = arith.constant 0 : i32
    %c0_i32_0 = arith.constant 0 : i32
    return %arg0, %c0_i32 : i32, i32
  }
  func.func @transform_1(%arg0: i32) -> (i32, i32) {
    %c0_i32 = arith.constant 0 : i32
    %c0_i32_0 = arith.constant 0 : i32
    return %arg0, %c0_i32 : i32, i32
  }
  func.func @transform_2(%arg0: i32) -> (i32, i32) {
    %c0_i32 = arith.constant 0 : i32
    %c0_i32_0 = arith.constant 0 : i32
    %c0_i32_1 = arith.constant 0 : i32
    return %c0_i32, %c0_i32_0 : i32, i32
  }
  func.func @transform_3(%arg0: i32) -> (i32, i32) {
    %c0_i32 = arith.constant 0 : i32
    %c0_i32_0 = arith.constant 0 : i32
    %c0_i32_1 = arith.constant 0 : i32
    return %c0_i32, %c0_i32_0 : i32, i32
  }
  func.func @transform_4(%arg0: i32) -> (i32, i32) {
    %c0_i32 = arith.constant 0 : i32
    %c0_i32_0 = arith.constant 0 : i32
    return %arg0, %c0_i32 : i32, i32
  }
}

</mosaic_0001>

<sc_bundles>
// kernel: scatter_offload_async_start.1
scs
__scs_entry_jumppad:
0x0: {  	(pc) =	sbr.rel $0x88, $3  }
0x1: {  	(tag) =	ssettag $0x0;
	lr =	simm.s32 $0x1  }
0x2: {  	[smem:$0x3F8C] =	sst lr;
	_ =	strace $0xD0000000  }
0x3: {  	_ = 	snop  }
0x4: {  	_ = 	snop  }
0x5: {  	_ = 	snop  }
0x6: {  	_ = 	snop  }
0x7: {  	_ = 	snop  }
__scs_overlays_trampoline_lowered:
0x8: {  	[smem:$0x3F9B] =	sst s0  }
0x9: {  	[smem:$0x3F9C] =	sst s1  }
0xa: {  	[smem:$0x3F9D] =	sst s2  }
0xb: {  	[smem:$0x3F9E] =	sst s3  }
0xc: {  	[smem:$0x3F9F] =	sst s4  }
0xd: {  	[smem:$0x3FA0] =	sst s5  }
0xe: {  	[smem:$0x3FA1] =	sst s6  }
0xf: {  	[smem:$0x3FA2] =	sst s7  }
0x10: {  	[smem:$0x3FA3] =	sst s8  }
0x11: {  	[smem:$0x3FA4] =	sst s9;
	s0 =	simm.s32 @!p0 $0x0  }
0x12: {  	s1 =	sld [smem:$0x3F8A];
	s0 =	simm.s32 @p0 $0x1  }
0x13: {  	[smem:$0x3FA5] =	sst s0;
	s0 =	simm.s32 @!p1 $0x0  }
0x14: {  	s2 =	sld [smem:$0x3F89];
	s0 =	simm.s32 @p1 $0x1  }
0x15: {  	[smem:$0x3FA6] =	sst s0;
	s0 =	simm.s32 @!p2 $0x0  }
0x16: {  	s3 =	sld [smem:$0x3FDB];
	s0 =	simm.s32 @p2 $0x1  }
0x17: {  	s4 =	simm.s32 $0x1BF5;
	[smem:$0x3FA8] =	sst s0  }
0x18: {  	s0 =	sld [smem:$0x3F8B];
	_ =	swait.ge [sflag:s4], $0x0  }
0x19: {  	s7 =	sld [smem:$0x3F8C]  }
0x1a: {  	s8 =	sadd.s32 $0xFFFFE003, lr  }
0x1b: {  	s9 =	sadd.s32 $0xFFFFFEF7, lr;
	s5 =	simm.s32 $0xFFFFFFFF;
	p2 =	slt.u32 s8, $0xFFFFF086  }
0x1c: {  	p1 =	slt.u32 s9, $0xF7A;
	s5 =	simm.s32 @!p2 $0x0  }
0x1d: {  	s5 =	simm.s32 @p1 $0x1;
	p0 =	seq.s32 s7, s2  }
0x1e: {  	s7 =	smul.u32 @!p0 $0xF7A, s2;
	p2 =	seq.s32 @!p0 s5, $0x0  }
0x1f: {  	s9 =	smul.u32 $0xF7A, s1;
	s8 =	simm.s32 @!p0 $0x1BF5;
	p2 =	por !p2, p0  }
0x20: {  	[sflag:s8] =	ssyncset.s32 @!p0 $0xFFFFF086;
	s6 =	sadd.s32 @!p0 s3, s7;
	s7 =	simm.s32 @!p0 $0x108  }
0x21: {  	s3 =	sadd.s32 s3, s9;
	s6 =	sadd.s32 @!p0 $0x88, s6;
	s7 =	simm.s32 @p2 $0x1082  }
0x22: {  	[simem:s7], [sflag:s8] =	dma.local @!p0 [hbm:s6], $0xF7A  }
0x23: {  	s9 =	sor.u32 $0xD0000000, s2;
	s6 =	simm.s32 $0x108;
	_ =	swait.ge @!p0 [sflag:s8], $0x0  }
0x24: {  	s3 =	sadd.s32 $0x88, s3;
	s6 =	simm.s32 @!p1 $0x1082;
	[sflag:s4] =	ssyncset.s32 $0xFFFFF086  }
0x25: {  	[simem:s6], [sflag:s4] =	dma.local [hbm:s3], $0xF7A  }
0x26: {  	[smem:$0x3F8C] =	sst s1;
	(tag) =	ssettag s2;
	_ =	strace s9  }
0x27: {  	s1 =	sld [smem:$0x3F9C]  }
0x28: {  	s2 =	sld [smem:$0x3F9D]  }
0x29: {  	s4 =	sld [smem:$0x3F9F]  }
0x2a: {  	p0 =	seq.s32 s5, $0x0;
	s5 =	sld [smem:$0x3FA0]  }
0x2b: {  	s6 =	sld [smem:$0x3FA1]  }
0x2c: {  	s7 =	sld [smem:$0x3FA2]  }
0x2d: {  	s3 =	simm.s32 $0x108;
	s8 =	sld [smem:$0x3FA3]  }
0x2e: {  	s3 =	simm.s32 @!p0 $0x1082;
	s9 =	sld [smem:$0x3FA4]  }
0x2f: {  	lr =	sadd.s32 s0, s3;
	s0 =	sld [smem:$0x3F9B]  }
0x30: {  	s3 =	sld [smem:$0x3F9E]  }
0x31: {  	[smem:$0x3FA7] =	sst s10  }
0x32: {  	s10 =	sld [smem:$0x3FA5];
	_ =	sdelay $0x3  }
0x33: {  	p0 =	seq.s32 s10, $0x1;
	s10 =	sld [smem:$0x3FA7];
	_ =	sdelay $0x3  }
0x34: {  	[smem:$0x3FA7] =	sst s10  }
0x35: {  	s10 =	sld [smem:$0x3FA6];
	_ =	sdelay $0x3  }
0x36: {  	p1 =	seq.s32 s10, $0x1;
	s10 =	sld [smem:$0x3FA7];
	_ =	sdelay $0x3  }
0x37: {  	[smem:$0x3FA7] =	sst s10  }
0x38: {  	s10 =	sld [smem:$0x3FA8]  }
0x39: {  	_ = 	snop;
	(pc) =	sbr.ind lr, $3  }
0x3a: {  	_ = 	snop  }
0x3b: {  	_ = 	snop  }
0x3c: {  	p2 =	seq.s32 s10, $0x1;
	s10 =	sld [smem:$0x3FA7]  }
0x3d: {  	_ =	shalt  }
0x3e: {  	_ =	shalt  }
0x3f: {  	_ =	shalt  }
0x40: {  	_ =	shalt  }
0x41: {  	_ =	shalt  }
0x42: {  	_ =	shalt  }
0x43: {  	_ =	shalt  }
0x44: {  	_ =	shalt  }
0x45: {  	_ =	shalt  }
0x46: {  	_ =	shalt  }
0x47: {  	_ =	shalt  }
0x48: {  	_ =	shalt  }
0x49: {  	_ =	shalt  }
0x4a: {  	_ =	shalt  }
0x4b: {  	_ =	shalt  }
0x4c: {  	_ =	shalt  }
0x4d: {  	_ =	shalt  }
0x4e: {  	_ =	shalt  }
0x4f: {  	_ =	shalt  }
0x50: {  	_ =	shalt  }
0x51: {  	_ =	shalt  }
0x52: {  	_ =	shalt  }
0x53: {  	_ =	shalt  }
0x54: {  	_ =	shalt  }
0x55: {  	_ =	shalt  }
0x56: {  	_ =	shalt  }
0x57: {  	_ =	shalt  }
0x58: {  	_ =	shalt  }
0x59: {  	_ =	shalt  }
0x5a: {  	_ =	shalt  }
0x5b: {  	_ =	shalt  }
0x5c: {  	_ =	shalt  }
0x5d: {  	_ =	shalt  }
0x5e: {  	_ =	shalt  }
0x5f: {  	_ =	shalt  }
0x60: {  	_ =	shalt  }
0x61: {  	_ =	shalt  }
0x62: {  	_ =	shalt  }
0x63: {  	_ =	shalt  }
0x64: {  	_ =	shalt  }
0x65: {  	_ =	shalt  }
0x66: {  	_ =	shalt  }
0x67: {  	_ =	shalt  }
0x68: {  	_ =	shalt  }
0x69: {  	_ =	shalt  }
0x6a: {  	_ =	shalt  }
0x6b: {  	_ =	shalt  }
0x6c: {  	_ =	shalt  }
0x6d: {  	_ =	shalt  }
0x6e: {  	_ =	shalt  }
0x6f: {  	_ =	shalt  }
0x70: {  	_ =	shalt  }
0x71: {  	_ =	shalt  }
0x72: {  	_ =	shalt  }
0x73: {  	_ =	shalt  }
0x74: {  	_ =	shalt  }
0x75: {  	_ =	shalt  }
0x76: {  	_ =	shalt  }
0x77: {  	_ =	shalt  }
0x78: {  	_ =	shalt  }
0x79: {  	_ =	shalt  }
0x7a: {  	_ =	shalt  }
0x7b: {  	_ =	shalt  }
0x7c: {  	_ =	shalt  }
0x7d: {  	_ =	shalt  }
0x7e: {  	_ =	shalt  }
0x7f: {  	_ =	shalt  }
0x80: {  	_ =	shalt  }
0x81: {  	_ =	shalt  }
0x82: {  	_ =	shalt  }
0x83: {  	_ =	shalt  }
0x84: {  	_ =	shalt  }
0x85: {  	_ =	shalt  }
0x86: {  	_ =	shalt  }
0x87: {  	_ =	shalt  }
.Lfunc_end0:
.L_simem_size_0:
called_computation.1_lowered:
.L_overlay_start_0:
0x88: {  	s0 =	sld [smem:$0x3FD9]  }
0x89: {  	s1 =	sld [smem:$0x3FFE];
	_ =	sdelay $0x3  }
0x8a: {  	s0 =	sadd.s32 s1, s0  }
0x8b: {  	[smem:$0x3FB3] =	sst s0  }
0x8c: {  	_ = 	snop  }
0x8d: {  	(tm) =	ssettm $0x1  }
0x8e: {  	s14 =	sld [smem:$0x3FFB];
	_ =	sdelay $0x3  }
0x8f: {  	_ =	strace s14  }
0x90: {  	s0 =	sld [smem:$0x3FFC];
	_ =	sdelay $0x3  }
0x91: {  	_ =	strace s0  }
0x92: {  	s0 =	sld [smem:$0x3FFD];
	_ =	sdelay $0x3  }
0x93: {  	_ =	strace s0  }
0x94: {  	_ =	strace $0x8FFFFFFF  }
0x95: {  	s15 =	sld [smem:$0x3FDB];
	_ =	sdelay $0x1  }
0x96: {  	s16 =	simm.s32 $_scs_section_size  }
0x97: {  	s2 =	simm.s32 $_size__tile_overlayer_lowered;
	s3 =	simm.s32 $_tile_overlayer_lowered  }
0x98: {  	s4 =	simm.s32 $0x1BFF;
	s17 =	sshll.u32 s3, $0x1;
	s1 =	sadd.s32 s16, s15  }
0x99: {  	s18 =	simm.s32 $0x0;
	s2 =	sshll.u32 s2, $0x1;
	s3 =	sadd.s32 s17, s1  }
0x9a: {  	[timem:s18], [sflag:s4] =	dma.local [hbm:s3], s2  }
0x9b: {  	_ =	swait.ge [sflag:s4], s2  }
0x9c: {  	s2 =	ssub.s32 $0x0, s2;
	[sflag:s4] =	ssyncset.done $0x0  }
0x9d: {  	[sflag:s4] =	ssyncadd.s32 s2;
	_ =	sdelay $0x1  }
0x9e: {  	s19 =	simm.s32 $0x1B8B  }
0x9f: {  	_ =	swait.ge [sflag:s19], $0x1  }
0xa0: {  	[sflag:s19] =	ssyncset.done $0x0  }
0xa1: {  	s21 =	simm.s32 $0x1B8E;
	s20 =	sld [smem:$0x3FFE];
	[sflag:s19] =	ssyncadd.s32 $0xFFFFFFFF  }
0xa2: {  	s22 =	simm.s32 $execute0_lowered;
	[smem:$0x3FD2] =	sst s21  }
0xa3: {  	s3 =	sshll.u32 s22, $0x1;
	_ =	strace $0x8000004C;
	[dreg:$0x1] =	wrdreg $0xFFFFFFFF  }
0xa4: {  	s23 =	simm.s32 $_size_execute0_lowered;
	s3 =	sadd.s32 s1, s3;
	[dreg:$0x0] =	wrdreg $0x0  }
0xa5: {  	s4 =	sshll.u32 s23, $0x1;
	[dreg:$0x2] =	wrdreg s3  }
0xa6: {  	[dreg:$0x3] =	wrdreg s4  }
0xa7: {  	[dreg:$0x4] =	wrdreg $0xC0  }
0xa8: {  	s24 =	simm.s32 $execute1_lowered;
	_ =	task [dreg:s18], $0x5FFFF  }
0xa9: {  	s3 =	sshll.u32 s24, $0x1;
	[dreg:$0x1] =	wrdreg $0xFFFFFFFF  }
0xaa: {  	s1 =	sadd.s32 s1, s3;
	[dreg:$0x0] =	wrdreg $0x60  }
0xab: {  	[dreg:$0x2] =	wrdreg s1  }
0xac: {  	[dreg:$0x3] =	wrdreg s20  }
0xad: {  	[dreg:$0x4] =	wrdreg $0xB  }
0xae: {  	_ =	task.clear_ibuf [dreg:s18], $0x5FFFF;
	_ =	strace $0x9000004C  }
0xaf: {  	s25 =	simm.s32 $0xB;
	_ =	strace $0x8000004E  }
0xb0: {  	_ =	swait.ge [sflag:s25], $0x1  }
0xb1: {  	[sflag:s25] =	ssyncadd.s32 $0xFFFFFFFF  }
0xb2: {  	_ =	strace $0x9000004E  }
0xb3: {  	_ =	strace $0x8000004F;
	[dreg:$0x1] =	wrdreg $0xFFFFFFFF  }
0xb4: {  	[dreg:$0x0] =	wrdreg $0x2030  }
0xb5: {  	[dreg:$0x2] =	wrdreg s20  }
0xb6: {  	[dreg:$0x3] =	wrdreg $0xC  }
0xb7: {  	_ =	task.clear_ibuf [dreg:s18], $0x4FFFF;
	_ =	strace $0x9000004F  }
0xb8: {  	s26 =	simm.s32 $0xC;
	_ =	strace $0x80000051  }
0xb9: {  	_ =	swait.ge [sflag:s26], $0x1  }
0xba: {  	[sflag:s26] =	ssyncadd.s32 $0xFFFFFFFF  }
0xbb: {  	_ =	strace $0x90000051  }
0xbc: {  	_ =	sfence  }
0xbd: {  	s28 =	sld [smem:$0x0];
	_ =	sdelay $0x1  }
0xbe: {  	s29 =	srdreg.scid  }
0xbf: {  	s30 =	sshll.u32 s29, $0xD;
	s31 =	sshrl.u32 s29, $0x2  }
0xc0: {  	s2 =	sand.u32 $0x1, s29;
	s3 =	sand.u32 $0x4000, s30;
	s1 =	sadd.s32 s31, s28  }
0xc1: {  	s2 =	sor.u32 s3, s2;
	s1 =	sshll.u32 s1, $0x11  }
0xc2: {  	s1 =	sor.u32 s1, s2  }
0xc3: {  	s1 =	sadd.s32 $0x8F2B, s1  }
0xc4: {  	[sflag:s1] =	ssyncadd.remote.s32 $0x1  }
0xc5: {  	_ =	sfence.sel $0xFFFF  }
0xc6: {  	[dreg:$0x0] =	wrdreg $0xFFFFFFFF;
	(pc) =	sbr.abs _section_cstart, $3  }
0xc7: {  	[dreg:$0x1] =	wrdreg $0xFFFFFFFF  }
0xc8: {  	_ =	task.clear_ibuf [dreg:s18], $0x2FFFF;
	_ =	strace $0x9FFFFFFF  }
0xc9: {  	(tm) =	ssettm $0x7FFFFFFF  }
tec
execute0_lowered:
.L_overlay_start_1:
0x0: {  	(tag) =	ssettag $0x1  }
0x1: {  	s2 =	rddreg [dreg:$0x0]  }
0x2: {  	s4 =	rddreg [dreg:$0x1]  }
0x3: {  	s0 =	rddreg [dreg:$0x2]  }
0x4: {  	s3 =	stileid.u32;
	[bflag:$0x3] =	sbarrier.arrive $0xFFFF;
	s1 =	simm.s32 $_size_execute1_lowered  }
0x5: {  	s7 =	simm.s32 $0x2;
	s8 =	simm.s32 $0x0;
	s12 =	simm.s32 $0x0  }
0x6: {  	s10 =	simm.s32 $0x0;
	s11 =	simm.s32 $0x0;
	p0 =	sne.s32 s3, $0x0  }
0x7: {  	s1 =	sshll.u32 s1, $0x1;
	s3 =	sshll.u32 s3, $0x7;
	s5 =	simm.s32 @!p0 $0x1C3F  }
.Ltmp0:
0x8: {  	s6 =	simm.s32 @!p0 $0x4060;
	s31 =	ssub.s32 $0xC300, s3;
	(pc) =	sbr.rel .LBB2_1-.Ltmp0, $4  }
0x9: {  	[timem:s6], [sflag:s5] =	dma.local @!p0 [hbm:s2], s1  }
0xa: {  	s9 =	smov.u32 s3;
	s5 =	simm.s32 $0x1;
	_ =	strace $0x8000004D  }
0xb: {  	s2 =	sadd.s32 $0x1C80400, s4;
	s6 =	sshrl.u32 s31, $0xB;
	[sflag:s5] =	ssyncpa.u1 $0x0  }
0xc: {  	s4 =	sadd.s32 $0x1D43A00, s4;
	[sflag:s7] =	ssyncpa.u1 $0x0;
	s7 =	sadd.s32 $0x2, s6  }
.LBB2_4:
0xd: {  	_ = 	snop  }
.LBB2_7:
0xe: {  	_ =	sdelay $0x3  }
0xf: {  	[tilespmem:v0+s16+$0x0 ss:$0x1] =	vst.idx.msk @p1 $0xffff, v2  }
0x10: {  	v56 =	vld.idx.msk [tilespmem:v1+s15+$0x0 ss:$0x1], $0xffff;
	s24 =	sor.u32 $0x70, s15;
	[tilespmem:v0+s17+$0x0 ss:$0x1] =	vst.idx.msk @p1 $0xffff, v4  }
0x11: {  	s25 =	sor.u32 $0x10, s15;
	[tilespmem:v0+s18+$0x0 ss:$0x1] =	vst.idx.msk @p1 $0xffff, v3;
	v57 =	vld.idx.msk [tilespmem:v1+s24+$0x0 ss:$0x1], $0xffff  }
0x12: {  	s26 =	sor.u32 $0x20, s15;
	[tilespmem:v0+s19+$0x0 ss:$0x1] =	vst.idx.msk @p1 $0xffff, v5;
	v58 =	vld.idx.msk [tilespmem:v1+s25+$0x0 ss:$0x1], $0xffff  }
0x13: {  	s28 =	sor.u32 $0x30, s15;
	[tilespmem:v0+s20+$0x0 ss:$0x1] =	vst.idx.msk @p1 $0xffff, v6;
	v59 =	vld.idx.msk [tilespmem:v1+s26+$0x0 ss:$0x1], $0xffff  }
0x14: {  	s29 =	sor.u32 $0x40, s15;
	[tilespmem:v0+s21+$0x0 ss:$0x1] =	vst.idx.msk @p1 $0xffff, v7;
	v60 =	vld.idx.msk [tilespmem:v1+s28+$0x0 ss:$0x1], $0xffff  }
0x15: {  	s30 =	sor.u32 $0x50, s15;
	v61 =	vld.idx.msk [tilespmem:v1+s29+$0x0 ss:$0x1], $0xffff;
	[tilespmem:v0+s15+$0x0 ss:$0x1] =	vst.idx.msk $0xffff, v56  }
0x16: {  	s31 =	sor.u32 $0x60, s15;
	v62 =	vld.idx.msk [tilespmem:v1+s30+$0x0 ss:$0x1], $0xffff;
	[tilespmem:v0+s24+$0x0 ss:$0x1] =	vst.idx.msk $0xffff, v57  }
0x17: {  	v63 =	vld.idx.msk [tilespmem:v1+s31+$0x0 ss:$0x1], $0xffff;
	[tilespmem:v0+s25+$0x0 ss:$0x1] =	vst.idx.msk $0xffff, v58  }
0x18: {  	[tilespmem:v0+s26+$0x0 ss:$0x1] =	vst.idx.msk $0xffff, v59  }
0x19: {  	[tilespmem:v0+s28+$0x0 ss:$0x1] =	vst.idx.msk $0xffff, v60  }
0x1a: {  	[tilespmem:v0+s29+$0x0 ss:$0x1] =	vst.idx.msk $0xffff, v61  }
0x1b: {  	[tilespmem:v0+s30+$0x0 ss:$0x1] =	vst.idx.msk $0xffff, v62  }
0x1c: {  	[tilespmem:v0+s31+$0x0 ss:$0x1] =	vst.idx.msk $0xffff, v63  }
.LBB2_8:
0x1d: {  	s15 =	sand.u32 $0x1FFFFFF, s10  }
0x1e: {  	s16 =	smulhi.u32 $0x14F8B59, s15;
	_ =	sdelay $0x1  }
0x1f: {  	s16 =	sshrl.u32 s16, $0x8  }
0x20: {  	s16 =	smul.u32 $0xC350, s16;
	_ =	sdelay $0x1  }
0x21: {  	s15 =	ssub.s32 s15, s16  }
0x22: {  	s15 =	sshll.u32 s15, $0x4  }
0x23: {  	s15 =	sadd.s32 s4, s15  }
0x24: {  	[hbm4b:s15+s8] =	stream.linear.scatter [tilespmem:s14], [sflag:$0x2], s13, $0x38;
	[tilespmem:$0x10000] =	vst v63  }
.LBB2_9:
0x25: {  	p1 =	slt.u32 s11, $0x2  }
0x26: {  	p2 =	sgt.s32 @!p1 s12, $0xC2D0  }
0x27: {  	s13 =	smov.u32 s12;
	s14 =	sshra.s32 @!p1 s12, $0x1F;
	p2 =	por !p2, p1  }
0x28: {  	s12 =	sand.u32 @!p1 s14, s12;
	s13 =	simm.s32 @p2 $0xC2D0  }
0x29: {  	s12 =	ssub.s32 @!p1 s13, s12  }
0x2a: {  	s12 =	sadd.s32 @!p1 $0xFFFF3D30, s12  }
0x2b: {  	s13 =	sshll.u32 @!p1 s12, $0x9  }
0x2c: {  	p2 =	sgt.s32 @!p1 s12, $0x7F;
	s12 =	ssub.s32 @!p1 $0x10000, s13  }
0x2d: {  	s14 =	sadd.s32 $0x800, s9;
	p2 =	por !p2, p1;
	s12 =	sshrl.u32 @!p1 s12, $0x2  }
0x2e: {  	s12 =	simm.s32 @!p2 $0x0;
	p2 =	sgt.s32 s14, $0xC34F  }
0x2f: {  	s14 =	smov.u32 @p2 s3;
	p2 =	sne.s32 s11, s7  }
.Ltmp1:
0x30: {  	_ = 	snop;
	(pc) =	sbr.rel @!p2 .LBB2_10-.Ltmp1, $4  }
0x31: {  	s13 =	simm.s32 @!p1 $0x2  }
0x32: {  	_ =	swait.ge @!p1 [sflag:s13], s12;
	s15 =	ssub.s32 @!p1 $0x0, s12  }
0x33: {  	s12 =	smov.u32 s10;
	s11 =	sadd.s32 $0x1, s11;
	[sflag:s13] =	ssyncset.done @!p1 $0x0  }
0x34: {  	s10 =	smov.u32 s9;
	s9 =	smov.u32 s14;
	[sflag:s13] =	ssyncadd.s32 @!p1 s15  }
.LBB2_1:
0x35: {  	p1 =	sgt.u32 s11, s6  }
0x36: {  	s13 =	sand.u32 @!p1 $0x1FFFFFF, s9  }
0x37: {  	p2 =	sgt.s32 @!p1 s9, $0xC2D0;
	s14 =	smulhi.u32 @!p1 $0x14F8B59, s13  }
0x38: {  	s15 =	smov.u32 s9;
	s16 =	sshra.s32 @!p1 s9, $0x1F;
	p2 =	por !p2, p1  }
0x39: {  	s16 =	sand.u32 @!p1 s16, s9;
	s15 =	simm.s32 @p2 $0xC2D0;
	s14 =	sshrl.u32 @!p1 s14, $0x8  }
0x3a: {  	s15 =	ssub.s32 @!p1 s15, s16;
	s14 =	smul.u32 @!p1 $0xC350, s14  }
0x3b: {  	s16 =	sxor.u32 @!p1 $0xFFFFFFFF, s11;
	s15 =	sadd.s32 @!p1 $0xFFFF3D30, s15  }
0x3c: {  	s16 =	sshll.u32 @!p1 s16, $0xE;
	s13 =	ssub.s32 @!p1 s13, s14;
	s14 =	sshll.u32 @!p1 s15, $0x9  }
0x3d: {  	s16 =	sand.u32 @!p1 $0x4000, s16;
	p2 =	sgt.s32 @!p1 s15, $0x7F;
	s14 =	ssub.s32 @!p1 $0x10000, s14  }
0x3e: {  	p2 =	por !p2, p1;
	s13 =	sshll.u32 @!p1 s13, $0x4;
	s14 =	sshrl.u32 @!p1 s14, $0x2  }
0x3f: {  	s15 =	simm.s32 @!p1 $0x0;
	s13 =	sadd.s32 @!p1 s2, s13;
	s14 =	simm.s32 @!p2 $0x0  }
0x40: {  	[tilespmem:s16], [sflag:$0x1] =	stream.linear.gather @!p1 [hbm4b:s13+s15], s14, $0x38;
	[tilespmem:$0x10000] =	vst v63  }
0x41: {  	p1 =	seq.s32 s11, $0x0  }
0x42: {  	p2 =	sge.u32 @!p1 s11, s7  }
0x43: {  	p1 =	por p1, p2  }
.Ltmp2:
0x44: {  	_ = 	snop;
	(pc) =	sbr.rel @p1 .LBB2_9-.Ltmp2, $1  }
0x45: {  	_ =	sdelay $0x3  }
0x46: {  	p1 =	sgt.s32 s10, $0xC2D0;
	s13 =	smov.u32 s10;
	s14 =	sshra.s32 s10, $0x1F  }
0x47: {  	s13 =	simm.s32 @!p1 $0xC2D0;
	s14 =	sand.u32 s14, s10  }
0x48: {  	s13 =	ssub.s32 s13, s14  }
0x49: {  	s13 =	sadd.s32 $0xFFFF3D30, s13  }
0x4a: {  	s31 =	sshll.u32 s13, $0x9  }
0x4b: {  	s14 =	ssub.s32 $0x10000, s31  }
0x4c: {  	p1 =	sgt.s32 s13, $0x7F;
	s13 =	sshrl.u32 s14, $0x2;
	s14 =	sadd.s32 $0x80, s10  }
0x4d: {  	s13 =	simm.s32 @p1 $0x0;
	p1 =	slt.s32 s14, $0xC350  }
0x4e: {  	s14 =	simm.s32 @!p1 $0xC350  }
0x4f: {  	s16 =	ssub.s32 s14, s10  }
0x50: {  	p1 =	slt.s32 s16, $0x1  }
.Ltmp3:
0x51: {  	_ = 	snop;
	(pc) =	sbr.rel @p1 .LBB2_8-.Ltmp3, $4  }
0x52: {  	_ = 	snop  }
0x53: {  	s15 =	sshll.u32 s11, $0xE;
	_ =	swait.ge [sflag:s5], s13  }
0x54: {  	s15 =	sand.u32 $0x4000, s15;
	s17 =	ssub.s32 $0x0, s13;
	[sflag:s5] =	ssyncset.done $0x0  }
0x55: {  	s14 =	sor.u32 $0x8000, s15;
	[sflag:s5] =	ssyncadd.s32 s17  }
0x56: {  	p2 =	sne.s32 s16, $0x1  }
.Ltmp4:
0x57: {  	v1 =	vmov s15;
	v0 =	vmov s14;
	(pc) =	sbr.rel @!p2 .LBB2_4-.Ltmp4, $3  }
0x58: {  	_ =	sdelay $0x1  }
0x59: {  	s17 =	simm.s32 $0x0  }
0x5a: {  	s23 =	sadd.s32 $0xFFFFFFFF, s16;
	p1 =	por $0x0, $0x0;
	s15 =	sand.u32 $0x3F80, s17  }
0x5b: {  	_ =	sdelay $0x3  }
0x5c: {  	v6 =	vld.idx.msk [tilespmem:v1+s15+$0x0 ss:$0x1], $0xffff;
	s24 =	sor.u32 $0x70, s15  }
0x5d: {  	s16 =	sor.u32 $0x10, s15;
	v8 =	vld.idx.msk [tilespmem:v1+s24+$0x0 ss:$0x1], $0xffff  }
0x5e: {  	s17 =	sor.u32 $0x20, s15;
	p2 =	sne.s32 s23, $0x1;
	v2 =	vld.idx.msk [tilespmem:v1+s16+$0x0 ss:$0x1], $0xffff  }
.Ltmp5:
0x5f: {  	s18 =	sor.u32 $0x30, s15;
	v4 =	vld.idx.msk [tilespmem:v1+s17+$0x0 ss:$0x1], $0xffff;
	(pc) =	sbr.rel @!p2 .LBB2_7-.Ltmp5, $4  }
0x60: {  	s19 =	sor.u32 $0x40, s15;
	v3 =	vld.idx.msk [tilespmem:v1+s18+$0x0 ss:$0x1], $0xffff  }
0x61: {  	s21 =	sor.u32 $0x60, s15;
	v5 =	vld.idx.msk [tilespmem:v1+s19+$0x0 ss:$0x1], $0xffff  }
0x62: {  	s20 =	sor.u32 $0x50, s15;
	s22 =	simm.s32 $0x80;
	v7 =	vld.idx.msk [tilespmem:v1+s21+$0x0 ss:$0x1], $0xffff;
	[tilespmem:v0+s15+$0x0 ss:$0x1] =	vst.idx.msk $0xffff, v6  }
0x63: {  	s23 =	sadd.s32 $0xFFFFFFFF, s23;
	p1 =	por $0x1, $0x1;
	v6 =	vld.idx.msk [tilespmem:v1+s20+$0x0 ss:$0x1], $0xffff;
	s15 =	sand.u32 $0x3F80, s22;
	[tilespmem:v0+s24+$0x0 ss:$0x1] =	vst.idx.msk $0xffff, v8  }
.LBB2_6:
0x64: {  	p2 =	sne.s32 s23, $0x1;
	v8 =	vld.idx.msk [tilespmem:v1+s15+$0x0 ss:$0x1], $0xffff;
	s24 =	sor.u32 $0x70, s15;
	[tilespmem:v0+s16+$0x0 ss:$0x1] =	vst.idx.msk $0xffff, v2;
	s16 =	sor.u32 $0x10, s15  }
0x65: {  	s25 =	sor.u32 $0x30, s15;
	s26 =	sor.u32 $0x40, s15;
	v9 =	vld.idx.msk [tilespmem:v1+s24+$0x0 ss:$0x1], $0xffff;
	[tilespmem:v0+s17+$0x0 ss:$0x1] =	vst.idx.msk $0xffff, v4;
	s17 =	sor.u32 $0x20, s15  }
0x66: {  	s28 =	sor.u32 $0x50, s15;
	s29 =	sor.u32 $0x60, s15;
	v2 =	vld.idx.msk [tilespmem:v1+s16+$0x0 ss:$0x1], $0xffff;
	[tilespmem:v0+s18+$0x0 ss:$0x1] =	vst.idx.msk $0xffff, v3;
	s18 =	smov.u32 s25  }
.Ltmp6:
0x67: {  	v4 =	vld.idx.msk [tilespmem:v1+s17+$0x0 ss:$0x1], $0xffff;
	[tilespmem:v0+s19+$0x0 ss:$0x1] =	vst.idx.msk $0xffff, v5;
	s19 =	smov.u32 s26;
	(pc) =	sbr.rel @p2 .LBB2_6-.Ltmp6, $4  }
0x68: {  	v3 =	vld.idx.msk [tilespmem:v1+s18+$0x0 ss:$0x1], $0xffff;
	[tilespmem:v0+s20+$0x0 ss:$0x1] =	vst.idx.msk $0xffff, v6;
	s20 =	smov.u32 s28  }
0x69: {  	v5 =	vld.idx.msk [tilespmem:v1+s19+$0x0 ss:$0x1], $0xffff;
	[tilespmem:v0+s21+$0x0 ss:$0x1] =	vst.idx.msk $0xffff, v7;
	s21 =	smov.u32 s29  }
0x6a: {  	s22 =	sadd.s32 $0x80, s22;
	[tilespmem:v0+s15+$0x0 ss:$0x1] =	vst.idx.msk $0xffff, v8;
	v6 =	vld.idx.msk [tilespmem:v1+s20+$0x0 ss:$0x1], $0xffff  }
0x6b: {  	s23 =	sadd.s32 $0xFFFFFFFF, s23;
	s15 =	sand.u32 $0x3F80, s22;
	v7 =	vld.idx.msk [tilespmem:v1+s21+$0x0 ss:$0x1], $0xffff;
	[tilespmem:v0+s24+$0x0 ss:$0x1] =	vst.idx.msk $0xffff, v9  }
.Ltmp7:
0x6c: {  	_ = 	snop;
	(pc) =	sbr.rel .LBB2_7-.Ltmp7, $1  }
0x6d: {  	_ =	sdelay $0x3  }
.LBB2_10:
0x6e: {  	_ =	sfence.sel $0x180000  }
0x6f: {  	s2 =	simm.s32 $0x1;
	[bflag:$0x0] =	sbarrier.arrive $0xFFFF  }
0x70: {  	s31 =	simm.s32 $0x2;
	[sflag:s2] =	ssyncpa.u1 $0x1  }
0x71: {  	[sflag:s31] =	ssyncpa.u1 $0x1  }
0x72: {  	_ =	strace $0x9000004D  }
0x73: {  	s0 =	sadd.s32 @!p0 $0x100000, s0;
	[bflag:$0x2] =	sbarrier.arrive $0xFFFF  }
0x74: {  	[sflag:s0] =	ssyncadd.tile.s32 @!p0 $0x1;
	s0 =	simm.s32 @!p0 $0x3F  }
0x75: {  	_ =	swait.ge @!p0 [sflag:s0], s1  }
0x76: {  	s1 =	ssub.s32 @!p0 $0x0, s1;
	[sflag:s0] =	ssyncset.done @!p0 $0x0  }
0x77: {  	[sflag:s0] =	ssyncadd.s32 @!p0 s1  }
0x78: {  	[bflag:$0x3] =	sbarrier.arrive $0xFFFF  }
0x79: {  	_ =	shalt  }
.Lfunc_end2:
execute1_lowered:
.L_overlay_start_2:
0x7a: {  	(tag) =	ssettag $0x2  }
0x7b: {  	s0 =	rddreg [dreg:$0x0];
	_ =	strace $0x80000050;
	s1 =	simm.s32 $0x1  }
0x7c: {  	s8 =	simm.s32 $0x108;
	v0 =	vimm.s32 $0x0;
	[sflag:s1] =	ssyncpa.u1 $0x0  }
0x7d: {  	[tilespmem:s8+$0x70] =	vst v0  }
0x7e: {  	[tilespmem:s8+$0x60] =	vst v0  }
0x7f: {  	[tilespmem:s8+$0x50] =	vst v0  }
0x80: {  	[tilespmem:s8+$0x40] =	vst v0  }
0x81: {  	[tilespmem:s8+$0x30] =	vst v0  }
0x82: {  	s2 =	simm.s32 $0x40;
	s1 =	sadd.s32 $0x1D43A00, s0;
	[tilespmem:s8+$0x20] =	vst v0  }
0x83: {  	s3 =	sadd.s32 $0x5F400, s0;
	s4 =	sadd.s32 $0xF87E00, s0;
	s5 =	sadd.s32 $0x79400, s0;
	[tilespmem:s8+$0x10] =	vst v0  }
.LBB3_1:
0x84: {  	s2 =	sadd.s32 $0x40, s2;
	[tilespmem:s8+$0x0] =	vst v0;
	s8 =	sadd.s32 $0x80, s8  }
0x85: {  	p0 =	slt.u32 s2, $0x3C40;
	[tilespmem:s8+$0x70] =	vst v0  }
0x86: {  	[tilespmem:s8+$0x60] =	vst v0  }
.Ltmp8:
0x87: {  	[tilespmem:s8+$0x50] =	vst v0;
	(pc) =	sbr.rel @p0 .LBB3_1-.Ltmp8, $4  }
0x88: {  	[tilespmem:s8+$0x40] =	vst v0  }
0x89: {  	[tilespmem:s8+$0x30] =	vst v0  }
0x8a: {  	[tilespmem:s8+$0x20] =	vst v0  }
0x8b: {  	[tilespmem:s8+$0x10] =	vst v0  }
0x8c: {  	s13 =	stileid.u32  }
0x8d: {  	s0 =	smul.u32 $0xDD, s13  }
0x8e: {  	s2 =	smin.u32 s13, $0x6  }
0x8f: {  	s0 =	sadd.s32 s2, s0  }
0x90: {  	p0 =	slt.u32 s13, $0x6;
	s6 =	smul.u32 $0xF0, s0;
	s0 =	simm.s32 $0xD020  }
0x91: {  	s0 =	simm.s32 @!p0 $0xCF30  }
0x92: {  	s0 =	sadd.s32 s0, s6  }
0x93: {  	s7 =	smin.u32 s0, $0xCF850  }
0x94: {  	s0 =	ssub.s32 s7, s6  }
0x95: {  	p0 =	sgt.s32 s0, $0x0  }
0x96: {  	s0 =	simm.s32 @!p0 $0x0  }
0x97: {  	s31 =	smulhi.u32 $0x88888889, s0  }
0x98: {  	s30 =	simm.s32 $0x2;
	s9 =	simm.s32 $0x7;
	s10 =	simm.s32 $0x8  }
0x99: {  	s19 =	simm.s32 $0x0;
	s15 =	simm.s32 $0xA;
	s2 =	sshrl.u32 s31, $0x7  }
0x9a: {  	s17 =	simm.s32 $0x0;
	s18 =	simm.s32 $0x0;
	s11 =	smul.u32 $0xF0, s2  }
.Ltmp9:
0x9b: {  	[tilespmem:s8+$0x0] =	vst v0;
	v0 =	vimm.s32 $0xFFFFFFFF;
	[sflag:s30] =	ssyncpa.u1 $0x0;
	s13 =	sshll.u32 s13, $0x8;
	(pc) =	sbr.rel .LBB3_3-.Ltmp9, $4  }
0x9c: {  	[tilespmem:$0xF208] =	vst v0;
	[sflag:s9] =	ssyncpa.u1 $0x0;
	p0 =	sne.s32 s0, s11;
	s0 =	simm.s32 $0x1  }
0x9d: {  	[sflag:s10] =	ssyncpa.u1 $0x0;
	s10 =	simm.s32 $0x9;
	s0 =	simm.s32 @!p0 $0x0  }
0x9e: {  	[sflag:s10] =	ssyncpa.u1 $0x0;
	s16 =	smov.u32 s6;
	s12 =	sadd.s32 s0, s2  }
0x9f: {  	v0 =	vlaneseq.u32;
	s11 =	simm.s32 $0x1;
	p0 =	por $0x0, $0x0;
	s14 =	sadd.s32 $0x1, s12  }
.LBB3_18:
0xa0: {  	s0 =	sshrl.u32 s28, $0x2  }
.LBB3_20:
0xa1: {  	_ =	swait.ge [sflag:s15], s0  }
0xa2: {  	s31 =	ssub.s32 $0x0, s0;
	v1 =	vmov s21;
	vm0 =	veq.s32 v0, $0x0;
	[sflag:s15] =	ssyncset.done $0x0  }
0xa3: {  	vm15 =	veq.s32 v0, $0x2;
	v1 =	vsel vm0, s26, v1;
	[sflag:s15] =	ssyncadd.s32 s31  }
0xa4: {  	v1 =	vsel vm15, s19, v1;
	[sflag:s15] =	ssyncpa.u1 $0x1  }
0xa5: {  	[tilespmem:$0xF208] =	vst v1  }
.LBB3_21:
0xa6: {  	s0 =	sadd.s32 $0xF0, s16  }
0xa7: {  	s2 =	smov.u32 s6;
	p1 =	slt.s32 s0, s7  }
0xa8: {  	s2 =	smov.u32 @p1 s0;
	p1 =	sne.s32 s18, s14  }
.Ltmp10:
0xa9: {  	_ = 	snop;
	(pc) =	sbr.rel @!p1 .LBB3_22-.Ltmp10, $3  }
0xaa: {  	_ =	sdelay $0x1  }
0xab: {  	s19 =	smov.u32 s17;
	s31 =	sadd.s32 $0x1, s18;
	s17 =	smov.u32 s16  }
0xac: {  	p0 =	por !p0, !p0;
	s18 =	smov.u32 s31;
	s16 =	smov.u32 s2  }
.LBB3_3:
0xad: {  	p1 =	sge.u32 s18, s12  }
0xae: {  	s0 =	smulhi.u32 @!p1 $0xAAAAAAAB, s18  }
0xaf: {  	s2 =	smov.u32 s16;
	p2 =	sgt.s32 @!p1 s16, $0xCF760  }
0xb0: {  	s20 =	sshra.s32 @!p1 s16, $0x1F;
	p2 =	por !p2, p1;
	s0 =	sshrl.u32 @!p1 s0, $0x1  }
0xb1: {  	s20 =	sand.u32 @!p1 s20, s16;
	s2 =	simm.s32 @p2 $0xCF760;
	s0 =	smul.u32 @!p1 $0x3, s0  }
0xb2: {  	s2 =	ssub.s32 @!p1 s2, s20  }
0xb3: {  	s2 =	sadd.s32 @!p1 $0xFFF308A0, s2;
	s0 =	ssub.s32 @!p1 s18, s0  }
0xb4: {  	s20 =	sshll.u32 @!p1 s2, $0x2;
	p2 =	sgt.s32 @!p1 s2, $0xEF;
	s0 =	smul.u32 @!p1 $0x3C0, s0  }
0xb5: {  	s21 =	sand.u32 @!p1 $0x7, s16;
	s2 =	ssub.s32 @!p1 $0x3C0, s20;
	p2 =	por !p2, p1  }
0xb6: {  	s20 =	sshrl.u32 @!p1 s16, $0x3;
	s2 =	sshrl.u32 @!p1 s2, $0x2;
	s0 =	sshrl.u32 @!p1 s0, $0x2  }
0xb7: {  	s20 =	sadd.s32 @!p1 s5, s20;
	s2 =	simm.s32 @!p2 $0x0;
	s0 =	sadd.s32 @!p1 $0x10238, s0  }
0xb8: {  	[tilespmem:s0], [sflag:$0x8] =	stream.linear.gather @!p1 [hbm4b:s20+s21], s2, $0x38;
	[tilespmem:$0x1F6E8] =	vst v63  }
0xb9: {  	s0 =	sadd.s32 $0xFFFFFFFF, s18  }
0xba: {  	p1 =	sge.u32 s0, s12  }
0xbb: {  	p2 =	sgt.s32 @!p1 s17, $0xCF760  }
0xbc: {  	s2 =	smov.u32 s17;
	s20 =	sshra.s32 @!p1 s17, $0x1F;
	p2 =	por !p2, p1  }
0xbd: {  	s20 =	sand.u32 @!p1 s20, s17;
	s2 =	simm.s32 @p2 $0xCF760  }
0xbe: {  	s2 =	ssub.s32 @!p1 s2, s20  }
0xbf: {  	s2 =	sadd.s32 @!p1 $0xFFF308A0, s2  }
0xc0: {  	s21 =	sand.u32 @!p1 $0x1, s0;
	s20 =	sshll.u32 @!p1 s2, $0x2  }
0xc1: {  	p2 =	sgt.s32 @!p1 s2, $0xEF;
	s2 =	ssub.s32 @!p1 $0x3C0, s20;
	s20 =	smulhi.u32 @!p1 $0xAAAAAAAB, s0  }
0xc2: {  	s23 =	smul.u32 @!p1 $0x3C0, s21;
	p2 =	por !p2, p1;
	s2 =	sshrl.u32 @!p1 s2, $0x2  }
0xc3: {  	s22 =	simm.s32 @!p1 $0x8;
	s2 =	simm.s32 @!p2 $0x0;
	s20 =	sshrl.u32 @!p1 s20, $0x1  }
0xc4: {  	s23 =	sshrl.u32 @!p1 s23, $0x2;
	_ =	swait.ge @!p1 [sflag:s22], s2;
	s20 =	smul.u32 @!p1 $0x3, s20  }
0xc5: {  	s23 =	sor.u32 @!p1 $0x10508, s23;
	s24 =	ssub.s32 @!p1 $0x0, s2;
	[sflag:s22] =	ssyncset.done @!p1 $0x0  }
0xc6: {  	[sflag:s22] =	ssyncadd.s32 @!p1 s24;
	s22 =	sshrl.u32 @!p1 s17, $0x3;
	s0 =	ssub.s32 @!p1 s0, s20  }
0xc7: {  	s24 =	sand.u32 @!p1 $0x7, s17;
	s22 =	sadd.s32 @!p1 s3, s22;
	s0 =	smul.u32 @!p1 $0x3C0, s0  }
0xc8: {  	[tilespmem:s23], [sflag:$0x9] =	stream.linear.gather @!p1 [hbm4b:s22+s24], s2, $0x38;
	[tilespmem:$0x1F6E8] =	vst v63  }
0xc9: {  	s20 =	ssub.s32 @!p1 $0xCF850, s17;
	s2 =	smul.u32 @!p1 $0x1E000, s21  }
0xca: {  	p2 =	slt.s32 @!p1 s20, $0xF0  }
0xcb: {  	p2 =	por !p2, p1;
	s0 =	sshrl.u32 @!p1 s0, $0x2;
	s2 =	sshrl.u32 @!p1 s2, $0x2  }
0xcc: {  	s20 =	simm.s32 @p2 $0xF0;
	s0 =	sadd.s32 @!p1 $0x10238, s0;
	s2 =	sor.u32 @!p1 $0x106E8, s2  }
0xcd: {  	[tilespmem:s2], [sflag:$0x7] =	stream.indirect.gather @!p1 [hbm4b:s4+s20], $0x80, s0, s20, $0xb8;
	[tilespmem:$0x1F6E8] =	vst v63  }
0xce: {  	p1 =	slt.u32 s18, $0x2  }
.Ltmp11:
0xcf: {  	_ = 	snop;
	(pc) =	sbr.rel @p1 .LBB3_21-.Ltmp11, $1  }
0xd0: {  	_ =	sdelay $0x3  }
0xd1: {  	p1 =	sgt.s32 s19, $0xCF760;
	s0 =	smov.u32 s19  }
0xd2: {  	s2 =	sshra.s32 s19, $0x1F;
	s20 =	ssub.s32 $0xCF850, s19;
	s0 =	simm.s32 @!p1 $0xCF760  }
0xd3: {  	s2 =	sand.u32 s2, s19;
	p1 =	slt.s32 s20, $0xF0;
	s21 =	smov.u32 s20  }
0xd4: {  	s0 =	ssub.s32 s0, s2;
	s21 =	simm.s32 @!p1 $0xF0  }
0xd5: {  	s0 =	sadd.s32 $0xFFF308A0, s0;
	s28 =	sshll.u32 s21, $0x7  }
0xd6: {  	s29 =	sshll.u32 s0, $0x2;
	s2 =	sand.u32 $0x3FFFFF80, s28  }
0xd7: {  	p1 =	sgt.s32 s0, $0xEF;
	s30 =	ssub.s32 $0x3C0, s29;
	_ =	swait.ge [sflag:s9], s2  }
0xd8: {  	s2 =	ssub.s32 $0x0, s2;
	[sflag:s9] =	ssyncset.done $0x0;
	s0 =	sshrl.u32 s30, $0x2  }
0xd9: {  	[sflag:s9] =	ssyncadd.s32 s2;
	s0 =	simm.s32 @p1 $0x0  }
0xda: {  	_ =	swait.ge [sflag:s10], s0  }
0xdb: {  	s0 =	ssub.s32 $0x0, s0;
	[sflag:s10] =	ssyncset.done $0x0  }
0xdc: {  	[sflag:s10] =	ssyncadd.s32 s0  }
0xdd: {  	v1 =	vld [tilespmem:$0xF208];
	_ =	sdelay $0x4  }
0xde: {  	(v2sf) =	vpush v1, $0x0  }
0xdf: {  	(v2sf) =	vpush v1, $0x1  }
0xe0: {  	(v2sf) =	vpush v1, $0x2;
	_ =	sdelay $0x3  }
0xe1: {  	s0 =	sadd.s32 $0xF0, s19  }
0xe2: {  	p1 =	slt.s32 s7, s0  }
0xe3: {  	s0 =	smov.u32 @p1 s7;
	p1 =	sgt.s32 s20, $0x0  }
0xe4: {  	s23 =	ssub.s32 s0, s19;
	s20 =	simm.s32 @!p1 $0x0  }
0xe5: {  	p1 =	slt.s32 s20, s23  }
0xe6: {  	s23 =	smov.u32 @p1 s20  }
0xe7: {  	s22 =	simm.s32 $0x1;
	p1 =	slt.s32 s23, $0x1  }
.Ltmp12:
0xe8: {  	s22 =	simm.s32 @!p0 $0x0;
	(pc) =	sbr.rel @p1 .LBB3_8-.Ltmp12, $4  }
0xe9: {  	s31 =	smul.u32 $0x3C0, s22  }
0xea: {  	s24 =	spop (v2sf)  }
0xeb: {  	s0 =	sshrl.u32 s31, $0x2;
	s26 =	spop (v2sf)  }
0xec: {  	s20 =	sor.u32 $0x10508, s0;
	s19 =	spop (v2sf)  }
0xed: {  	s0 =	smin.u32 s23, $0x10  }
0xee: {  	v1 =	vmov s0  }
0xef: {  	p2 =	sgt.s32 s23, $0x10;
	vm1 =	vgt.u32 v1, v0  }
.Ltmp13:
0xf0: {  	_ = 	snop;
	(pc) =	sbr.rel @!p2 .LBB3_7-.Ltmp13, $2  }
0xf1: {  	_ =	sdelay $0x2  }
0xf2: {  	s25 =	simm.s32 $0x10;
	s28 =	sadd.s32 $0xFFFFFFF0, s23;
	s21 =	smov.u32 s20;
	vm0 =	vmmov vm1  }
.LBB3_6:
0xf3: {  	s0 =	smin.u32 s28, $0x10;
	s25 =	sadd.s32 $0x10, s25;
	v1 =	vld.msk [tilespmem:s21+$0x0 ss:$0x1], vm1  }
0xf4: {  	v2 =	vmov s0;
	p2 =	slt.s32 s25, s23  }
0xf5: {  	vm1 =	vgt.u32 v2, v0  }
.Ltmp14:
0xf6: {  	(pc) =	sbr.rel @p2 .LBB3_6-.Ltmp14, $3  }
0xf7: {  	_ =	sdelay $0x1  }
0xf8: {  	v1 =	vshll.u32 v1, $0x4  }
0xf9: {  	s28 =	sadd.s32 $0xFFFFFFF0, s28;
	[tilespmem:s21+$0x0] =	vst.msk vm0, v1;
	s21 =	sadd.s32 $0x10, s21;
	vm0 =	vmmov vm1  }
.LBB3_7:
0xfa: {  	_ =	sdelay $0x4  }
0xfb: {  	v1 =	vld.msk [tilespmem:s21+$0x0 ss:$0x1], vm1;
	_ =	sdelay $0x4  }
0xfc: {  	v1 =	vshll.u32 v1, $0x4  }
0xfd: {  	[tilespmem:s21+$0x0] =	vst.msk vm0, v1  }
.LBB3_8:
0xfe: {  	s0 =	sand.u32 $0x1, s18  }
0xff: {  	s0 =	smul.u32 $0xF0, s0  }
0x100: {  	p2 =	sne.s32 s26, $0xFFFFFFFF  }
0x101: {  	v1 =	vld.msk @!p2 [tilespmem:s0+$0x10508], $0x1;
	_ =	sdelay $0x4  }
0x102: {  	(v2sf) =	vpush @!p2 v1, $0x0;
	_ =	sdelay $0xc  }
.Ltmp15:
0x103: {  	_ = 	snop;
	(pc) =	sbr.rel @p1 .LBB3_19-.Ltmp15, $4  }
0x104: {  	_ = 	snop  }
0x105: {  	s25 =	spop @!p2 (v2sf)  }
0x106: {  	s19 =	simm.s32 @!p2 $0x0;
	s21 =	smov.u32 s25  }
0x107: {  	[sflag:s15] =	ssyncpa.u1 $0x0;
	s25 =	smov.u32 @p2 s24;
	s21 =	smov.u32 @p2 s26  }
0x108: {  	v1 =	vld.msk [tilespmem:s20+$0x0], $0x1;
	_ =	sdelay $0x4  }
0x109: {  	(v2sf) =	vpush v1, $0x0;
	_ =	sdelay $0xe  }
0x10a: {  	s0 =	smul.u32 $0x1E000, s22;
	s29 =	spop (v2sf)  }
0x10b: {  	s23 =	ssub.s32 $0x0, s23;
	p1 =	seq.s32 s25, s29  }
0x10c: {  	s26 =	sadd.s32 $0x1, s23;
	s0 =	sshrl.u32 s0, $0x2;
	p2 =	sgt.s32 @!p1 s25, $0x0  }
0x10d: {  	s22 =	sor.u32 $0x10728, s0;
	s0 =	smov.u32 s25;
	p2 =	por !p2, p1  }
0x10e: {  	s0 =	simm.s32 @p2 $0x0;
	p2 =	seq.s32 s26, $0x0  }
.Ltmp16:
0x10f: {  	_ = 	snop;
	(pc) =	sbr.rel @p2 .LBB3_11-.Ltmp16, $4  }
0x110: {  	_ = 	snop  }
0x111: {  	s24 =	simm.s32 $0x0;
	s28 =	sadd.s32 $0x1, s20;
	s0 =	smin.u32 @!p1 s0, $0xC34F0  }
0x112: {  	s30 =	simm.s32 @!p1 $0x1;
	s31 =	simm.s32 @!p1 $0x7988;
	s2 =	sand.u32 @!p1 $0xFFFF8, s0  }
0x113: {  	s30 =	smov.u32 @p1 s24;
	s0 =	sand.u32 @!p1 $0x7, s0;
	s2 =	sadd.s32 @!p1 s1, s2  }
.LBB3_10:
0x114: {  	s8 =	smov.u32 s30  }
0x115: {  	[tilespmem:s31], [sflag:$0x2] =	stream.linear.gather @!p1 [hbm4b:s2+s0], $0x80, $0x38;
	[tilespmem:$0x1F6E8] =	vst v63  }
0x116: {  	s26 =	sadd.s32 $0x1, s26;
	s0 =	smov.u32 s29;
	v1 =	vld.msk [tilespmem:s28+$0x0], $0x1  }
0x117: {  	p2 =	seq.s32 s26, $0x0;
	_ =	sdelay $0x3  }
0x118: {  	(v2sf) =	vpush v1, $0x0;
	_ =	sdelay $0xe  }
0x119: {  	s29 =	spop (v2sf)  }
0x11a: {  	p1 =	seq.s32 s0, s29  }
0x11b: {  	p3 =	sgt.s32 @!p1 s0, $0x0;
	s2 =	sshll.u32 @!p1 s30, $0x9;
	s30 =	sadd.s32 @!p1 $0x1, s30  }
.Ltmp17:
0x11c: {  	p3 =	por !p3, p1;
	s2 =	sshra.s32 @!p1 s2, $0x2;
	(pc) =	sbr.rel @!p2 .LBB3_10-.Ltmp17, $4  }
0x11d: {  	s30 =	smov.u32 @p1 s8;
	s0 =	simm.s32 @p3 $0x0;
	s31 =	sadd.s32 @!p1 $0x7988, s2  }
0x11e: {  	s0 =	smin.u32 @!p1 s0, $0xC34F0  }
0x11f: {  	s2 =	sand.u32 @!p1 $0xFFFF8, s0;
	s0 =	sand.u32 @!p1 $0x7, s0  }
0x120: {  	s28 =	sadd.s32 $0x1, s28;
	s2 =	sadd.s32 @!p1 s1, s2  }
.LBB3_11:
0x121: {  	[tilespmem:s31], [sflag:$0x2] =	stream.linear.gather @!p1 [hbm4b:s2+s0], $0x80, $0x38;
	[tilespmem:$0x1F6E8] =	vst v63  }
.Ltmp18:
0x122: {  	s30 =	sshll.u32 s30, $0x7;
	(pc) =	sbr.rel .LBB3_12-.Ltmp18, $4  }
0x123: {  	s31 =	simm.s32 $0x2;
	s0 =	sand.u32 $0x3FFFFF80, s30  }
0x124: {  	_ =	swait.ge [sflag:s31], s0  }
0x125: {  	s0 =	ssub.s32 $0x0, s0;
	[sflag:s31] =	ssyncset.done $0x0  }
0x126: {  	s28 =	simm.s32 $0x0;
	[sflag:s31] =	ssyncadd.s32 s0  }
.LBB3_13:
0x127: {  	v1 =	vld [tilespmem:s22+$0xFFFFFFC0];
	_ =	sdelay $0x3  }
0x128: {  	s0 =	sshra.s32 s0, $0x2  }
0x129: {  	[tilespmem:s0+$0x108] =	vst.add.f32.msk $0xffff, v1  }
0x12a: {  	v1 =	vld [tilespmem:s22+$0xFFFFFFD0];
	_ =	sdelay $0x4  }
0x12b: {  	[tilespmem:s0+$0x118] =	vst.add.f32.msk $0xffff, v1  }
0x12c: {  	v1 =	vld [tilespmem:s22+$0xFFFFFFE0];
	_ =	sdelay $0x4  }
0x12d: {  	[tilespmem:s0+$0x128] =	vst.add.f32.msk $0xffff, v1  }
0x12e: {  	v1 =	vld [tilespmem:s22+$0xFFFFFFF0];
	_ =	sdelay $0x4  }
0x12f: {  	[tilespmem:s0+$0x138] =	vst.add.f32.msk $0xffff, v1  }
0x130: {  	v1 =	vld [tilespmem:s22+$0x0];
	_ =	sdelay $0x4  }
0x131: {  	[tilespmem:s0+$0x148] =	vst.add.f32.msk $0xffff, v1  }
0x132: {  	v1 =	vld [tilespmem:s22+$0x10];
	_ =	sdelay $0x4  }
0x133: {  	[tilespmem:s0+$0x158] =	vst.add.f32.msk $0xffff, v1  }
0x134: {  	v1 =	vld [tilespmem:s22+$0x20];
	_ =	sdelay $0x4  }
0x135: {  	[tilespmem:s0+$0x168] =	vst.add.f32.msk $0xffff, v1  }
0x136: {  	v1 =	vld [tilespmem:s22+$0x30];
	_ =	sdelay $0x4  }
0x137: {  	[tilespmem:s0+$0x178] =	vst.add.f32.msk $0xffff, v1  }
.LBB3_17:
0x138: {  	s23 =	sadd.s32 $0x1, s23  }
0x139: {  	p1 =	seq.s32 s23, $0x0  }
.Ltmp19:
0x13a: {  	_ = 	snop;
	(pc) =	sbr.rel @p1 .LBB3_18-.Ltmp19, $2  }
0x13b: {  	_ =	sdelay $0x2  }
0x13c: {  	s20 =	sadd.s32 $0x1, s20;
	s22 =	sadd.s32 $0x80, s22;
	s25 =	smov.u32 s26  }
.LBB3_12:
0x13d: {  	v1 =	vld.msk [tilespmem:s20+$0x0], $0x1;
	_ =	sdelay $0x4  }
0x13e: {  	(v2sf) =	vpush v1, $0x0;
	_ =	sdelay $0xe  }
0x13f: {  	s26 =	spop (v2sf)  }
0x140: {  	p1 =	sne.s32 s25, s26  }
.Ltmp20:
0x141: {  	_ = 	snop;
	(pc) =	sbr.rel @!p1 .LBB3_13-.Ltmp20, $2  }
0x142: {  	_ =	sdelay $0x2  }
0x143: {  	s0 =	sshll.u32 s19, $0x9  }
0x144: {  	p1 =	seq.s32 s25, s21  }
.Ltmp21:
0x145: {  	_ = 	snop;
	(pc) =	sbr.rel @!p1 .LBB3_15-.Ltmp21, $1  }
0x146: {  	_ =	sdelay $0x3  }
0x147: {  	s0 =	sshra.s32 s0, $0x2  }
.Ltmp22:
0x148: {  	s0 =	sadd.s32 $0x108, s0;
	(pc) =	sbr.rel .LBB3_16-.Ltmp22, $4  }
0x149: {  	[spmem:s13] =	stream.linear.scatter [tilespmem:s0], [sflag:$0x1], $0x80, $0x38;
	[tilespmem:$0x1F6E8] =	vst v63  }
0x14a: {  	_ =	swait.ge [sflag:s11], $0x80  }
0x14b: {  	[sflag:s11] =	ssyncset.done $0x0  }
0x14c: {  	[sflag:s11] =	ssyncadd.s32 $0xFFFFFF80  }
.LBB3_15:
0x14d: {  	s2 =	sshll.u32 s24, $0x9  }
0x14e: {  	s2 =	sshra.s32 s2, $0x2  }
0x14f: {  	v1 =	vld [tilespmem:s2+$0x7988];
	_ =	sdelay $0x3  }
0x150: {  	s0 =	sshra.s32 s0, $0x2  }
0x151: {  	[tilespmem:s0+$0x108] =	vst.add.f32.msk $0xffff, v1  }
0x152: {  	v1 =	vld [tilespmem:s2+$0x7998];
	_ =	sdelay $0x4  }
0x153: {  	[tilespmem:s0+$0x118] =	vst.add.f32.msk $0xffff, v1  }
0x154: {  	v1 =	vld [tilespmem:s2+$0x79A8];
	_ =	sdelay $0x4  }
0x155: {  	[tilespmem:s0+$0x128] =	vst.add.f32.msk $0xffff, v1  }
0x156: {  	v1 =	vld [tilespmem:s2+$0x79B8];
	_ =	sdelay $0x4  }
0x157: {  	[tilespmem:s0+$0x138] =	vst.add.f32.msk $0xffff, v1  }
0x158: {  	v1 =	vld [tilespmem:s2+$0x79C8];
	_ =	sdelay $0x4  }
0x159: {  	[tilespmem:s0+$0x148] =	vst.add.f32.msk $0xffff, v1  }
0x15a: {  	v1 =	vld [tilespmem:s2+$0x79D8];
	_ =	sdelay $0x4  }
0x15b: {  	[tilespmem:s0+$0x158] =	vst.add.f32.msk $0xffff, v1  }
0x15c: {  	v1 =	vld [tilespmem:s2+$0x79E8];
	_ =	sdelay $0x4  }
0x15d: {  	[tilespmem:s0+$0x168] =	vst.add.f32.msk $0xffff, v1  }
0x15e: {  	v1 =	vld [tilespmem:s2+$0x79F8];
	_ =	sdelay $0x2  }
0x15f: {  	p1 =	sgt.u32 s25, $0xC34F0  }
0x160: {  	s2 =	sand.u32 @!p1 $0xFFFF8, s25  }
0x161: {  	s8 =	sadd.s32 $0x108, s0;
	[tilespmem:s0+$0x178] =	vst.add.f32.msk $0xffff, v1;
	s0 =	sadd.s32 @!p1 s1, s2;
	s2 =	sand.u32 @!p1 $0x7, s25  }
0x162: {  	[hbm4b:s0+s2] =	stream.linear.scatter @!p1 [tilespmem:s8], [sflag:$0xA], $0x80, $0x38;
	[tilespmem:$0x1F6E8] =	vst v63  }
0x163: {  	s0 =	simm.s32 $0x0  }
0x164: {  	s0 =	simm.s32 @!p1 $0x200  }
0x165: {  	s28 =	sadd.s32 s0, s28  }
.LBB3_16:
0x166: {  	s0 =	sadd.s32 $0x1, s19  }
0x167: {  	s2 =	smulhi.u32 $0x88888889, s0;
	_ =	sdelay $0x1  }
0x168: {  	v1 =	vld [tilespmem:s22+$0xFFFFFFC0];
	s2 =	sshrl.u32 s2, $0x7  }
0x169: {  	s2 =	smul.u32 $0xF0, s2;
	_ =	sdelay $0x1  }
0x16a: {  	s19 =	ssub.s32 s0, s2  }
0x16b: {  	s0 =	sshll.u32 s19, $0x7  }
0x16c: {  	[tilespmem:s0+$0x108] =	vst v1  }
0x16d: {  	v1 =	vld [tilespmem:s22+$0xFFFFFFD0];
	_ =	sdelay $0x4  }
0x16e: {  	[tilespmem:s0+$0x118] =	vst v1  }
0x16f: {  	v1 =	vld [tilespmem:s22+$0xFFFFFFE0];
	_ =	sdelay $0x4  }
0x170: {  	[tilespmem:s0+$0x128] =	vst v1  }
0x171: {  	v1 =	vld [tilespmem:s22+$0xFFFFFFF0];
	_ =	sdelay $0x4  }
0x172: {  	[tilespmem:s0+$0x138] =	vst v1  }
0x173: {  	v1 =	vld [tilespmem:s22+$0x0];
	_ =	sdelay $0x4  }
0x174: {  	[tilespmem:s0+$0x148] =	vst v1  }
0x175: {  	v1 =	vld [tilespmem:s22+$0x10];
	_ =	sdelay $0x4  }
0x176: {  	[tilespmem:s0+$0x158] =	vst v1  }
0x177: {  	v1 =	vld [tilespmem:s22+$0x20];
	_ =	sdelay $0x4  }
0x178: {  	[tilespmem:s0+$0x168] =	vst v1  }
0x179: {  	v1 =	vld [tilespmem:s22+$0x30]  }
.Ltmp23:
0x17a: {  	_ = 	snop;
	(pc) =	sbr.rel .LBB3_17-.Ltmp23, $2  }
0x17b: {  	_ =	sdelay $0x2  }
0x17c: {  	s24 =	sadd.s32 $0x1, s24;
	[tilespmem:s0+$0x178] =	vst v1  }
.LBB3_19:
.Ltmp24:
0x17d: {  	(pc) =	sbr.rel .LBB3_20-.Ltmp24, $4  }
0x17e: {  	_ = 	snop  }
0x17f: {  	s0 =	simm.s32 $0x2  }
0x180: {  	_ =	swait.ge [sflag:s0], $0x0  }
0x181: {  	s26 =	smov.u32 s25;
	[sflag:s0] =	ssyncset.done $0x0;
	s0 =	simm.s32 $0x0  }
.LBB3_22:
0x182: {  	_ =	sfence.sel $0x180000  }
0x183: {  	s0 =	simm.s32 $0x7;
	[bflag:$0x0] =	sbarrier.arrive $0xFFFF  }
0x184: {  	s25 =	simm.s32 $0x8;
	[sflag:s0] =	ssyncpa.u1 $0x1  }
0x185: {  	s26 =	simm.s32 $0x9;
	[sflag:s25] =	ssyncpa.u1 $0x1  }
0x186: {  	s28 =	simm.s32 $0x2;
	[sflag:s26] =	ssyncpa.u1 $0x1  }
0x187: {  	[sflag:s28] =	ssyncpa.u1 $0x1  }
0x188: {  	v0 =	vld [tilespmem:$0xF208];
	_ =	sdelay $0x4  }
0x189: {  	(v2sf) =	vpush v0, $0x0  }
0x18a: {  	(v2sf) =	vpush v0, $0x1;
	_ =	sdelay $0x1  }
0x18b: {  	(v2sf) =	vpush v0, $0x2;
	_ =	sdelay $0xb  }
0x18c: {  	s0 =	spop (v2sf)  }
0x18d: {  	s2 =	spop (v2sf)  }
0x18e: {  	s3 =	smov.u32 s0;
	p0 =	sne.s32 s0, s2  }
0x18f: {  	s4 =	spop (v2sf);
	s3 =	simm.s32 @!p0 $0xFFFFFFFF  }
0x190: {  	v2 =	vimm.s32 $0x1;
	v3 =	vlaneseq.u32;
	p0 =	seq.s32 s4, $0xFFFFFFFF;
	v1 =	vmov s3  }
0x191: {  	s7 =	stileid.u32;
	v0 =	vperm.xlane v0, v2;
	p1 =	sne.s32 @!p0 s0, s2;
	v1 =	vperm.xlane v1, v3  }
0x192: {  	vm0 =	vcmask $0x3F04;
	s6 =	simm.s32 $0xF208;
	s0 =	simm.s32 @!p0 $0x1;
	p1 =	por !p1, p0  }
0x193: {  	s3 =	sshll.u32 s7, $0x1;
	s2 =	sshll.u32 @!p0 s4, $0x9;
	s0 =	simm.s32 @p1 $0x0;
	v0 =	vsel vm0, v1, v0  }
0x194: {  	s5 =	sor.u32 $0x1000, s3;
	s2 =	sshra.s32 @!p0 s2, $0x2;
	s0 =	sor.u32 @!p0 s0, s3;
	[tilespmem:$0xF208] =	vst v0  }
0x195: {  	[spmem:s5] =	stream.linear.scatter [tilespmem:s6], [sflag:$0x1], $0x2, $0x38;
	[tilespmem:$0x1F6E8] =	vst v63  }
0x196: {  	s2 =	sadd.s32 @!p0 $0x108, s2;
	s0 =	sshll.u32 @!p0 s0, $0x7  }
0x197: {  	[spmem:s0] =	stream.linear.scatter @!p0 [tilespmem:s2], [sflag:$0x1], $0x80, $0x38;
	[tilespmem:$0x1F6E8] =	vst v63  }
0x198: {  	s0 =	simm.s32 @!p0 $0x82  }
0x199: {  	s3 =	simm.s32 $0x1;
	s0 =	simm.s32 @p0 $0x2  }
0x19a: {  	_ =	swait.ge [sflag:s3], s0  }
0x19b: {  	s0 =	ssub.s32 $0x0, s0;
	[sflag:s3] =	ssyncset.done $0x0  }
0x19c: {  	[sflag:s3] =	ssyncadd.s32 s0  }
0x19d: {  	_ =	sfence.stream.spmem  }
0x19e: {  	s29 =	simm.s32 $0x3;
	[bflag:$0x0] =	sbarrier.arrive $0xFFFF  }
0x19f: {  	s30 =	simm.s32 $0x4;
	[sflag:s29] =	ssyncpa.u1 $0x1  }
0x1a0: {  	s31 =	simm.s32 $0x3C;
	[sflag:s30] =	ssyncpa.u1 $0x1  }
0x1a1: {  	p0 =	sne.s32 s7, $0x0;
	[sflag:s31] =	ssyncpa.u1 $0x1  }
0x1a2: {  	_ =	sfence @p0  }
0x1a3: {  	[sflag:s3] =	ssyncpa.u1 @p0 $0x1  }
0x1a4: {  	_ =	strace @p0 $0x90000050  }
0x1a5: {  	[bflag:$0x2] =	sbarrier.arrive @p0 $0xFFFF  }
0x1a6: {  	_ =	shalt @p0  }
.LBB3_23:
0x1a7: {  	_ =	sfence.stream.spmem;
	s0 =	simm.s32 $0x5  }
0x1a8: {  	s2 =	simm.s32 $0x1000;
	s3 =	simm.s32 $0xF218;
	[sflag:s0] =	ssyncpa.u1 $0x0  }
0x1a9: {  	[tilespmem:s3], [sflag:$0x5] =	stream.linear.gather [spmem:s2], $0x20, $0x38;
	[tilespmem:$0x1F6E8] =	vst v63  }
0x1aa: {  	s30 =	simm.s32 $0xF238;
	s2 =	simm.s32 $0x0  }
0x1ab: {  	[tilespmem:s30], [sflag:$0x5] =	stream.linear.gather [spmem:s2], $0x1000, $0x38;
	[tilespmem:$0x1F6E8] =	vst v63  }
.Ltmp25:
0x1ac: {  	_ = 	snop;
	(pc) =	sbr.rel .LBB3_24-.Ltmp25, $4  }
0x1ad: {  	_ =	swait.ge [sflag:s0], $0x1020  }
0x1ae: {  	[sflag:s0] =	ssyncset.done $0x0  }
0x1af: {  	s31 =	simm.s32 $0x6;
	[sflag:s0] =	ssyncadd.s32 $0xFFFFEFE0  }
0x1b0: {  	s3 =	simm.s32 $0x0;
	[sflag:s31] =	ssyncpa.u1 $0x0  }
.LBB3_30:
0x1b1: {  	p0 =	slt.u32 s4, $0xC34F1  }
0x1b2: {  	s0 =	sand.u32 @p0 $0xFFFF8, s4  }
0x1b3: {  	s4 =	sand.u32 @p0 $0x7, s4;
	s5 =	simm.s32 @p0 $0xF188;
	s0 =	sadd.s32 @p0 s1, s0  }
0x1b4: {  	[tilespmem:s5], [sflag:$0x6] =	stream.linear.gather @p0 [hbm4b:s0+s4], $0x80, $0x38;
	[tilespmem:$0x1F6E8] =	vst v63  }
0x1b5: {  	s0 =	simm.s32 @p0 $0x6  }
0x1b6: {  	_ =	swait.ge @p0 [sflag:s0], $0x80  }
0x1b7: {  	[sflag:s0] =	ssyncset.done @p0 $0x0  }
0x1b8: {  	[sflag:s0] =	ssyncadd.s32 @p0 $0xFFFFFF80  }
0x1b9: {  	v1 =	vld @p0 [tilespmem:$0xF188];
	_ =	sdelay $0x2  }
0x1ba: {  	s0 =	sshll.u32 @p0 s3, $0x9  }
0x1bb: {  	s4 =	sshrl.u32 @p0 s0, $0x2  }
0x1bc: {  	[tilespmem:s4+$0xF238] =	vst.add.f32.msk @p0 $0xffff, v1  }
0x1bd: {  	v1 =	vld @p0 [tilespmem:$0xF198];
	_ =	sdelay $0x4  }
0x1be: {  	[tilespmem:s4+$0xF248] =	vst.add.f32.msk @p0 $0xffff, v1  }
0x1bf: {  	v1 =	vld @p0 [tilespmem:$0xF1A8];
	_ =	sdelay $0x4  }
0x1c0: {  	[tilespmem:s4+$0xF258] =	vst.add.f32.msk @p0 $0xffff, v1  }
0x1c1: {  	v1 =	vld @p0 [tilespmem:$0xF1B8];
	_ =	sdelay $0x4  }
0x1c2: {  	[tilespmem:s4+$0xF268] =	vst.add.f32.msk @p0 $0xffff, v1  }
0x1c3: {  	v1 =	vld @p0 [tilespmem:$0xF1C8];
	_ =	sdelay $0x4  }
0x1c4: {  	[tilespmem:s4+$0xF278] =	vst.add.f32.msk @p0 $0xffff, v1  }
0x1c5: {  	v1 =	vld @p0 [tilespmem:$0xF1D8];
	_ =	sdelay $0x4  }
0x1c6: {  	[tilespmem:s4+$0xF288] =	vst.add.f32.msk @p0 $0xffff, v1  }
0x1c7: {  	v1 =	vld @p0 [tilespmem:$0xF1E8];
	_ =	sdelay $0x4  }
0x1c8: {  	[tilespmem:s4+$0xF298] =	vst.add.f32.msk @p0 $0xffff, v1  }
0x1c9: {  	v1 =	vld @p0 [tilespmem:$0xF1F8];
	_ =	sdelay $0x3  }
0x1ca: {  	s5 =	sshll.u32 @!p0 s3, $0x9  }
0x1cb: {  	s5 =	smov.u32 @p0 s0;
	[tilespmem:s4+$0xF2A8] =	vst.add.f32.msk @p0 $0xffff, v1  }
0x1cc: {  	s0 =	sshrl.u32 s5, $0x2;
	[tilespmem:s2+$0xF218] =	vst.msk $0x1, v0  }
0x1cd: {  	v0 =	vld [tilespmem:s0+$0xF238];
	_ =	sdelay $0x2  }
0x1ce: {  	s31 =	sshll.u32 s2, $0x9  }
0x1cf: {  	s4 =	sshra.s32 s31, $0x2  }
0x1d0: {  	[tilespmem:s4+$0xF238] =	vst v0  }
0x1d1: {  	v0 =	vld [tilespmem:s0+$0xF248];
	_ =	sdelay $0x4  }
0x1d2: {  	[tilespmem:s4+$0xF248] =	vst v0  }
0x1d3: {  	v0 =	vld [tilespmem:s0+$0xF258];
	_ =	sdelay $0x4  }
0x1d4: {  	[tilespmem:s4+$0xF258] =	vst v0  }
0x1d5: {  	v0 =	vld [tilespmem:s0+$0xF268];
	_ =	sdelay $0x4  }
0x1d6: {  	[tilespmem:s4+$0xF268] =	vst v0  }
0x1d7: {  	v0 =	vld [tilespmem:s0+$0xF278];
	_ =	sdelay $0x4  }
0x1d8: {  	[tilespmem:s4+$0xF278] =	vst v0  }
0x1d9: {  	v0 =	vld [tilespmem:s0+$0xF288];
	_ =	sdelay $0x4  }
0x1da: {  	[tilespmem:s4+$0xF288] =	vst v0  }
0x1db: {  	v0 =	vld [tilespmem:s0+$0xF298];
	_ =	sdelay $0x4  }
0x1dc: {  	[tilespmem:s4+$0xF298] =	vst v0  }
0x1dd: {  	v0 =	vld [tilespmem:s0+$0xF2A8];
	_ =	sdelay $0x4  }
0x1de: {  	s2 =	sadd.s32 $0x1, s2;
	[tilespmem:s4+$0xF2A8] =	vst v0  }
.LBB3_31:
0x1df: {  	s3 =	sadd.s32 $0x1, s3  }
0x1e0: {  	p0 =	sne.s32 s3, $0x20  }
.Ltmp26:
0x1e1: {  	_ = 	snop;
	(pc) =	sbr.rel @!p0 .LBB3_32-.Ltmp26, $1  }
0x1e2: {  	_ =	sdelay $0x3  }
.LBB3_24:
0x1e3: {  	v0 =	vld.msk [tilespmem:s3+$0xF218], $0x1;
	_ =	sdelay $0x4  }
0x1e4: {  	(v2sf) =	vpush v0, $0x0;
	_ =	sdelay $0xe  }
0x1e5: {  	s4 =	spop (v2sf)  }
0x1e6: {  	p0 =	seq.s32 s4, $0xFFFFFFFF  }
.Ltmp27:
0x1e7: {  	_ = 	snop;
	(pc) =	sbr.rel @p0 .LBB3_31-.Ltmp27, $1  }
0x1e8: {  	_ =	sdelay $0x3  }
0x1e9: {  	p0 =	slt.s32 s2, $0x1  }
.Ltmp28:
0x1ea: {  	_ = 	snop;
	(pc) =	sbr.rel @p0 .LBB3_30-.Ltmp28, $1  }
0x1eb: {  	_ =	sdelay $0x3  }
0x1ec: {  	s5 =	simm.s32 $0xF218;
	p0 =	por $0x0, $0x0  }
0x1ed: {  	v1 =	vld.msk @!p0 [tilespmem:s5+$0x0], $0x1;
	_ =	sdelay $0x4  }
0x1ee: {  	(v2sf) =	vpush @!p0 v1, $0x0;
	_ =	sdelay $0xd  }
0x1ef: {  	p2 =	sne.s32 s2, $0x1  }
.Ltmp29:
0x1f0: {  	s0 =	spop @!p0 (v2sf);
	(pc) =	sbr.rel @!p2 .LBB3_28-.Ltmp29, $4  }
0x1f1: {  	p1 =	seq.s32 @!p0 s4, s0  }
0x1f2: {  	s6 =	simm.s32 $0x0;
	p1 =	por !p1, p0  }
0x1f3: {  	s0 =	simm.s32 $0xFFFFFFFF;
	s6 =	simm.s32 @p1 $0xFFFFFFFF  }
0x1f4: {  	s7 =	simm.s32 $0x1;
	s6 =	smov.u32 @p0 s0  }
.LBB3_27:
0x1f5: {  	s0 =	smov.u32 s6;
	p0 =	sne.s32 s6, $0xFFFFFFFF  }
0x1f6: {  	s5 =	sadd.s32 $0x1, s5;
	s6 =	smov.u32 s7;
	s7 =	sadd.s32 $0x1, s7  }
0x1f7: {  	p1 =	sne.s32 s2, s7;
	v1 =	vld.msk @!p0 [tilespmem:s5+$0x0], $0x1;
	_ =	sdelay $0x4  }
0x1f8: {  	(v2sf) =	vpush @!p0 v1, $0x0;
	_ =	sdelay $0xe  }
.Ltmp30:
0x1f9: {  	s8 =	spop @!p0 (v2sf);
	(pc) =	sbr.rel @p1 .LBB3_27-.Ltmp30, $4  }
0x1fa: {  	p2 =	seq.s32 @!p0 s4, s8  }
0x1fb: {  	p2 =	por !p2, p0  }
0x1fc: {  	s6 =	simm.s32 @p2 $0xFFFFFFFF  }
0x1fd: {  	s6 =	smov.u32 @p0 s0  }
.LBB3_28:
0x1fe: {  	p0 =	seq.s32 s6, $0xFFFFFFFF  }
.Ltmp31:
0x1ff: {  	_ = 	snop;
	(pc) =	sbr.rel @p0 .LBB3_30-.Ltmp31, $1  }
0x200: {  	_ =	sdelay $0x3  }
0x201: {  	s0 =	sshll.u32 s3, $0x7  }
0x202: {  	s0 =	sand.u32 $0x3FFFFF80, s0  }
0x203: {  	v0 =	vld [tilespmem:s0+$0xF238];
	_ =	sdelay $0x2  }
0x204: {  	s4 =	sshll.u32 s6, $0x9  }
0x205: {  	s4 =	sshra.s32 s4, $0x2  }
0x206: {  	[tilespmem:s4+$0xF238] =	vst.add.f32.msk $0xffff, v0  }
0x207: {  	v0 =	vld [tilespmem:s0+$0xF248];
	_ =	sdelay $0x4  }
0x208: {  	[tilespmem:s4+$0xF248] =	vst.add.f32.msk $0xffff, v0  }
0x209: {  	v0 =	vld [tilespmem:s0+$0xF258];
	_ =	sdelay $0x4  }
0x20a: {  	[tilespmem:s4+$0xF258] =	vst.add.f32.msk $0xffff, v0  }
0x20b: {  	v0 =	vld [tilespmem:s0+$0xF268];
	_ =	sdelay $0x4  }
0x20c: {  	[tilespmem:s4+$0xF268] =	vst.add.f32.msk $0xffff, v0  }
0x20d: {  	v0 =	vld [tilespmem:s0+$0xF278];
	_ =	sdelay $0x4  }
0x20e: {  	[tilespmem:s4+$0xF278] =	vst.add.f32.msk $0xffff, v0  }
0x20f: {  	v0 =	vld [tilespmem:s0+$0xF288];
	_ =	sdelay $0x4  }
0x210: {  	[tilespmem:s4+$0xF288] =	vst.add.f32.msk $0xffff, v0  }
0x211: {  	v0 =	vld [tilespmem:s0+$0xF298];
	_ =	sdelay $0x4  }
0x212: {  	[tilespmem:s4+$0xF298] =	vst.add.f32.msk $0xffff, v0  }
0x213: {  	v0 =	vld [tilespmem:s0+$0xF2A8]  }
.Ltmp32:
0x214: {  	_ = 	snop;
	(pc) =	sbr.rel .LBB3_31-.Ltmp32, $2  }
0x215: {  	_ =	sdelay $0x2  }
0x216: {  	[tilespmem:s4+$0xF2A8] =	vst.add.f32.msk $0xffff, v0  }
.LBB3_32:
0x217: {  	p0 =	slt.s32 s2, $0x1  }
.Ltmp33:
0x218: {  	_ = 	snop;
	(pc) =	sbr.rel @p0 .LBB3_36-.Ltmp33, $3  }
0x219: {  	_ =	sdelay $0x1  }
0x21a: {  	s0 =	simm.s32 $0x6  }
0x21b: {  	s3 =	simm.s32 $0x0;
	[sflag:s0] =	ssyncpa.u1 $0x1  }
0x21c: {  	s0 =	simm.s32 $0xF218  }
0x21d: {  	v0 =	vld.msk [tilespmem:s0+$0x0], $0x1;
	_ =	sdelay $0x4  }
0x21e: {  	(v2sf) =	vpush v0, $0x0;
	_ =	sdelay $0xd  }
0x21f: {  	s2 =	sadd.s32 $0xFFFFFFFF, s2  }
0x220: {  	p1 =	sne.s32 s2, $0x0;
	s0 =	spop (v2sf)  }
.Ltmp34:
0x221: {  	p0 =	sgt.u32 s0, $0xC34F0;
	(pc) =	sbr.rel @!p1 .LBB3_35-.Ltmp34, $4  }
0x222: {  	s4 =	simm.s32 $0xF238;
	s5 =	sand.u32 @!p0 $0xFFFF8, s0  }
0x223: {  	s6 =	simm.s32 $0x0;
	s0 =	sand.u32 @!p0 $0x7, s0;
	s5 =	sadd.s32 @!p0 s1, s5  }
0x224: {  	[hbm4b:s5+s0] =	stream.linear.scatter @!p0 [tilespmem:s4], [sflag:$0x5], $0x80, $0x38;
	[tilespmem:$0x1F6E8] =	vst v63  }
0x225: {  	s6 =	simm.s32 @!p0 $0x200;
	s5 =	simm.s32 $0xF219  }
.LBB3_34:
0x226: {  	v0 =	vld.msk [tilespmem:s5+$0x0], $0x1;
	s2 =	sadd.s32 $0xFFFFFFFF, s2;
	s3 =	sadd.s32 s3, s6  }
0x227: {  	p0 =	sne.s32 s2, $0x0;
	_ =	sdelay $0x3  }
0x228: {  	(v2sf) =	vpush v0, $0x0;
	_ =	sdelay $0xe  }
.Ltmp35:
0x229: {  	s0 =	spop (v2sf);
	(pc) =	sbr.rel @p0 .LBB3_34-.Ltmp35, $4  }
0x22a: {  	s6 =	simm.s32 $0x0;
	p1 =	sgt.u32 s0, $0xC34F0  }
0x22b: {  	s4 =	sadd.s32 $0x80, s4;
	s6 =	simm.s32 @!p1 $0x200;
	s7 =	sand.u32 @!p1 $0xFFFF8, s0  }
0x22c: {  	s5 =	sadd.s32 $0x1, s5;
	s0 =	sand.u32 @!p1 $0x7, s0;
	s7 =	sadd.s32 @!p1 s1, s7  }
0x22d: {  	[hbm4b:s7+s0] =	stream.linear.scatter @!p1 [tilespmem:s4], [sflag:$0x5], $0x80, $0x38;
	[tilespmem:$0x1F6E8] =	vst v63  }
.LBB3_35:
0x22e: {  	s0 =	sadd.s32 s3, s6  }
0x22f: {  	s3 =	sshrl.u32 s0, $0x2  }
.LBB3_36:
0x230: {  	s0 =	simm.s32 $0x5  }
0x231: {  	_ =	swait.ge [sflag:s0], s3  }
0x232: {  	s1 =	ssub.s32 $0x0, s3;
	[sflag:s0] =	ssyncset.done $0x0  }
0x233: {  	[sflag:s0] =	ssyncadd.s32 s1  }
0x234: {  	[sflag:s0] =	ssyncpa.u1 $0x1  }
0x235: {  	s30 =	simm.s32 $0x1;
	_ =	sfence  }
0x236: {  	[sflag:s30] =	ssyncpa.u1 $0x1  }
0x237: {  	_ =	strace $0x90000050  }
0x238: {  	[bflag:$0x2] =	sbarrier.arrive $0xFFFF  }
0x239: {  	s31 =	rddreg [dreg:$0x1]  }
0x23a: {  	s0 =	sadd.s32 $0x100000, s31  }
0x23b: {  	[sflag:s0] =	ssyncadd.tile.s32 $0x1;
	_ =	shalt  }
.Lfunc_end3:
_tile_overlayer_lowered:
.L_overlay_start_3:
0x23c: {  	(tag) =	ssettag $0x3  }
0x23d: {  	s0 =	rddreg [dreg:$0x0];
	s2 =	stileid.u32  }
0x23e: {  	s1 =	rddreg [dreg:$0x1];
	p0 =	sne.s32 s2, $0x0  }
0x23f: {  	s3 =	rddreg [dreg:$0x2];
	[bflag:$0x3] =	sbarrier.arrive $0xFFFF;
	s2 =	simm.s32 @!p0 $0x1C01  }
0x240: {  	[timem:s3], [sflag:s2] =	dma.local @!p0 [hbm:s0], s1  }
0x241: {  	s0 =	simm.s32 @!p0 $0x1  }
0x242: {  	_ =	swait.ge @!p0 [sflag:s0], s1  }
0x243: {  	s1 =	ssub.s32 @!p0 $0x0, s1;
	[sflag:s0] =	ssyncset.done @!p0 $0x0  }
0x244: {  	[sflag:s0] =	ssyncadd.s32 @!p0 s1  }
0x245: {  	[bflag:$0x3] =	sbarrier.arrive $0xFFFF  }
0x246: {  	_ =	shalt  }

// kernel: scatter_offload_async_start.2
scs
__scs_entry_jumppad:
0x0: {  	(pc) =	sbr.rel $0x88, $3  }
0x1: {  	(tag) =	ssettag $0x0;
	lr =	simm.s32 $0x1  }
0x2: {  	[smem:$0x3F8C] =	sst lr;
	_ =	strace $0xD0000000  }
0x3: {  	_ = 	snop  }
0x4: {  	_ = 	snop  }
0x5: {  	_ = 	snop  }
0x6: {  	_ = 	snop  }
0x7: {  	_ = 	snop  }
__scs_overlays_trampoline_lowered:
0x8: {  	[smem:$0x3F9B] =	sst s0  }
0x9: {  	[smem:$0x3F9C] =	sst s1  }
0xa: {  	[smem:$0x3F9D] =	sst s2  }
0xb: {  	[smem:$0x3F9E] =	sst s3  }
0xc: {  	[smem:$0x3F9F] =	sst s4  }
0xd: {  	[smem:$0x3FA0] =	sst s5  }
0xe: {  	[smem:$0x3FA1] =	sst s6  }
0xf: {  	[smem:$0x3FA2] =	sst s7  }
0x10: {  	[smem:$0x3FA3] =	sst s8  }
0x11: {  	[smem:$0x3FA4] =	sst s9;
	s0 =	simm.s32 @!p0 $0x0  }
0x12: {  	s1 =	sld [smem:$0x3F8A];
	s0 =	simm.s32 @p0 $0x1  }
0x13: {  	[smem:$0x3FA5] =	sst s0;
	s0 =	simm.s32 @!p1 $0x0  }
0x14: {  	s2 =	sld [smem:$0x3F89];
	s0 =	simm.s32 @p1 $0x1  }
0x15: {  	[smem:$0x3FA6] =	sst s0;
	s0 =	simm.s32 @!p2 $0x0  }
0x16: {  	s3 =	sld [smem:$0x3FDB];
	s0 =	simm.s32 @p2 $0x1  }
0x17: {  	s4 =	simm.s32 $0x1BF5;
	[smem:$0x3FA8] =	sst s0  }
0x18: {  	s0 =	sld [smem:$0x3F8B];
	_ =	swait.ge [sflag:s4], $0x0  }
0x19: {  	s7 =	sld [smem:$0x3F8C]  }
0x1a: {  	s8 =	sadd.s32 $0xFFFFE003, lr  }
0x1b: {  	s9 =	sadd.s32 $0xFFFFFEF7, lr;
	s5 =	simm.s32 $0xFFFFFFFF;
	p2 =	slt.u32 s8, $0xFFFFF086  }
0x1c: {  	p1 =	slt.u32 s9, $0xF7A;
	s5 =	simm.s32 @!p2 $0x0  }
0x1d: {  	s5 =	simm.s32 @p1 $0x1;
	p0 =	seq.s32 s7, s2  }
0x1e: {  	s7 =	smul.u32 @!p0 $0xF7A, s2;
	p2 =	seq.s32 @!p0 s5, $0x0  }
0x1f: {  	s9 =	smul.u32 $0xF7A, s1;
	s8 =	simm.s32 @!p0 $0x1BF5;
	p2 =	por !p2, p0  }
0x20: {  	[sflag:s8] =	ssyncset.s32 @!p0 $0xFFFFF086;
	s6 =	sadd.s32 @!p0 s3, s7;
	s7 =	simm.s32 @!p0 $0x108  }
0x21: {  	s3 =	sadd.s32 s3, s9;
	s6 =	sadd.s32 @!p0 $0x88, s6;
	s7 =	simm.s32 @p2 $0x1082  }
0x22: {  	[simem:s7], [sflag:s8] =	dma.local @!p0 [hbm:s6], $0xF7A  }
0x23: {  	s9 =	sor.u32 $0xD0000000, s2;
	s6 =	simm.s32 $0x108;
	_ =	swait.ge @!p0 [sflag:s8], $0x0  }
0x24: {  	s3 =	sadd.s32 $0x88, s3;
	s6 =	simm.s32 @!p1 $0x1082;
	[sflag:s4] =	ssyncset.s32 $0xFFFFF086  }
0x25: {  	[simem:s6], [sflag:s4] =	dma.local [hbm:s3], $0xF7A  }
0x26: {  	[smem:$0x3F8C] =	sst s1;
	(tag) =	ssettag s2;
	_ =	strace s9  }
0x27: {  	s1 =	sld [smem:$0x3F9C]  }
0x28: {  	s2 =	sld [smem:$0x3F9D]  }
0x29: {  	s4 =	sld [smem:$0x3F9F]  }
0x2a: {  	p0 =	seq.s32 s5, $0x0;
	s5 =	sld [smem:$0x3FA0]  }
0x2b: {  	s6 =	sld [smem:$0x3FA1]  }
0x2c: {  	s7 =	sld [smem:$0x3FA2]  }
0x2d: {  	s3 =	simm.s32 $0x108;
	s8 =	sld [smem:$0x3FA3]  }
0x2e: {  	s3 =	simm.s32 @!p0 $0x1082;
	s9 =	sld [smem:$0x3FA4]  }
0x2f: {  	lr =	sadd.s32 s0, s3;
	s0 =	sld [smem:$0x3F9B]  }
0x30: {  	s3 =	sld [smem:$0x3F9E]  }
0x31: {  	[smem:$0x3FA7] =	sst s10  }
0x32: {  	s10 =	sld [smem:$0x3FA5];
	_ =	sdelay $0x3  }
0x33: {  	p0 =	seq.s32 s10, $0x1;
	s10 =	sld [smem:$0x3FA7];
	_ =	sdelay $0x3  }
0x34: {  	[smem:$0x3FA7] =	sst s10  }
0x35: {  	s10 =	sld [smem:$0x3FA6];
	_ =	sdelay $0x3  }
0x36: {  	p1 =	seq.s32 s10, $0x1;
	s10 =	sld [smem:$0x3FA7];
	_ =	sdelay $0x3  }
0x37: {  	[smem:$0x3FA7] =	sst s10  }
0x38: {  	s10 =	sld [smem:$0x3FA8]  }
0x39: {  	_ = 	snop;
	(pc) =	sbr.ind lr, $3  }
0x3a: {  	_ = 	snop  }
0x3b: {  	_ = 	snop  }
0x3c: {  	p2 =	seq.s32 s10, $0x1;
	s10 =	sld [smem:$0x3FA7]  }
0x3d: {  	_ =	shalt  }
0x3e: {  	_ =	shalt  }
0x3f: {  	_ =	shalt  }
0x40: {  	_ =	shalt  }
0x41: {  	_ =	shalt  }
0x42: {  	_ =	shalt  }
0x43: {  	_ =	shalt  }
0x44: {  	_ =	shalt  }
0x45: {  	_ =	shalt  }
0x46: {  	_ =	shalt  }
0x47: {  	_ =	shalt  }
0x48: {  	_ =	shalt  }
0x49: {  	_ =	shalt  }
0x4a: {  	_ =	shalt  }
0x4b: {  	_ =	shalt  }
0x4c: {  	_ =	shalt  }
0x4d: {  	_ =	shalt  }
0x4e: {  	_ =	shalt  }
0x4f: {  	_ =	shalt  }
0x50: {  	_ =	shalt  }
0x51: {  	_ =	shalt  }
0x52: {  	_ =	shalt  }
0x53: {  	_ =	shalt  }
0x54: {  	_ =	shalt  }
0x55: {  	_ =	shalt  }
0x56: {  	_ =	shalt  }
0x57: {  	_ =	shalt  }
0x58: {  	_ =	shalt  }
0x59: {  	_ =	shalt  }
0x5a: {  	_ =	shalt  }
0x5b: {  	_ =	shalt  }
0x5c: {  	_ =	shalt  }
0x5d: {  	_ =	shalt  }
0x5e: {  	_ =	shalt  }
0x5f: {  	_ =	shalt  }
0x60: {  	_ =	shalt  }
0x61: {  	_ =	shalt  }
0x62: {  	_ =	shalt  }
0x63: {  	_ =	shalt  }
0x64: {  	_ =	shalt  }
0x65: {  	_ =	shalt  }
0x66: {  	_ =	shalt  }
0x67: {  	_ =	shalt  }
0x68: {  	_ =	shalt  }
0x69: {  	_ =	shalt  }
0x6a: {  	_ =	shalt  }
0x6b: {  	_ =	shalt  }
0x6c: {  	_ =	shalt  }
0x6d: {  	_ =	shalt  }
0x6e: {  	_ =	shalt  }
0x6f: {  	_ =	shalt  }
0x70: {  	_ =	shalt  }
0x71: {  	_ =	shalt  }
0x72: {  	_ =	shalt  }
0x73: {  	_ =	shalt  }
0x74: {  	_ =	shalt  }
0x75: {  	_ =	shalt  }
0x76: {  	_ =	shalt  }
0x77: {  	_ =	shalt  }
0x78: {  	_ =	shalt  }
0x79: {  	_ =	shalt  }
0x7a: {  	_ =	shalt  }
0x7b: {  	_ =	shalt  }
0x7c: {  	_ =	shalt  }
0x7d: {  	_ =	shalt  }
0x7e: {  	_ =	shalt  }
0x7f: {  	_ =	shalt  }
0x80: {  	_ =	shalt  }
0x81: {  	_ =	shalt  }
0x82: {  	_ =	shalt  }
0x83: {  	_ =	shalt  }
0x84: {  	_ =	shalt  }
0x85: {  	_ =	shalt  }
0x86: {  	_ =	shalt  }
0x87: {  	_ =	shalt  }
.Lfunc_end0:
.L_simem_size_0:
called_computation.2_lowered:
.L_overlay_start_0:
0x88: {  	s0 =	sld [smem:$0x3FD9]  }
0x89: {  	s1 =	sld [smem:$0x3FFE];
	_ =	sdelay $0x3  }
0x8a: {  	s0 =	sadd.s32 s1, s0  }
0x8b: {  	[smem:$0x3FB3] =	sst s0  }
0x8c: {  	_ = 	snop  }
0x8d: {  	(tm) =	ssettm $0x1  }
0x8e: {  	s15 =	sld [smem:$0x3FFB];
	_ =	sdelay $0x3  }
0x8f: {  	_ =	strace s15  }
0x90: {  	s0 =	sld [smem:$0x3FFC];
	_ =	sdelay $0x3  }
0x91: {  	_ =	strace s0  }
0x92: {  	s0 =	sld [smem:$0x3FFD];
	_ =	sdelay $0x3  }
0x93: {  	_ =	strace s0  }
0x94: {  	_ =	strace $0x8FFFFFFF  }
0x95: {  	s16 =	sld [smem:$0x3FDB];
	_ =	sdelay $0x1  }
0x96: {  	s17 =	simm.s32 $_scs_section_size  }
0x97: {  	s2 =	simm.s32 $_size__tile_overlayer_lowered;
	s3 =	simm.s32 $_tile_overlayer_lowered  }
0x98: {  	s20 =	simm.s32 $0x1BFF;
	s19 =	sshll.u32 s3, $0x1;
	s0 =	sadd.s32 s17, s16  }
0x99: {  	s4 =	simm.s32 $0x0;
	s18 =	sshll.u32 s2, $0x1;
	s2 =	sadd.s32 s19, s0  }
0x9a: {  	[timem:s4], [sflag:s20] =	dma.local [hbm:s2], s18  }
0x9b: {  	_ =	swait.ge [sflag:s20], s18  }
0x9c: {  	s1 =	ssub.s32 $0x0, s18;
	[sflag:s20] =	ssyncset.done $0x0  }
0x9d: {  	[sflag:s20] =	ssyncadd.s32 s1;
	_ =	sdelay $0x1  }
0x9e: {  	s21 =	simm.s32 $0x1B8B  }
0x9f: {  	_ =	swait.ge [sflag:s21], $0x1  }
0xa0: {  	[sflag:s21] =	ssyncset.done $0x0  }
0xa1: {  	s23 =	simm.s32 $0x1B8E;
	s22 =	sld [smem:$0x3FFE];
	[sflag:s21] =	ssyncadd.s32 $0xFFFFFFFF  }
0xa2: {  	s24 =	simm.s32 $execute0_lowered;
	[smem:$0x3FD2] =	sst s23  }
0xa3: {  	s2 =	sshll.u32 s24, $0x1;
	_ =	strace $0x80000052;
	[dreg:$0x1] =	wrdreg $0xFFFFFFFF  }
0xa4: {  	s25 =	simm.s32 $_size_execute0_lowered;
	s0 =	sadd.s32 s0, s2;
	[dreg:$0x0] =	wrdreg $0x0  }
0xa5: {  	s2 =	sshll.u32 s25, $0x1;
	[dreg:$0x2] =	wrdreg s0  }
0xa6: {  	[dreg:$0x3] =	wrdreg s2  }
0xa7: {  	[dreg:$0x4] =	wrdreg $0xC0  }
0xa8: {  	_ =	task [dreg:s4], $0x5FFFF  }
0xa9: {  	[dreg:$0x1] =	wrdreg $0xFFFFFFFF  }
0xaa: {  	[dreg:$0x0] =	wrdreg $0x60  }
0xab: {  	[dreg:$0x2] =	wrdreg s22  }
0xac: {  	[dreg:$0x3] =	wrdreg $0x9  }
0xad: {  	_ =	task.clear_ibuf [dreg:s4], $0x4FFFF;
	_ =	strace $0x90000052  }
0xae: {  	s26 =	simm.s32 $0x9;
	_ =	strace $0x80000054  }
0xaf: {  	_ =	swait.ge [sflag:s26], $0x1  }
0xb0: {  	[sflag:s26] =	ssyncadd.s32 $0xFFFFFFFF  }
0xb1: {  	_ =	strace $0x90000054  }
0xb2: {  	_ =	sfence  }
0xb3: {  	s28 =	sld [smem:$0x0];
	_ =	sdelay $0x1  }
0xb4: {  	s29 =	srdreg.scid  }
0xb5: {  	s30 =	sshll.u32 s29, $0xD;
	s31 =	sshrl.u32 s29, $0x2  }
0xb6: {  	s1 =	sand.u32 $0x1, s29;
	s2 =	sand.u32 $0x4000, s30;
	s0 =	sadd.s32 s31, s28  }
0xb7: {  	s1 =	sor.u32 s2, s1;
	s0 =	sshll.u32 s0, $0x11  }
0xb8: {  	s0 =	sor.u32 s0, s1  }
0xb9: {  	s0 =	sadd.s32 $0x8F2B, s0  }
0xba: {  	[sflag:s0] =	ssyncadd.remote.s32 $0x1  }
0xbb: {  	_ =	sfence.sel $0xFFFF  }
0xbc: {  	[dreg:$0x0] =	wrdreg $0xFFFFFFFF;
	(pc) =	sbr.abs _section_cstart, $3  }
0xbd: {  	[dreg:$0x1] =	wrdreg $0xFFFFFFFF  }
0xbe: {  	_ =	task.clear_ibuf [dreg:s4], $0x2FFFF;
	_ =	strace $0x9FFFFFFF  }
0xbf: {  	(tm) =	ssettm $0x7FFFFFFF  }
tec
execute0_lowered:
.L_overlay_start_1:
0x0: {  	(tag) =	ssettag $0x1  }
0x1: {  	s8 =	rddreg [dreg:$0x0];
	_ =	strace $0x80000053;
	s11 =	simm.s32 $0x1  }
0x2: {  	v0 =	vimm.s32 $0x0;
	[sflag:s11] =	ssyncpa.u1 $0x0  }
0x3: {  	[tilespmem:$0x28] =	vst v0  }
0x4: {  	[tilespmem:$0x38] =	vst v0  }
0x5: {  	[tilespmem:$0x48] =	vst v0  }
0x6: {  	[tilespmem:$0x58] =	vst v0  }
0x7: {  	[tilespmem:$0x68] =	vst v0  }
0x8: {  	[tilespmem:$0x78] =	vst v0  }
0x9: {  	[tilespmem:$0x88] =	vst v0  }
0xa: {  	[tilespmem:$0x98] =	vst v0  }
0xb: {  	[tilespmem:$0xA8] =	vst v0  }
0xc: {  	[tilespmem:$0xB8] =	vst v0  }
0xd: {  	[tilespmem:$0xC8] =	vst v0  }
0xe: {  	[tilespmem:$0xD8] =	vst v0  }
0xf: {  	[tilespmem:$0xE8] =	vst v0  }
0x10: {  	[tilespmem:$0xF8] =	vst v0  }
0x11: {  	[tilespmem:$0x108] =	vst v0  }
0x12: {  	[tilespmem:$0x118] =	vst v0  }
0x13: {  	[tilespmem:$0x128] =	vst v0  }
0x14: {  	[tilespmem:$0x138] =	vst v0  }
0x15: {  	[tilespmem:$0x148] =	vst v0  }
0x16: {  	[tilespmem:$0x158] =	vst v0  }
0x17: {  	[tilespmem:$0x168] =	vst v0  }
0x18: {  	[tilespmem:$0x178] =	vst v0  }
0x19: {  	[tilespmem:$0x188] =	vst v0  }
0x1a: {  	[tilespmem:$0x198] =	vst v0  }
0x1b: {  	[tilespmem:$0x1A8] =	vst v0  }
0x1c: {  	[tilespmem:$0x1B8] =	vst v0  }
0x1d: {  	[tilespmem:$0x1C8] =	vst v0  }
0x1e: {  	[tilespmem:$0x1D8] =	vst v0  }
0x1f: {  	[tilespmem:$0x1E8] =	vst v0  }
0x20: {  	[tilespmem:$0x1F8] =	vst v0  }
0x21: {  	[tilespmem:$0x208] =	vst v0  }
0x22: {  	[tilespmem:$0x218] =	vst v0  }
0x23: {  	[tilespmem:$0x228] =	vst v0  }
0x24: {  	[tilespmem:$0x238] =	vst v0  }
0x25: {  	[tilespmem:$0x248] =	vst v0  }
0x26: {  	[tilespmem:$0x258] =	vst v0  }
0x27: {  	[tilespmem:$0x268] =	vst v0  }
0x28: {  	[tilespmem:$0x278] =	vst v0  }
0x29: {  	[tilespmem:$0x288] =	vst v0  }
0x2a: {  	[tilespmem:$0x298] =	vst v0  }
0x2b: {  	[tilespmem:$0x2A8] =	vst v0  }
0x2c: {  	[tilespmem:$0x2B8] =	vst v0  }
0x2d: {  	[tilespmem:$0x2C8] =	vst v0  }
0x2e: {  	[tilespmem:$0x2D8] =	vst v0  }
0x2f: {  	[tilespmem:$0x2E8] =	vst v0  }
0x30: {  	[tilespmem:$0x2F8] =	vst v0  }
0x31: {  	[tilespmem:$0x308] =	vst v0  }
0x32: {  	[tilespmem:$0x318] =	vst v0  }
0x33: {  	[tilespmem:$0x328] =	vst v0  }
0x34: {  	[tilespmem:$0x338] =	vst v0  }
0x35: {  	[tilespmem:$0x348] =	vst v0  }
0x36: {  	[tilespmem:$0x358] =	vst v0  }
0x37: {  	[tilespmem:$0x368] =	vst v0  }
0x38: {  	[tilespmem:$0x378] =	vst v0  }
0x39: {  	[tilespmem:$0x388] =	vst v0  }
0x3a: {  	[tilespmem:$0x398] =	vst v0  }
0x3b: {  	[tilespmem:$0x3A8] =	vst v0  }
0x3c: {  	[tilespmem:$0x3B8] =	vst v0  }
0x3d: {  	[tilespmem:$0x3C8] =	vst v0  }
0x3e: {  	[tilespmem:$0x3D8] =	vst v0  }
0x3f: {  	[tilespmem:$0x3E8] =	vst v0  }
0x40: {  	[tilespmem:$0x3F8] =	vst v0  }
0x41: {  	[tilespmem:$0x408] =	vst v0  }
0x42: {  	[tilespmem:$0x418] =	vst v0  }
0x43: {  	[tilespmem:$0x428] =	vst v0  }
0x44: {  	[tilespmem:$0x438] =	vst v0  }
0x45: {  	[tilespmem:$0x448] =	vst v0  }
0x46: {  	[tilespmem:$0x458] =	vst v0  }
0x47: {  	[tilespmem:$0x468] =	vst v0  }
0x48: {  	[tilespmem:$0x478] =	vst v0  }
0x49: {  	[tilespmem:$0x488] =	vst v0  }
0x4a: {  	[tilespmem:$0x498] =	vst v0  }
0x4b: {  	[tilespmem:$0x4A8] =	vst v0  }
0x4c: {  	[tilespmem:$0x4B8] =	vst v0  }
0x4d: {  	[tilespmem:$0x4C8] =	vst v0  }
0x4e: {  	[tilespmem:$0x4D8] =	vst v0  }
0x4f: {  	[tilespmem:$0x4E8] =	vst v0  }
0x50: {  	[tilespmem:$0x4F8] =	vst v0  }
0x51: {  	[tilespmem:$0x508] =	vst v0  }
0x52: {  	[tilespmem:$0x518] =	vst v0  }
0x53: {  	[tilespmem:$0x528] =	vst v0  }
0x54: {  	[tilespmem:$0x538] =	vst v0  }
0x55: {  	[tilespmem:$0x548] =	vst v0  }
0x56: {  	[tilespmem:$0x558] =	vst v0  }
0x57: {  	[tilespmem:$0x568] =	vst v0  }
0x58: {  	[tilespmem:$0x578] =	vst v0  }
0x59: {  	[tilespmem:$0x588] =	vst v0  }
0x5a: {  	[tilespmem:$0x598] =	vst v0  }
0x5b: {  	[tilespmem:$0x5A8] =	vst v0  }
0x5c: {  	[tilespmem:$0x5B8] =	vst v0  }
0x5d: {  	[tilespmem:$0x5C8] =	vst v0  }
0x5e: {  	[tilespmem:$0x5D8] =	vst v0  }
0x5f: {  	[tilespmem:$0x5E8] =	vst v0  }
0x60: {  	[tilespmem:$0x5F8] =	vst v0  }
0x61: {  	[tilespmem:$0x608] =	vst v0  }
0x62: {  	[tilespmem:$0x618] =	vst v0  }
0x63: {  	[tilespmem:$0x628] =	vst v0  }
0x64: {  	[tilespmem:$0x638] =	vst v0  }
0x65: {  	[tilespmem:$0x648] =	vst v0  }
0x66: {  	[tilespmem:$0x658] =	vst v0  }
0x67: {  	[tilespmem:$0x668] =	vst v0  }
0x68: {  	[tilespmem:$0x678] =	vst v0  }
0x69: {  	[tilespmem:$0x688] =	vst v0  }
0x6a: {  	[tilespmem:$0x698] =	vst v0  }
0x6b: {  	[tilespmem:$0x6A8] =	vst v0  }
0x6c: {  	[tilespmem:$0x6B8] =	vst v0  }
0x6d: {  	[tilespmem:$0x6C8] =	vst v0  }
0x6e: {  	[tilespmem:$0x6D8] =	vst v0  }
0x6f: {  	[tilespmem:$0x6E8] =	vst v0  }
0x70: {  	[tilespmem:$0x6F8] =	vst v0  }
0x71: {  	[tilespmem:$0x708] =	vst v0  }
0x72: {  	[tilespmem:$0x718] =	vst v0  }
0x73: {  	[tilespmem:$0x728] =	vst v0  }
0x74: {  	[tilespmem:$0x738] =	vst v0  }
0x75: {  	[tilespmem:$0x748] =	vst v0  }
0x76: {  	[tilespmem:$0x758] =	vst v0  }
0x77: {  	[tilespmem:$0x768] =	vst v0  }
0x78: {  	[tilespmem:$0x778] =	vst v0  }
0x79: {  	[tilespmem:$0x788] =	vst v0  }
0x7a: {  	[tilespmem:$0x798] =	vst v0  }
0x7b: {  	[tilespmem:$0x7A8] =	vst v0  }
0x7c: {  	[tilespmem:$0x7B8] =	vst v0  }
0x7d: {  	[tilespmem:$0x7C8] =	vst v0  }
0x7e: {  	[tilespmem:$0x7D8] =	vst v0  }
0x7f: {  	[tilespmem:$0x7E8] =	vst v0  }
0x80: {  	[tilespmem:$0x7F8] =	vst v0  }
0x81: {  	[tilespmem:$0x808] =	vst v0  }
0x82: {  	[tilespmem:$0x818] =	vst v0  }
0x83: {  	[tilespmem:$0x828] =	vst v0  }
0x84: {  	[tilespmem:$0x838] =	vst v0  }
0x85: {  	[tilespmem:$0x848] =	vst v0  }
0x86: {  	[tilespmem:$0x858] =	vst v0  }
0x87: {  	[tilespmem:$0x868] =	vst v0  }
0x88: {  	[tilespmem:$0x878] =	vst v0  }
0x89: {  	[tilespmem:$0x888] =	vst v0  }
0x8a: {  	[tilespmem:$0x898] =	vst v0  }
0x8b: {  	[tilespmem:$0x8A8] =	vst v0  }
0x8c: {  	[tilespmem:$0x8B8] =	vst v0  }
0x8d: {  	[tilespmem:$0x8C8] =	vst v0  }
0x8e: {  	[tilespmem:$0x8D8] =	vst v0  }
0x8f: {  	[tilespmem:$0x8E8] =	vst v0  }
0x90: {  	[tilespmem:$0x8F8] =	vst v0  }
0x91: {  	[tilespmem:$0x908] =	vst v0  }
0x92: {  	[tilespmem:$0x918] =	vst v0  }
0x93: {  	[tilespmem:$0x928] =	vst v0  }
0x94: {  	[tilespmem:$0x938] =	vst v0  }
0x95: {  	[tilespmem:$0x948] =	vst v0  }
0x96: {  	[tilespmem:$0x958] =	vst v0  }
0x97: {  	[tilespmem:$0x968] =	vst v0  }
0x98: {  	[tilespmem:$0x978] =	vst v0  }
0x99: {  	[tilespmem:$0x988] =	vst v0  }
0x9a: {  	[tilespmem:$0x998] =	vst v0  }
0x9b: {  	[tilespmem:$0x9A8] =	vst v0  }
0x9c: {  	[tilespmem:$0x9B8] =	vst v0  }
0x9d: {  	[tilespmem:$0x9C8] =	vst v0  }
0x9e: {  	[tilespmem:$0x9D8] =	vst v0  }
0x9f: {  	[tilespmem:$0x9E8] =	vst v0  }
0xa0: {  	[tilespmem:$0x9F8] =	vst v0  }
0xa1: {  	[tilespmem:$0xA08] =	vst v0  }
0xa2: {  	[tilespmem:$0xA18] =	vst v0  }
0xa3: {  	[tilespmem:$0xA28] =	vst v0  }
0xa4: {  	[tilespmem:$0xA38] =	vst v0  }
0xa5: {  	[tilespmem:$0xA48] =	vst v0  }
0xa6: {  	[tilespmem:$0xA58] =	vst v0  }
0xa7: {  	[tilespmem:$0xA68] =	vst v0  }
0xa8: {  	[tilespmem:$0xA78] =	vst v0  }
0xa9: {  	[tilespmem:$0xA88] =	vst v0  }
0xaa: {  	[tilespmem:$0xA98] =	vst v0  }
0xab: {  	[tilespmem:$0xAA8] =	vst v0  }
0xac: {  	[tilespmem:$0xAB8] =	vst v0  }
0xad: {  	[tilespmem:$0xAC8] =	vst v0  }
0xae: {  	[tilespmem:$0xAD8] =	vst v0  }
0xaf: {  	[tilespmem:$0xAE8] =	vst v0  }
0xb0: {  	[tilespmem:$0xAF8] =	vst v0  }
0xb1: {  	[tilespmem:$0xB08] =	vst v0  }
0xb2: {  	[tilespmem:$0xB18] =	vst v0  }
0xb3: {  	[tilespmem:$0xB28] =	vst v0  }
0xb4: {  	[tilespmem:$0xB38] =	vst v0  }
0xb5: {  	[tilespmem:$0xB48] =	vst v0  }
0xb6: {  	[tilespmem:$0xB58] =	vst v0  }
0xb7: {  	[tilespmem:$0xB68] =	vst v0  }
0xb8: {  	[tilespmem:$0xB78] =	vst v0  }
0xb9: {  	[tilespmem:$0xB88] =	vst v0  }
0xba: {  	[tilespmem:$0xB98] =	vst v0  }
0xbb: {  	[tilespmem:$0xBA8] =	vst v0  }
0xbc: {  	[tilespmem:$0xBB8] =	vst v0  }
0xbd: {  	[tilespmem:$0xBC8] =	vst v0  }
0xbe: {  	[tilespmem:$0xBD8] =	vst v0  }
0xbf: {  	[tilespmem:$0xBE8] =	vst v0  }
0xc0: {  	[tilespmem:$0xBF8] =	vst v0  }
0xc1: {  	[tilespmem:$0xC08] =	vst v0  }
0xc2: {  	[tilespmem:$0xC18] =	vst v0  }
0xc3: {  	[tilespmem:$0xC28] =	vst v0  }
0xc4: {  	[tilespmem:$0xC38] =	vst v0  }
0xc5: {  	[tilespmem:$0xC48] =	vst v0  }
0xc6: {  	[tilespmem:$0xC58] =	vst v0  }
0xc7: {  	[tilespmem:$0xC68] =	vst v0  }
0xc8: {  	[tilespmem:$0xC78] =	vst v0  }
0xc9: {  	[tilespmem:$0xC88] =	vst v0  }
0xca: {  	[tilespmem:$0xC98] =	vst v0  }
0xcb: {  	[tilespmem:$0xCA8] =	vst v0  }
0xcc: {  	[tilespmem:$0xCB8] =	vst v0  }
0xcd: {  	[tilespmem:$0xCC8] =	vst v0  }
0xce: {  	[tilespmem:$0xCD8] =	vst v0  }
0xcf: {  	[tilespmem:$0xCE8] =	vst v0  }
0xd0: {  	[tilespmem:$0xCF8] =	vst v0  }
0xd1: {  	[tilespmem:$0xD08] =	vst v0  }
0xd2: {  	[tilespmem:$0xD18] =	vst v0  }
0xd3: {  	[tilespmem:$0xD28] =	vst v0  }
0xd4: {  	[tilespmem:$0xD38] =	vst v0  }
0xd5: {  	[tilespmem:$0xD48] =	vst v0  }
0xd6: {  	[tilespmem:$0xD58] =	vst v0  }
0xd7: {  	[tilespmem:$0xD68] =	vst v0  }
0xd8: {  	[tilespmem:$0xD78] =	vst v0  }
0xd9: {  	[tilespmem:$0xD88] =	vst v0  }
0xda: {  	[tilespmem:$0xD98] =	vst v0  }
0xdb: {  	[tilespmem:$0xDA8] =	vst v0  }
0xdc: {  	[tilespmem:$0xDB8] =	vst v0  }
0xdd: {  	[tilespmem:$0xDC8] =	vst v0  }
0xde: {  	[tilespmem:$0xDD8] =	vst v0  }
0xdf: {  	[tilespmem:$0xDE8] =	vst v0  }
0xe0: {  	[tilespmem:$0xDF8] =	vst v0  }
0xe1: {  	[tilespmem:$0xE08] =	vst v0  }
0xe2: {  	[tilespmem:$0xE18] =	vst v0  }
0xe3: {  	[tilespmem:$0xE28] =	vst v0  }
0xe4: {  	[tilespmem:$0xE38] =	vst v0  }
0xe5: {  	[tilespmem:$0xE48] =	vst v0  }
0xe6: {  	[tilespmem:$0xE58] =	vst v0  }
0xe7: {  	[tilespmem:$0xE68] =	vst v0  }
0xe8: {  	[tilespmem:$0xE78] =	vst v0  }
0xe9: {  	[tilespmem:$0xE88] =	vst v0  }
0xea: {  	[tilespmem:$0xE98] =	vst v0  }
0xeb: {  	[tilespmem:$0xEA8] =	vst v0  }
0xec: {  	[tilespmem:$0xEB8] =	vst v0  }
0xed: {  	[tilespmem:$0xEC8] =	vst v0  }
0xee: {  	[tilespmem:$0xED8] =	vst v0  }
0xef: {  	[tilespmem:$0xEE8] =	vst v0  }
0xf0: {  	[tilespmem:$0xEF8] =	vst v0  }
0xf1: {  	[tilespmem:$0xF08] =	vst v0  }
0xf2: {  	[tilespmem:$0xF18] =	vst v0  }
0xf3: {  	[tilespmem:$0xF28] =	vst v0  }
0xf4: {  	[tilespmem:$0xF38] =	vst v0  }
0xf5: {  	[tilespmem:$0xF48] =	vst v0  }
0xf6: {  	[tilespmem:$0xF58] =	vst v0  }
0xf7: {  	[tilespmem:$0xF68] =	vst v0  }
0xf8: {  	[tilespmem:$0xF78] =	vst v0  }
0xf9: {  	[tilespmem:$0xF88] =	vst v0  }
0xfa: {  	[tilespmem:$0xF98] =	vst v0  }
0xfb: {  	[tilespmem:$0xFA8] =	vst v0  }
0xfc: {  	[tilespmem:$0xFB8] =	vst v0  }
0xfd: {  	[tilespmem:$0xFC8] =	vst v0  }
0xfe: {  	[tilespmem:$0xFD8] =	vst v0  }
0xff: {  	[tilespmem:$0xFE8] =	vst v0  }
0x100: {  	[tilespmem:$0xFF8] =	vst v0  }
0x101: {  	[tilespmem:$0x1018] =	vst v0  }
0x102: {  	[tilespmem:$0x1098] =	vst v0  }
0x103: {  	[tilespmem:$0x1B28] =	vst v0  }
0x104: {  	[tilespmem:$0x1B18] =	vst v0  }
0x105: {  	[tilespmem:$0x1B08] =	vst v0  }
0x106: {  	[tilespmem:$0x1AF8] =	vst v0  }
0x107: {  	[tilespmem:$0x1AE8] =	vst v0  }
0x108: {  	[tilespmem:$0x1AD8] =	vst v0  }
0x109: {  	[tilespmem:$0x1AC8] =	vst v0  }
0x10a: {  	[tilespmem:$0x1AB8] =	vst v0  }
0x10b: {  	[tilespmem:$0x1AA8] =	vst v0  }
0x10c: {  	[tilespmem:$0x1A98] =	vst v0  }
0x10d: {  	[tilespmem:$0x1A88] =	vst v0  }
0x10e: {  	[tilespmem:$0x1A78] =	vst v0  }
0x10f: {  	[tilespmem:$0x1A68] =	vst v0  }
0x110: {  	[tilespmem:$0x1A58] =	vst v0  }
0x111: {  	[tilespmem:$0x1A48] =	vst v0  }
0x112: {  	[tilespmem:$0x1A38] =	vst v0  }
0x113: {  	[tilespmem:$0x1A28] =	vst v0  }
0x114: {  	[tilespmem:$0x1A18] =	vst v0  }
0x115: {  	[tilespmem:$0x1A08] =	vst v0  }
0x116: {  	[tilespmem:$0x19F8] =	vst v0  }
0x117: {  	[tilespmem:$0x19E8] =	vst v0  }
0x118: {  	[tilespmem:$0x19D8] =	vst v0  }
0x119: {  	[tilespmem:$0x19C8] =	vst v0  }
0x11a: {  	[tilespmem:$0x19B8] =	vst v0  }
0x11b: {  	[tilespmem:$0x19A8] =	vst v0  }
0x11c: {  	[tilespmem:$0x1998] =	vst v0  }
0x11d: {  	[tilespmem:$0x1988] =	vst v0  }
0x11e: {  	[tilespmem:$0x1978] =	vst v0  }
0x11f: {  	[tilespmem:$0x1968] =	vst v0  }
0x120: {  	[tilespmem:$0x1958] =	vst v0  }
0x121: {  	[tilespmem:$0x1948] =	vst v0  }
0x122: {  	[tilespmem:$0x1938] =	vst v0  }
0x123: {  	[tilespmem:$0x1928] =	vst v0  }
0x124: {  	[tilespmem:$0x1918] =	vst v0  }
0x125: {  	[tilespmem:$0x1908] =	vst v0  }
0x126: {  	[tilespmem:$0x18F8] =	vst v0  }
0x127: {  	[tilespmem:$0x18E8] =	vst v0  }
0x128: {  	[tilespmem:$0x18D8] =	vst v0  }
0x129: {  	[tilespmem:$0x18C8] =	vst v0  }
0x12a: {  	[tilespmem:$0x18B8] =	vst v0  }
0x12b: {  	[tilespmem:$0x18A8] =	vst v0  }
0x12c: {  	[tilespmem:$0x1898] =	vst v0  }
0x12d: {  	[tilespmem:$0x1888] =	vst v0  }
0x12e: {  	[tilespmem:$0x1878] =	vst v0  }
0x12f: {  	[tilespmem:$0x1868] =	vst v0  }
0x130: {  	[tilespmem:$0x1858] =	vst v0  }
0x131: {  	[tilespmem:$0x1848] =	vst v0  }
0x132: {  	[tilespmem:$0x1838] =	vst v0  }
0x133: {  	[tilespmem:$0x1828] =	vst v0  }
0x134: {  	[tilespmem:$0x1818] =	vst v0  }
0x135: {  	[tilespmem:$0x1808] =	vst v0  }
0x136: {  	[tilespmem:$0x17F8] =	vst v0  }
0x137: {  	[tilespmem:$0x17E8] =	vst v0  }
0x138: {  	[tilespmem:$0x17D8] =	vst v0  }
0x139: {  	[tilespmem:$0x17C8] =	vst v0  }
0x13a: {  	[tilespmem:$0x17B8] =	vst v0  }
0x13b: {  	[tilespmem:$0x17A8] =	vst v0  }
0x13c: {  	[tilespmem:$0x1798] =	vst v0  }
0x13d: {  	[tilespmem:$0x1788] =	vst v0  }
0x13e: {  	[tilespmem:$0x1778] =	vst v0  }
0x13f: {  	[tilespmem:$0x1768] =	vst v0  }
0x140: {  	[tilespmem:$0x1758] =	vst v0  }
0x141: {  	[tilespmem:$0x1748] =	vst v0  }
0x142: {  	[tilespmem:$0x1738] =	vst v0  }
0x143: {  	[tilespmem:$0x1728] =	vst v0  }
0x144: {  	[tilespmem:$0x1718] =	vst v0  }
0x145: {  	[tilespmem:$0x1708] =	vst v0  }
0x146: {  	[tilespmem:$0x16F8] =	vst v0  }
0x147: {  	[tilespmem:$0x16E8] =	vst v0  }
0x148: {  	[tilespmem:$0x16D8] =	vst v0  }
0x149: {  	[tilespmem:$0x16C8] =	vst v0  }
0x14a: {  	[tilespmem:$0x16B8] =	vst v0  }
0x14b: {  	[tilespmem:$0x16A8] =	vst v0  }
0x14c: {  	[tilespmem:$0x1698] =	vst v0  }
0x14d: {  	[tilespmem:$0x1688] =	vst v0  }
0x14e: {  	[tilespmem:$0x1678] =	vst v0  }
0x14f: {  	[tilespmem:$0x1668] =	vst v0  }
0x150: {  	[tilespmem:$0x1658] =	vst v0  }
0x151: {  	[tilespmem:$0x1648] =	vst v0  }
0x152: {  	[tilespmem:$0x1638] =	vst v0  }
0x153: {  	[tilespmem:$0x1628] =	vst v0  }
0x154: {  	[tilespmem:$0x1618] =	vst v0  }
0x155: {  	[tilespmem:$0x1608] =	vst v0  }
0x156: {  	[tilespmem:$0x15F8] =	vst v0  }
0x157: {  	[tilespmem:$0x15E8] =	vst v0  }
0x158: {  	[tilespmem:$0x15D8] =	vst v0  }
0x159: {  	[tilespmem:$0x15C8] =	vst v0  }
0x15a: {  	[tilespmem:$0x15B8] =	vst v0  }
0x15b: {  	[tilespmem:$0x15A8] =	vst v0  }
0x15c: {  	[tilespmem:$0x1598] =	vst v0  }
0x15d: {  	[tilespmem:$0x1588] =	vst v0  }
0x15e: {  	[tilespmem:$0x1578] =	vst v0  }
0x15f: {  	[tilespmem:$0x1568] =	vst v0  }
0x160: {  	[tilespmem:$0x1558] =	vst v0  }
0x161: {  	[tilespmem:$0x1548] =	vst v0  }
0x162: {  	[tilespmem:$0x1538] =	vst v0  }
0x163: {  	[tilespmem:$0x1528] =	vst v0  }
0x164: {  	[tilespmem:$0x1518] =	vst v0  }
0x165: {  	[tilespmem:$0x1508] =	vst v0  }
0x166: {  	[tilespmem:$0x14F8] =	vst v0  }
0x167: {  	[tilespmem:$0x14E8] =	vst v0  }
0x168: {  	[tilespmem:$0x14D8] =	vst v0  }
0x169: {  	[tilespmem:$0x14C8] =	vst v0  }
0x16a: {  	[tilespmem:$0x14B8] =	vst v0  }
0x16b: {  	[tilespmem:$0x14A8] =	vst v0  }
0x16c: {  	[tilespmem:$0x1498] =	vst v0  }
0x16d: {  	[tilespmem:$0x1488] =	vst v0  }
0x16e: {  	[tilespmem:$0x1478] =	vst v0  }
0x16f: {  	[tilespmem:$0x1468] =	vst v0  }
0x170: {  	[tilespmem:$0x1458] =	vst v0  }
0x171: {  	[tilespmem:$0x1448] =	vst v0  }
0x172: {  	[tilespmem:$0x1438] =	vst v0  }
0x173: {  	[tilespmem:$0x1428] =	vst v0  }
0x174: {  	[tilespmem:$0x1418] =	vst v0  }
0x175: {  	[tilespmem:$0x1408] =	vst v0  }
0x176: {  	[tilespmem:$0x13F8] =	vst v0  }
0x177: {  	[tilespmem:$0x13E8] =	vst v0  }
0x178: {  	[tilespmem:$0x13D8] =	vst v0  }
0x179: {  	[tilespmem:$0x13C8] =	vst v0  }
0x17a: {  	[tilespmem:$0x13B8] =	vst v0  }
0x17b: {  	[tilespmem:$0x13A8] =	vst v0  }
0x17c: {  	[tilespmem:$0x1398] =	vst v0  }
0x17d: {  	[tilespmem:$0x1388] =	vst v0  }
0x17e: {  	[tilespmem:$0x1378] =	vst v0  }
0x17f: {  	[tilespmem:$0x1368] =	vst v0  }
0x180: {  	[tilespmem:$0x1358] =	vst v0  }
0x181: {  	[tilespmem:$0x1348] =	vst v0  }
0x182: {  	[tilespmem:$0x1338] =	vst v0  }
0x183: {  	[tilespmem:$0x1328] =	vst v0  }
0x184: {  	[tilespmem:$0x1318] =	vst v0  }
0x185: {  	[tilespmem:$0x1308] =	vst v0  }
0x186: {  	[tilespmem:$0x12F8] =	vst v0  }
0x187: {  	[tilespmem:$0x12E8] =	vst v0  }
0x188: {  	[tilespmem:$0x12D8] =	vst v0  }
0x189: {  	[tilespmem:$0x12C8] =	vst v0  }
0x18a: {  	[tilespmem:$0x12B8] =	vst v0  }
0x18b: {  	[tilespmem:$0x12A8] =	vst v0  }
0x18c: {  	[tilespmem:$0x1298] =	vst v0  }
0x18d: {  	[tilespmem:$0x1288] =	vst v0  }
0x18e: {  	[tilespmem:$0x1278] =	vst v0  }
0x18f: {  	[tilespmem:$0x1268] =	vst v0  }
0x190: {  	[tilespmem:$0x1258] =	vst v0  }
0x191: {  	[tilespmem:$0x1248] =	vst v0  }
0x192: {  	[tilespmem:$0x1238] =	vst v0  }
0x193: {  	[tilespmem:$0x1228] =	vst v0  }
0x194: {  	[tilespmem:$0x1218] =	vst v0  }
0x195: {  	[tilespmem:$0x1208] =	vst v0  }
0x196: {  	[tilespmem:$0x11F8] =	vst v0  }
0x197: {  	[tilespmem:$0x11E8] =	vst v0  }
0x198: {  	[tilespmem:$0x11D8] =	vst v0  }
0x199: {  	[tilespmem:$0x11C8] =	vst v0  }
0x19a: {  	[tilespmem:$0x11B8] =	vst v0  }
0x19b: {  	[tilespmem:$0x11A8] =	vst v0  }
0x19c: {  	[tilespmem:$0x1198] =	vst v0  }
0x19d: {  	[tilespmem:$0x1188] =	vst v0  }
0x19e: {  	[tilespmem:$0x1178] =	vst v0  }
0x19f: {  	[tilespmem:$0x1168] =	vst v0  }
0x1a0: {  	[tilespmem:$0x1158] =	vst v0  }
0x1a1: {  	[tilespmem:$0x1148] =	vst v0  }
0x1a2: {  	[tilespmem:$0x1138] =	vst v0  }
0x1a3: {  	[tilespmem:$0x1128] =	vst v0  }
0x1a4: {  	[tilespmem:$0x1118] =	vst v0  }
0x1a5: {  	[tilespmem:$0x1108] =	vst v0  }
0x1a6: {  	[tilespmem:$0x10F8] =	vst v0  }
0x1a7: {  	[tilespmem:$0x10E8] =	vst v0  }
0x1a8: {  	s2 =	stileid.u32;
	[tilespmem:$0x10D8] =	vst v0  }
0x1a9: {  	s3 =	smul.u32 $0xCF90, s2;
	[tilespmem:$0x10C8] =	vst v0  }
0x1aa: {  	[tilespmem:$0x10B8] =	vst v0  }
0x1ab: {  	[tilespmem:$0x10A8] =	vst v0;
	s0 =	smin.u32 s3, $0xC28C0  }
0x1ac: {  	[tilespmem:$0x1028] =	vst v0;
	s4 =	sadd.s32 $0xCF90, s0  }
0x1ad: {  	s5 =	simm.s32 $0x2;
	s29 =	simm.s32 $0x7;
	[tilespmem:$0x1088] =	vst v0;
	s0 =	ssub.s32 s4, s3  }
0x1ae: {  	s13 =	simm.s32 $0x8;
	s30 =	simm.s32 $0x9;
	[tilespmem:$0x1078] =	vst v0;
	p0 =	sgt.s32 s0, $0x0  }
0x1af: {  	p4 =	por $0x0, $0x0;
	s14 =	simm.s32 $0xA;
	[tilespmem:$0x1068] =	vst v0;
	s0 =	simm.s32 @!p0 $0x0  }
0x1b0: {  	s18 =	simm.s32 $0x0;
	s15 =	simm.s32 $0x0;
	[tilespmem:$0x1058] =	vst v0;
	s12 =	smulhi.u32 $0x97B426, s0  }
0x1b1: {  	s17 =	simm.s32 $0x0;
	s1 =	sadd.s32 $0xE01200, s8;
	s6 =	sadd.s32 $0x5F400, s8;
	[tilespmem:$0x1048] =	vst v0  }
0x1b2: {  	s7 =	sadd.s32 $0x93600, s8;
	s31 =	sshll.u32 s2, $0x5;
	[tilespmem:$0x1038] =	vst v0;
	s10 =	smul.u32 $0x1B0, s12  }
.Ltmp0:
0x1b3: {  	[tilespmem:$0x1008] =	vst v0;
	[sflag:s5] =	ssyncpa.u1 $0x0;
	v0 =	vimm.s32 $0xFFFFFFFF;
	s5 =	sadd.s32 $0x79400, s8;
	(pc) =	sbr.rel .LBB2_1-.Ltmp0, $4  }
0x1b4: {  	[dreg:$0x2] =	wrdreg s31;
	[tilespmem:$0x3648] =	vst v0;
	[sflag:s29] =	ssyncpa.u1 $0x0;
	p0 =	sne.s32 s0, s10  }
0x1b5: {  	s16 =	smov.u32 s3;
	[dreg:$0x3] =	wrdreg s3;
	s11 =	simm.s32 @!p0 $0x0  }
0x1b6: {  	[sflag:s13] =	ssyncpa.u1 $0x0;
	s13 =	simm.s32 $0x0;
	s11 =	sadd.s32 s11, s12  }
0x1b7: {  	v0 =	vlaneseq.u32;
	[sflag:s30] =	ssyncpa.u1 $0x0;
	p0 =	por $0x1, $0x1;
	s8 =	sadd.s32 $0x1, s11  }
.LBB2_18:
0x1b8: {  	s0 =	simm.s32 $0x2  }
0x1b9: {  	_ =	swait.ge [sflag:s0], $0x0  }
0x1ba: {  	[sflag:s0] =	ssyncset.done $0x0;
	s0 =	simm.s32 $0x0  }
.LBB2_19:
0x1bb: {  	_ =	swait.ge [sflag:s14], s0  }
0x1bc: {  	s31 =	ssub.s32 $0x0, s0;
	v1 =	vmov s20;
	vm0 =	veq.s32 v0, $0x0;
	[sflag:s14] =	ssyncset.done $0x0  }
0x1bd: {  	vm15 =	veq.s32 v0, $0x2;
	v1 =	vsel vm0, s24, v1;
	[sflag:s14] =	ssyncadd.s32 s31  }
0x1be: {  	v1 =	vsel vm15, s18, v1;
	[sflag:s14] =	ssyncpa.u1 $0x1  }
0x1bf: {  	[tilespmem:$0x3648] =	vst v1  }
.LBB2_20:
0x1c0: {  	s0 =	sadd.s32 $0x1B0, s16  }
0x1c1: {  	s2 =	smov.u32 s3;
	p1 =	slt.s32 s0, s4  }
0x1c2: {  	s2 =	smov.u32 @p1 s0;
	p1 =	sne.s32 s17, s8  }
.Ltmp1:
0x1c3: {  	_ = 	snop;
	(pc) =	sbr.rel @!p1 .LBB2_21-.Ltmp1, $4  }
0x1c4: {  	_ = 	snop  }
0x1c5: {  	s18 =	smov.u32 s15  }
0x1c6: {  	s31 =	sadd.s32 $0x1, s17;
	s15 =	smov.u32 s16;
	p0 =	por !p0, !p0  }
0x1c7: {  	p4 =	por !p4, !p4;
	s17 =	smov.u32 s31;
	s16 =	smov.u32 s2  }
.LBB2_1:
0x1c8: {  	p2 =	sge.u32 s17, s11  }
0x1c9: {  	s0 =	smulhi.u32 @!p2 $0xAAAAAAAB, s17  }
0x1ca: {  	s19 =	smov.u32 s16;
	p3 =	sgt.s32 @!p2 s16, $0xCF6A0  }
0x1cb: {  	s20 =	sshra.s32 @!p2 s16, $0x1F;
	p3 =	por !p3, p2;
	s0 =	sshrl.u32 @!p2 s0, $0x1  }
0x1cc: {  	s20 =	sand.u32 @!p2 s20, s16;
	s19 =	simm.s32 @p3 $0xCF6A0;
	s0 =	smul.u32 @!p2 $0x3, s0  }
0x1cd: {  	s19 =	ssub.s32 @!p2 s19, s20  }
0x1ce: {  	s19 =	sadd.s32 @!p2 $0xFFF30960, s19;
	s0 =	ssub.s32 @!p2 s17, s0  }
0x1cf: {  	s20 =	sshll.u32 @!p2 s19, $0x2;
	p3 =	sgt.s32 @!p2 s19, $0x1AF;
	s0 =	smul.u32 @!p2 $0x6C0, s0  }
0x1d0: {  	s21 =	sand.u32 @!p2 $0x7, s16;
	s19 =	ssub.s32 @!p2 $0x6C0, s20;
	p3 =	por !p3, p2  }
0x1d1: {  	s20 =	sshrl.u32 @!p2 s16, $0x3;
	s19 =	sshrl.u32 @!p2 s19, $0x2;
	s0 =	sshrl.u32 @!p2 s0, $0x2  }
0x1d2: {  	s20 =	sadd.s32 @!p2 s5, s20;
	s19 =	simm.s32 @!p3 $0x0;
	s0 =	sadd.s32 @!p2 $0x3878, s0  }
0x1d3: {  	[tilespmem:s0], [sflag:$0x8] =	stream.linear.gather @!p2 [hbm4b:s20+s21], s19, $0x38;
	[tilespmem:$0x1F0E8] =	vst v63  }
0x1d4: {  	s20 =	sadd.s32 $0xFFFFFFFF, s17  }
0x1d5: {  	p2 =	sge.u32 s20, s11  }
0x1d6: {  	p3 =	sgt.s32 @!p2 s15, $0xCF6A0  }
0x1d7: {  	s0 =	smov.u32 s15;
	s19 =	sshra.s32 @!p2 s15, $0x1F;
	p3 =	por !p3, p2  }
0x1d8: {  	s19 =	sand.u32 @!p2 s19, s15;
	s0 =	simm.s32 @p3 $0xCF6A0  }
0x1d9: {  	s0 =	ssub.s32 @!p2 s0, s19  }
0x1da: {  	s0 =	sadd.s32 @!p2 $0xFFF30960, s0  }
0x1db: {  	s19 =	sshll.u32 @!p2 s0, $0x2  }
0x1dc: {  	p3 =	sgt.s32 @!p2 s0, $0x1AF;
	s0 =	ssub.s32 @!p2 $0x6C0, s19  }
0x1dd: {  	p3 =	por !p3, p2;
	s0 =	sshrl.u32 @!p2 s0, $0x2  }
0x1de: {  	s21 =	simm.s32 @!p2 $0x8;
	s19 =	sand.u32 @!p2 $0x1, s20;
	s0 =	simm.s32 @!p3 $0x0  }
0x1df: {  	s19 =	smul.u32 @!p2 $0x6C0, s19;
	_ =	swait.ge @!p2 [sflag:s21], s0  }
0x1e0: {  	s22 =	ssub.s32 @!p2 $0x0, s0;
	[sflag:s21] =	ssyncset.done @!p2 $0x0  }
0x1e1: {  	s19 =	sshrl.u32 @!p2 s19, $0x2;
	[sflag:s21] =	ssyncadd.s32 @!p2 s22;
	s21 =	sshrl.u32 @!p2 s15, $0x3  }
0x1e2: {  	s19 =	sadd.s32 @!p2 $0x3D88, s19;
	s22 =	sand.u32 @!p2 $0x7, s15;
	s21 =	sadd.s32 @!p2 s6, s21  }
0x1e3: {  	[tilespmem:s19], [sflag:$0x9] =	stream.linear.gather @!p2 [hbm4b:s21+s22], s0, $0x38;
	[tilespmem:$0x1F0E8] =	vst v63  }
0x1e4: {  	s19 =	ssub.s32 @!p2 $0xCF850, s15  }
0x1e5: {  	p3 =	slt.s32 @!p2 s19, $0x1  }
0x1e6: {  	p3 =	por p2, p3  }
.Ltmp2:
0x1e7: {  	_ = 	snop;
	(pc) =	sbr.rel @p3 .LBB2_7-.Ltmp2, $1  }
0x1e8: {  	_ =	sdelay $0x3  }
0x1e9: {  	s0 =	smulhi.u32 $0xAAAAAAAB, s20;
	_ =	sdelay $0x1  }
0x1ea: {  	s0 =	sshrl.u32 s0, $0x1  }
0x1eb: {  	s0 =	smul.u32 $0x3, s0;
	_ =	sdelay $0x1  }
0x1ec: {  	s0 =	ssub.s32 s20, s0  }
0x1ed: {  	s21 =	simm.s32 $0x1;
	s0 =	smul.u32 $0x6C0, s0  }
.Ltmp3:
0x1ee: {  	s21 =	simm.s32 @!p0 $0x0;
	(pc) =	sbr.rel .LBB2_4-.Ltmp3, $4  }
0x1ef: {  	s31 =	smul.u32 $0x36000, s21  }
0x1f0: {  	p3 =	slt.s32 @!p2 s19, $0x1B0;
	s0 =	sshrl.u32 s0, $0x2  }
0x1f1: {  	p2 =	por !p3, p2;
	s20 =	sshrl.u32 s31, $0x2;
	s0 =	sadd.s32 $0x3878, s0  }
0x1f2: {  	s19 =	simm.s32 @p2 $0x1B0;
	s21 =	simm.s32 $0x0;
	s20 =	sadd.s32 $0x40E8, s20;
	v1 =	vmov s0  }
.LBB2_3:
0x1f3: {  	p2 =	sge.s32 s21, s19  }
.Ltmp4:
0x1f4: {  	_ = 	snop;
	(pc) =	sbr.rel @p2 .LBB2_7-.Ltmp4, $2  }
0x1f5: {  	_ =	sdelay $0x2  }
0x1f6: {  	s20 =	sadd.s32 $0x800, s20  }
.LBB2_4:
0x1f7: {  	p2 =	sle.s32 s19, s21  }
.Ltmp5:
0x1f8: {  	_ = 	snop;
	(pc) =	sbr.rel @p2 .LBB2_3-.Ltmp5, $2  }
0x1f9: {  	_ =	sdelay $0x2  }
0x1fa: {  	s22 =	smov.u32 s21;
	s21 =	sadd.s32 $0x10, s21  }
0x1fb: {  	s0 =	ssub.s32 s19, s22  }
0x1fc: {  	p2 =	slt.s32 s0, $0x10  }
0x1fd: {  	s0 =	simm.s32 @!p2 $0x10  }
0x1fe: {  	v2 =	vmov s0  }
0x1ff: {  	vm0 =	vgt.s32 v2, v0;
	_ =	sdelay $0x5  }
0x200: {  	v2 =	vld.idx.msk [tilespmem:v1+s22+$0x0 ss:$0x1], vm0;
	_ =	sdelay $0x2  }
0x201: {  	s23 =	smov.u32 s19;
	p2 =	slt.s32 s21, s19  }
0x202: {  	s24 =	smov.u32 s20;
	s25 =	simm.s32 $0x0;
	s23 =	smov.u32 @p2 s21  }
.LBB2_6:
0x203: {  	(v2sf) =	vpush v2, s25;
	_ =	sdelay $0xc  }
0x204: {  	s25 =	sadd.s32 $0x1, s25  }
0x205: {  	s31 =	sadd.s32 s25, s22  }
0x206: {  	p2 =	slt.s32 s31, s23;
	s0 =	spop (v2sf)  }
.Ltmp6:
0x207: {  	s0 =	sshll.u32 s0, $0x4;
	(pc) =	sbr.rel @p2 .LBB2_6-.Ltmp6, $4  }
0x208: {  	s0 =	sand.u32 $0x1FFFFFF0, s0  }
0x209: {  	s0 =	sadd.s32 s7, s0  }
0x20a: {  	[tilespmem:s24], [sflag:$0x7] =	stream.linear.gather [hbm4b:s0+s13], $0x4, $0x38;
	[tilespmem:$0x1F0E8] =	vst v63  }
0x20b: {  	s24 =	sadd.s32 $0x80, s24  }
.Ltmp7:
0x20c: {  	_ = 	snop;
	(pc) =	sbr.rel .LBB2_3-.Ltmp7, $1  }
0x20d: {  	_ =	sdelay $0x3  }
.LBB2_7:
0x20e: {  	p2 =	slt.u32 s17, $0x2  }
.Ltmp8:
0x20f: {  	_ = 	snop;
	(pc) =	sbr.rel @p2 .LBB2_20-.Ltmp8, $1  }
0x210: {  	_ =	sdelay $0x3  }
0x211: {  	p2 =	sgt.s32 s18, $0xCF6A0;
	s0 =	smov.u32 s18  }
0x212: {  	s19 =	sshra.s32 s18, $0x1F;
	s20 =	ssub.s32 $0xCF850, s18;
	s0 =	simm.s32 @!p2 $0xCF6A0  }
0x213: {  	s19 =	sand.u32 s19, s18;
	p2 =	slt.s32 s20, $0x1B0;
	s21 =	smov.u32 s20  }
0x214: {  	s0 =	ssub.s32 s0, s19;
	s21 =	simm.s32 @!p2 $0x1B0  }
0x215: {  	s0 =	sadd.s32 $0xFFF30960, s0;
	s26 =	sshll.u32 s21, $0x2  }
0x216: {  	s2 =	simm.s32 $0x7;
	s28 =	sshll.u32 s0, $0x2;
	s19 =	sand.u32 $0x3FFFFFFC, s26  }
0x217: {  	p2 =	sgt.s32 s0, $0x1AF;
	s29 =	ssub.s32 $0x6C0, s28;
	_ =	swait.ge [sflag:s2], s19  }
0x218: {  	s19 =	ssub.s32 $0x0, s19;
	[sflag:s2] =	ssyncset.done $0x0;
	s0 =	sshrl.u32 s29, $0x2  }
0x219: {  	s30 =	simm.s32 $0x9;
	[sflag:s2] =	ssyncadd.s32 s19;
	s0 =	simm.s32 @p2 $0x0  }
0x21a: {  	_ =	swait.ge [sflag:s30], s0  }
0x21b: {  	s0 =	ssub.s32 $0x0, s0;
	[sflag:s30] =	ssyncset.done $0x0  }
0x21c: {  	[sflag:s30] =	ssyncadd.s32 s0  }
0x21d: {  	v1 =	vld [tilespmem:$0x3648];
	_ =	sdelay $0x4  }
0x21e: {  	(v2sf) =	vpush v1, $0x0  }
0x21f: {  	(v2sf) =	vpush v1, $0x1  }
0x220: {  	(v2sf) =	vpush v1, $0x2;
	_ =	sdelay $0x3  }
0x221: {  	s0 =	sadd.s32 $0x1B0, s18  }
0x222: {  	p2 =	slt.s32 s4, s0  }
0x223: {  	s0 =	smov.u32 @p2 s4;
	p2 =	sgt.s32 s20, $0x0  }
0x224: {  	s22 =	ssub.s32 s0, s18;
	s20 =	simm.s32 @!p2 $0x0  }
0x225: {  	p2 =	slt.s32 s20, s22  }
0x226: {  	s22 =	smov.u32 @p2 s20  }
0x227: {  	s21 =	simm.s32 $0x1;
	p2 =	slt.s32 s22, $0x1  }
.Ltmp9:
0x228: {  	s21 =	simm.s32 @!p4 $0x0;
	(pc) =	sbr.rel @p2 .LBB2_12-.Ltmp9, $4  }
0x229: {  	s31 =	smul.u32 $0x6C0, s21  }
0x22a: {  	s23 =	spop (v2sf)  }
0x22b: {  	s0 =	sshrl.u32 s31, $0x2;
	s25 =	spop (v2sf)  }
0x22c: {  	s19 =	sadd.s32 $0x3D88, s0;
	s18 =	spop (v2sf)  }
0x22d: {  	s0 =	smin.u32 s22, $0x10  }
0x22e: {  	v1 =	vmov s0  }
0x22f: {  	p3 =	sgt.s32 s22, $0x10;
	vm1 =	vgt.u32 v1, v0  }
.Ltmp10:
0x230: {  	_ = 	snop;
	(pc) =	sbr.rel @!p3 .LBB2_11-.Ltmp10, $2  }
0x231: {  	_ =	sdelay $0x2  }
0x232: {  	s24 =	simm.s32 $0x10;
	s26 =	sadd.s32 $0xFFFFFFF0, s22;
	s20 =	smov.u32 s19;
	vm0 =	vmmov vm1  }
.LBB2_10:
0x233: {  	s0 =	smin.u32 s26, $0x10;
	s24 =	sadd.s32 $0x10, s24;
	v1 =	vld.msk [tilespmem:s20+$0x0 ss:$0x1], vm1  }
0x234: {  	v2 =	vmov s0;
	p3 =	slt.s32 s24, s22  }
0x235: {  	vm1 =	vgt.u32 v2, v0  }
.Ltmp11:
0x236: {  	(pc) =	sbr.rel @p3 .LBB2_10-.Ltmp11, $3  }
0x237: {  	_ =	sdelay $0x1  }
0x238: {  	v1 =	vshll.u32 v1, $0x4  }
0x239: {  	s26 =	sadd.s32 $0xFFFFFFF0, s26;
	[tilespmem:s20+$0x0] =	vst.msk vm0, v1;
	s20 =	sadd.s32 $0x10, s20;
	vm0 =	vmmov vm1  }
.LBB2_11:
0x23a: {  	_ =	sdelay $0x4  }
0x23b: {  	v1 =	vld.msk [tilespmem:s20+$0x0 ss:$0x1], vm1;
	_ =	sdelay $0x4  }
0x23c: {  	v1 =	vshll.u32 v1, $0x4  }
0x23d: {  	[tilespmem:s20+$0x0] =	vst.msk vm0, v1  }
.LBB2_12:
0x23e: {  	s0 =	sand.u32 $0x1, s17  }
0x23f: {  	s0 =	smul.u32 $0x1B0, s0  }
0x240: {  	p3 =	sne.s32 s25, $0xFFFFFFFF  }
0x241: {  	v1 =	vld.msk @!p3 [tilespmem:s0+$0x3D88], $0x1;
	_ =	sdelay $0x4  }
0x242: {  	(v2sf) =	vpush @!p3 v1, $0x0;
	_ =	sdelay $0xc  }
.Ltmp12:
0x243: {  	_ = 	snop;
	(pc) =	sbr.rel @p2 .LBB2_18-.Ltmp12, $4  }
0x244: {  	_ = 	snop  }
0x245: {  	s24 =	spop @!p3 (v2sf)  }
0x246: {  	s18 =	simm.s32 @!p3 $0x0;
	s20 =	smov.u32 s24  }
0x247: {  	[sflag:s14] =	ssyncpa.u1 $0x0;
	s24 =	smov.u32 @p3 s23;
	s20 =	smov.u32 @p3 s25  }
0x248: {  	v1 =	vld.msk [tilespmem:s19+$0x0], $0x1;
	_ =	sdelay $0x4  }
0x249: {  	(v2sf) =	vpush v1, $0x0;
	_ =	sdelay $0xd  }
0x24a: {  	s0 =	simm.s32 @!p4 $0x0  }
0x24b: {  	s26 =	smul.u32 $0x36000, s21;
	s25 =	ssub.s32 $0x0, s22;
	s28 =	spop (v2sf)  }
0x24c: {  	s0 =	simm.s32 @p4 $0x1;
	s23 =	sadd.s32 $0x1, s25;
	p2 =	seq.s32 s24, s28  }
0x24d: {  	[smem:$0x7FD] =	sst s0;
	s0 =	sshrl.u32 s26, $0x2;
	p3 =	sgt.s32 @!p2 s24, $0x0  }
0x24e: {  	s21 =	sadd.s32 $0x40E8, s0;
	s0 =	smov.u32 s24;
	p3 =	por !p3, p2  }
0x24f: {  	s0 =	simm.s32 @p3 $0x0;
	p3 =	seq.s32 s23, $0x0  }
.Ltmp13:
0x250: {  	_ = 	snop;
	(pc) =	sbr.rel @p3 .LBB2_15-.Ltmp13, $4  }
0x251: {  	s3 =	smov.u32 s8;
	s12 =	smov.u32 s5;
	s8 =	smov.u32 s6  }
0x252: {  	s22 =	simm.s32 $0x0;
	s29 =	simm.s32 @!p2 $0x1;
	s0 =	smin.u32 @!p2 s0, $0xC34FF  }
0x253: {  	s30 =	simm.s32 @!p2 $0x1B38;
	s29 =	smov.u32 @p2 s22;
	s26 =	sand.u32 @!p2 $0xFFFF8, s0  }
0x254: {  	s31 =	sand.u32 @!p2 $0x7, s0;
	s0 =	sadd.s32 @!p2 s1, s26;
	s26 =	sadd.s32 $0x1, s19  }
.LBB2_14:
0x255: {  	s2 =	smov.u32 s29  }
0x256: {  	[tilespmem:s30], [sflag:$0x2] =	stream.linear.gather @!p2 [hbm4b:s0+s31], $0x4, $0x38;
	[tilespmem:$0x1F0E8] =	vst v63  }
0x257: {  	s23 =	sadd.s32 $0x1, s23;
	s0 =	smov.u32 s28;
	v1 =	vld.msk [tilespmem:s26+$0x0], $0x1  }
0x258: {  	p3 =	seq.s32 s23, $0x0;
	_ =	sdelay $0x3  }
0x259: {  	(v2sf) =	vpush v1, $0x0;
	_ =	sdelay $0xe  }
0x25a: {  	s28 =	spop (v2sf)  }
0x25b: {  	p2 =	seq.s32 s0, s28  }
0x25c: {  	p4 =	sgt.s32 @!p2 s0, $0x0;
	s30 =	sshll.u32 @!p2 s29, $0x6;
	s29 =	sadd.s32 @!p2 $0x1, s29  }
.Ltmp14:
0x25d: {  	p4 =	por !p4, p2;
	s30 =	sshra.s32 @!p2 s30, $0x2;
	(pc) =	sbr.rel @!p3 .LBB2_14-.Ltmp14, $4  }
0x25e: {  	s29 =	smov.u32 @p2 s2;
	s0 =	simm.s32 @p4 $0x0;
	s30 =	sadd.s32 @!p2 $0x1B38, s30  }
0x25f: {  	s0 =	smin.u32 @!p2 s0, $0xC34FF  }
0x260: {  	s2 =	sand.u32 @!p2 $0xFFFF8, s0;
	s31 =	sand.u32 @!p2 $0x7, s0  }
0x261: {  	s26 =	sadd.s32 $0x1, s26;
	s0 =	sadd.s32 @!p2 s1, s2  }
.LBB2_15:
0x262: {  	[tilespmem:s30], [sflag:$0x2] =	stream.linear.gather @!p2 [hbm4b:s0+s31], $0x4, $0x38;
	[tilespmem:$0x1F0E8] =	vst v63  }
0x263: {  	s31 =	sshll.u32 s29, $0x2  }
0x264: {  	s2 =	simm.s32 $0x2;
	s0 =	sand.u32 $0x3FFFFFFC, s31  }
0x265: {  	_ =	swait.ge [sflag:s2], s0  }
0x266: {  	s0 =	ssub.s32 $0x0, s0;
	[sflag:s2] =	ssyncset.done $0x0  }
0x267: {  	[sflag:s2] =	ssyncadd.s32 s0  }
0x268: {  	v1 =	vld.msk [tilespmem:s19+$0x0], $0x1;
	_ =	sdelay $0x4  }
0x269: {  	(v2sf) =	vpush v1, $0x0;
	_ =	sdelay $0xe  }
0x26a: {  	s23 =	spop (v2sf)  }
0x26b: {  	p2 =	sne.s32 s24, s23  }
0x26c: {  	p4 =	sne.s32 @p2 s24, s20  }
0x26d: {  	p3 =	por !p4, !p2  }
0x26e: {  	s0 =	simm.s32 @!p3 $0x0  }
0x26f: {  	v1 =	vld.msk @!p3 [tilespmem:s0+$0x1B38], $0xf  }
0x270: {  	p5 =	sgt.u32 @!p3 s24, $0xC34FF  }
0x271: {  	s2 =	sshll.u32 @!p3 s18, $0x6;
	p6 =	por @p2 p5, !p4  }
0x272: {  	s2 =	sshra.s32 @!p3 s2, $0x2;
	p1 =	por p6, !p2;
	p6 =	por p4, !p2  }
0x273: {  	s26 =	sadd.s32 @!p3 $0x28, s2;
	s28 =	sand.u32 @!p1 $0xFFFF8, s24;
	s29 =	sshll.u32 @!p6 s18, $0x6  }
0x274: {  	s24 =	sand.u32 @!p1 $0x7, s24;
	[tilespmem:s2+$0x28] =	vst.add.f32.msk @!p3 $0xf, v1;
	s2 =	sadd.s32 @!p1 s1, s28;
	s28 =	sshra.s32 @!p6 s29, $0x2  }
0x275: {  	[hbm4b:s2+s24] =	stream.linear.scatter @!p1 [tilespmem:s26], [sflag:$0xA], $0x4, $0x38;
	[tilespmem:$0x1F0E8] =	vst v63  }
0x276: {  	s0 =	rddreg [dreg:$0x2];
	s2 =	sadd.s32 @!p6 $0x28, s28;
	s24 =	simm.s32 @!p6 $0x1  }
0x277: {  	[spmem:s0] =	stream.linear.scatter @!p6 [tilespmem:s2], [sflag:$0x1], $0x4, $0x38;
	[tilespmem:$0x1F0E8] =	vst v63  }
0x278: {  	s0 =	sadd.s32 @p2 $0x1, s18;
	_ =	swait.ge @!p6 [sflag:s24], $0x4  }
0x279: {  	s2 =	sshrl.u32 @p2 s0, $0x4;
	[sflag:s24] =	ssyncset.done @!p6 $0x0  }
0x27a: {  	s2 =	smulhi.u32 @p2 $0x97B425F, s2;
	[sflag:s24] =	ssyncadd.s32 @!p6 $0xFFFFFFFC  }
0x27b: {  	s24 =	sadd.s32 $0x1, s25;
	v1 =	vld.msk @p2 [tilespmem:s21+$0x0], $0xf  }
0x27c: {  	p1 =	por @p2 !p5, !p4;
	s2 =	smul.u32 @p2 $0x1B0, s2;
	p4 =	seq.s32 s24, $0x0  }
.Ltmp15:
0x27d: {  	p1 =	por !p1, !p2;
	s25 =	simm.s32 @!p3 $0x0;
	(pc) =	sbr.rel @p4 .LBB2_17-.Ltmp15, $4  }
0x27e: {  	s26 =	sshll.u32 @!p2 s18, $0x6;
	s25 =	simm.s32 @!p1 $0x10;
	s0 =	ssub.s32 @p2 s0, s2  }
0x27f: {  	s26 =	sshra.s32 @!p2 s26, $0x2;
	s28 =	sadd.s32 @!p3 $0x0, s25;
	s29 =	sshll.u32 @p2 s0, $0x4  }
0x280: {  	s25 =	simm.s32 $0x0;
	s2 =	simm.s32 @p2 $0x1;
	s28 =	smov.u32 @p3 s22;
	[tilespmem:s29+$0x28] =	vst.msk @p2 $0xf, v1  }
0x281: {  	s18 =	smov.u32 @p2 s0;
	s25 =	smov.u32 @p2 s28;
	s22 =	smov.u32 @p2 s2;
	v1 =	vld.msk @!p2 [tilespmem:s21+$0x0], $0xf  }
.LBB2_16:
0x282: {  	_ =	sdelay $0x3  }
0x283: {  	s19 =	sadd.s32 $0x1, s19;
	[tilespmem:s26+$0x28] =	vst.add.f32.msk @!p2 $0xf, v1  }
0x284: {  	v1 =	vld.msk [tilespmem:s19+$0x0], $0x1;
	_ =	sdelay $0x4  }
0x285: {  	(v2sf) =	vpush v1, $0x0;
	_ =	sdelay $0xe  }
0x286: {  	s0 =	smov.u32 s23;
	s23 =	spop (v2sf)  }
0x287: {  	p2 =	sne.s32 s0, s23  }
0x288: {  	p5 =	sne.s32 @p2 s0, s20  }
0x289: {  	p4 =	por !p5, !p2  }
0x28a: {  	s30 =	sshll.u32 @!p4 s22, $0x6  }
0x28b: {  	s30 =	sshra.s32 @!p4 s30, $0x2  }
0x28c: {  	p1 =	sgt.u32 @!p4 s0, $0xC34FF;
	v1 =	vld.msk @!p4 [tilespmem:s30+$0x1B38], $0xf  }
0x28d: {  	s31 =	sshll.u32 @!p4 s18, $0x6;
	p6 =	por @p2 p1, !p5;
	p1 =	por @p2 !p1, !p5  }
0x28e: {  	s5 =	simm.s32 @!p4 $0x0;
	s31 =	sshra.s32 @!p4 s31, $0x2;
	p1 =	por !p1, !p2  }
0x28f: {  	p5 =	por p5, !p2;
	s5 =	simm.s32 @!p1 $0x10;
	p1 =	por p6, !p2  }
0x290: {  	s30 =	sadd.s32 @!p4 $0x28, s31;
	s6 =	sshll.u32 @!p5 s18, $0x6;
	s10 =	sand.u32 @!p1 $0xFFFF8, s0  }
0x291: {  	s6 =	sshra.s32 @!p5 s6, $0x2;
	s0 =	sand.u32 @!p1 $0x7, s0;
	s10 =	sadd.s32 @!p1 s1, s10;
	[tilespmem:s31+$0x28] =	vst.add.f32.msk @!p4 $0xf, v1  }
0x292: {  	[hbm4b:s10+s0] =	stream.linear.scatter @!p1 [tilespmem:s30], [sflag:$0xA], $0x4, $0x38;
	[tilespmem:$0x1F0E8] =	vst v63  }
0x293: {  	s2 =	rddreg [dreg:$0x2];
	s0 =	sadd.s32 @!p5 $0x28, s6;
	s6 =	simm.s32 @!p5 $0x1  }
0x294: {  	[spmem:s2] =	stream.linear.scatter @!p5 [tilespmem:s0], [sflag:$0x1], $0x4, $0x38;
	[tilespmem:$0x1F0E8] =	vst v63  }
0x295: {  	s28 =	sadd.s32 @p2 $0x1, s18;
	_ =	swait.ge @!p5 [sflag:s6], $0x4  }
0x296: {  	s29 =	sshrl.u32 @p2 s28, $0x4;
	[sflag:s6] =	ssyncset.done @!p5 $0x0  }
0x297: {  	s21 =	sadd.s32 $0x80, s21;
	s29 =	smulhi.u32 @p2 $0x97B425F, s29;
	[sflag:s6] =	ssyncadd.s32 @!p5 $0xFFFFFFFC  }
0x298: {  	s24 =	sadd.s32 $0x1, s24;
	v1 =	vld.msk @p2 [tilespmem:s21+$0x0], $0xf  }
0x299: {  	p3 =	seq.s32 s24, $0x0;
	s29 =	smul.u32 @p2 $0x1B0, s29  }
.Ltmp16:
0x29a: {  	_ = 	snop;
	(pc) =	sbr.rel @!p3 .LBB2_16-.Ltmp16, $4  }
0x29b: {  	s28 =	ssub.s32 @p2 s28, s29  }
0x29c: {  	s26 =	sshll.u32 @!p2 s18, $0x6;
	s5 =	sadd.s32 @!p4 s5, s25;
	s10 =	sshll.u32 @p2 s28, $0x4  }
0x29d: {  	s9 =	sadd.s32 @p2 $0x1, s22;
	s26 =	sshra.s32 @!p2 s26, $0x2;
	s5 =	smov.u32 @p4 s25;
	[tilespmem:s10+$0x28] =	vst.msk @p2 $0xf, v1  }
0x29e: {  	s22 =	smov.u32 @p2 s9;
	s18 =	smov.u32 @p2 s28;
	s25 =	smov.u32 @p2 s5;
	v1 =	vld.msk @!p2 [tilespmem:s21+$0x0], $0xf  }
.LBB2_17:
.Ltmp17:
0x29f: {  	_ = 	snop;
	(pc) =	sbr.rel .LBB2_19-.Ltmp17, $4  }
0x2a0: {  	s2 =	sld [smem:$0x7FD]  }
0x2a1: {  	s0 =	sshrl.u32 s25, $0x2  }
0x2a2: {  	s24 =	smov.u32 s23;
	s6 =	smov.u32 s8;
	s5 =	smov.u32 s12  }
0x2a3: {  	s8 =	smov.u32 s3;
	s3 =	rddreg [dreg:$0x3];
	p4 =	seq.s32 s2, $0x1;
	[tilespmem:s26+$0x28] =	vst.add.f32.msk @!p2 $0xf, v1  }
.LBB2_21:
0x2a4: {  	_ =	sfence.sel $0x180000  }
0x2a5: {  	s0 =	simm.s32 $0x7;
	[bflag:$0x0] =	sbarrier.arrive $0xFFFF  }
0x2a6: {  	s25 =	simm.s32 $0x8;
	[sflag:s0] =	ssyncpa.u1 $0x1  }
0x2a7: {  	s26 =	simm.s32 $0x9;
	[sflag:s25] =	ssyncpa.u1 $0x1  }
0x2a8: {  	s28 =	simm.s32 $0x2;
	[sflag:s26] =	ssyncpa.u1 $0x1  }
0x2a9: {  	[sflag:s28] =	ssyncpa.u1 $0x1  }
0x2aa: {  	v0 =	vld [tilespmem:$0x3648];
	_ =	sdelay $0x4  }
0x2ab: {  	(v2sf) =	vpush v0, $0x0  }
0x2ac: {  	(v2sf) =	vpush v0, $0x1;
	_ =	sdelay $0x1  }
0x2ad: {  	(v2sf) =	vpush v0, $0x2;
	_ =	sdelay $0xb  }
0x2ae: {  	s0 =	spop (v2sf)  }
0x2af: {  	s2 =	spop (v2sf)  }
0x2b0: {  	s3 =	smov.u32 s0;
	p0 =	sne.s32 s0, s2  }
0x2b1: {  	s4 =	spop (v2sf);
	s3 =	simm.s32 @!p0 $0xFFFFFFFF  }
0x2b2: {  	v2 =	vimm.s32 $0x1;
	v3 =	vlaneseq.u32;
	p0 =	seq.s32 s4, $0xFFFFFFFF;
	v1 =	vmov s3  }
0x2b3: {  	s7 =	stileid.u32;
	v0 =	vperm.xlane v0, v2;
	p1 =	sne.s32 @!p0 s0, s2;
	v1 =	vperm.xlane v1, v3  }
0x2b4: {  	vm0 =	vcmask $0x3F04;
	s6 =	simm.s32 $0x3648;
	s0 =	simm.s32 @!p0 $0x1;
	p1 =	por !p1, p0  }
0x2b5: {  	s3 =	sshll.u32 s7, $0x1;
	s2 =	sshll.u32 @!p0 s4, $0x6;
	s0 =	simm.s32 @p1 $0x0;
	v0 =	vsel vm0, v1, v0  }
0x2b6: {  	s5 =	sor.u32 $0x200, s3;
	s2 =	sshra.s32 @!p0 s2, $0x2;
	s0 =	sor.u32 @!p0 s0, s3;
	[tilespmem:$0x3648] =	vst v0  }
0x2b7: {  	[spmem:s5] =	stream.linear.scatter [tilespmem:s6], [sflag:$0x1], $0x2, $0x38;
	[tilespmem:$0x1F0E8] =	vst v63  }
0x2b8: {  	s2 =	sadd.s32 @!p0 $0x28, s2;
	s0 =	sshll.u32 @!p0 s0, $0x4  }
0x2b9: {  	[spmem:s0] =	stream.linear.scatter @!p0 [tilespmem:s2], [sflag:$0x1], $0x10, $0x38;
	[tilespmem:$0x1F0E8] =	vst v63  }
0x2ba: {  	s0 =	simm.s32 @!p0 $0x12  }
0x2bb: {  	s3 =	simm.s32 $0x1;
	s0 =	simm.s32 @p0 $0x2  }
0x2bc: {  	_ =	swait.ge [sflag:s3], s0  }
0x2bd: {  	s0 =	ssub.s32 $0x0, s0;
	[sflag:s3] =	ssyncset.done $0x0  }
0x2be: {  	[sflag:s3] =	ssyncadd.s32 s0  }
0x2bf: {  	_ =	sfence.stream.spmem  }
0x2c0: {  	s29 =	simm.s32 $0x3;
	[bflag:$0x0] =	sbarrier.arrive $0xFFFF  }
0x2c1: {  	s30 =	simm.s32 $0x4;
	[sflag:s29] =	ssyncpa.u1 $0x1  }
0x2c2: {  	s31 =	simm.s32 $0x3C;
	[sflag:s30] =	ssyncpa.u1 $0x1  }
0x2c3: {  	p0 =	sne.s32 s7, $0x0;
	[sflag:s31] =	ssyncpa.u1 $0x1  }
0x2c4: {  	_ =	sfence @p0  }
0x2c5: {  	[sflag:s3] =	ssyncpa.u1 @p0 $0x1  }
0x2c6: {  	_ =	strace @p0 $0x90000053  }
0x2c7: {  	[bflag:$0x2] =	sbarrier.arrive @p0 $0xFFFF  }
0x2c8: {  	_ =	shalt @p0  }
.LBB2_22:
0x2c9: {  	_ =	sfence.stream.spmem;
	s0 =	simm.s32 $0x5  }
0x2ca: {  	s2 =	simm.s32 $0x200;
	s3 =	simm.s32 $0x3658;
	[sflag:s0] =	ssyncpa.u1 $0x0  }
0x2cb: {  	[tilespmem:s3], [sflag:$0x5] =	stream.linear.gather [spmem:s2], $0x20, $0x38;
	[tilespmem:$0x1F0E8] =	vst v63  }
0x2cc: {  	s30 =	simm.s32 $0x3678;
	s2 =	simm.s32 $0x0  }
0x2cd: {  	[tilespmem:s30], [sflag:$0x5] =	stream.linear.gather [spmem:s2], $0x200, $0x38;
	[tilespmem:$0x1F0E8] =	vst v63  }
.Ltmp18:
0x2ce: {  	_ = 	snop;
	(pc) =	sbr.rel .LBB2_23-.Ltmp18, $4  }
0x2cf: {  	_ =	swait.ge [sflag:s0], $0x220  }
0x2d0: {  	[sflag:s0] =	ssyncset.done $0x0  }
0x2d1: {  	s31 =	simm.s32 $0x6;
	[sflag:s0] =	ssyncadd.s32 $0xFFFFFDE0  }
0x2d2: {  	s3 =	simm.s32 $0x0;
	[sflag:s31] =	ssyncpa.u1 $0x0  }
.LBB2_28:
0x2d3: {  	p0 =	slt.u32 s4, $0xC3500  }
0x2d4: {  	s0 =	sand.u32 @p0 $0xFFFF8, s4  }
0x2d5: {  	s4 =	sand.u32 @p0 $0x7, s4;
	s5 =	simm.s32 @p0 $0x3638;
	s0 =	sadd.s32 @p0 s1, s0  }
0x2d6: {  	[tilespmem:s5], [sflag:$0x6] =	stream.linear.gather @p0 [hbm4b:s0+s4], $0x4, $0x38;
	[tilespmem:$0x1F0E8] =	vst v63  }
0x2d7: {  	s0 =	simm.s32 @p0 $0x6  }
0x2d8: {  	_ =	swait.ge @p0 [sflag:s0], $0x4  }
0x2d9: {  	[sflag:s0] =	ssyncset.done @p0 $0x0  }
0x2da: {  	[sflag:s0] =	ssyncadd.s32 @p0 $0xFFFFFFFC  }
0x2db: {  	v1 =	vld @p0 [tilespmem:$0x3638];
	_ =	sdelay $0x2  }
0x2dc: {  	s0 =	sshll.u32 @p0 s3, $0x6  }
0x2dd: {  	s5 =	sshll.u32 @!p0 s3, $0x6;
	s4 =	sshrl.u32 @p0 s0, $0x2  }
0x2de: {  	s5 =	smov.u32 @p0 s0;
	[tilespmem:s4+$0x3678] =	vst.add.f32.msk @p0 $0xffff, v1  }
0x2df: {  	s0 =	sshrl.u32 s5, $0x2;
	[tilespmem:s2+$0x3658] =	vst.msk $0x1, v0  }
0x2e0: {  	v0 =	vld [tilespmem:s0+$0x3678];
	_ =	sdelay $0x2  }
0x2e1: {  	s31 =	sshll.u32 s2, $0x6  }
0x2e2: {  	s0 =	sshra.s32 s31, $0x2  }
0x2e3: {  	s2 =	sadd.s32 $0x1, s2;
	[tilespmem:s0+$0x3678] =	vst v0  }
.LBB2_30:
0x2e4: {  	s3 =	sadd.s32 $0x1, s3  }
0x2e5: {  	p0 =	sne.s32 s3, $0x20  }
.Ltmp19:
0x2e6: {  	_ = 	snop;
	(pc) =	sbr.rel @!p0 .LBB2_31-.Ltmp19, $1  }
0x2e7: {  	_ =	sdelay $0x3  }
.LBB2_23:
0x2e8: {  	v0 =	vld.msk [tilespmem:s3+$0x3658], $0x1;
	_ =	sdelay $0x4  }
0x2e9: {  	(v2sf) =	vpush v0, $0x0;
	_ =	sdelay $0xe  }
0x2ea: {  	s4 =	spop (v2sf)  }
0x2eb: {  	p0 =	seq.s32 s4, $0xFFFFFFFF  }
.Ltmp20:
0x2ec: {  	_ = 	snop;
	(pc) =	sbr.rel @p0 .LBB2_30-.Ltmp20, $1  }
0x2ed: {  	_ =	sdelay $0x3  }
0x2ee: {  	p0 =	slt.s32 s2, $0x1  }
.Ltmp21:
0x2ef: {  	_ = 	snop;
	(pc) =	sbr.rel @p0 .LBB2_28-.Ltmp21, $1  }
0x2f0: {  	_ =	sdelay $0x3  }
0x2f1: {  	s5 =	simm.s32 $0x3658;
	p0 =	por $0x0, $0x0  }
0x2f2: {  	v1 =	vld.msk @!p0 [tilespmem:s5+$0x0], $0x1;
	_ =	sdelay $0x4  }
0x2f3: {  	(v2sf) =	vpush @!p0 v1, $0x0;
	_ =	sdelay $0xd  }
0x2f4: {  	p2 =	sne.s32 s2, $0x1  }
.Ltmp22:
0x2f5: {  	s0 =	spop @!p0 (v2sf);
	(pc) =	sbr.rel @!p2 .LBB2_27-.Ltmp22, $4  }
0x2f6: {  	p1 =	seq.s32 @!p0 s4, s0  }
0x2f7: {  	s6 =	simm.s32 $0x0;
	p1 =	por !p1, p0  }
0x2f8: {  	s0 =	simm.s32 $0xFFFFFFFF;
	s6 =	simm.s32 @p1 $0xFFFFFFFF  }
0x2f9: {  	s7 =	simm.s32 $0x1;
	s6 =	smov.u32 @p0 s0  }
.LBB2_26:
0x2fa: {  	s0 =	smov.u32 s6;
	p0 =	sne.s32 s6, $0xFFFFFFFF  }
0x2fb: {  	s5 =	sadd.s32 $0x1, s5;
	s6 =	smov.u32 s7;
	s7 =	sadd.s32 $0x1, s7  }
0x2fc: {  	p1 =	sne.s32 s2, s7;
	v1 =	vld.msk @!p0 [tilespmem:s5+$0x0], $0x1;
	_ =	sdelay $0x4  }
0x2fd: {  	(v2sf) =	vpush @!p0 v1, $0x0;
	_ =	sdelay $0xe  }
.Ltmp23:
0x2fe: {  	s8 =	spop @!p0 (v2sf);
	(pc) =	sbr.rel @p1 .LBB2_26-.Ltmp23, $4  }
0x2ff: {  	p2 =	seq.s32 @!p0 s4, s8  }
0x300: {  	p2 =	por !p2, p0  }
0x301: {  	s6 =	simm.s32 @p2 $0xFFFFFFFF  }
0x302: {  	s6 =	smov.u32 @p0 s0  }
.LBB2_27:
0x303: {  	p0 =	sne.s32 s6, $0xFFFFFFFF  }
.Ltmp24:
0x304: {  	_ = 	snop;
	(pc) =	sbr.rel @!p0 .LBB2_28-.Ltmp24, $1  }
0x305: {  	_ =	sdelay $0x3  }
0x306: {  	s0 =	sshll.u32 s3, $0x4  }
0x307: {  	s0 =	sand.u32 $0x3FFFFFF0, s0  }
0x308: {  	v0 =	vld [tilespmem:s0+$0x3678]  }
.Ltmp25:
0x309: {  	_ = 	snop;
	(pc) =	sbr.rel .LBB2_30-.Ltmp25, $4  }
0x30a: {  	_ = 	snop  }
0x30b: {  	s31 =	sshll.u32 s6, $0x6  }
0x30c: {  	s0 =	sshra.s32 s31, $0x2  }
0x30d: {  	[tilespmem:s0+$0x3678] =	vst.add.f32.msk $0xffff, v0  }
.LBB2_31:
0x30e: {  	p0 =	slt.s32 s2, $0x1  }
.Ltmp26:
0x30f: {  	_ = 	snop;
	(pc) =	sbr.rel @p0 .LBB2_35-.Ltmp26, $3  }
0x310: {  	_ =	sdelay $0x1  }
0x311: {  	s0 =	simm.s32 $0x6  }
0x312: {  	s3 =	simm.s32 $0x0;
	[sflag:s0] =	ssyncpa.u1 $0x1  }
0x313: {  	s0 =	simm.s32 $0x3658  }
0x314: {  	v0 =	vld.msk [tilespmem:s0+$0x0], $0x1;
	_ =	sdelay $0x4  }
0x315: {  	(v2sf) =	vpush v0, $0x0;
	_ =	sdelay $0xd  }
0x316: {  	s2 =	sadd.s32 $0xFFFFFFFF, s2  }
0x317: {  	p1 =	sne.s32 s2, $0x0;
	s0 =	spop (v2sf)  }
.Ltmp27:
0x318: {  	p0 =	sgt.u32 s0, $0xC34FF;
	(pc) =	sbr.rel @!p1 .LBB2_34-.Ltmp27, $4  }
0x319: {  	s4 =	simm.s32 $0x3678;
	s5 =	sand.u32 @!p0 $0xFFFF8, s0  }
0x31a: {  	s6 =	simm.s32 $0x0;
	s0 =	sand.u32 @!p0 $0x7, s0;
	s5 =	sadd.s32 @!p0 s1, s5  }
0x31b: {  	[hbm4b:s5+s0] =	stream.linear.scatter @!p0 [tilespmem:s4], [sflag:$0x5], $0x4, $0x38;
	[tilespmem:$0x1F0E8] =	vst v63  }
0x31c: {  	s6 =	simm.s32 @!p0 $0x10;
	s5 =	simm.s32 $0x3659  }
.LBB2_33:
0x31d: {  	v0 =	vld.msk [tilespmem:s5+$0x0], $0x1;
	s2 =	sadd.s32 $0xFFFFFFFF, s2;
	s3 =	sadd.s32 s3, s6  }
0x31e: {  	p0 =	sne.s32 s2, $0x0;
	_ =	sdelay $0x3  }
0x31f: {  	(v2sf) =	vpush v0, $0x0;
	_ =	sdelay $0xe  }
.Ltmp28:
0x320: {  	s0 =	spop (v2sf);
	(pc) =	sbr.rel @p0 .LBB2_33-.Ltmp28, $4  }
0x321: {  	s6 =	simm.s32 $0x0;
	p1 =	sgt.u32 s0, $0xC34FF  }
0x322: {  	s4 =	sadd.s32 $0x10, s4;
	s6 =	simm.s32 @!p1 $0x10;
	s7 =	sand.u32 @!p1 $0xFFFF8, s0  }
0x323: {  	s5 =	sadd.s32 $0x1, s5;
	s0 =	sand.u32 @!p1 $0x7, s0;
	s7 =	sadd.s32 @!p1 s1, s7  }
0x324: {  	[hbm4b:s7+s0] =	stream.linear.scatter @!p1 [tilespmem:s4], [sflag:$0x5], $0x4, $0x38;
	[tilespmem:$0x1F0E8] =	vst v63  }
.LBB2_34:
0x325: {  	s0 =	sadd.s32 s3, s6  }
0x326: {  	s3 =	sshrl.u32 s0, $0x2  }
.LBB2_35:
0x327: {  	s0 =	simm.s32 $0x5  }
0x328: {  	_ =	swait.ge [sflag:s0], s3  }
0x329: {  	s1 =	ssub.s32 $0x0, s3;
	[sflag:s0] =	ssyncset.done $0x0  }
0x32a: {  	[sflag:s0] =	ssyncadd.s32 s1  }
0x32b: {  	[sflag:s0] =	ssyncpa.u1 $0x1  }
0x32c: {  	s30 =	simm.s32 $0x1;
	_ =	sfence  }
0x32d: {  	[sflag:s30] =	ssyncpa.u1 $0x1  }
0x32e: {  	_ =	strace $0x90000053  }
0x32f: {  	[bflag:$0x2] =	sbarrier.arrive $0xFFFF  }
0x330: {  	s31 =	rddreg [dreg:$0x1]  }
0x331: {  	s0 =	sadd.s32 $0x100000, s31  }
0x332: {  	[sflag:s0] =	ssyncadd.tile.s32 $0x1;
	_ =	shalt  }
.Lfunc_end2:
_tile_overlayer_lowered:
.L_overlay_start_2:
0x333: {  	(tag) =	ssettag $0x2  }
0x334: {  	s0 =	rddreg [dreg:$0x0];
	s2 =	stileid.u32  }
0x335: {  	s1 =	rddreg [dreg:$0x1];
	p0 =	sne.s32 s2, $0x0  }
0x336: {  	s3 =	rddreg [dreg:$0x2];
	[bflag:$0x3] =	sbarrier.arrive $0xFFFF;
	s2 =	simm.s32 @!p0 $0x1C01  }
0x337: {  	[timem:s3], [sflag:s2] =	dma.local @!p0 [hbm:s0], s1  }
0x338: {  	s0 =	simm.s32 @!p0 $0x1  }
0x339: {  	_ =	swait.ge @!p0 [sflag:s0], s1  }
0x33a: {  	s1 =	ssub.s32 @!p0 $0x0, s1;
	[sflag:s0] =	ssyncset.done @!p0 $0x0  }
0x33b: {  	[sflag:s0] =	ssyncadd.s32 @!p0 s1  }
0x33c: {  	[bflag:$0x3] =	sbarrier.arrive $0xFFFF  }
0x33d: {  	_ =	shalt  }

// kernel: scatter_offload_async_start.3
scs
__scs_entry_jumppad:
0x0: {  	(pc) =	sbr.rel $0x88, $3  }
0x1: {  	(tag) =	ssettag $0x0;
	lr =	simm.s32 $0x1  }
0x2: {  	[smem:$0x3F8C] =	sst lr;
	_ =	strace $0xD0000000  }
0x3: {  	_ = 	snop  }
0x4: {  	_ = 	snop  }
0x5: {  	_ = 	snop  }
0x6: {  	_ = 	snop  }
0x7: {  	_ = 	snop  }
__scs_overlays_trampoline_lowered:
0x8: {  	[smem:$0x3F9B] =	sst s0  }
0x9: {  	[smem:$0x3F9C] =	sst s1  }
0xa: {  	[smem:$0x3F9D] =	sst s2  }
0xb: {  	[smem:$0x3F9E] =	sst s3  }
0xc: {  	[smem:$0x3F9F] =	sst s4  }
0xd: {  	[smem:$0x3FA0] =	sst s5  }
0xe: {  	[smem:$0x3FA1] =	sst s6  }
0xf: {  	[smem:$0x3FA2] =	sst s7  }
0x10: {  	[smem:$0x3FA3] =	sst s8  }
0x11: {  	[smem:$0x3FA4] =	sst s9;
	s0 =	simm.s32 @!p0 $0x0  }
0x12: {  	s1 =	sld [smem:$0x3F8A];
	s0 =	simm.s32 @p0 $0x1  }
0x13: {  	[smem:$0x3FA5] =	sst s0;
	s0 =	simm.s32 @!p1 $0x0  }
0x14: {  	s2 =	sld [smem:$0x3F89];
	s0 =	simm.s32 @p1 $0x1  }
0x15: {  	[smem:$0x3FA6] =	sst s0;
	s0 =	simm.s32 @!p2 $0x0  }
0x16: {  	s3 =	sld [smem:$0x3FDB];
	s0 =	simm.s32 @p2 $0x1  }
0x17: {  	s4 =	simm.s32 $0x1BF5;
	[smem:$0x3FA8] =	sst s0  }
0x18: {  	s0 =	sld [smem:$0x3F8B];
	_ =	swait.ge [sflag:s4], $0x0  }
0x19: {  	s7 =	sld [smem:$0x3F8C]  }
0x1a: {  	s8 =	sadd.s32 $0xFFFFE003, lr  }
0x1b: {  	s9 =	sadd.s32 $0xFFFFFEF7, lr;
	s5 =	simm.s32 $0xFFFFFFFF;
	p2 =	slt.u32 s8, $0xFFFFF086  }
0x1c: {  	p1 =	slt.u32 s9, $0xF7A;
	s5 =	simm.s32 @!p2 $0x0  }
0x1d: {  	s5 =	simm.s32 @p1 $0x1;
	p0 =	seq.s32 s7, s2  }
0x1e: {  	s7 =	smul.u32 @!p0 $0xF7A, s2;
	p2 =	seq.s32 @!p0 s5, $0x0  }
0x1f: {  	s9 =	smul.u32 $0xF7A, s1;
	s8 =	simm.s32 @!p0 $0x1BF5;
	p2 =	por !p2, p0  }
0x20: {  	[sflag:s8] =	ssyncset.s32 @!p0 $0xFFFFF086;
	s6 =	sadd.s32 @!p0 s3, s7;
	s7 =	simm.s32 @!p0 $0x108  }
0x21: {  	s3 =	sadd.s32 s3, s9;
	s6 =	sadd.s32 @!p0 $0x88, s6;
	s7 =	simm.s32 @p2 $0x1082  }
0x22: {  	[simem:s7], [sflag:s8] =	dma.local @!p0 [hbm:s6], $0xF7A  }
0x23: {  	s9 =	sor.u32 $0xD0000000, s2;
	s6 =	simm.s32 $0x108;
	_ =	swait.ge @!p0 [sflag:s8], $0x0  }
0x24: {  	s3 =	sadd.s32 $0x88, s3;
	s6 =	simm.s32 @!p1 $0x1082;
	[sflag:s4] =	ssyncset.s32 $0xFFFFF086  }
0x25: {  	[simem:s6], [sflag:s4] =	dma.local [hbm:s3], $0xF7A  }
0x26: {  	[smem:$0x3F8C] =	sst s1;
	(tag) =	ssettag s2;
	_ =	strace s9  }
0x27: {  	s1 =	sld [smem:$0x3F9C]  }
0x28: {  	s2 =	sld [smem:$0x3F9D]  }
0x29: {  	s4 =	sld [smem:$0x3F9F]  }
0x2a: {  	p0 =	seq.s32 s5, $0x0;
	s5 =	sld [smem:$0x3FA0]  }
0x2b: {  	s6 =	sld [smem:$0x3FA1]  }
0x2c: {  	s7 =	sld [smem:$0x3FA2]  }
0x2d: {  	s3 =	simm.s32 $0x108;
	s8 =	sld [smem:$0x3FA3]  }
0x2e: {  	s3 =	simm.s32 @!p0 $0x1082;
	s9 =	sld [smem:$0x3FA4]  }
0x2f: {  	lr =	sadd.s32 s0, s3;
	s0 =	sld [smem:$0x3F9B]  }
0x30: {  	s3 =	sld [smem:$0x3F9E]  }
0x31: {  	[smem:$0x3FA7] =	sst s10  }
0x32: {  	s10 =	sld [smem:$0x3FA5];
	_ =	sdelay $0x3  }
0x33: {  	p0 =	seq.s32 s10, $0x1;
	s10 =	sld [smem:$0x3FA7];
	_ =	sdelay $0x3  }
0x34: {  	[smem:$0x3FA7] =	sst s10  }
0x35: {  	s10 =	sld [smem:$0x3FA6];
	_ =	sdelay $0x3  }
0x36: {  	p1 =	seq.s32 s10, $0x1;
	s10 =	sld [smem:$0x3FA7];
	_ =	sdelay $0x3  }
0x37: {  	[smem:$0x3FA7] =	sst s10  }
0x38: {  	s10 =	sld [smem:$0x3FA8]  }
0x39: {  	_ = 	snop;
	(pc) =	sbr.ind lr, $3  }
0x3a: {  	_ = 	snop  }
0x3b: {  	_ = 	snop  }
0x3c: {  	p2 =	seq.s32 s10, $0x1;
	s10 =	sld [smem:$0x3FA7]  }
0x3d: {  	_ =	shalt  }
0x3e: {  	_ =	shalt  }
0x3f: {  	_ =	shalt  }
0x40: {  	_ =	shalt  }
0x41: {  	_ =	shalt  }
0x42: {  	_ =	shalt  }
0x43: {  	_ =	shalt  }
0x44: {  	_ =	shalt  }
0x45: {  	_ =	shalt  }
0x46: {  	_ =	shalt  }
0x47: {  	_ =	shalt  }
0x48: {  	_ =	shalt  }
0x49: {  	_ =	shalt  }
0x4a: {  	_ =	shalt  }
0x4b: {  	_ =	shalt  }
0x4c: {  	_ =	shalt  }
0x4d: {  	_ =	shalt  }
0x4e: {  	_ =	shalt  }
0x4f: {  	_ =	shalt  }
0x50: {  	_ =	shalt  }
0x51: {  	_ =	shalt  }
0x52: {  	_ =	shalt  }
0x53: {  	_ =	shalt  }
0x54: {  	_ =	shalt  }
0x55: {  	_ =	shalt  }
0x56: {  	_ =	shalt  }
0x57: {  	_ =	shalt  }
0x58: {  	_ =	shalt  }
0x59: {  	_ =	shalt  }
0x5a: {  	_ =	shalt  }
0x5b: {  	_ =	shalt  }
0x5c: {  	_ =	shalt  }
0x5d: {  	_ =	shalt  }
0x5e: {  	_ =	shalt  }
0x5f: {  	_ =	shalt  }
0x60: {  	_ =	shalt  }
0x61: {  	_ =	shalt  }
0x62: {  	_ =	shalt  }
0x63: {  	_ =	shalt  }
0x64: {  	_ =	shalt  }
0x65: {  	_ =	shalt  }
0x66: {  	_ =	shalt  }
0x67: {  	_ =	shalt  }
0x68: {  	_ =	shalt  }
0x69: {  	_ =	shalt  }
0x6a: {  	_ =	shalt  }
0x6b: {  	_ =	shalt  }
0x6c: {  	_ =	shalt  }
0x6d: {  	_ =	shalt  }
0x6e: {  	_ =	shalt  }
0x6f: {  	_ =	shalt  }
0x70: {  	_ =	shalt  }
0x71: {  	_ =	shalt  }
0x72: {  	_ =	shalt  }
0x73: {  	_ =	shalt  }
0x74: {  	_ =	shalt  }
0x75: {  	_ =	shalt  }
0x76: {  	_ =	shalt  }
0x77: {  	_ =	shalt  }
0x78: {  	_ =	shalt  }
0x79: {  	_ =	shalt  }
0x7a: {  	_ =	shalt  }
0x7b: {  	_ =	shalt  }
0x7c: {  	_ =	shalt  }
0x7d: {  	_ =	shalt  }
0x7e: {  	_ =	shalt  }
0x7f: {  	_ =	shalt  }
0x80: {  	_ =	shalt  }
0x81: {  	_ =	shalt  }
0x82: {  	_ =	shalt  }
0x83: {  	_ =	shalt  }
0x84: {  	_ =	shalt  }
0x85: {  	_ =	shalt  }
0x86: {  	_ =	shalt  }
0x87: {  	_ =	shalt  }
.Lfunc_end0:
.L_simem_size_0:
called_computation.3_lowered:
.L_overlay_start_0:
0x88: {  	s0 =	sld [smem:$0x3FD9]  }
0x89: {  	s1 =	sld [smem:$0x3FFE];
	_ =	sdelay $0x3  }
0x8a: {  	s0 =	sadd.s32 s1, s0  }
0x8b: {  	[smem:$0x3FB3] =	sst s0  }
0x8c: {  	_ = 	snop  }
0x8d: {  	(tm) =	ssettm $0x1  }
0x8e: {  	s15 =	sld [smem:$0x3FFB];
	_ =	sdelay $0x3  }
0x8f: {  	_ =	strace s15  }
0x90: {  	s0 =	sld [smem:$0x3FFC];
	_ =	sdelay $0x3  }
0x91: {  	_ =	strace s0  }
0x92: {  	s0 =	sld [smem:$0x3FFD];
	_ =	sdelay $0x3  }
0x93: {  	_ =	strace s0  }
0x94: {  	_ =	strace $0x8FFFFFFF  }
0x95: {  	s16 =	sld [smem:$0x3FDB];
	_ =	sdelay $0x1  }
0x96: {  	s17 =	simm.s32 $_scs_section_size  }
0x97: {  	s2 =	simm.s32 $_size__tile_overlayer_lowered;
	s3 =	simm.s32 $_tile_overlayer_lowered  }
0x98: {  	s20 =	simm.s32 $0x1BFF;
	s19 =	sshll.u32 s3, $0x1;
	s0 =	sadd.s32 s17, s16  }
0x99: {  	s4 =	simm.s32 $0x0;
	s18 =	sshll.u32 s2, $0x1;
	s2 =	sadd.s32 s19, s0  }
0x9a: {  	[timem:s4], [sflag:s20] =	dma.local [hbm:s2], s18  }
0x9b: {  	_ =	swait.ge [sflag:s20], s18  }
0x9c: {  	s1 =	ssub.s32 $0x0, s18;
	[sflag:s20] =	ssyncset.done $0x0  }
0x9d: {  	[sflag:s20] =	ssyncadd.s32 s1;
	_ =	sdelay $0x1  }
0x9e: {  	s21 =	simm.s32 $0x1B8B  }
0x9f: {  	_ =	swait.ge [sflag:s21], $0x1  }
0xa0: {  	[sflag:s21] =	ssyncset.done $0x0  }
0xa1: {  	s23 =	simm.s32 $0x1B8E;
	s22 =	sld [smem:$0x3FFE];
	[sflag:s21] =	ssyncadd.s32 $0xFFFFFFFF  }
0xa2: {  	s24 =	simm.s32 $execute0_lowered;
	[smem:$0x3FD2] =	sst s23  }
0xa3: {  	s2 =	sshll.u32 s24, $0x1;
	_ =	strace $0x80000055;
	[dreg:$0x1] =	wrdreg $0xFFFFFFFF  }
0xa4: {  	s25 =	simm.s32 $_size_execute0_lowered;
	s0 =	sadd.s32 s0, s2;
	[dreg:$0x0] =	wrdreg $0x0  }
0xa5: {  	s2 =	sshll.u32 s25, $0x1;
	[dreg:$0x2] =	wrdreg s0  }
0xa6: {  	[dreg:$0x3] =	wrdreg s2  }
0xa7: {  	[dreg:$0x4] =	wrdreg $0xC0  }
0xa8: {  	_ =	task [dreg:s4], $0x5FFFF  }
0xa9: {  	[dreg:$0x1] =	wrdreg $0xFFFFFFFF  }
0xaa: {  	[dreg:$0x0] =	wrdreg $0x60  }
0xab: {  	[dreg:$0x2] =	wrdreg s22  }
0xac: {  	[dreg:$0x3] =	wrdreg $0xA  }
0xad: {  	_ =	task.clear_ibuf [dreg:s4], $0x4FFFF;
	_ =	strace $0x90000055  }
0xae: {  	s26 =	simm.s32 $0xA;
	_ =	strace $0x80000057  }
0xaf: {  	_ =	swait.ge [sflag:s26], $0x1  }
0xb0: {  	[sflag:s26] =	ssyncadd.s32 $0xFFFFFFFF  }
0xb1: {  	_ =	strace $0x90000057  }
0xb2: {  	_ =	sfence  }
0xb3: {  	s28 =	sld [smem:$0x0];
	_ =	sdelay $0x1  }
0xb4: {  	s29 =	srdreg.scid  }
0xb5: {  	s30 =	sshll.u32 s29, $0xD;
	s31 =	sshrl.u32 s29, $0x2  }
0xb6: {  	s1 =	sand.u32 $0x1, s29;
	s2 =	sand.u32 $0x4000, s30;
	s0 =	sadd.s32 s31, s28  }
0xb7: {  	s1 =	sor.u32 s2, s1;
	s0 =	sshll.u32 s0, $0x11  }
0xb8: {  	s0 =	sor.u32 s0, s1  }
0xb9: {  	s0 =	sadd.s32 $0x8F2B, s0  }
0xba: {  	[sflag:s0] =	ssyncadd.remote.s32 $0x1  }
0xbb: {  	_ =	sfence.sel $0xFFFF  }
0xbc: {  	[dreg:$0x0] =	wrdreg $0xFFFFFFFF;
	(pc) =	sbr.abs _section_cstart, $3  }
0xbd: {  	[dreg:$0x1] =	wrdreg $0xFFFFFFFF  }
0xbe: {  	_ =	task.clear_ibuf [dreg:s4], $0x2FFFF;
	_ =	strace $0x9FFFFFFF  }
0xbf: {  	(tm) =	ssettm $0x7FFFFFFF  }
tec
execute0_lowered:
.L_overlay_start_1:
0x0: {  	(tag) =	ssettag $0x1  }
0x1: {  	s0 =	rddreg [dreg:$0x0];
	_ =	strace $0x80000056;
	s1 =	simm.s32 $0x1  }
0x2: {  	s8 =	simm.s32 $0x108;
	v0 =	vimm.s32 $0x0;
	[sflag:s1] =	ssyncpa.u1 $0x0  }
0x3: {  	[tilespmem:s8+$0x70] =	vst v0  }
0x4: {  	[tilespmem:s8+$0x60] =	vst v0  }
0x5: {  	[tilespmem:s8+$0x50] =	vst v0  }
0x6: {  	[tilespmem:s8+$0x40] =	vst v0  }
0x7: {  	[tilespmem:s8+$0x30] =	vst v0  }
0x8: {  	s2 =	simm.s32 $0x40;
	s1 =	sadd.s32 $0x1C80400, s0;
	[tilespmem:s8+$0x20] =	vst v0  }
0x9: {  	s3 =	sadd.s32 $0x5F400, s0;
	s4 =	sadd.s32 $0xEC4800, s0;
	s5 =	sadd.s32 $0x79400, s0;
	[tilespmem:s8+$0x10] =	vst v0  }
.LBB2_1:
0xa: {  	s2 =	sadd.s32 $0x40, s2;
	[tilespmem:s8+$0x0] =	vst v0;
	s8 =	sadd.s32 $0x80, s8  }
0xb: {  	p0 =	slt.u32 s2, $0x3C40;
	[tilespmem:s8+$0x70] =	vst v0  }
0xc: {  	[tilespmem:s8+$0x60] =	vst v0  }
.Ltmp0:
0xd: {  	[tilespmem:s8+$0x50] =	vst v0;
	(pc) =	sbr.rel @p0 .LBB2_1-.Ltmp0, $4  }
0xe: {  	[tilespmem:s8+$0x40] =	vst v0  }
0xf: {  	[tilespmem:s8+$0x30] =	vst v0  }
0x10: {  	[tilespmem:s8+$0x20] =	vst v0  }
0x11: {  	[tilespmem:s8+$0x10] =	vst v0  }
0x12: {  	s13 =	stileid.u32  }
0x13: {  	s0 =	smul.u32 $0xDD, s13  }
0x14: {  	s2 =	smin.u32 s13, $0x6  }
0x15: {  	s0 =	sadd.s32 s2, s0  }
0x16: {  	p0 =	slt.u32 s13, $0x6;
	s6 =	smul.u32 $0xF0, s0;
	s0 =	simm.s32 $0xD020  }
0x17: {  	s0 =	simm.s32 @!p0 $0xCF30  }
0x18: {  	s0 =	sadd.s32 s0, s6  }
0x19: {  	s7 =	smin.u32 s0, $0xCF850  }
0x1a: {  	s0 =	ssub.s32 s7, s6  }
0x1b: {  	p0 =	sgt.s32 s0, $0x0  }
0x1c: {  	s0 =	simm.s32 @!p0 $0x0  }
0x1d: {  	s31 =	smulhi.u32 $0x88888889, s0  }
0x1e: {  	s30 =	simm.s32 $0x2;
	s9 =	simm.s32 $0x7;
	s10 =	simm.s32 $0x8  }
0x1f: {  	s19 =	simm.s32 $0x0;
	s15 =	simm.s32 $0xA;
	s2 =	sshrl.u32 s31, $0x7  }
0x20: {  	s17 =	simm.s32 $0x0;
	s18 =	simm.s32 $0x0;
	s11 =	smul.u32 $0xF0, s2  }
.Ltmp1:
0x21: {  	[tilespmem:s8+$0x0] =	vst v0;
	v0 =	vimm.s32 $0xFFFFFFFF;
	[sflag:s30] =	ssyncpa.u1 $0x0;
	s13 =	sshll.u32 s13, $0x8;
	(pc) =	sbr.rel .LBB2_3-.Ltmp1, $4  }
0x22: {  	[tilespmem:$0xF208] =	vst v0;
	[sflag:s9] =	ssyncpa.u1 $0x0;
	p0 =	sne.s32 s0, s11;
	s0 =	simm.s32 $0x1  }
0x23: {  	[sflag:s10] =	ssyncpa.u1 $0x0;
	s10 =	simm.s32 $0x9;
	s0 =	simm.s32 @!p0 $0x0  }
0x24: {  	[sflag:s10] =	ssyncpa.u1 $0x0;
	s16 =	smov.u32 s6;
	s12 =	sadd.s32 s0, s2  }
0x25: {  	v0 =	vlaneseq.u32;
	s11 =	simm.s32 $0x1;
	p0 =	por $0x0, $0x0;
	s14 =	sadd.s32 $0x1, s12  }
.LBB2_18:
0x26: {  	s0 =	sshrl.u32 s28, $0x2  }
.LBB2_20:
0x27: {  	_ =	swait.ge [sflag:s15], s0  }
0x28: {  	s31 =	ssub.s32 $0x0, s0;
	v1 =	vmov s21;
	vm0 =	veq.s32 v0, $0x0;
	[sflag:s15] =	ssyncset.done $0x0  }
0x29: {  	vm15 =	veq.s32 v0, $0x2;
	v1 =	vsel vm0, s26, v1;
	[sflag:s15] =	ssyncadd.s32 s31  }
0x2a: {  	v1 =	vsel vm15, s19, v1;
	[sflag:s15] =	ssyncpa.u1 $0x1  }
0x2b: {  	[tilespmem:$0xF208] =	vst v1  }
.LBB2_21:
0x2c: {  	s0 =	sadd.s32 $0xF0, s16  }
0x2d: {  	s2 =	smov.u32 s6;
	p1 =	slt.s32 s0, s7  }
0x2e: {  	s2 =	smov.u32 @p1 s0;
	p1 =	sne.s32 s18, s14  }
.Ltmp2:
0x2f: {  	_ = 	snop;
	(pc) =	sbr.rel @!p1 .LBB2_22-.Ltmp2, $3  }
0x30: {  	_ =	sdelay $0x1  }
0x31: {  	s19 =	smov.u32 s17;
	s31 =	sadd.s32 $0x1, s18;
	s17 =	smov.u32 s16  }
0x32: {  	p0 =	por !p0, !p0;
	s18 =	smov.u32 s31;
	s16 =	smov.u32 s2  }
.LBB2_3:
0x33: {  	p1 =	sge.u32 s18, s12  }
0x34: {  	s0 =	smulhi.u32 @!p1 $0xAAAAAAAB, s18  }
0x35: {  	s2 =	smov.u32 s16;
	p2 =	sgt.s32 @!p1 s16, $0xCF760  }
0x36: {  	s20 =	sshra.s32 @!p1 s16, $0x1F;
	p2 =	por !p2, p1;
	s0 =	sshrl.u32 @!p1 s0, $0x1  }
0x37: {  	s20 =	sand.u32 @!p1 s20, s16;
	s2 =	simm.s32 @p2 $0xCF760;
	s0 =	smul.u32 @!p1 $0x3, s0  }
0x38: {  	s2 =	ssub.s32 @!p1 s2, s20  }
0x39: {  	s2 =	sadd.s32 @!p1 $0xFFF308A0, s2;
	s0 =	ssub.s32 @!p1 s18, s0  }
0x3a: {  	s20 =	sshll.u32 @!p1 s2, $0x2;
	p2 =	sgt.s32 @!p1 s2, $0xEF;
	s0 =	smul.u32 @!p1 $0x3C0, s0  }
0x3b: {  	s21 =	sand.u32 @!p1 $0x7, s16;
	s2 =	ssub.s32 @!p1 $0x3C0, s20;
	p2 =	por !p2, p1  }
0x3c: {  	s20 =	sshrl.u32 @!p1 s16, $0x3;
	s2 =	sshrl.u32 @!p1 s2, $0x2;
	s0 =	sshrl.u32 @!p1 s0, $0x2  }
0x3d: {  	s20 =	sadd.s32 @!p1 s5, s20;
	s2 =	simm.s32 @!p2 $0x0;
	s0 =	sadd.s32 @!p1 $0x10238, s0  }
0x3e: {  	[tilespmem:s0], [sflag:$0x8] =	stream.linear.gather @!p1 [hbm4b:s20+s21], s2, $0x38;
	[tilespmem:$0x1F6E8] =	vst v63  }
0x3f: {  	s0 =	sadd.s32 $0xFFFFFFFF, s18  }
0x40: {  	p1 =	sge.u32 s0, s12  }
0x41: {  	p2 =	sgt.s32 @!p1 s17, $0xCF760  }
0x42: {  	s2 =	smov.u32 s17;
	s20 =	sshra.s32 @!p1 s17, $0x1F;
	p2 =	por !p2, p1  }
0x43: {  	s20 =	sand.u32 @!p1 s20, s17;
	s2 =	simm.s32 @p2 $0xCF760  }
0x44: {  	s2 =	ssub.s32 @!p1 s2, s20  }
0x45: {  	s2 =	sadd.s32 @!p1 $0xFFF308A0, s2  }
0x46: {  	s21 =	sand.u32 @!p1 $0x1, s0;
	s20 =	sshll.u32 @!p1 s2, $0x2  }
0x47: {  	p2 =	sgt.s32 @!p1 s2, $0xEF;
	s2 =	ssub.s32 @!p1 $0x3C0, s20;
	s20 =	smulhi.u32 @!p1 $0xAAAAAAAB, s0  }
0x48: {  	s23 =	smul.u32 @!p1 $0x3C0, s21;
	p2 =	por !p2, p1;
	s2 =	sshrl.u32 @!p1 s2, $0x2  }
0x49: {  	s22 =	simm.s32 @!p1 $0x8;
	s2 =	simm.s32 @!p2 $0x0;
	s20 =	sshrl.u32 @!p1 s20, $0x1  }
0x4a: {  	s23 =	sshrl.u32 @!p1 s23, $0x2;
	_ =	swait.ge @!p1 [sflag:s22], s2;
	s20 =	smul.u32 @!p1 $0x3, s20  }
0x4b: {  	s23 =	sor.u32 @!p1 $0x10508, s23;
	s24 =	ssub.s32 @!p1 $0x0, s2;
	[sflag:s22] =	ssyncset.done @!p1 $0x0  }
0x4c: {  	[sflag:s22] =	ssyncadd.s32 @!p1 s24;
	s22 =	sshrl.u32 @!p1 s17, $0x3;
	s0 =	ssub.s32 @!p1 s0, s20  }
0x4d: {  	s24 =	sand.u32 @!p1 $0x7, s17;
	s22 =	sadd.s32 @!p1 s3, s22;
	s0 =	smul.u32 @!p1 $0x3C0, s0  }
0x4e: {  	[tilespmem:s23], [sflag:$0x9] =	stream.linear.gather @!p1 [hbm4b:s22+s24], s2, $0x38;
	[tilespmem:$0x1F6E8] =	vst v63  }
0x4f: {  	s20 =	ssub.s32 @!p1 $0xCF850, s17;
	s2 =	smul.u32 @!p1 $0x1E000, s21  }
0x50: {  	p2 =	slt.s32 @!p1 s20, $0xF0  }
0x51: {  	p2 =	por !p2, p1;
	s0 =	sshrl.u32 @!p1 s0, $0x2;
	s2 =	sshrl.u32 @!p1 s2, $0x2  }
0x52: {  	s20 =	simm.s32 @p2 $0xF0;
	s0 =	sadd.s32 @!p1 $0x10238, s0;
	s2 =	sor.u32 @!p1 $0x106E8, s2  }
0x53: {  	[tilespmem:s2], [sflag:$0x7] =	stream.indirect.gather @!p1 [hbm4b:s4+s20], $0x80, s0, s20, $0xb8;
	[tilespmem:$0x1F6E8] =	vst v63  }
0x54: {  	p1 =	slt.u32 s18, $0x2  }
.Ltmp3:
0x55: {  	_ = 	snop;
	(pc) =	sbr.rel @p1 .LBB2_21-.Ltmp3, $1  }
0x56: {  	_ =	sdelay $0x3  }
0x57: {  	p1 =	sgt.s32 s19, $0xCF760;
	s0 =	smov.u32 s19  }
0x58: {  	s2 =	sshra.s32 s19, $0x1F;
	s20 =	ssub.s32 $0xCF850, s19;
	s0 =	simm.s32 @!p1 $0xCF760  }
0x59: {  	s2 =	sand.u32 s2, s19;
	p1 =	slt.s32 s20, $0xF0;
	s21 =	smov.u32 s20  }
0x5a: {  	s0 =	ssub.s32 s0, s2;
	s21 =	simm.s32 @!p1 $0xF0  }
0x5b: {  	s0 =	sadd.s32 $0xFFF308A0, s0;
	s28 =	sshll.u32 s21, $0x7  }
0x5c: {  	s29 =	sshll.u32 s0, $0x2;
	s2 =	sand.u32 $0x3FFFFF80, s28  }
0x5d: {  	p1 =	sgt.s32 s0, $0xEF;
	s30 =	ssub.s32 $0x3C0, s29;
	_ =	swait.ge [sflag:s9], s2  }
0x5e: {  	s2 =	ssub.s32 $0x0, s2;
	[sflag:s9] =	ssyncset.done $0x0;
	s0 =	sshrl.u32 s30, $0x2  }
0x5f: {  	[sflag:s9] =	ssyncadd.s32 s2;
	s0 =	simm.s32 @p1 $0x0  }
0x60: {  	_ =	swait.ge [sflag:s10], s0  }
0x61: {  	s0 =	ssub.s32 $0x0, s0;
	[sflag:s10] =	ssyncset.done $0x0  }
0x62: {  	[sflag:s10] =	ssyncadd.s32 s0  }
0x63: {  	v1 =	vld [tilespmem:$0xF208];
	_ =	sdelay $0x4  }
0x64: {  	(v2sf) =	vpush v1, $0x0  }
0x65: {  	(v2sf) =	vpush v1, $0x1  }
0x66: {  	(v2sf) =	vpush v1, $0x2;
	_ =	sdelay $0x3  }
0x67: {  	s0 =	sadd.s32 $0xF0, s19  }
0x68: {  	p1 =	slt.s32 s7, s0  }
0x69: {  	s0 =	smov.u32 @p1 s7;
	p1 =	sgt.s32 s20, $0x0  }
0x6a: {  	s23 =	ssub.s32 s0, s19;
	s20 =	simm.s32 @!p1 $0x0  }
0x6b: {  	p1 =	slt.s32 s20, s23  }
0x6c: {  	s23 =	smov.u32 @p1 s20  }
0x6d: {  	s22 =	simm.s32 $0x1;
	p1 =	slt.s32 s23, $0x1  }
.Ltmp4:
0x6e: {  	s22 =	simm.s32 @!p0 $0x0;
	(pc) =	sbr.rel @p1 .LBB2_8-.Ltmp4, $4  }
0x6f: {  	s31 =	smul.u32 $0x3C0, s22  }
0x70: {  	s24 =	spop (v2sf)  }
0x71: {  	s0 =	sshrl.u32 s31, $0x2;
	s26 =	spop (v2sf)  }
0x72: {  	s20 =	sor.u32 $0x10508, s0;
	s19 =	spop (v2sf)  }
0x73: {  	s0 =	smin.u32 s23, $0x10  }
0x74: {  	v1 =	vmov s0  }
0x75: {  	p2 =	sgt.s32 s23, $0x10;
	vm1 =	vgt.u32 v1, v0  }
.Ltmp5:
0x76: {  	_ = 	snop;
	(pc) =	sbr.rel @!p2 .LBB2_7-.Ltmp5, $2  }
0x77: {  	_ =	sdelay $0x2  }
0x78: {  	s25 =	simm.s32 $0x10;
	s28 =	sadd.s32 $0xFFFFFFF0, s23;
	s21 =	smov.u32 s20;
	vm0 =	vmmov vm1  }
.LBB2_6:
0x79: {  	s0 =	smin.u32 s28, $0x10;
	s25 =	sadd.s32 $0x10, s25;
	v1 =	vld.msk [tilespmem:s21+$0x0 ss:$0x1], vm1  }
0x7a: {  	v2 =	vmov s0;
	p2 =	slt.s32 s25, s23  }
0x7b: {  	vm1 =	vgt.u32 v2, v0  }
.Ltmp6:
0x7c: {  	(pc) =	sbr.rel @p2 .LBB2_6-.Ltmp6, $3  }
0x7d: {  	_ =	sdelay $0x1  }
0x7e: {  	v1 =	vshll.u32 v1, $0x4  }
0x7f: {  	s28 =	sadd.s32 $0xFFFFFFF0, s28;
	[tilespmem:s21+$0x0] =	vst.msk vm0, v1;
	s21 =	sadd.s32 $0x10, s21;
	vm0 =	vmmov vm1  }
.LBB2_7:
0x80: {  	_ =	sdelay $0x4  }
0x81: {  	v1 =	vld.msk [tilespmem:s21+$0x0 ss:$0x1], vm1;
	_ =	sdelay $0x4  }
0x82: {  	v1 =	vshll.u32 v1, $0x4  }
0x83: {  	[tilespmem:s21+$0x0] =	vst.msk vm0, v1  }
.LBB2_8:
0x84: {  	s0 =	sand.u32 $0x1, s18  }
0x85: {  	s0 =	smul.u32 $0xF0, s0  }
0x86: {  	p2 =	sne.s32 s26, $0xFFFFFFFF  }
0x87: {  	v1 =	vld.msk @!p2 [tilespmem:s0+$0x10508], $0x1;
	_ =	sdelay $0x4  }
0x88: {  	(v2sf) =	vpush @!p2 v1, $0x0;
	_ =	sdelay $0xc  }
.Ltmp7:
0x89: {  	_ = 	snop;
	(pc) =	sbr.rel @p1 .LBB2_19-.Ltmp7, $4  }
0x8a: {  	_ = 	snop  }
0x8b: {  	s25 =	spop @!p2 (v2sf)  }
0x8c: {  	s19 =	simm.s32 @!p2 $0x0;
	s21 =	smov.u32 s25  }
0x8d: {  	[sflag:s15] =	ssyncpa.u1 $0x0;
	s25 =	smov.u32 @p2 s24;
	s21 =	smov.u32 @p2 s26  }
0x8e: {  	v1 =	vld.msk [tilespmem:s20+$0x0], $0x1;
	_ =	sdelay $0x4  }
0x8f: {  	(v2sf) =	vpush v1, $0x0;
	_ =	sdelay $0xe  }
0x90: {  	s0 =	smul.u32 $0x1E000, s22;
	s29 =	spop (v2sf)  }
0x91: {  	s23 =	ssub.s32 $0x0, s23;
	p1 =	seq.s32 s25, s29  }
0x92: {  	s26 =	sadd.s32 $0x1, s23;
	s0 =	sshrl.u32 s0, $0x2;
	p2 =	sgt.s32 @!p1 s25, $0x0  }
0x93: {  	s22 =	sor.u32 $0x10728, s0;
	s0 =	smov.u32 s25;
	p2 =	por !p2, p1  }
0x94: {  	s0 =	simm.s32 @p2 $0x0;
	p2 =	seq.s32 s26, $0x0  }
.Ltmp8:
0x95: {  	_ = 	snop;
	(pc) =	sbr.rel @p2 .LBB2_11-.Ltmp8, $4  }
0x96: {  	_ = 	snop  }
0x97: {  	s24 =	simm.s32 $0x0;
	s28 =	sadd.s32 $0x1, s20;
	s0 =	smin.u32 @!p1 s0, $0xC34F0  }
0x98: {  	s30 =	simm.s32 @!p1 $0x1;
	s31 =	simm.s32 @!p1 $0x7988;
	s2 =	sand.u32 @!p1 $0xFFFF8, s0  }
0x99: {  	s30 =	smov.u32 @p1 s24;
	s0 =	sand.u32 @!p1 $0x7, s0;
	s2 =	sadd.s32 @!p1 s1, s2  }
.LBB2_10:
0x9a: {  	s8 =	smov.u32 s30  }
0x9b: {  	[tilespmem:s31], [sflag:$0x2] =	stream.linear.gather @!p1 [hbm4b:s2+s0], $0x80, $0x38;
	[tilespmem:$0x1F6E8] =	vst v63  }
0x9c: {  	s26 =	sadd.s32 $0x1, s26;
	s0 =	smov.u32 s29;
	v1 =	vld.msk [tilespmem:s28+$0x0], $0x1  }
0x9d: {  	p2 =	seq.s32 s26, $0x0;
	_ =	sdelay $0x3  }
0x9e: {  	(v2sf) =	vpush v1, $0x0;
	_ =	sdelay $0xe  }
0x9f: {  	s29 =	spop (v2sf)  }
0xa0: {  	p1 =	seq.s32 s0, s29  }
0xa1: {  	p3 =	sgt.s32 @!p1 s0, $0x0;
	s2 =	sshll.u32 @!p1 s30, $0x9;
	s30 =	sadd.s32 @!p1 $0x1, s30  }
.Ltmp9:
0xa2: {  	p3 =	por !p3, p1;
	s2 =	sshra.s32 @!p1 s2, $0x2;
	(pc) =	sbr.rel @!p2 .LBB2_10-.Ltmp9, $4  }
0xa3: {  	s30 =	smov.u32 @p1 s8;
	s0 =	simm.s32 @p3 $0x0;
	s31 =	sadd.s32 @!p1 $0x7988, s2  }
0xa4: {  	s0 =	smin.u32 @!p1 s0, $0xC34F0  }
0xa5: {  	s2 =	sand.u32 @!p1 $0xFFFF8, s0;
	s0 =	sand.u32 @!p1 $0x7, s0  }
0xa6: {  	s28 =	sadd.s32 $0x1, s28;
	s2 =	sadd.s32 @!p1 s1, s2  }
.LBB2_11:
0xa7: {  	[tilespmem:s31], [sflag:$0x2] =	stream.linear.gather @!p1 [hbm4b:s2+s0], $0x80, $0x38;
	[tilespmem:$0x1F6E8] =	vst v63  }
.Ltmp10:
0xa8: {  	s30 =	sshll.u32 s30, $0x7;
	(pc) =	sbr.rel .LBB2_12-.Ltmp10, $4  }
0xa9: {  	s31 =	simm.s32 $0x2;
	s0 =	sand.u32 $0x3FFFFF80, s30  }
0xaa: {  	_ =	swait.ge [sflag:s31], s0  }
0xab: {  	s0 =	ssub.s32 $0x0, s0;
	[sflag:s31] =	ssyncset.done $0x0  }
0xac: {  	s28 =	simm.s32 $0x0;
	[sflag:s31] =	ssyncadd.s32 s0  }
.LBB2_13:
0xad: {  	v1 =	vld [tilespmem:s22+$0xFFFFFFC0];
	_ =	sdelay $0x3  }
0xae: {  	s0 =	sshra.s32 s0, $0x2  }
0xaf: {  	[tilespmem:s0+$0x108] =	vst.add.f32.msk $0xffff, v1  }
0xb0: {  	v1 =	vld [tilespmem:s22+$0xFFFFFFD0];
	_ =	sdelay $0x4  }
0xb1: {  	[tilespmem:s0+$0x118] =	vst.add.f32.msk $0xffff, v1  }
0xb2: {  	v1 =	vld [tilespmem:s22+$0xFFFFFFE0];
	_ =	sdelay $0x4  }
0xb3: {  	[tilespmem:s0+$0x128] =	vst.add.f32.msk $0xffff, v1  }
0xb4: {  	v1 =	vld [tilespmem:s22+$0xFFFFFFF0];
	_ =	sdelay $0x4  }
0xb5: {  	[tilespmem:s0+$0x138] =	vst.add.f32.msk $0xffff, v1  }
0xb6: {  	v1 =	vld [tilespmem:s22+$0x0];
	_ =	sdelay $0x4  }
0xb7: {  	[tilespmem:s0+$0x148] =	vst.add.f32.msk $0xffff, v1  }
0xb8: {  	v1 =	vld [tilespmem:s22+$0x10];
	_ =	sdelay $0x4  }
0xb9: {  	[tilespmem:s0+$0x158] =	vst.add.f32.msk $0xffff, v1  }
0xba: {  	v1 =	vld [tilespmem:s22+$0x20];
	_ =	sdelay $0x4  }
0xbb: {  	[tilespmem:s0+$0x168] =	vst.add.f32.msk $0xffff, v1  }
0xbc: {  	v1 =	vld [tilespmem:s22+$0x30];
	_ =	sdelay $0x4  }
0xbd: {  	[tilespmem:s0+$0x178] =	vst.add.f32.msk $0xffff, v1  }
.LBB2_17:
0xbe: {  	s23 =	sadd.s32 $0x1, s23  }
0xbf: {  	p1 =	seq.s32 s23, $0x0  }
.Ltmp11:
0xc0: {  	_ = 	snop;
	(pc) =	sbr.rel @p1 .LBB2_18-.Ltmp11, $2  }
0xc1: {  	_ =	sdelay $0x2  }
0xc2: {  	s20 =	sadd.s32 $0x1, s20;
	s22 =	sadd.s32 $0x80, s22;
	s25 =	smov.u32 s26  }
.LBB2_12:
0xc3: {  	v1 =	vld.msk [tilespmem:s20+$0x0], $0x1;
	_ =	sdelay $0x4  }
0xc4: {  	(v2sf) =	vpush v1, $0x0;
	_ =	sdelay $0xe  }
0xc5: {  	s26 =	spop (v2sf)  }
0xc6: {  	p1 =	sne.s32 s25, s26  }
.Ltmp12:
0xc7: {  	_ = 	snop;
	(pc) =	sbr.rel @!p1 .LBB2_13-.Ltmp12, $2  }
0xc8: {  	_ =	sdelay $0x2  }
0xc9: {  	s0 =	sshll.u32 s19, $0x9  }
0xca: {  	p1 =	seq.s32 s25, s21  }
.Ltmp13:
0xcb: {  	_ = 	snop;
	(pc) =	sbr.rel @!p1 .LBB2_15-.Ltmp13, $1  }
0xcc: {  	_ =	sdelay $0x3  }
0xcd: {  	s0 =	sshra.s32 s0, $0x2  }
.Ltmp14:
0xce: {  	s0 =	sadd.s32 $0x108, s0;
	(pc) =	sbr.rel .LBB2_16-.Ltmp14, $4  }
0xcf: {  	[spmem:s13] =	stream.linear.scatter [tilespmem:s0], [sflag:$0x1], $0x80, $0x38;
	[tilespmem:$0x1F6E8] =	vst v63  }
0xd0: {  	_ =	swait.ge [sflag:s11], $0x80  }
0xd1: {  	[sflag:s11] =	ssyncset.done $0x0  }
0xd2: {  	[sflag:s11] =	ssyncadd.s32 $0xFFFFFF80  }
.LBB2_15:
0xd3: {  	s2 =	sshll.u32 s24, $0x9  }
0xd4: {  	s2 =	sshra.s32 s2, $0x2  }
0xd5: {  	v1 =	vld [tilespmem:s2+$0x7988];
	_ =	sdelay $0x3  }
0xd6: {  	s0 =	sshra.s32 s0, $0x2  }
0xd7: {  	[tilespmem:s0+$0x108] =	vst.add.f32.msk $0xffff, v1  }
0xd8: {  	v1 =	vld [tilespmem:s2+$0x7998];
	_ =	sdelay $0x4  }
0xd9: {  	[tilespmem:s0+$0x118] =	vst.add.f32.msk $0xffff, v1  }
0xda: {  	v1 =	vld [tilespmem:s2+$0x79A8];
	_ =	sdelay $0x4  }
0xdb: {  	[tilespmem:s0+$0x128] =	vst.add.f32.msk $0xffff, v1  }
0xdc: {  	v1 =	vld [tilespmem:s2+$0x79B8];
	_ =	sdelay $0x4  }
0xdd: {  	[tilespmem:s0+$0x138] =	vst.add.f32.msk $0xffff, v1  }
0xde: {  	v1 =	vld [tilespmem:s2+$0x79C8];
	_ =	sdelay $0x4  }
0xdf: {  	[tilespmem:s0+$0x148] =	vst.add.f32.msk $0xffff, v1  }
0xe0: {  	v1 =	vld [tilespmem:s2+$0x79D8];
	_ =	sdelay $0x4  }
0xe1: {  	[tilespmem:s0+$0x158] =	vst.add.f32.msk $0xffff, v1  }
0xe2: {  	v1 =	vld [tilespmem:s2+$0x79E8];
	_ =	sdelay $0x4  }
0xe3: {  	[tilespmem:s0+$0x168] =	vst.add.f32.msk $0xffff, v1  }
0xe4: {  	v1 =	vld [tilespmem:s2+$0x79F8];
	_ =	sdelay $0x2  }
0xe5: {  	p1 =	sgt.u32 s25, $0xC34F0  }
0xe6: {  	s2 =	sand.u32 @!p1 $0xFFFF8, s25  }
0xe7: {  	s8 =	sadd.s32 $0x108, s0;
	[tilespmem:s0+$0x178] =	vst.add.f32.msk $0xffff, v1;
	s0 =	sadd.s32 @!p1 s1, s2;
	s2 =	sand.u32 @!p1 $0x7, s25  }
0xe8: {  	[hbm4b:s0+s2] =	stream.linear.scatter @!p1 [tilespmem:s8], [sflag:$0xA], $0x80, $0x38;
	[tilespmem:$0x1F6E8] =	vst v63  }
0xe9: {  	s0 =	simm.s32 $0x0  }
0xea: {  	s0 =	simm.s32 @!p1 $0x200  }
0xeb: {  	s28 =	sadd.s32 s0, s28  }
.LBB2_16:
0xec: {  	s0 =	sadd.s32 $0x1, s19  }
0xed: {  	s2 =	smulhi.u32 $0x88888889, s0;
	_ =	sdelay $0x1  }
0xee: {  	v1 =	vld [tilespmem:s22+$0xFFFFFFC0];
	s2 =	sshrl.u32 s2, $0x7  }
0xef: {  	s2 =	smul.u32 $0xF0, s2;
	_ =	sdelay $0x1  }
0xf0: {  	s19 =	ssub.s32 s0, s2  }
0xf1: {  	s0 =	sshll.u32 s19, $0x7  }
0xf2: {  	[tilespmem:s0+$0x108] =	vst v1  }
0xf3: {  	v1 =	vld [tilespmem:s22+$0xFFFFFFD0];
	_ =	sdelay $0x4  }
0xf4: {  	[tilespmem:s0+$0x118] =	vst v1  }
0xf5: {  	v1 =	vld [tilespmem:s22+$0xFFFFFFE0];
	_ =	sdelay $0x4  }
0xf6: {  	[tilespmem:s0+$0x128] =	vst v1  }
0xf7: {  	v1 =	vld [tilespmem:s22+$0xFFFFFFF0];
	_ =	sdelay $0x4  }
0xf8: {  	[tilespmem:s0+$0x138] =	vst v1  }
0xf9: {  	v1 =	vld [tilespmem:s22+$0x0];
	_ =	sdelay $0x4  }
0xfa: {  	[tilespmem:s0+$0x148] =	vst v1  }
0xfb: {  	v1 =	vld [tilespmem:s22+$0x10];
	_ =	sdelay $0x4  }
0xfc: {  	[tilespmem:s0+$0x158] =	vst v1  }
0xfd: {  	v1 =	vld [tilespmem:s22+$0x20];
	_ =	sdelay $0x4  }
0xfe: {  	[tilespmem:s0+$0x168] =	vst v1  }
0xff: {  	v1 =	vld [tilespmem:s22+$0x30]  }
.Ltmp15:
0x100: {  	_ = 	snop;
	(pc) =	sbr.rel .LBB2_17-.Ltmp15, $2  }
0x101: {  	_ =	sdelay $0x2  }
0x102: {  	s24 =	sadd.s32 $0x1, s24;
	[tilespmem:s0+$0x178] =	vst v1  }
.LBB2_19:
.Ltmp16:
0x103: {  	(pc) =	sbr.rel .LBB2_20-.Ltmp16, $4  }
0x104: {  	_ = 	snop  }
0x105: {  	s0 =	simm.s32 $0x2  }
0x106: {  	_ =	swait.ge [sflag:s0], $0x0  }
0x107: {  	s26 =	smov.u32 s25;
	[sflag:s0] =	ssyncset.done $0x0;
	s0 =	simm.s32 $0x0  }
.LBB2_22:
0x108: {  	_ =	sfence.sel $0x180000  }
0x109: {  	s0 =	simm.s32 $0x7;
	[bflag:$0x0] =	sbarrier.arrive $0xFFFF  }
0x10a: {  	s25 =	simm.s32 $0x8;
	[sflag:s0] =	ssyncpa.u1 $0x1  }
0x10b: {  	s26 =	simm.s32 $0x9;
	[sflag:s25] =	ssyncpa.u1 $0x1  }
0x10c: {  	s28 =	simm.s32 $0x2;
	[sflag:s26] =	ssyncpa.u1 $0x1  }
0x10d: {  	[sflag:s28] =	ssyncpa.u1 $0x1  }
0x10e: {  	v0 =	vld [tilespmem:$0xF208];
	_ =	sdelay $0x4  }
0x10f: {  	(v2sf) =	vpush v0, $0x0  }
0x110: {  	(v2sf) =	vpush v0, $0x1;
	_ =	sdelay $0x1  }
0x111: {  	(v2sf) =	vpush v0, $0x2;
	_ =	sdelay $0xb  }
0x112: {  	s0 =	spop (v2sf)  }
0x113: {  	s2 =	spop (v2sf)  }
0x114: {  	s3 =	smov.u32 s0;
	p0 =	sne.s32 s0, s2  }
0x115: {  	s4 =	spop (v2sf);
	s3 =	simm.s32 @!p0 $0xFFFFFFFF  }
0x116: {  	v2 =	vimm.s32 $0x1;
	v3 =	vlaneseq.u32;
	p0 =	seq.s32 s4, $0xFFFFFFFF;
	v1 =	vmov s3  }
0x117: {  	s7 =	stileid.u32;
	v0 =	vperm.xlane v0, v2;
	p1 =	sne.s32 @!p0 s0, s2;
	v1 =	vperm.xlane v1, v3  }
0x118: {  	vm0 =	vcmask $0x3F04;
	s6 =	simm.s32 $0xF208;
	s0 =	simm.s32 @!p0 $0x1;
	p1 =	por !p1, p0  }
0x119: {  	s3 =	sshll.u32 s7, $0x1;
	s2 =	sshll.u32 @!p0 s4, $0x9;
	s0 =	simm.s32 @p1 $0x0;
	v0 =	vsel vm0, v1, v0  }
0x11a: {  	s5 =	sor.u32 $0x1000, s3;
	s2 =	sshra.s32 @!p0 s2, $0x2;
	s0 =	sor.u32 @!p0 s0, s3;
	[tilespmem:$0xF208] =	vst v0  }
0x11b: {  	[spmem:s5] =	stream.linear.scatter [tilespmem:s6], [sflag:$0x1], $0x2, $0x38;
	[tilespmem:$0x1F6E8] =	vst v63  }
0x11c: {  	s2 =	sadd.s32 @!p0 $0x108, s2;
	s0 =	sshll.u32 @!p0 s0, $0x7  }
0x11d: {  	[spmem:s0] =	stream.linear.scatter @!p0 [tilespmem:s2], [sflag:$0x1], $0x80, $0x38;
	[tilespmem:$0x1F6E8] =	vst v63  }
0x11e: {  	s0 =	simm.s32 @!p0 $0x82  }
0x11f: {  	s3 =	simm.s32 $0x1;
	s0 =	simm.s32 @p0 $0x2  }
0x120: {  	_ =	swait.ge [sflag:s3], s0  }
0x121: {  	s0 =	ssub.s32 $0x0, s0;
	[sflag:s3] =	ssyncset.done $0x0  }
0x122: {  	[sflag:s3] =	ssyncadd.s32 s0  }
0x123: {  	_ =	sfence.stream.spmem  }
0x124: {  	s29 =	simm.s32 $0x3;
	[bflag:$0x0] =	sbarrier.arrive $0xFFFF  }
0x125: {  	s30 =	simm.s32 $0x4;
	[sflag:s29] =	ssyncpa.u1 $0x1  }
0x126: {  	s31 =	simm.s32 $0x3C;
	[sflag:s30] =	ssyncpa.u1 $0x1  }
0x127: {  	p0 =	sne.s32 s7, $0x0;
	[sflag:s31] =	ssyncpa.u1 $0x1  }
0x128: {  	_ =	sfence @p0  }
0x129: {  	[sflag:s3] =	ssyncpa.u1 @p0 $0x1  }
0x12a: {  	_ =	strace @p0 $0x90000056  }
0x12b: {  	[bflag:$0x2] =	sbarrier.arrive @p0 $0xFFFF  }
0x12c: {  	_ =	shalt @p0  }
.LBB2_23:
0x12d: {  	_ =	sfence.stream.spmem;
	s0 =	simm.s32 $0x5  }
0x12e: {  	s2 =	simm.s32 $0x1000;
	s3 =	simm.s32 $0xF218;
	[sflag:s0] =	ssyncpa.u1 $0x0  }
0x12f: {  	[tilespmem:s3], [sflag:$0x5] =	stream.linear.gather [spmem:s2], $0x20, $0x38;
	[tilespmem:$0x1F6E8] =	vst v63  }
0x130: {  	s30 =	simm.s32 $0xF238;
	s2 =	simm.s32 $0x0  }
0x131: {  	[tilespmem:s30], [sflag:$0x5] =	stream.linear.gather [spmem:s2], $0x1000, $0x38;
	[tilespmem:$0x1F6E8] =	vst v63  }
.Ltmp17:
0x132: {  	_ = 	snop;
	(pc) =	sbr.rel .LBB2_24-.Ltmp17, $4  }
0x133: {  	_ =	swait.ge [sflag:s0], $0x1020  }
0x134: {  	[sflag:s0] =	ssyncset.done $0x0  }
0x135: {  	s31 =	simm.s32 $0x6;
	[sflag:s0] =	ssyncadd.s32 $0xFFFFEFE0  }
0x136: {  	s3 =	simm.s32 $0x0;
	[sflag:s31] =	ssyncpa.u1 $0x0  }
.LBB2_30:
0x137: {  	p0 =	slt.u32 s4, $0xC34F1  }
0x138: {  	s0 =	sand.u32 @p0 $0xFFFF8, s4  }
0x139: {  	s4 =	sand.u32 @p0 $0x7, s4;
	s5 =	simm.s32 @p0 $0xF188;
	s0 =	sadd.s32 @p0 s1, s0  }
0x13a: {  	[tilespmem:s5], [sflag:$0x6] =	stream.linear.gather @p0 [hbm4b:s0+s4], $0x80, $0x38;
	[tilespmem:$0x1F6E8] =	vst v63  }
0x13b: {  	s0 =	simm.s32 @p0 $0x6  }
0x13c: {  	_ =	swait.ge @p0 [sflag:s0], $0x80  }
0x13d: {  	[sflag:s0] =	ssyncset.done @p0 $0x0  }
0x13e: {  	[sflag:s0] =	ssyncadd.s32 @p0 $0xFFFFFF80  }
0x13f: {  	v1 =	vld @p0 [tilespmem:$0xF188];
	_ =	sdelay $0x2  }
0x140: {  	s0 =	sshll.u32 @p0 s3, $0x9  }
0x141: {  	s4 =	sshrl.u32 @p0 s0, $0x2  }
0x142: {  	[tilespmem:s4+$0xF238] =	vst.add.f32.msk @p0 $0xffff, v1  }
0x143: {  	v1 =	vld @p0 [tilespmem:$0xF198];
	_ =	sdelay $0x4  }
0x144: {  	[tilespmem:s4+$0xF248] =	vst.add.f32.msk @p0 $0xffff, v1  }
0x145: {  	v1 =	vld @p0 [tilespmem:$0xF1A8];
	_ =	sdelay $0x4  }
0x146: {  	[tilespmem:s4+$0xF258] =	vst.add.f32.msk @p0 $0xffff, v1  }
0x147: {  	v1 =	vld @p0 [tilespmem:$0xF1B8];
	_ =	sdelay $0x4  }
0x148: {  	[tilespmem:s4+$0xF268] =	vst.add.f32.msk @p0 $0xffff, v1  }
0x149: {  	v1 =	vld @p0 [tilespmem:$0xF1C8];
	_ =	sdelay $0x4  }
0x14a: {  	[tilespmem:s4+$0xF278] =	vst.add.f32.msk @p0 $0xffff, v1  }
0x14b: {  	v1 =	vld @p0 [tilespmem:$0xF1D8];
	_ =	sdelay $0x4  }
0x14c: {  	[tilespmem:s4+$0xF288] =	vst.add.f32.msk @p0 $0xffff, v1  }
0x14d: {  	v1 =	vld @p0 [tilespmem:$0xF1E8];
	_ =	sdelay $0x4  }
0x14e: {  	[tilespmem:s4+$0xF298] =	vst.add.f32.msk @p0 $0xffff, v1  }
0x14f: {  	v1 =	vld @p0 [tilespmem:$0xF1F8];
	_ =	sdelay $0x3  }
0x150: {  	s5 =	sshll.u32 @!p0 s3, $0x9  }
0x151: {  	s5 =	smov.u32 @p0 s0;
	[tilespmem:s4+$0xF2A8] =	vst.add.f32.msk @p0 $0xffff, v1  }
0x152: {  	s0 =	sshrl.u32 s5, $0x2;
	[tilespmem:s2+$0xF218] =	vst.msk $0x1, v0  }
0x153: {  	v0 =	vld [tilespmem:s0+$0xF238];
	_ =	sdelay $0x2  }
0x154: {  	s31 =	sshll.u32 s2, $0x9  }
0x155: {  	s4 =	sshra.s32 s31, $0x2  }
0x156: {  	[tilespmem:s4+$0xF238] =	vst v0  }
0x157: {  	v0 =	vld [tilespmem:s0+$0xF248];
	_ =	sdelay $0x4  }
0x158: {  	[tilespmem:s4+$0xF248] =	vst v0  }
0x159: {  	v0 =	vld [tilespmem:s0+$0xF258];
	_ =	sdelay $0x4  }
0x15a: {  	[tilespmem:s4+$0xF258] =	vst v0  }
0x15b: {  	v0 =	vld [tilespmem:s0+$0xF268];
	_ =	sdelay $0x4  }
0x15c: {  	[tilespmem:s4+$0xF268] =	vst v0  }
0x15d: {  	v0 =	vld [tilespmem:s0+$0xF278];
	_ =	sdelay $0x4  }
0x15e: {  	[tilespmem:s4+$0xF278] =	vst v0  }
0x15f: {  	v0 =	vld [tilespmem:s0+$0xF288];
	_ =	sdelay $0x4  }
0x160: {  	[tilespmem:s4+$0xF288] =	vst v0  }
0x161: {  	v0 =	vld [tilespmem:s0+$0xF298];
	_ =	sdelay $0x4  }
0x162: {  	[tilespmem:s4+$0xF298] =	vst v0  }
0x163: {  	v0 =	vld [tilespmem:s0+$0xF2A8];
	_ =	sdelay $0x4  }
0x164: {  	s2 =	sadd.s32 $0x1, s2;
	[tilespmem:s4+$0xF2A8] =	vst v0  }
.LBB2_31:
0x165: {  	s3 =	sadd.s32 $0x1, s3  }
0x166: {  	p0 =	sne.s32 s3, $0x20  }
.Ltmp18:
0x167: {  	_ = 	snop;
	(pc) =	sbr.rel @!p0 .LBB2_32-.Ltmp18, $1  }
0x168: {  	_ =	sdelay $0x3  }
.LBB2_24:
0x169: {  	v0 =	vld.msk [tilespmem:s3+$0xF218], $0x1;
	_ =	sdelay $0x4  }
0x16a: {  	(v2sf) =	vpush v0, $0x0;
	_ =	sdelay $0xe  }
0x16b: {  	s4 =	spop (v2sf)  }
0x16c: {  	p0 =	seq.s32 s4, $0xFFFFFFFF  }
.Ltmp19:
0x16d: {  	_ = 	snop;
	(pc) =	sbr.rel @p0 .LBB2_31-.Ltmp19, $1  }
0x16e: {  	_ =	sdelay $0x3  }
0x16f: {  	p0 =	slt.s32 s2, $0x1  }
.Ltmp20:
0x170: {  	_ = 	snop;
	(pc) =	sbr.rel @p0 .LBB2_30-.Ltmp20, $1  }
0x171: {  	_ =	sdelay $0x3  }
0x172: {  	s5 =	simm.s32 $0xF218;
	p0 =	por $0x0, $0x0  }
0x173: {  	v1 =	vld.msk @!p0 [tilespmem:s5+$0x0], $0x1;
	_ =	sdelay $0x4  }
0x174: {  	(v2sf) =	vpush @!p0 v1, $0x0;
	_ =	sdelay $0xd  }
0x175: {  	p2 =	sne.s32 s2, $0x1  }
.Ltmp21:
0x176: {  	s0 =	spop @!p0 (v2sf);
	(pc) =	sbr.rel @!p2 .LBB2_28-.Ltmp21, $4  }
0x177: {  	p1 =	seq.s32 @!p0 s4, s0  }
0x178: {  	s6 =	simm.s32 $0x0;
	p1 =	por !p1, p0  }
0x179: {  	s0 =	simm.s32 $0xFFFFFFFF;
	s6 =	simm.s32 @p1 $0xFFFFFFFF  }
0x17a: {  	s7 =	simm.s32 $0x1;
	s6 =	smov.u32 @p0 s0  }
.LBB2_27:
0x17b: {  	s0 =	smov.u32 s6;
	p0 =	sne.s32 s6, $0xFFFFFFFF  }
0x17c: {  	s5 =	sadd.s32 $0x1, s5;
	s6 =	smov.u32 s7;
	s7 =	sadd.s32 $0x1, s7  }
0x17d: {  	p1 =	sne.s32 s2, s7;
	v1 =	vld.msk @!p0 [tilespmem:s5+$0x0], $0x1;
	_ =	sdelay $0x4  }
0x17e: {  	(v2sf) =	vpush @!p0 v1, $0x0;
	_ =	sdelay $0xe  }
.Ltmp22:
0x17f: {  	s8 =	spop @!p0 (v2sf);
	(pc) =	sbr.rel @p1 .LBB2_27-.Ltmp22, $4  }
0x180: {  	p2 =	seq.s32 @!p0 s4, s8  }
0x181: {  	p2 =	por !p2, p0  }
0x182: {  	s6 =	simm.s32 @p2 $0xFFFFFFFF  }
0x183: {  	s6 =	smov.u32 @p0 s0  }
.LBB2_28:
0x184: {  	p0 =	seq.s32 s6, $0xFFFFFFFF  }
.Ltmp23:
0x185: {  	_ = 	snop;
	(pc) =	sbr.rel @p0 .LBB2_30-.Ltmp23, $1  }
0x186: {  	_ =	sdelay $0x3  }
0x187: {  	s0 =	sshll.u32 s3, $0x7  }
0x188: {  	s0 =	sand.u32 $0x3FFFFF80, s0  }
0x189: {  	v0 =	vld [tilespmem:s0+$0xF238];
	_ =	sdelay $0x2  }
0x18a: {  	s4 =	sshll.u32 s6, $0x9  }
0x18b: {  	s4 =	sshra.s32 s4, $0x2  }
0x18c: {  	[tilespmem:s4+$0xF238] =	vst.add.f32.msk $0xffff, v0  }
0x18d: {  	v0 =	vld [tilespmem:s0+$0xF248];
	_ =	sdelay $0x4  }
0x18e: {  	[tilespmem:s4+$0xF248] =	vst.add.f32.msk $0xffff, v0  }
0x18f: {  	v0 =	vld [tilespmem:s0+$0xF258];
	_ =	sdelay $0x4  }
0x190: {  	[tilespmem:s4+$0xF258] =	vst.add.f32.msk $0xffff, v0  }
0x191: {  	v0 =	vld [tilespmem:s0+$0xF268];
	_ =	sdelay $0x4  }
0x192: {  	[tilespmem:s4+$0xF268] =	vst.add.f32.msk $0xffff, v0  }
0x193: {  	v0 =	vld [tilespmem:s0+$0xF278];
	_ =	sdelay $0x4  }
0x194: {  	[tilespmem:s4+$0xF278] =	vst.add.f32.msk $0xffff, v0  }
0x195: {  	v0 =	vld [tilespmem:s0+$0xF288];
	_ =	sdelay $0x4  }
0x196: {  	[tilespmem:s4+$0xF288] =	vst.add.f32.msk $0xffff, v0  }
0x197: {  	v0 =	vld [tilespmem:s0+$0xF298];
	_ =	sdelay $0x4  }
0x198: {  	[tilespmem:s4+$0xF298] =	vst.add.f32.msk $0xffff, v0  }
0x199: {  	v0 =	vld [tilespmem:s0+$0xF2A8]  }
.Ltmp24:
0x19a: {  	_ = 	snop;
	(pc) =	sbr.rel .LBB2_31-.Ltmp24, $2  }
0x19b: {  	_ =	sdelay $0x2  }
0x19c: {  	[tilespmem:s4+$0xF2A8] =	vst.add.f32.msk $0xffff, v0  }
.LBB2_32:
0x19d: {  	p0 =	slt.s32 s2, $0x1  }
.Ltmp25:
0x19e: {  	_ = 	snop;
	(pc) =	sbr.rel @p0 .LBB2_36-.Ltmp25, $3  }
0x19f: {  	_ =	sdelay $0x1  }
0x1a0: {  	s0 =	simm.s32 $0x6  }
0x1a1: {  	s3 =	simm.s32 $0x0;
	[sflag:s0] =	ssyncpa.u1 $0x1  }
0x1a2: {  	s0 =	simm.s32 $0xF218  }
0x1a3: {  	v0 =	vld.msk [tilespmem:s0+$0x0], $0x1;
	_ =	sdelay $0x4  }
0x1a4: {  	(v2sf) =	vpush v0, $0x0;
	_ =	sdelay $0xd  }
0x1a5: {  	s2 =	sadd.s32 $0xFFFFFFFF, s2  }
0x1a6: {  	p1 =	sne.s32 s2, $0x0;
	s0 =	spop (v2sf)  }
.Ltmp26:
0x1a7: {  	p0 =	sgt.u32 s0, $0xC34F0;
	(pc) =	sbr.rel @!p1 .LBB2_35-.Ltmp26, $4  }
0x1a8: {  	s4 =	simm.s32 $0xF238;
	s5 =	sand.u32 @!p0 $0xFFFF8, s0  }
0x1a9: {  	s6 =	simm.s32 $0x0;
	s0 =	sand.u32 @!p0 $0x7, s0;
	s5 =	sadd.s32 @!p0 s1, s5  }
0x1aa: {  	[hbm4b:s5+s0] =	stream.linear.scatter @!p0 [tilespmem:s4], [sflag:$0x5], $0x80, $0x38;
	[tilespmem:$0x1F6E8] =	vst v63  }
0x1ab: {  	s6 =	simm.s32 @!p0 $0x200;
	s5 =	simm.s32 $0xF219  }
.LBB2_34:
0x1ac: {  	v0 =	vld.msk [tilespmem:s5+$0x0], $0x1;
	s2 =	sadd.s32 $0xFFFFFFFF, s2;
	s3 =	sadd.s32 s3, s6  }
0x1ad: {  	p0 =	sne.s32 s2, $0x0;
	_ =	sdelay $0x3  }
0x1ae: {  	(v2sf) =	vpush v0, $0x0;
	_ =	sdelay $0xe  }
.Ltmp27:
0x1af: {  	s0 =	spop (v2sf);
	(pc) =	sbr.rel @p0 .LBB2_34-.Ltmp27, $4  }
0x1b0: {  	s6 =	simm.s32 $0x0;
	p1 =	sgt.u32 s0, $0xC34F0  }
0x1b1: {  	s4 =	sadd.s32 $0x80, s4;
	s6 =	simm.s32 @!p1 $0x200;
	s7 =	sand.u32 @!p1 $0xFFFF8, s0  }
0x1b2: {  	s5 =	sadd.s32 $0x1, s5;
	s0 =	sand.u32 @!p1 $0x7, s0;
	s7 =	sadd.s32 @!p1 s1, s7  }
0x1b3: {  	[hbm4b:s7+s0] =	stream.linear.scatter @!p1 [tilespmem:s4], [sflag:$0x5], $0x80, $0x38;
	[tilespmem:$0x1F6E8] =	vst v63  }
.LBB2_35:
0x1b4: {  	s0 =	sadd.s32 s3, s6  }
0x1b5: {  	s3 =	sshrl.u32 s0, $0x2  }
.LBB2_36:
0x1b6: {  	s0 =	simm.s32 $0x5  }
0x1b7: {  	_ =	swait.ge [sflag:s0], s3  }
0x1b8: {  	s1 =	ssub.s32 $0x0, s3;
	[sflag:s0] =	ssyncset.done $0x0  }
0x1b9: {  	[sflag:s0] =	ssyncadd.s32 s1  }
0x1ba: {  	[sflag:s0] =	ssyncpa.u1 $0x1  }
0x1bb: {  	s30 =	simm.s32 $0x1;
	_ =	sfence  }
0x1bc: {  	[sflag:s30] =	ssyncpa.u1 $0x1  }
0x1bd: {  	_ =	strace $0x90000056  }
0x1be: {  	[bflag:$0x2] =	sbarrier.arrive $0xFFFF  }
0x1bf: {  	s31 =	rddreg [dreg:$0x1]  }
0x1c0: {  	s0 =	sadd.s32 $0x100000, s31  }
0x1c1: {  	[sflag:s0] =	ssyncadd.tile.s32 $0x1;
	_ =	shalt  }
.Lfunc_end2:
_tile_overlayer_lowered:
.L_overlay_start_2:
0x1c2: {  	(tag) =	ssettag $0x2  }
0x1c3: {  	s0 =	rddreg [dreg:$0x0];
	s2 =	stileid.u32  }
0x1c4: {  	s1 =	rddreg [dreg:$0x1];
	p0 =	sne.s32 s2, $0x0  }
0x1c5: {  	s3 =	rddreg [dreg:$0x2];
	[bflag:$0x3] =	sbarrier.arrive $0xFFFF;
	s2 =	simm.s32 @!p0 $0x1C01  }
0x1c6: {  	[timem:s3], [sflag:s2] =	dma.local @!p0 [hbm:s0], s1  }
0x1c7: {  	s0 =	simm.s32 @!p0 $0x1  }
0x1c8: {  	_ =	swait.ge @!p0 [sflag:s0], s1  }
0x1c9: {  	s1 =	ssub.s32 @!p0 $0x0, s1;
	[sflag:s0] =	ssyncset.done @!p0 $0x0  }
0x1ca: {  	[sflag:s0] =	ssyncadd.s32 @!p0 s1  }
0x1cb: {  	[bflag:$0x3] =	sbarrier.arrive $0xFFFF  }
0x1cc: {  	_ =	shalt  }

// kernel: scatter_offload_async_start.4
scs
__scs_entry_jumppad:
0x0: {  	(pc) =	sbr.rel $0x88, $3  }
0x1: {  	(tag) =	ssettag $0x0;
	lr =	simm.s32 $0x1  }
0x2: {  	[smem:$0x3F8C] =	sst lr;
	_ =	strace $0xD0000000  }
0x3: {  	_ = 	snop  }
0x4: {  	_ = 	snop  }
0x5: {  	_ = 	snop  }
0x6: {  	_ = 	snop  }
0x7: {  	_ = 	snop  }
__scs_overlays_trampoline_lowered:
0x8: {  	[smem:$0x3F9B] =	sst s0  }
0x9: {  	[smem:$0x3F9C] =	sst s1  }
0xa: {  	[smem:$0x3F9D] =	sst s2  }
0xb: {  	[smem:$0x3F9E] =	sst s3  }
0xc: {  	[smem:$0x3F9F] =	sst s4  }
0xd: {  	[smem:$0x3FA0] =	sst s5  }
0xe: {  	[smem:$0x3FA1] =	sst s6  }
0xf: {  	[smem:$0x3FA2] =	sst s7  }
0x10: {  	[smem:$0x3FA3] =	sst s8  }
0x11: {  	[smem:$0x3FA4] =	sst s9;
	s0 =	simm.s32 @!p0 $0x0  }
0x12: {  	s1 =	sld [smem:$0x3F8A];
	s0 =	simm.s32 @p0 $0x1  }
0x13: {  	[smem:$0x3FA5] =	sst s0;
	s0 =	simm.s32 @!p1 $0x0  }
0x14: {  	s2 =	sld [smem:$0x3F89];
	s0 =	simm.s32 @p1 $0x1  }
0x15: {  	[smem:$0x3FA6] =	sst s0;
	s0 =	simm.s32 @!p2 $0x0  }
0x16: {  	s3 =	sld [smem:$0x3FDB];
	s0 =	simm.s32 @p2 $0x1  }
0x17: {  	s4 =	simm.s32 $0x1BF5;
	[smem:$0x3FA8] =	sst s0  }
0x18: {  	s0 =	sld [smem:$0x3F8B];
	_ =	swait.ge [sflag:s4], $0x0  }
0x19: {  	s7 =	sld [smem:$0x3F8C]  }
0x1a: {  	s8 =	sadd.s32 $0xFFFFE003, lr  }
0x1b: {  	s9 =	sadd.s32 $0xFFFFFEF7, lr;
	s5 =	simm.s32 $0xFFFFFFFF;
	p2 =	slt.u32 s8, $0xFFFFF086  }
0x1c: {  	p1 =	slt.u32 s9, $0xF7A;
	s5 =	simm.s32 @!p2 $0x0  }
0x1d: {  	s5 =	simm.s32 @p1 $0x1;
	p0 =	seq.s32 s7, s2  }
0x1e: {  	s7 =	smul.u32 @!p0 $0xF7A, s2;
	p2 =	seq.s32 @!p0 s5, $0x0  }
0x1f: {  	s9 =	smul.u32 $0xF7A, s1;
	s8 =	simm.s32 @!p0 $0x1BF5;
	p2 =	por !p2, p0  }
0x20: {  	[sflag:s8] =	ssyncset.s32 @!p0 $0xFFFFF086;
	s6 =	sadd.s32 @!p0 s3, s7;
	s7 =	simm.s32 @!p0 $0x108  }
0x21: {  	s3 =	sadd.s32 s3, s9;
	s6 =	sadd.s32 @!p0 $0x88, s6;
	s7 =	simm.s32 @p2 $0x1082  }
0x22: {  	[simem:s7], [sflag:s8] =	dma.local @!p0 [hbm:s6], $0xF7A  }
0x23: {  	s9 =	sor.u32 $0xD0000000, s2;
	s6 =	simm.s32 $0x108;
	_ =	swait.ge @!p0 [sflag:s8], $0x0  }
0x24: {  	s3 =	sadd.s32 $0x88, s3;
	s6 =	simm.s32 @!p1 $0x1082;
	[sflag:s4] =	ssyncset.s32 $0xFFFFF086  }
0x25: {  	[simem:s6], [sflag:s4] =	dma.local [hbm:s3], $0xF7A  }
0x26: {  	[smem:$0x3F8C] =	sst s1;
	(tag) =	ssettag s2;
	_ =	strace s9  }
0x27: {  	s1 =	sld [smem:$0x3F9C]  }
0x28: {  	s2 =	sld [smem:$0x3F9D]  }
0x29: {  	s4 =	sld [smem:$0x3F9F]  }
0x2a: {  	p0 =	seq.s32 s5, $0x0;
	s5 =	sld [smem:$0x3FA0]  }
0x2b: {  	s6 =	sld [smem:$0x3FA1]  }
0x2c: {  	s7 =	sld [smem:$0x3FA2]  }
0x2d: {  	s3 =	simm.s32 $0x108;
	s8 =	sld [smem:$0x3FA3]  }
0x2e: {  	s3 =	simm.s32 @!p0 $0x1082;
	s9 =	sld [smem:$0x3FA4]  }
0x2f: {  	lr =	sadd.s32 s0, s3;
	s0 =	sld [smem:$0x3F9B]  }
0x30: {  	s3 =	sld [smem:$0x3F9E]  }
0x31: {  	[smem:$0x3FA7] =	sst s10  }
0x32: {  	s10 =	sld [smem:$0x3FA5];
	_ =	sdelay $0x3  }
0x33: {  	p0 =	seq.s32 s10, $0x1;
	s10 =	sld [smem:$0x3FA7];
	_ =	sdelay $0x3  }
0x34: {  	[smem:$0x3FA7] =	sst s10  }
0x35: {  	s10 =	sld [smem:$0x3FA6];
	_ =	sdelay $0x3  }
0x36: {  	p1 =	seq.s32 s10, $0x1;
	s10 =	sld [smem:$0x3FA7];
	_ =	sdelay $0x3  }
0x37: {  	[smem:$0x3FA7] =	sst s10  }
0x38: {  	s10 =	sld [smem:$0x3FA8]  }
0x39: {  	_ = 	snop;
	(pc) =	sbr.ind lr, $3  }
0x3a: {  	_ = 	snop  }
0x3b: {  	_ = 	snop  }
0x3c: {  	p2 =	seq.s32 s10, $0x1;
	s10 =	sld [smem:$0x3FA7]  }
0x3d: {  	_ =	shalt  }
0x3e: {  	_ =	shalt  }
0x3f: {  	_ =	shalt  }
0x40: {  	_ =	shalt  }
0x41: {  	_ =	shalt  }
0x42: {  	_ =	shalt  }
0x43: {  	_ =	shalt  }
0x44: {  	_ =	shalt  }
0x45: {  	_ =	shalt  }
0x46: {  	_ =	shalt  }
0x47: {  	_ =	shalt  }
0x48: {  	_ =	shalt  }
0x49: {  	_ =	shalt  }
0x4a: {  	_ =	shalt  }
0x4b: {  	_ =	shalt  }
0x4c: {  	_ =	shalt  }
0x4d: {  	_ =	shalt  }
0x4e: {  	_ =	shalt  }
0x4f: {  	_ =	shalt  }
0x50: {  	_ =	shalt  }
0x51: {  	_ =	shalt  }
0x52: {  	_ =	shalt  }
0x53: {  	_ =	shalt  }
0x54: {  	_ =	shalt  }
0x55: {  	_ =	shalt  }
0x56: {  	_ =	shalt  }
0x57: {  	_ =	shalt  }
0x58: {  	_ =	shalt  }
0x59: {  	_ =	shalt  }
0x5a: {  	_ =	shalt  }
0x5b: {  	_ =	shalt  }
0x5c: {  	_ =	shalt  }
0x5d: {  	_ =	shalt  }
0x5e: {  	_ =	shalt  }
0x5f: {  	_ =	shalt  }
0x60: {  	_ =	shalt  }
0x61: {  	_ =	shalt  }
0x62: {  	_ =	shalt  }
0x63: {  	_ =	shalt  }
0x64: {  	_ =	shalt  }
0x65: {  	_ =	shalt  }
0x66: {  	_ =	shalt  }
0x67: {  	_ =	shalt  }
0x68: {  	_ =	shalt  }
0x69: {  	_ =	shalt  }
0x6a: {  	_ =	shalt  }
0x6b: {  	_ =	shalt  }
0x6c: {  	_ =	shalt  }
0x6d: {  	_ =	shalt  }
0x6e: {  	_ =	shalt  }
0x6f: {  	_ =	shalt  }
0x70: {  	_ =	shalt  }
0x71: {  	_ =	shalt  }
0x72: {  	_ =	shalt  }
0x73: {  	_ =	shalt  }
0x74: {  	_ =	shalt  }
0x75: {  	_ =	shalt  }
0x76: {  	_ =	shalt  }
0x77: {  	_ =	shalt  }
0x78: {  	_ =	shalt  }
0x79: {  	_ =	shalt  }
0x7a: {  	_ =	shalt  }
0x7b: {  	_ =	shalt  }
0x7c: {  	_ =	shalt  }
0x7d: {  	_ =	shalt  }
0x7e: {  	_ =	shalt  }
0x7f: {  	_ =	shalt  }
0x80: {  	_ =	shalt  }
0x81: {  	_ =	shalt  }
0x82: {  	_ =	shalt  }
0x83: {  	_ =	shalt  }
0x84: {  	_ =	shalt  }
0x85: {  	_ =	shalt  }
0x86: {  	_ =	shalt  }
0x87: {  	_ =	shalt  }
.Lfunc_end0:
.L_simem_size_0:
called_computation.4_lowered:
.L_overlay_start_0:
0x88: {  	s0 =	sld [smem:$0x3FD9]  }
0x89: {  	s1 =	sld [smem:$0x3FFE];
	_ =	sdelay $0x3  }
0x8a: {  	s0 =	sadd.s32 s1, s0  }
0x8b: {  	[smem:$0x3FB3] =	sst s0  }
0x8c: {  	_ = 	snop  }
0x8d: {  	(tm) =	ssettm $0x1  }
0x8e: {  	s14 =	sld [smem:$0x3FFB];
	_ =	sdelay $0x3  }
0x8f: {  	_ =	strace s14  }
0x90: {  	s0 =	sld [smem:$0x3FFC];
	_ =	sdelay $0x3  }
0x91: {  	_ =	strace s0  }
0x92: {  	s0 =	sld [smem:$0x3FFD];
	_ =	sdelay $0x3  }
0x93: {  	_ =	strace s0  }
0x94: {  	_ =	strace $0x8FFFFFFF  }
0x95: {  	s15 =	sld [smem:$0x3FDB];
	_ =	sdelay $0x1  }
0x96: {  	s16 =	simm.s32 $_scs_section_size  }
0x97: {  	s2 =	simm.s32 $_size__tile_overlayer_lowered;
	s3 =	simm.s32 $_tile_overlayer_lowered  }
0x98: {  	s4 =	simm.s32 $0x1BFF;
	s17 =	sshll.u32 s3, $0x1;
	s1 =	sadd.s32 s16, s15  }
0x99: {  	s18 =	simm.s32 $0x0;
	s2 =	sshll.u32 s2, $0x1;
	s3 =	sadd.s32 s17, s1  }
0x9a: {  	[timem:s18], [sflag:s4] =	dma.local [hbm:s3], s2  }
0x9b: {  	_ =	swait.ge [sflag:s4], s2  }
0x9c: {  	s2 =	ssub.s32 $0x0, s2;
	[sflag:s4] =	ssyncset.done $0x0  }
0x9d: {  	[sflag:s4] =	ssyncadd.s32 s2;
	_ =	sdelay $0x1  }
0x9e: {  	s19 =	simm.s32 $0x1B8B  }
0x9f: {  	_ =	swait.ge [sflag:s19], $0x1  }
0xa0: {  	[sflag:s19] =	ssyncset.done $0x0  }
0xa1: {  	s21 =	simm.s32 $0x1B8E;
	s20 =	sld [smem:$0x3FFE];
	[sflag:s19] =	ssyncadd.s32 $0xFFFFFFFF  }
0xa2: {  	s22 =	simm.s32 $execute0_lowered;
	[smem:$0x3FD2] =	sst s21  }
0xa3: {  	s3 =	sshll.u32 s22, $0x1;
	_ =	strace $0x80000058;
	[dreg:$0x1] =	wrdreg $0xFFFFFFFF  }
0xa4: {  	s23 =	simm.s32 $_size_execute0_lowered;
	s3 =	sadd.s32 s1, s3;
	[dreg:$0x0] =	wrdreg $0x0  }
0xa5: {  	s4 =	sshll.u32 s23, $0x1;
	[dreg:$0x2] =	wrdreg s3  }
0xa6: {  	[dreg:$0x3] =	wrdreg s4  }
0xa7: {  	[dreg:$0x4] =	wrdreg $0xC0  }
0xa8: {  	s24 =	simm.s32 $execute1_lowered;
	_ =	task [dreg:s18], $0x5FFFF  }
0xa9: {  	s3 =	sshll.u32 s24, $0x1;
	[dreg:$0x1] =	wrdreg $0xFFFFFFFF  }
0xaa: {  	s1 =	sadd.s32 s1, s3;
	[dreg:$0x0] =	wrdreg $0x60  }
0xab: {  	[dreg:$0x2] =	wrdreg s1  }
0xac: {  	[dreg:$0x3] =	wrdreg s20  }
0xad: {  	[dreg:$0x4] =	wrdreg $0x9  }
0xae: {  	_ =	task.clear_ibuf [dreg:s18], $0x5FFFF;
	_ =	strace $0x90000058  }
0xaf: {  	s25 =	simm.s32 $0x9;
	_ =	strace $0x8000005A  }
0xb0: {  	_ =	swait.ge [sflag:s25], $0x1  }
0xb1: {  	[sflag:s25] =	ssyncadd.s32 $0xFFFFFFFF  }
0xb2: {  	_ =	strace $0x9000005A  }
0xb3: {  	_ =	strace $0x8000005B;
	[dreg:$0x1] =	wrdreg $0xFFFFFFFF  }
0xb4: {  	[dreg:$0x0] =	wrdreg $0x2030  }
0xb5: {  	[dreg:$0x2] =	wrdreg s20  }
0xb6: {  	[dreg:$0x3] =	wrdreg $0xA  }
0xb7: {  	_ =	task.clear_ibuf [dreg:s18], $0x4FFFF;
	_ =	strace $0x9000005B  }
0xb8: {  	s26 =	simm.s32 $0xA;
	_ =	strace $0x8000005D  }
0xb9: {  	_ =	swait.ge [sflag:s26], $0x1  }
0xba: {  	[sflag:s26] =	ssyncadd.s32 $0xFFFFFFFF  }
0xbb: {  	_ =	strace $0x9000005D  }
0xbc: {  	_ =	sfence  }
0xbd: {  	s28 =	sld [smem:$0x0];
	_ =	sdelay $0x1  }
0xbe: {  	s29 =	srdreg.scid  }
0xbf: {  	s30 =	sshll.u32 s29, $0xD;
	s31 =	sshrl.u32 s29, $0x2  }
0xc0: {  	s2 =	sand.u32 $0x1, s29;
	s3 =	sand.u32 $0x4000, s30;
	s1 =	sadd.s32 s31, s28  }
0xc1: {  	s2 =	sor.u32 s3, s2;
	s1 =	sshll.u32 s1, $0x11  }
0xc2: {  	s1 =	sor.u32 s1, s2  }
0xc3: {  	s1 =	sadd.s32 $0x8F2B, s1  }
0xc4: {  	[sflag:s1] =	ssyncadd.remote.s32 $0x1  }
0xc5: {  	_ =	sfence.sel $0xFFFF  }
0xc6: {  	[dreg:$0x0] =	wrdreg $0xFFFFFFFF;
	(pc) =	sbr.abs _section_cstart, $3  }
0xc7: {  	[dreg:$0x1] =	wrdreg $0xFFFFFFFF  }
0xc8: {  	_ =	task.clear_ibuf [dreg:s18], $0x2FFFF;
	_ =	strace $0x9FFFFFFF  }
0xc9: {  	(tm) =	ssettm $0x7FFFFFFF  }
tec
execute0_lowered:
.L_overlay_start_1:
0x0: {  	(tag) =	ssettag $0x1  }
0x1: {  	s2 =	rddreg [dreg:$0x0]  }
0x2: {  	s4 =	rddreg [dreg:$0x1]  }
0x3: {  	s0 =	rddreg [dreg:$0x2];
	s3 =	stileid.u32  }
0x4: {  	[bflag:$0x3] =	sbarrier.arrive $0xFFFF;
	s1 =	simm.s32 $_size_execute1_lowered;
	p0 =	sne.s32 s3, $0x0  }
0x5: {  	s1 =	sshll.u32 s1, $0x1;
	s5 =	simm.s32 @!p0 $0x1C3F;
	s6 =	simm.s32 @!p0 $0x4060  }
0x6: {  	[timem:s6], [sflag:s5] =	dma.local @!p0 [hbm:s2], s1  }
0x7: {  	s2 =	smul.u32 $0xC40, s3  }
.Ltmp0:
0x8: {  	s31 =	simm.s32 $0x2;
	s7 =	simm.s32 $0xC40;
	(pc) =	sbr.rel .LBB2_1-.Ltmp0, $4  }
0x9: {  	s8 =	simm.s32 $0x24C0;
	s10 =	simm.s32 $0x0;
	s9 =	simm.s32 $0x0  }
0xa: {  	s3 =	simm.s32 $0x1;
	_ =	strace $0x80000059;
	s30 =	sshrl.u32 s2, $0x3  }
0xb: {  	s6 =	simm.s32 $0x0;
	[sflag:s3] =	ssyncpa.u1 $0x0;
	s5 =	sadd.s32 s30, s4  }
0xc: {  	s4 =	sadd.s32 $0x6D800, s4;
	[sflag:s31] =	ssyncpa.u1 $0x0;
	s5 =	sadd.s32 $0x6BE00, s5  }
.LBB2_9:
0xd: {  	p1 =	seq.s32 s9, $0x2  }
.Ltmp1:
0xe: {  	_ = 	snop;
	(pc) =	sbr.rel @p1 .LBB2_11-.Ltmp1, $1  }
0xf: {  	_ =	sdelay $0x3  }
.LBB2_10:
0x10: {  	s9 =	sadd.s32 $0x1, s9;
	s10 =	smov.u32 s2  }
.LBB2_1:
0x11: {  	p1 =	sne.s32 s9, $0x0  }
.Ltmp2:
0x12: {  	_ = 	snop;
	(pc) =	sbr.rel @!p1 .LBB2_2-.Ltmp2, $1  }
0x13: {  	_ =	sdelay $0x3  }
0x14: {  	s11 =	sand.u32 $0x1, s9  }
0x15: {  	p1 =	seq.s32 s11, $0x0  }
.Ltmp3:
0x16: {  	_ = 	snop;
	(pc) =	sbr.rel @p1 .LBB2_9-.Ltmp3, $1  }
0x17: {  	_ =	sdelay $0x3  }
0x18: {  	_ =	swait.ge [sflag:s3], $0xC40  }
0x19: {  	[sflag:s3] =	ssyncset.done $0x0  }
0x1a: {  	s16 =	simm.s32 $0xD30;
	[sflag:s3] =	ssyncadd.s32 $0xFFFFF3C0  }
0x1b: {  	v0 =	vld [tilespmem:s16+$0x0]  }
0x1c: {  	v1 =	vld [tilespmem:s16+$0xFFFFFF20]  }
0x1d: {  	v2 =	vld [tilespmem:s16+$0xFFFFFF30]  }
0x1e: {  	v3 =	vld [tilespmem:s16+$0xFFFFFF40]  }
0x1f: {  	s11 =	simm.s32 $0x25B0;
	v4 =	vld [tilespmem:s16+$0xFFFFFF50]  }
0x20: {  	v5 =	vld [tilespmem:s16+$0xFFFFFF60];
	[tilespmem:s11+$0x0] =	vst v0  }
0x21: {  	[tilespmem:s11+$0xFFFFFF20] =	vst v1;
	v0 =	vld [tilespmem:s16+$0xFFFFFF70]  }
0x22: {  	[tilespmem:s11+$0xFFFFFF30] =	vst v2;
	v1 =	vld [tilespmem:s16+$0xFFFFFF80]  }
0x23: {  	[tilespmem:s11+$0xFFFFFF40] =	vst v3;
	v2 =	vld [tilespmem:s16+$0xFFFFFF90]  }
0x24: {  	[tilespmem:s11+$0xFFFFFF50] =	vst v4;
	v3 =	vld [tilespmem:s16+$0xFFFFFFA0]  }
0x25: {  	[tilespmem:s11+$0xFFFFFF60] =	vst v5;
	v5 =	vld [tilespmem:s16+$0xFFFFFFB0]  }
0x26: {  	[tilespmem:s11+$0xFFFFFF70] =	vst v0;
	v0 =	vld [tilespmem:s16+$0xFFFFFFC0]  }
0x27: {  	[tilespmem:s11+$0xFFFFFF80] =	vst v1;
	v1 =	vld [tilespmem:s16+$0xFFFFFFD0]  }
0x28: {  	[tilespmem:s11+$0xFFFFFF90] =	vst v2;
	v2 =	vld [tilespmem:s16+$0xFFFFFFE0]  }
0x29: {  	s15 =	simm.s32 $0x0;
	s12 =	simm.s32 $0xBF0;
	[tilespmem:s11+$0xFFFFFFA0] =	vst v3;
	v3 =	vld [tilespmem:s16+$0xFFFFFFF0]  }
0x2a: {  	s13 =	simm.s32 $0x30C0;
	s14 =	simm.s32 $0x1840;
	v4 =	vld [tilespmem:s16+$0xFFFFFF10];
	[tilespmem:s11+$0xFFFFFFB0] =	vst v5;
	s16 =	simm.s32 $0xE30  }
.LBB2_5:
0x2b: {  	v5 =	vld [tilespmem:s16+$0x0];
	s15 =	sadd.s32 $0x100, s15;
	[tilespmem:s11+$0xFFFFFFC0] =	vst v0  }
0x2c: {  	v0 =	vld [tilespmem:s16+$0xFFFFFF20];
	p1 =	slt.u32 s15, $0xB00;
	[tilespmem:s11+$0xFFFFFFD0] =	vst v1  }
0x2d: {  	v1 =	vld [tilespmem:s16+$0xFFFFFF30];
	[tilespmem:s11+$0xFFFFFFE0] =	vst v2  }
0x2e: {  	v2 =	vld [tilespmem:s16+$0xFFFFFF40];
	[tilespmem:s11+$0xFFFFFFF0] =	vst v3  }
0x2f: {  	v3 =	vld [tilespmem:s16+$0xFFFFFF50];
	[tilespmem:s11+$0xFFFFFF10] =	vst v4;
	s11 =	sadd.s32 $0x100, s11  }
0x30: {  	v4 =	vld [tilespmem:s16+$0xFFFFFF60];
	[tilespmem:s11+$0x0] =	vst v5  }
0x31: {  	[tilespmem:s11+$0xFFFFFF20] =	vst v0;
	v0 =	vld [tilespmem:s16+$0xFFFFFF70]  }
0x32: {  	[tilespmem:s11+$0xFFFFFF30] =	vst v1;
	v1 =	vld [tilespmem:s16+$0xFFFFFF80]  }
0x33: {  	[tilespmem:s11+$0xFFFFFF40] =	vst v2;
	v2 =	vld [tilespmem:s16+$0xFFFFFF90]  }
0x34: {  	[tilespmem:s11+$0xFFFFFF50] =	vst v3;
	v3 =	vld [tilespmem:s16+$0xFFFFFFA0]  }
0x35: {  	[tilespmem:s11+$0xFFFFFF60] =	vst v4;
	v5 =	vld [tilespmem:s16+$0xFFFFFFB0]  }
.Ltmp4:
0x36: {  	[tilespmem:s11+$0xFFFFFF70] =	vst v0;
	v0 =	vld [tilespmem:s16+$0xFFFFFFC0];
	(pc) =	sbr.rel @p1 .LBB2_5-.Ltmp4, $4  }
0x37: {  	[tilespmem:s11+$0xFFFFFF80] =	vst v1;
	v1 =	vld [tilespmem:s16+$0xFFFFFFD0]  }
0x38: {  	[tilespmem:s11+$0xFFFFFF90] =	vst v2;
	v2 =	vld [tilespmem:s16+$0xFFFFFFE0]  }
0x39: {  	[tilespmem:s11+$0xFFFFFFA0] =	vst v3;
	v3 =	vld [tilespmem:s16+$0xFFFFFFF0]  }
0x3a: {  	v4 =	vld [tilespmem:s16+$0xFFFFFF10];
	[tilespmem:s11+$0xFFFFFFB0] =	vst v5;
	s16 =	sadd.s32 $0x100, s16  }
0x3b: {  	[tilespmem:s11+$0xFFFFFFC0] =	vst v0  }
0x3c: {  	[tilespmem:s11+$0xFFFFFFD0] =	vst v1  }
0x3d: {  	[tilespmem:s11+$0xFFFFFFE0] =	vst v2  }
0x3e: {  	[tilespmem:s11+$0xFFFFFFF0] =	vst v3  }
0x3f: {  	[tilespmem:s11+$0xFFFFFF10] =	vst v4  }
.LBB2_7:
0x40: {  	s12 =	sadd.s32 $0x10, s12  }
0x41: {  	v0 =	vld [tilespmem:s14+$0x0];
	p1 =	slt.u32 s12, $0xC30  }
.Ltmp5:
0x42: {  	_ = 	snop;
	(pc) =	sbr.rel @p1 .LBB2_7-.Ltmp5, $2  }
0x43: {  	_ =	sdelay $0x2  }
0x44: {  	s14 =	sadd.s32 $0x10, s14;
	[tilespmem:s13+$0x0] =	vst v0;
	s13 =	sadd.s32 $0x10, s13  }
.Ltmp6:
0x45: {  	(pc) =	sbr.rel .LBB2_9-.Ltmp6, $4  }
0x46: {  	_ = 	snop  }
0x47: {  	s10 =	sshrl.u32 s10, $0x3  }
0x48: {  	s10 =	sadd.s32 s4, s10  }
0x49: {  	[hbm4b:s10+s6] =	stream.linear.scatter [tilespmem:s8], [sflag:$0x2], $0xC40, $0x38;
	[tilespmem:$0x3100] =	vst v63  }
.LBB2_2:
.Ltmp7:
0x4a: {  	(pc) =	sbr.rel .LBB2_10-.Ltmp7, $2  }
0x4b: {  	_ =	sdelay $0x2  }
0x4c: {  	[tilespmem:s7], [sflag:$0x1] =	stream.linear.gather [hbm4b:s5+s6], $0xC40, $0x38;
	[tilespmem:$0x3100] =	vst v63  }
.LBB2_11:
0x4d: {  	s2 =	simm.s32 $0x2  }
0x4e: {  	_ =	swait.ge [sflag:s2], $0xC40  }
0x4f: {  	[sflag:s2] =	ssyncset.done $0x0  }
0x50: {  	[sflag:s2] =	ssyncadd.s32 $0xFFFFF3C0  }
0x51: {  	_ =	sfence.sel $0x180000  }
0x52: {  	s3 =	simm.s32 $0x1;
	[bflag:$0x0] =	sbarrier.arrive $0xFFFF  }
0x53: {  	[sflag:s3] =	ssyncpa.u1 $0x1  }
0x54: {  	[sflag:s2] =	ssyncpa.u1 $0x1  }
0x55: {  	_ =	strace $0x90000059  }
0x56: {  	s0 =	sadd.s32 @!p0 $0x100000, s0;
	[bflag:$0x2] =	sbarrier.arrive $0xFFFF  }
0x57: {  	[sflag:s0] =	ssyncadd.tile.s32 @!p0 $0x1;
	s0 =	simm.s32 @!p0 $0x3F  }
0x58: {  	_ =	swait.ge @!p0 [sflag:s0], s1  }
0x59: {  	s1 =	ssub.s32 @!p0 $0x0, s1;
	[sflag:s0] =	ssyncset.done @!p0 $0x0  }
0x5a: {  	[sflag:s0] =	ssyncadd.s32 @!p0 s1  }
0x5b: {  	[bflag:$0x3] =	sbarrier.arrive $0xFFFF  }
0x5c: {  	_ =	shalt  }
.Lfunc_end2:
execute1_lowered:
.L_overlay_start_2:
0x5d: {  	(tag) =	ssettag $0x2  }
0x5e: {  	s0 =	rddreg [dreg:$0x0]  }
0x5f: {  	s6 =	stileid.u32;
	_ =	strace $0x8000005C;
	s2 =	simm.s32 $0x1  }
0x60: {  	v1 =	vimm.s32 $0xFFFFFFFF;
	s1 =	smul.u32 $0x7, s6;
	[sflag:s2] =	ssyncpa.u1 $0x0  }
0x61: {  	s3 =	smin.u32 s6, $0xD;
	[tilespmem:$0x10] =	vst v1  }
0x62: {  	v0 =	vimm.f32 $0.0e+00;
	[tilespmem:$0x20] =	vst v1;
	s1 =	sadd.s32 s3, s1  }
0x63: {  	p0 =	slt.u32 s6, $0xD;
	[tilespmem:$0x30] =	vst v0;
	s3 =	smul.u32 $0x1A90, s1;
	s1 =	simm.s32 $0xD480  }
0x64: {  	[tilespmem:$0x40] =	vst v0;
	s1 =	simm.s32 @!p0 $0xB9F0  }
0x65: {  	[tilespmem:$0x50] =	vst v0;
	s1 =	sadd.s32 s1, s3  }
0x66: {  	[tilespmem:$0x60] =	vst v1;
	s4 =	smin.u32 s1, $0xCF850  }
0x67: {  	s7 =	simm.s32 $0x2;
	[tilespmem:$0x70] =	vst v1;
	s9 =	ssub.s32 s4, s3  }
0x68: {  	s8 =	simm.s32 $0x8;
	s31 =	simm.s32 $0x9;
	[tilespmem:$0x80] =	vst v1;
	p0 =	sgt.s32 s9, $0x0  }
0x69: {  	s16 =	simm.s32 $0x0;
	s17 =	simm.s32 $0xF0;
	v1 =	vimm.s32 $0x0;
	[tilespmem:$0xB0] =	vst v0;
	s9 =	simm.s32 @!p0 $0x0  }
0x6a: {  	s18 =	simm.s32 $0xFFFFFFFF;
	s19 =	simm.s32 $0xFFFFCBE0;
	[tilespmem:$0x90] =	vst v1;
	s5 =	smulhi.u32 $0x134679AD, s9  }
0x6b: {  	s20 =	simm.s32 $0xFFFFFFFE;
	[tilespmem:$0xA0] =	vst v1;
	[sflag:s7] =	ssyncpa.u1 $0x0;
	s7 =	simm.s32 $0x7  }
0x6c: {  	s21 =	simm.s32 $0xF;
	[sflag:s7] =	ssyncpa.u1 $0x0;
	s10 =	sshrl.u32 s5, $0x9  }
0x6d: {  	s25 =	simm.s32 $0x0;
	[sflag:s8] =	ssyncpa.u1 $0x0;
	s11 =	smul.u32 $0x1A90, s10  }
0x6e: {  	s24 =	simm.s32 $0x0;
	s14 =	sshllo.u32 s6, $0x1;
	[sflag:s31] =	ssyncpa.u1 $0x0  }
.Ltmp8:
0x6f: {  	s1 =	sadd.s32 $0x6D800, s0;
	p0 =	sne.s32 s9, s11;
	(pc) =	sbr.rel .LBB3_1-.Ltmp8, $4  }
0x70: {  	s5 =	sadd.s32 $0x37E00, s0;
	s0 =	sadd.s32 $0x51E00, s0;
	s2 =	simm.s32 @!p0 $0x0  }
0x71: {  	s23 =	smov.u32 s3;
	[dreg:$0x2] =	wrdreg s0;
	s9 =	sadd.s32 s2, s10  }
0x72: {  	vm0 =	vmmov $0xffff;
	v2 =	vlaneseq.u32;
	p0 =	por $0x0, $0x0;
	s10 =	sshll.u32 s6, $0x1;
	s11 =	sadd.s32 $0x1, s9  }
0x73: {  	vm1 =	vmxor vm1, vm1;
	vm2 =	vmmov $0x1;
	vm3 =	vcmask $0x3F3C;
	s12 =	sadd.s32 $0x2, s9;
	s13 =	sor.u32 $0x81, s10;
	s15 =	sor.u32 $0x80, s10  }
.LBB3_9:
0x74: {  	p1 =	slt.u32 s24, $0x3  }
0x75: {  	s0 =	simm.s32 @!p1 $0x2  }
0x76: {  	_ =	swait.ge @!p1 [sflag:s0], $0x1A90  }
0x77: {  	[sflag:s0] =	ssyncset.done @!p1 $0x0  }
0x78: {  	[sflag:s0] =	ssyncadd.s32 @!p1 $0xFFFFE570;
	s0 =	simm.s32 @!p1 $0x9  }
0x79: {  	_ =	swait.ge @!p1 [sflag:s0], $0x10  }
0x7a: {  	[sflag:s0] =	ssyncset.done @!p1 $0x0  }
0x7b: {  	[sflag:s0] =	ssyncadd.s32 @!p1 $0xFFFFFFF0;
	p1 =	sne.s32 s24, s12  }
.Ltmp9:
0x7c: {  	s2 =	sadd.s32 $0x1A90, s23;
	(pc) =	sbr.rel @!p1 .LBB3_10-.Ltmp9, $4  }
0x7d: {  	s6 =	smov.u32 s3;
	s31 =	sadd.s32 $0x1, s24;
	s17 =	sadd.s32 $0x1A90, s17  }
0x7e: {  	s18 =	sadd.s32 $0x1, s18;
	s25 =	smov.u32 s23;
	p2 =	slt.s32 s2, s4  }
0x7f: {  	p0 =	por !p0, !p0;
	s19 =	sadd.s32 $0x1A90, s19;
	s6 =	smov.u32 @p2 s2  }
0x80: {  	s20 =	sadd.s32 $0x1, s20;
	s23 =	smov.u32 s6;
	s24 =	smov.u32 s31  }
.LBB3_1:
0x81: {  	p1 =	sge.u32 s24, s9  }
0x82: {  	s0 =	smulhi.u32 @!p1 $0xAAAAAAAB, s24;
	_ =	sdelay $0x1  }
0x83: {  	s0 =	sshrl.u32 @!p1 s0, $0x1  }
0x84: {  	s0 =	smul.u32 @!p1 $0x3, s0;
	_ =	sdelay $0x1  }
0x85: {  	s0 =	ssub.s32 @!p1 s24, s0  }
0x86: {  	s0 =	smul.u32 @!p1 $0x6A40, s0;
	_ =	sdelay $0x1  }
0x87: {  	s2 =	sshrl.u32 @!p1 s23, $0x3;
	s0 =	sshrl.u32 @!p1 s0, $0x2  }
0x88: {  	s22 =	sand.u32 @!p1 $0x7, s23;
	s2 =	sadd.s32 @!p1 s5, s2;
	s0 =	sadd.s32 @!p1 $0x100, s0  }
0x89: {  	[tilespmem:s0], [sflag:$0x7] =	stream.linear.gather @!p1 [hbm4b:s2+s22], $0x1A90, $0x38;
	[tilespmem:$0xF030] =	vst v63  }
0x8a: {  	s0 =	sadd.s32 $0xFFFFFFFF, s24  }
0x8b: {  	p1 =	sge.u32 s0, s9  }
.Ltmp10:
0x8c: {  	_ = 	snop;
	(pc) =	sbr.rel @p1 .LBB3_5-.Ltmp10, $1  }
0x8d: {  	_ =	sdelay $0x3  }
0x8e: {  	s2 =	smulhi.u32 $0xAAAAAAAB, s0;
	_ =	sdelay $0x1  }
0x8f: {  	s2 =	sshrl.u32 s2, $0x1  }
0x90: {  	s2 =	smul.u32 $0x3, s2;
	_ =	sdelay $0x1  }
0x91: {  	s2 =	ssub.s32 s0, s2  }
0x92: {  	s2 =	smul.u32 $0x6A40, s2  }
0x93: {  	_ =	swait.ge [sflag:s7], $0x1A90  }
0x94: {  	[sflag:s7] =	ssyncset.done $0x0;
	s2 =	sshrl.u32 s2, $0x2  }
0x95: {  	[sflag:s7] =	ssyncadd.s32 $0xFFFFE570;
	(ifvalue) =	ssetifvalue $0xFFFFFFFF;
	v3 =	vld.msk [tilespmem:s2+$0x100 ss:$0x1], $0xffff;
	_ =	sdelay $0x2  }
0x96: {  	s30 =	smulhi.u32 $0xAAAAAAAB, s18;
	p1 =	sne.s32 s24, $0x1  }
0x97: {  	v4 =	vimm.s32 @!p1 $0x0  }
0x98: {  	s2 =	sshrl.u32 s30, $0x1;
	v4 =	vperm.xlane @!p1 v3, v4  }
0x99: {  	s22 =	sshll.u32 s24, $0x4;
	s2 =	smul.u32 $0xFFFEC140, s2;
	vm4 =	vlt.u32 v3, $0xC400  }
0x9a: {  	s22 =	sand.u32 $0x10, s22;
	v3 =	vnsel vm4, $0xFFFFFFFE, v3;
	vm4 =	vlt.u32 @!p1 v4, $0xC400  }
0x9b: {  	s2 =	sshra.s32 s2, $0x2;
	[tilespmem:s22+$0x60] =	vst v3;
	v3 =	vnsel @!p1 vm4, $0xFFFFFFFE, v4  }
0x9c: {  	s28 =	sadd.s32 s2, s17;
	[tilespmem:$0x80] =	vst @!p1 v3  }
0x9d: {  	v3 =	vld.msk [tilespmem:s28+$0x0 ss:$0x1], $0xffff;
	_ =	sdelay $0x4  }
0x9e: {  	(xrf1) =	vunique.msk.u32 $0xffff, v3;
	_ =	sdelay $0xd  }
0x9f: {  	v4 =	vimm.s32 $0xFFFFFFFF;
	v5, _, _ =	vpop (xrf1)  }
0xa0: {  	vm5 =	vne.s32 v3, v4;
	vm4 =	veq.s32 v5, v2  }
0xa1: {  	vm6 =	vlt.u32 v3, $0xC400;
	vm4 =	vmand vm5, vm4  }
0xa2: {  	vm4 =	vmand vm6, vm4  }
0xa3: {  	v4 =	vnsel vm4, $0xFFFFFFFF, v3  }
0xa4: {  	s31 =	sand.u32 $0x1, s0  }
0xa5: {  	s0 =	simm.s32 $0x1A90;
	p1 =	seq.s32 s31, $0x1  }
0xa6: {  	s0 =	simm.s32 @!p1 $0x0  }
0xa7: {  	s26 =	sadd.s32 $0x6B30, s0;
	(ifvalue) =	ssetifvalue $0xFFFFFFFF  }
0xa8: {  	v3 =	vperm.xlane v3, v1;
	[tilespmem:s26], [sflag:$0x8] =	stream.indirect_vreg.gather [hbm4b:s1+s16], $0x1, v4, vm0, $0x4038;
	v4 =	vnsel vm6, $0xFFFFFFFE, v4;
	[tilespmem:$0xF030] =	vst v63  }
0xa9: {  	s2 =	simm.s32 $0x0;
	s22 =	sadd.s32 $0xFFFFFFF0, s28;
	[tilespmem:s28+$0x0] =	vst v4  }
.LBB3_3:
0xaa: {  	v4 =	vld.msk [tilespmem:s22+$0x0 ss:$0x1], $0xffff;
	s2 =	sadd.s32 $0x10, s2;
	v5 =	vmov v3;
	s28 =	smov.u32 s22  }
0xab: {  	p1 =	slt.u32 s2, $0x1A80;
	_ =	sdelay $0x4  }
0xac: {  	v3 =	vperm.xlane v4, v1;
	(xrf1) =	vunique.msk.u32 $0xffff, v4;
	_ =	sdelay $0xd  }
0xad: {  	v6, _, _ =	vpop (xrf1)  }
0xae: {  	vm5 =	vne.s32 v4, v5;
	vm4 =	veq.s32 v6, v2  }
0xaf: {  	vm6 =	vlt.u32 v4, $0xC400;
	vm4 =	vmand vm5, vm4  }
0xb0: {  	vm4 =	vmand vm6, vm4  }
0xb1: {  	v4 =	vnsel vm4, $0xFFFFFFFF, v4  }
.Ltmp11:
0xb2: {  	v5 =	vnsel vm6, $0xFFFFFFFE, v4;
	(pc) =	sbr.rel @p1 .LBB3_3-.Ltmp11, $3  }
0xb3: {  	_ =	sdelay $0x1  }
0xb4: {  	s22 =	sadd.s32 $0xFFFFFFF0, s22;
	s26 =	sadd.s32 $0xFFFFFFF0, s26;
	(ifvalue) =	ssetifvalue $0xFFFFFFFF  }
0xb5: {  	[tilespmem:s26], [sflag:$0x8] =	stream.indirect_vreg.gather [hbm4b:s1+s16], $0x1, v4, vm0, $0x4038;
	[tilespmem:s28+$0x0] =	vst v5  }
0xb6: {  	s2 =	sshrl.u32 s25, $0x3;
	s6 =	rddreg [dreg:$0x2]  }
0xb7: {  	s0 =	sadd.s32 $0x85D0, s0;
	s2 =	sadd.s32 s6, s2  }
0xb8: {  	[tilespmem:s0], [sflag:$0x8] =	stream.linear.gather [hbm:s2], $0x1A90, $0x38;
	[tilespmem:$0xF030] =	vst v63  }
.LBB3_5:
0xb9: {  	p1 =	slt.u32 s24, $0x2  }
0xba: {  	p2 =	sge.u32 @!p1 s24, s12  }
0xbb: {  	p1 =	por p1, p2  }
.Ltmp12:
0xbc: {  	_ = 	snop;
	(pc) =	sbr.rel @p1 .LBB3_9-.Ltmp12, $1  }
0xbd: {  	_ =	sdelay $0x3  }
0xbe: {  	s0 =	sadd.s32 $0xFFFFFFFE, s24  }
0xbf: {  	s2 =	smulhi.u32 $0xAAAAAAAB, s0;
	_ =	sdelay $0x1  }
0xc0: {  	s2 =	sshrl.u32 s2, $0x1  }
0xc1: {  	s2 =	smul.u32 $0x3, s2;
	_ =	sdelay $0x1  }
0xc2: {  	s0 =	ssub.s32 s0, s2  }
0xc3: {  	_ =	swait.ge [sflag:s8], $0x3520;
	s0 =	smul.u32 $0x1A90, s0  }
0xc4: {  	p1 =	sne.s32 s24, s11;
	[sflag:s8] =	ssyncset.done $0x0  }
0xc5: {  	[sflag:s8] =	ssyncadd.s32 $0xFFFFCAE0;
	s2 =	sadd.s32 @!p1 $0x1B8F, s0  }
0xc6: {  	[spmem:s13] =	stream.linear.scatter @!p1 [tilespmem:s2], [sflag:$0x1], $0x1, $0x38;
	[tilespmem:$0xF030] =	vst v63  }
0xc7: {  	s2 =	simm.s32 @!p1 $0x1  }
0xc8: {  	_ =	swait.ge @!p1 [sflag:s2], $0x1  }
0xc9: {  	s22 =	sshll.u32 s24, $0x4;
	[sflag:s2] =	ssyncset.done @!p1 $0x0  }
0xca: {  	s25 =	sand.u32 $0x10, s22;
	[sflag:s2] =	ssyncadd.s32 @!p1 $0xFFFFFFFF  }
0xcb: {  	s2 =	sxor.u32 $0x10, s25;
	v4 =	vld [tilespmem:s25+$0x10]  }
0xcc: {  	v5 =	vld [tilespmem:s2+$0x60]  }
0xcd: {  	v3 =	vld [tilespmem:$0x80];
	_ =	sdelay $0x2  }
0xce: {  	(v2sf) =	vpush v4, $0x0  }
0xcf: {  	(v2sf) =	vpush v5, $0x0  }
0xd0: {  	(v2sf) =	vpush v3, $0x0;
	_ =	sdelay $0xc  }
0xd1: {  	s6 =	spop (v2sf)  }
0xd2: {  	s28 =	spop (v2sf)  }
0xd3: {  	s26 =	spop (v2sf)  }
0xd4: {  	p2 =	seq.s32 s6, s28;
	p3 =	seq.s32 s26, s6  }
0xd5: {  	p3 =	por p2, p3  }
0xd6: {  	s6 =	sand.u32 $0x1, s24;
	v4 =	vpsel p3, $0xFFFFFFFF, v4  }
0xd7: {  	s28 =	smul.u32 $0x1A90, s6;
	[tilespmem:s25+$0x10] =	vst.msk $0x1, v4  }
0xd8: {  	v4 =	vld [tilespmem:$0x30]  }
0xd9: {  	v5 =	vld [tilespmem:s28+$0x85D0]  }
0xda: {  	v6 =	vld [tilespmem:s25+$0x40];
	_ =	sdelay $0x3  }
0xdb: {  	vm4 =	vmmov vm1;
	v5 =	vadd.f32 v5, v4  }
0xdc: {  	vm5 =	vmmov vm2;
	vm4 =	vmmov @p2 vm2;
	v4 =	vadd.f32 v6, v4  }
0xdd: {  	s22 =	sshll.u32 s6, $0x4;
	vm5 =	vmmov @p3 vm1;
	[tilespmem:s28+$0x85D0] =	vst.msk vm4, v5  }
0xde: {  	[tilespmem:s22+$0xF010] =	vst.msk vm5, v4  }
0xdf: {  	v4 =	vld [tilespmem:s28+$0x6B30];
	_ =	sdelay $0x3  }
0xe0: {  	v5 =	vimm.f32 $0.0e+00  }
0xe1: {  	v4 =	vshift.insert v4, v5, s21  }
0xe2: {  	s29 =	sor.u32 $0x40, s2  }
0xe3: {  	[tilespmem:s29+$0x0] =	vst.msk $0x1, v4  }
0xe4: {  	[tilespmem:s28+$0x6B3F] =	vst.msk $0x1, v5  }
0xe5: {  	v4 =	vld [tilespmem:s0+$0x1B80];
	_ =	sdelay $0x1  }
0xe6: {  	s29 =	smulhi.u32 $0xAAAAAAAB, s20;
	s0 =	simm.s32 $0x1  }
0xe7: {  	s0 =	simm.s32 @!p0 $0x0  }
0xe8: {  	s29 =	sshrl.u32 s29, $0x1;
	s0 =	smul.u32 $0x6A40, s0  }
0xe9: {  	s29 =	smul.u32 $0xFFFEC140, s29;
	v4 =	vshift.insert v4, v1, s21  }
0xea: {  	s0 =	sshrl.u32 s0, $0x2  }
0xeb: {  	s29 =	sshra.s32 s29, $0x2;
	s30 =	sadd.s32 $0x85D0, s0;
	[tilespmem:s2+$0x10] =	vst.msk $0x1, v4  }
0xec: {  	s6 =	sadd.s32 s29, s19;
	v6 =	vld [tilespmem:s30+$0x0]  }
0xed: {  	v7 =	vld [tilespmem:s6+$0x0];
	_ =	sdelay $0x3  }
0xee: {  	v5 =	vadd.f32 v6, v5  }
0xef: {  	vm4 =	vne.s32 v7, $0xFFFFFFFF  }
0xf0: {  	(xrf2) =	vadd.seg.scan.f32 vm4, v5;
	_ =	sdelay $0x3  }
0xf1: {  	s31 =	sadd.s32 $0x50B0, s0;
	v5 =	vperm.xlane v4, v1  }
0xf2: {  	v6 =	vld [tilespmem:s31+$0x0]  }
0xf3: {  	vm5 =	veq.s32 v7, v3;
	vm6 =	veq.s32 v7, v5  }
0xf4: {  	vm7 =	vgt.u32 v7, $0xFFFFFFFD;
	vm6 =	vmor vm6, vm5  }
0xf5: {  	vm6 =	vmor vm6, vm7  }
0xf6: {  	v9 =	vld [tilespmem:$0xA0];
	v7 =	vsel vm6, $0xFFFFFFFF, v7  }
0xf7: {  	v10 =	vld [tilespmem:$0x90];
	v6 =	vsel vm5, $0x0, v6;
	v8, _, _ =	vpop (xrf2)  }
0xf8: {  	v6 =	vadd.f32 v8, v6  }
0xf9: {  	s0 =	sadd.s32 $0xBAF0, s0  }
0xfa: {  	vm4 =	vmand vm4, vm3;
	[tilespmem:s0+$0x0] =	vst v6;
	(ifvalue) =	ssetifvalue $0xFFFFFFFF  }
0xfb: {  	vm6 =	veq.s32 v9, $0x1;
	[hbm4b:s1+s16] =	stream.indirect_vreg.scatter [tilespmem:s0], [sflag:$0x2], $0x1, v7, vm0, $0x4038;
	v7 =	vsel vm4, $0x0, v8;
	[tilespmem:$0xF030] =	vst v63  }
0xfc: {  	s29 =	sadd.s32 $0xF010, s22;
	s22 =	sadd.s32 $0x10, s6;
	s2 =	simm.s32 $0x0;
	vm4 =	vmor vm6, vm5;
	v6 =	vsel vm5, v8, v10;
	v7 =	vshift.insert v7, v0, s21  }
.LBB3_7:
0xfd: {  	v8 =	vld [tilespmem:s22+$0x0];
	s30 =	sadd.s32 $0x10, s30  }
0xfe: {  	s31 =	sadd.s32 $0x10, s31;
	v9 =	vld [tilespmem:s30+$0x0]  }
0xff: {  	s2 =	sadd.s32 $0x10, s2;
	v10 =	vld [tilespmem:s31+$0x0]  }
0x100: {  	p2 =	slt.u32 s2, $0x1A80;
	_ =	sdelay $0x2  }
0x101: {  	v7 =	vadd.f32 v9, v7  }
0x102: {  	vm5 =	vne.s32 v8, $0xFFFFFFFF  }
0x103: {  	vm6 =	vmand vm5, vm3;
	(xrf2) =	vadd.seg.scan.f32 vm5, v7;
	_ =	sdelay $0x5  }
0x104: {  	vm7 =	veq.s32 v8, v5;
	vm5 =	veq.s32 v8, v3  }
0x105: {  	vm8 =	vgt.u32 v8, $0xFFFFFFFD;
	vm4 =	vmor vm4, vm5;
	vm7 =	vmor vm7, vm5  }
0x106: {  	vm7 =	vmor vm7, vm8  }
0x107: {  	v8 =	vsel vm7, $0xFFFFFFFF, v8  }
.Ltmp13:
0x108: {  	v7 =	vsel vm5, $0x0, v10;
	v9, _, _ =	vpop (xrf2);
	(pc) =	sbr.rel @p2 .LBB3_7-.Ltmp13, $4  }
0x109: {  	v6 =	vsel vm5, v9, v6;
	v10 =	vadd.f32 v9, v7;
	v7 =	vsel vm6, $0x0, v9  }
0x10a: {  	s0 =	sadd.s32 $0x10, s0;
	v7 =	vshift.insert v7, v0, s21  }
0x10b: {  	s22 =	sadd.s32 $0x10, s22;
	[tilespmem:s0+$0x0] =	vst v10;
	(ifvalue) =	ssetifvalue $0xFFFFFFFF  }
0x10c: {  	[hbm4b:s1+s16] =	stream.indirect_vreg.scatter [tilespmem:s0], [sflag:$0x2], $0x1, v8, vm0, $0x4038;
	[tilespmem:$0xF030] =	vst v63  }
0x10d: {  	v3 =	vld [tilespmem:s28+$0xD570];
	_ =	sdelay $0x4  }
0x10e: {  	v3 =	vshift.insert v3, v0, s21  }
0x10f: {  	s0 =	simm.s32 $0x30  }
0x110: {  	[tilespmem:s0+$0x0] =	vst.msk $0x1, v3  }
0x111: {  	v3 =	vsel vm4, $0x1, v1;
	[tilespmem:$0x90] =	vst v6  }
0x112: {  	s0 =	sadd.s32 @!p1 $0xD57F, s28;
	[tilespmem:$0xA0] =	vst v3  }
0x113: {  	[spmem:s14] =	stream.linear.scatter @!p1 [tilespmem:s0], [sflag:$0x1], $0x1, $0x38;
	[tilespmem:$0xF030] =	vst v63  }
0x114: {  	s0 =	simm.s32 @!p1 $0x1  }
0x115: {  	v3 =	vmctz.xlane @!p1 vm4;
	_ =	swait.ge @!p1 [sflag:s0], $0x1  }
0x116: {  	(v2sf) =	vpush @!p1 v4, $0x0  }
0x117: {  	(v2sf) =	vpush @!p1 v3, $0x0;
	_ =	sdelay $0xd  }
0x118: {  	s2 =	spop @!p1 (v2sf)  }
0x119: {  	s6 =	spop @!p1 (v2sf)  }
0x11a: {  	p2 =	sne.s32 @!p1 s26, s2;
	p3 =	slt.s32 @!p1 s6, $0xF  }
0x11b: {  	[sflag:s0] =	ssyncset.done @!p1 $0x0;
	p2 =	por p2, p1;
	p3 =	por !p3, p1  }
0x11c: {  	[sflag:s0] =	ssyncadd.s32 @!p1 $0xFFFFFFFF;
	v3 =	vimm.s32 @!p2 $0xFFFFFFFF;
	s6 =	simm.s32 @p3 $0xF  }
0x11d: {  	[tilespmem:$0x80] =	vst @!p2 v3;
	s2 =	sadd.s32 @!p1 $0x90, s6  }
0x11e: {  	[spmem:s10] =	stream.linear.scatter @!p1 [tilespmem:s2], [sflag:$0x1], $0x1, $0x38;
	[tilespmem:$0xF030] =	vst v63  }
0x11f: {  	_ =	swait.ge @!p1 [sflag:s0], $0x1  }
0x120: {  	[sflag:s0] =	ssyncset.done @!p1 $0x0  }
0x121: {  	s2 =	simm.s32 @!p1 $0x80;
	[sflag:s0] =	ssyncadd.s32 @!p1 $0xFFFFFFFF  }
0x122: {  	[spmem:s15] =	stream.linear.scatter @!p1 [tilespmem:s2], [sflag:$0x1], $0x1, $0x38;
	[tilespmem:$0xF030] =	vst v63  }
0x123: {  	_ =	swait.ge @!p1 [sflag:s0], $0x1  }
0x124: {  	[sflag:s0] =	ssyncset.done @!p1 $0x0  }
0x125: {  	[sflag:s0] =	ssyncadd.s32 @!p1 $0xFFFFFFFF;
	(ifvalue) =	ssetifvalue $0xFFFFFFFF;
	v3 =	vld [tilespmem:s25+$0x10];
	_ =	sdelay $0x3  }
.Ltmp14:
0x126: {  	_ = 	snop;
	(pc) =	sbr.rel .LBB3_9-.Ltmp14, $3  }
0x127: {  	_ =	sdelay $0x1  }
0x128: {  	(ifvalue) =	ssetifvalue $0xFFFFFFFF  }
0x129: {  	[hbm4b:s1+s16] =	stream.indirect_vreg.scatter [tilespmem:s29], [sflag:$0x9], $0x1, v3, vm0, $0x4038;
	[tilespmem:$0xF030] =	vst v63  }
.LBB3_10:
0x12a: {  	_ =	sfence.sel $0x180000  }
0x12b: {  	s0 =	simm.s32 $0x7;
	[bflag:$0x0] =	sbarrier.arrive $0xFFFF  }
0x12c: {  	s26 =	simm.s32 $0x8;
	[sflag:s0] =	ssyncpa.u1 $0x1  }
0x12d: {  	s28 =	simm.s32 $0x9;
	[sflag:s26] =	ssyncpa.u1 $0x1  }
0x12e: {  	[sflag:s28] =	ssyncpa.u1 $0x1  }
0x12f: {  	_ =	sfence.stream.spmem  }
0x130: {  	s29 =	simm.s32 $0x3;
	[bflag:$0x0] =	sbarrier.arrive $0xFFFF  }
0x131: {  	s30 =	simm.s32 $0x4;
	[sflag:s29] =	ssyncpa.u1 $0x1  }
0x132: {  	s31 =	simm.s32 $0x3C;
	s2 =	stileid.u32;
	[sflag:s30] =	ssyncpa.u1 $0x1  }
0x133: {  	p0 =	sne.s32 s2, $0x0;
	[sflag:s31] =	ssyncpa.u1 $0x1  }
0x134: {  	s0 =	simm.s32 @p0 $0x1;
	_ =	sfence @p0  }
0x135: {  	[sflag:s0] =	ssyncpa.u1 @p0 $0x1;
	s0 =	simm.s32 @p0 $0x2  }
0x136: {  	[sflag:s0] =	ssyncpa.u1 @p0 $0x1  }
0x137: {  	_ =	strace @p0 $0x9000005C  }
0x138: {  	[bflag:$0x2] =	sbarrier.arrive @p0 $0xFFFF  }
0x139: {  	_ =	shalt @p0  }
.LBB3_11:
0x13a: {  	_ =	sfence.stream.spmem;
	s0 =	simm.s32 $0x5  }
0x13b: {  	s2 =	simm.s32 $0x80;
	s3 =	simm.s32 $0xC0;
	[sflag:s0] =	ssyncpa.u1 $0x0  }
0x13c: {  	[tilespmem:s3], [sflag:$0x5] =	stream.linear.gather [spmem:s2], $0x20, $0x38;
	[tilespmem:$0xF030] =	vst v63  }
0x13d: {  	s2 =	simm.s32 $0x0;
	s3 =	simm.s32 $0xE0  }
0x13e: {  	[tilespmem:s3], [sflag:$0x5] =	stream.linear.gather [spmem:s2], $0x20, $0x38;
	[tilespmem:$0xF030] =	vst v63  }
.Ltmp15:
0x13f: {  	_ = 	snop;
	(pc) =	sbr.rel .LBB3_12-.Ltmp15, $4  }
0x140: {  	_ =	swait.ge [sflag:s0], $0x40  }
0x141: {  	[sflag:s0] =	ssyncset.done $0x0  }
0x142: {  	s31 =	simm.s32 $0x6;
	[sflag:s0] =	ssyncadd.s32 $0xFFFFFFC0  }
0x143: {  	s4 =	simm.s32 $0x0;
	[sflag:s31] =	ssyncpa.u1 $0x0  }
.LBB3_17:
0x144: {  	p0 =	sgt.u32 s5, $0xC3FF  }
0x145: {  	s0 =	sshrl.u32 @!p0 s5, $0x3  }
0x146: {  	s5 =	sand.u32 @!p0 $0x7, s5;
	s6 =	simm.s32 @!p0 $0xB0;
	s0 =	sadd.s32 @!p0 s1, s0  }
0x147: {  	[tilespmem:s6], [sflag:$0x6] =	stream.linear.gather @!p0 [hbm4b:s0+s5], $0x1, $0x38;
	[tilespmem:$0xF030] =	vst v63  }
0x148: {  	s0 =	simm.s32 @!p0 $0x6  }
0x149: {  	_ =	swait.ge @!p0 [sflag:s0], $0x1  }
0x14a: {  	[sflag:s0] =	ssyncset.done @!p0 $0x0  }
0x14b: {  	[sflag:s0] =	ssyncadd.s32 @!p0 $0xFFFFFFFF  }
0x14c: {  	v2 =	vmov @!p0 s4;
	v1 =	vld.msk @!p0 [tilespmem:$0xB0], $0x1;
	_ =	sdelay $0x3  }
0x14d: {  	s0 =	simm.s32 @!p0 $0xE0  }
0x14e: {  	[tilespmem:v2+s0+$0x0], v1 =	vst.idx.ret.add.f32.msk @!p0 $0x1, v1  }
0x14f: {  	[tilespmem:s2+$0xC0] =	vst.msk $0x1, v0  }
0x150: {  	v0 =	vld.msk [tilespmem:s4+$0xE0], $0x1;
	_ =	sdelay $0x4  }
0x151: {  	[tilespmem:s2+$0xE0] =	vst.msk $0x1, v0;
	s2 =	sadd.s32 $0x1, s2  }
.LBB3_19:
0x152: {  	s4 =	sadd.s32 $0x1, s4  }
0x153: {  	p0 =	sne.s32 s4, $0x20  }
.Ltmp16:
0x154: {  	_ = 	snop;
	(pc) =	sbr.rel @!p0 .LBB3_20-.Ltmp16, $1  }
0x155: {  	_ =	sdelay $0x3  }
.LBB3_12:
0x156: {  	v0 =	vld.msk [tilespmem:s4+$0xC0], $0x1;
	_ =	sdelay $0x4  }
0x157: {  	(v2sf) =	vpush v0, $0x0;
	_ =	sdelay $0xe  }
0x158: {  	s5 =	spop (v2sf)  }
0x159: {  	p0 =	seq.s32 s5, $0xFFFFFFFF  }
.Ltmp17:
0x15a: {  	_ = 	snop;
	(pc) =	sbr.rel @p0 .LBB3_19-.Ltmp17, $1  }
0x15b: {  	_ =	sdelay $0x3  }
0x15c: {  	p0 =	slt.s32 s2, $0x1  }
.Ltmp18:
0x15d: {  	_ = 	snop;
	(pc) =	sbr.rel @p0 .LBB3_17-.Ltmp18, $1  }
0x15e: {  	_ =	sdelay $0x3  }
0x15f: {  	s0 =	simm.s32 $0xC0;
	p0 =	por $0x0, $0x0  }
0x160: {  	v1 =	vld.msk @!p0 [tilespmem:s0+$0x0], $0x1;
	_ =	sdelay $0x4  }
0x161: {  	(v2sf) =	vpush @!p0 v1, $0x0;
	_ =	sdelay $0xd  }
0x162: {  	p2 =	sne.s32 s2, $0x1  }
.Ltmp19:
0x163: {  	s6 =	spop @!p0 (v2sf);
	(pc) =	sbr.rel @!p2 .LBB3_16-.Ltmp19, $4  }
0x164: {  	p1 =	seq.s32 @!p0 s5, s6  }
0x165: {  	s6 =	simm.s32 $0x0;
	p1 =	por !p1, p0  }
0x166: {  	s8 =	simm.s32 $0xFFFFFFFF;
	s6 =	simm.s32 @p1 $0xFFFFFFFF  }
0x167: {  	s7 =	simm.s32 $0x1;
	s6 =	smov.u32 @p0 s8  }
.LBB3_15:
0x168: {  	s8 =	smov.u32 s6;
	p0 =	sne.s32 s6, $0xFFFFFFFF  }
0x169: {  	s0 =	sadd.s32 $0x1, s0;
	s6 =	smov.u32 s7;
	s7 =	sadd.s32 $0x1, s7  }
0x16a: {  	p1 =	sne.s32 s2, s7;
	v1 =	vld.msk @!p0 [tilespmem:s0+$0x0], $0x1;
	_ =	sdelay $0x4  }
0x16b: {  	(v2sf) =	vpush @!p0 v1, $0x0;
	_ =	sdelay $0xe  }
.Ltmp20:
0x16c: {  	s9 =	spop @!p0 (v2sf);
	(pc) =	sbr.rel @p1 .LBB3_15-.Ltmp20, $4  }
0x16d: {  	p2 =	seq.s32 @!p0 s5, s9  }
0x16e: {  	p2 =	por !p2, p0  }
0x16f: {  	s6 =	simm.s32 @p2 $0xFFFFFFFF  }
0x170: {  	s6 =	smov.u32 @p0 s8  }
.LBB3_16:
0x171: {  	p0 =	sne.s32 s6, $0xFFFFFFFF  }
.Ltmp21:
0x172: {  	_ = 	snop;
	(pc) =	sbr.rel @!p0 .LBB3_17-.Ltmp21, $1  }
0x173: {  	_ =	sdelay $0x3  }
0x174: {  	v0 =	vld.msk [tilespmem:s4+$0xE0], $0x1;
	v1 =	vmov s6  }
.Ltmp22:
0x175: {  	_ = 	snop;
	(pc) =	sbr.rel .LBB3_19-.Ltmp22, $2  }
0x176: {  	_ =	sdelay $0x2  }
0x177: {  	[tilespmem:v1+s3+$0x0], v0 =	vst.idx.ret.add.f32.msk $0x1, v0  }
.LBB3_20:
0x178: {  	p0 =	slt.s32 s2, $0x1  }
.Ltmp23:
0x179: {  	_ = 	snop;
	(pc) =	sbr.rel @p0 .LBB3_24-.Ltmp23, $3  }
0x17a: {  	_ =	sdelay $0x1  }
0x17b: {  	s0 =	simm.s32 $0x6  }
0x17c: {  	s3 =	simm.s32 $0x0;
	[sflag:s0] =	ssyncpa.u1 $0x1  }
0x17d: {  	s0 =	simm.s32 $0xC0  }
0x17e: {  	v0 =	vld.msk [tilespmem:s0+$0x0], $0x1;
	_ =	sdelay $0x4  }
0x17f: {  	(v2sf) =	vpush v0, $0x0;
	_ =	sdelay $0xe  }
0x180: {  	s2 =	sadd.s32 $0xFFFFFFFF, s2;
	s4 =	spop (v2sf)  }
0x181: {  	p1 =	sne.s32 s2, $0x0;
	p0 =	sgt.u32 s4, $0xC3FF  }
.Ltmp24:
0x182: {  	s5 =	sshrl.u32 @!p0 s4, $0x3;
	(pc) =	sbr.rel @!p1 .LBB3_23-.Ltmp24, $4  }
0x183: {  	s0 =	simm.s32 $0xE0;
	s4 =	sand.u32 @!p0 $0x7, s4;
	s5 =	sadd.s32 @!p0 s1, s5  }
0x184: {  	[hbm4b:s5+s4] =	stream.linear.scatter @!p0 [tilespmem:s0], [sflag:$0x5], $0x1, $0x38;
	[tilespmem:$0xF030] =	vst v63  }
0x185: {  	s5 =	simm.s32 $0x0  }
0x186: {  	s4 =	simm.s32 $0xC1;
	s5 =	simm.s32 @!p0 $0x4  }
.LBB3_22:
0x187: {  	v0 =	vld.msk [tilespmem:s4+$0x0], $0x1;
	s2 =	sadd.s32 $0xFFFFFFFF, s2;
	s3 =	sadd.s32 s3, s5  }
0x188: {  	p0 =	sne.s32 s2, $0x0;
	_ =	sdelay $0x3  }
0x189: {  	(v2sf) =	vpush v0, $0x0;
	_ =	sdelay $0xe  }
.Ltmp25:
0x18a: {  	s6 =	spop (v2sf);
	(pc) =	sbr.rel @p0 .LBB3_22-.Ltmp25, $4  }
0x18b: {  	s5 =	simm.s32 $0x0;
	p1 =	sgt.u32 s6, $0xC3FF  }
0x18c: {  	s0 =	sadd.s32 $0x1, s0;
	s5 =	simm.s32 @!p1 $0x4;
	s7 =	sshrl.u32 @!p1 s6, $0x3  }
0x18d: {  	s4 =	sadd.s32 $0x1, s4;
	s6 =	sand.u32 @!p1 $0x7, s6;
	s7 =	sadd.s32 @!p1 s1, s7  }
0x18e: {  	[hbm4b:s7+s6] =	stream.linear.scatter @!p1 [tilespmem:s0], [sflag:$0x5], $0x1, $0x38;
	[tilespmem:$0xF030] =	vst v63  }
.LBB3_23:
0x18f: {  	s0 =	sadd.s32 s3, s5  }
0x190: {  	s3 =	sshrl.u32 s0, $0x2  }
.LBB3_24:
0x191: {  	s0 =	simm.s32 $0x5  }
0x192: {  	_ =	swait.ge [sflag:s0], s3  }
0x193: {  	s1 =	ssub.s32 $0x0, s3;
	[sflag:s0] =	ssyncset.done $0x0  }
0x194: {  	[sflag:s0] =	ssyncadd.s32 s1  }
0x195: {  	[sflag:s0] =	ssyncpa.u1 $0x1  }
0x196: {  	s29 =	simm.s32 $0x1;
	_ =	sfence  }
0x197: {  	s30 =	simm.s32 $0x2;
	[sflag:s29] =	ssyncpa.u1 $0x1  }
0x198: {  	[sflag:s30] =	ssyncpa.u1 $0x1  }
0x199: {  	_ =	strace $0x9000005C  }
0x19a: {  	[bflag:$0x2] =	sbarrier.arrive $0xFFFF  }
0x19b: {  	s31 =	rddreg [dreg:$0x1]  }
0x19c: {  	s0 =	sadd.s32 $0x100000, s31  }
0x19d: {  	[sflag:s0] =	ssyncadd.tile.s32 $0x1;
	_ =	shalt  }
.Lfunc_end3:
_tile_overlayer_lowered:
.L_overlay_start_3:
0x19e: {  	(tag) =	ssettag $0x3  }
0x19f: {  	s0 =	rddreg [dreg:$0x0];
	s2 =	stileid.u32  }
0x1a0: {  	s1 =	rddreg [dreg:$0x1];
	p0 =	sne.s32 s2, $0x0  }
0x1a1: {  	s3 =	rddreg [dreg:$0x2];
	[bflag:$0x3] =	sbarrier.arrive $0xFFFF;
	s2 =	simm.s32 @!p0 $0x1C01  }
0x1a2: {  	[timem:s3], [sflag:s2] =	dma.local @!p0 [hbm:s0], s1  }
0x1a3: {  	s0 =	simm.s32 @!p0 $0x1  }
0x1a4: {  	_ =	swait.ge @!p0 [sflag:s0], s1  }
0x1a5: {  	s1 =	ssub.s32 @!p0 $0x0, s1;
	[sflag:s0] =	ssyncset.done @!p0 $0x0  }
0x1a6: {  	[sflag:s0] =	ssyncadd.s32 @!p0 s1  }
0x1a7: {  	[bflag:$0x3] =	sbarrier.arrive $0xFFFF  }
0x1a8: {  	_ =	shalt  }

// kernel: scatter_offload_async_start.5
scs
__scs_entry_jumppad:
0x0: {  	(pc) =	sbr.rel $0x88, $3  }
0x1: {  	(tag) =	ssettag $0x0;
	lr =	simm.s32 $0x1  }
0x2: {  	[smem:$0x3F8C] =	sst lr;
	_ =	strace $0xD0000000  }
0x3: {  	_ = 	snop  }
0x4: {  	_ = 	snop  }
0x5: {  	_ = 	snop  }
0x6: {  	_ = 	snop  }
0x7: {  	_ = 	snop  }
__scs_overlays_trampoline_lowered:
0x8: {  	[smem:$0x3F9B] =	sst s0  }
0x9: {  	[smem:$0x3F9C] =	sst s1  }
0xa: {  	[smem:$0x3F9D] =	sst s2  }
0xb: {  	[smem:$0x3F9E] =	sst s3  }
0xc: {  	[smem:$0x3F9F] =	sst s4  }
0xd: {  	[smem:$0x3FA0] =	sst s5  }
0xe: {  	[smem:$0x3FA1] =	sst s6  }
0xf: {  	[smem:$0x3FA2] =	sst s7  }
0x10: {  	[smem:$0x3FA3] =	sst s8  }
0x11: {  	[smem:$0x3FA4] =	sst s9;
	s0 =	simm.s32 @!p0 $0x0  }
0x12: {  	s1 =	sld [smem:$0x3F8A];
	s0 =	simm.s32 @p0 $0x1  }
0x13: {  	[smem:$0x3FA5] =	sst s0;
	s0 =	simm.s32 @!p1 $0x0  }
0x14: {  	s2 =	sld [smem:$0x3F89];
	s0 =	simm.s32 @p1 $0x1  }
0x15: {  	[smem:$0x3FA6] =	sst s0;
	s0 =	simm.s32 @!p2 $0x0  }
0x16: {  	s3 =	sld [smem:$0x3FDB];
	s0 =	simm.s32 @p2 $0x1  }
0x17: {  	s4 =	simm.s32 $0x1BF5;
	[smem:$0x3FA8] =	sst s0  }
0x18: {  	s0 =	sld [smem:$0x3F8B];
	_ =	swait.ge [sflag:s4], $0x0  }
0x19: {  	s7 =	sld [smem:$0x3F8C]  }
0x1a: {  	s8 =	sadd.s32 $0xFFFFE003, lr  }
0x1b: {  	s9 =	sadd.s32 $0xFFFFFEF7, lr;
	s5 =	simm.s32 $0xFFFFFFFF;
	p2 =	slt.u32 s8, $0xFFFFF086  }
0x1c: {  	p1 =	slt.u32 s9, $0xF7A;
	s5 =	simm.s32 @!p2 $0x0  }
0x1d: {  	s5 =	simm.s32 @p1 $0x1;
	p0 =	seq.s32 s7, s2  }
0x1e: {  	s7 =	smul.u32 @!p0 $0xF7A, s2;
	p2 =	seq.s32 @!p0 s5, $0x0  }
0x1f: {  	s9 =	smul.u32 $0xF7A, s1;
	s8 =	simm.s32 @!p0 $0x1BF5;
	p2 =	por !p2, p0  }
0x20: {  	[sflag:s8] =	ssyncset.s32 @!p0 $0xFFFFF086;
	s6 =	sadd.s32 @!p0 s3, s7;
	s7 =	simm.s32 @!p0 $0x108  }
0x21: {  	s3 =	sadd.s32 s3, s9;
	s6 =	sadd.s32 @!p0 $0x88, s6;
	s7 =	simm.s32 @p2 $0x1082  }
0x22: {  	[simem:s7], [sflag:s8] =	dma.local @!p0 [hbm:s6], $0xF7A  }
0x23: {  	s9 =	sor.u32 $0xD0000000, s2;
	s6 =	simm.s32 $0x108;
	_ =	swait.ge @!p0 [sflag:s8], $0x0  }
0x24: {  	s3 =	sadd.s32 $0x88, s3;
	s6 =	simm.s32 @!p1 $0x1082;
	[sflag:s4] =	ssyncset.s32 $0xFFFFF086  }
0x25: {  	[simem:s6], [sflag:s4] =	dma.local [hbm:s3], $0xF7A  }
0x26: {  	[smem:$0x3F8C] =	sst s1;
	(tag) =	ssettag s2;
	_ =	strace s9  }
0x27: {  	s1 =	sld [smem:$0x3F9C]  }
0x28: {  	s2 =	sld [smem:$0x3F9D]  }
0x29: {  	s4 =	sld [smem:$0x3F9F]  }
0x2a: {  	p0 =	seq.s32 s5, $0x0;
	s5 =	sld [smem:$0x3FA0]  }
0x2b: {  	s6 =	sld [smem:$0x3FA1]  }
0x2c: {  	s7 =	sld [smem:$0x3FA2]  }
0x2d: {  	s3 =	simm.s32 $0x108;
	s8 =	sld [smem:$0x3FA3]  }
0x2e: {  	s3 =	simm.s32 @!p0 $0x1082;
	s9 =	sld [smem:$0x3FA4]  }
0x2f: {  	lr =	sadd.s32 s0, s3;
	s0 =	sld [smem:$0x3F9B]  }
0x30: {  	s3 =	sld [smem:$0x3F9E]  }
0x31: {  	[smem:$0x3FA7] =	sst s10  }
0x32: {  	s10 =	sld [smem:$0x3FA5];
	_ =	sdelay $0x3  }
0x33: {  	p0 =	seq.s32 s10, $0x1;
	s10 =	sld [smem:$0x3FA7];
	_ =	sdelay $0x3  }
0x34: {  	[smem:$0x3FA7] =	sst s10  }
0x35: {  	s10 =	sld [smem:$0x3FA6];
	_ =	sdelay $0x3  }
0x36: {  	p1 =	seq.s32 s10, $0x1;
	s10 =	sld [smem:$0x3FA7];
	_ =	sdelay $0x3  }
0x37: {  	[smem:$0x3FA7] =	sst s10  }
0x38: {  	s10 =	sld [smem:$0x3FA8]  }
0x39: {  	_ = 	snop;
	(pc) =	sbr.ind lr, $3  }
0x3a: {  	_ = 	snop  }
0x3b: {  	_ = 	snop  }
0x3c: {  	p2 =	seq.s32 s10, $0x1;
	s10 =	sld [smem:$0x3FA7]  }
0x3d: {  	_ =	shalt  }
0x3e: {  	_ =	shalt  }
0x3f: {  	_ =	shalt  }
0x40: {  	_ =	shalt  }
0x41: {  	_ =	shalt  }
0x42: {  	_ =	shalt  }
0x43: {  	_ =	shalt  }
0x44: {  	_ =	shalt  }
0x45: {  	_ =	shalt  }
0x46: {  	_ =	shalt  }
0x47: {  	_ =	shalt  }
0x48: {  	_ =	shalt  }
0x49: {  	_ =	shalt  }
0x4a: {  	_ =	shalt  }
0x4b: {  	_ =	shalt  }
0x4c: {  	_ =	shalt  }
0x4d: {  	_ =	shalt  }
0x4e: {  	_ =	shalt  }
0x4f: {  	_ =	shalt  }
0x50: {  	_ =	shalt  }
0x51: {  	_ =	shalt  }
0x52: {  	_ =	shalt  }
0x53: {  	_ =	shalt  }
0x54: {  	_ =	shalt  }
0x55: {  	_ =	shalt  }
0x56: {  	_ =	shalt  }
0x57: {  	_ =	shalt  }
0x58: {  	_ =	shalt  }
0x59: {  	_ =	shalt  }
0x5a: {  	_ =	shalt  }
0x5b: {  	_ =	shalt  }
0x5c: {  	_ =	shalt  }
0x5d: {  	_ =	shalt  }
0x5e: {  	_ =	shalt  }
0x5f: {  	_ =	shalt  }
0x60: {  	_ =	shalt  }
0x61: {  	_ =	shalt  }
0x62: {  	_ =	shalt  }
0x63: {  	_ =	shalt  }
0x64: {  	_ =	shalt  }
0x65: {  	_ =	shalt  }
0x66: {  	_ =	shalt  }
0x67: {  	_ =	shalt  }
0x68: {  	_ =	shalt  }
0x69: {  	_ =	shalt  }
0x6a: {  	_ =	shalt  }
0x6b: {  	_ =	shalt  }
0x6c: {  	_ =	shalt  }
0x6d: {  	_ =	shalt  }
0x6e: {  	_ =	shalt  }
0x6f: {  	_ =	shalt  }
0x70: {  	_ =	shalt  }
0x71: {  	_ =	shalt  }
0x72: {  	_ =	shalt  }
0x73: {  	_ =	shalt  }
0x74: {  	_ =	shalt  }
0x75: {  	_ =	shalt  }
0x76: {  	_ =	shalt  }
0x77: {  	_ =	shalt  }
0x78: {  	_ =	shalt  }
0x79: {  	_ =	shalt  }
0x7a: {  	_ =	shalt  }
0x7b: {  	_ =	shalt  }
0x7c: {  	_ =	shalt  }
0x7d: {  	_ =	shalt  }
0x7e: {  	_ =	shalt  }
0x7f: {  	_ =	shalt  }
0x80: {  	_ =	shalt  }
0x81: {  	_ =	shalt  }
0x82: {  	_ =	shalt  }
0x83: {  	_ =	shalt  }
0x84: {  	_ =	shalt  }
0x85: {  	_ =	shalt  }
0x86: {  	_ =	shalt  }
0x87: {  	_ =	shalt  }
.Lfunc_end0:
.L_simem_size_0:
called_computation.5_lowered:
.L_overlay_start_0:
0x88: {  	s0 =	sld [smem:$0x3FD9]  }
0x89: {  	s1 =	sld [smem:$0x3FFE];
	_ =	sdelay $0x3  }
0x8a: {  	s0 =	sadd.s32 s1, s0  }
0x8b: {  	[smem:$0x3FB3] =	sst s0  }
0x8c: {  	_ = 	snop  }
0x8d: {  	(tm) =	ssettm $0x1  }
0x8e: {  	s14 =	sld [smem:$0x3FFB];
	_ =	sdelay $0x3  }
0x8f: {  	_ =	strace s14  }
0x90: {  	s0 =	sld [smem:$0x3FFC];
	_ =	sdelay $0x3  }
0x91: {  	_ =	strace s0  }
0x92: {  	s0 =	sld [smem:$0x3FFD];
	_ =	sdelay $0x3  }
0x93: {  	_ =	strace s0  }
0x94: {  	_ =	strace $0x8FFFFFFF  }
0x95: {  	s15 =	sld [smem:$0x3FDB];
	_ =	sdelay $0x1  }
0x96: {  	s16 =	simm.s32 $_scs_section_size  }
0x97: {  	s2 =	simm.s32 $_size__tile_overlayer_lowered;
	s3 =	simm.s32 $_tile_overlayer_lowered  }
0x98: {  	s4 =	simm.s32 $0x1BFF;
	s17 =	sshll.u32 s3, $0x1;
	s1 =	sadd.s32 s16, s15  }
0x99: {  	s18 =	simm.s32 $0x0;
	s2 =	sshll.u32 s2, $0x1;
	s3 =	sadd.s32 s17, s1  }
0x9a: {  	[timem:s18], [sflag:s4] =	dma.local [hbm:s3], s2  }
0x9b: {  	_ =	swait.ge [sflag:s4], s2  }
0x9c: {  	s2 =	ssub.s32 $0x0, s2;
	[sflag:s4] =	ssyncset.done $0x0  }
0x9d: {  	[sflag:s4] =	ssyncadd.s32 s2;
	_ =	sdelay $0x1  }
0x9e: {  	s19 =	simm.s32 $0x1B8B  }
0x9f: {  	_ =	swait.ge [sflag:s19], $0x1  }
0xa0: {  	[sflag:s19] =	ssyncset.done $0x0  }
0xa1: {  	s21 =	simm.s32 $0x1B8E;
	s20 =	sld [smem:$0x3FFE];
	[sflag:s19] =	ssyncadd.s32 $0xFFFFFFFF  }
0xa2: {  	s22 =	simm.s32 $execute0_lowered;
	[smem:$0x3FD2] =	sst s21  }
0xa3: {  	s3 =	sshll.u32 s22, $0x1;
	_ =	strace $0x8000005E;
	[dreg:$0x1] =	wrdreg $0xFFFFFFFF  }
0xa4: {  	s23 =	simm.s32 $_size_execute0_lowered;
	s3 =	sadd.s32 s1, s3;
	[dreg:$0x0] =	wrdreg $0x0  }
0xa5: {  	s4 =	sshll.u32 s23, $0x1;
	[dreg:$0x2] =	wrdreg s3  }
0xa6: {  	[dreg:$0x3] =	wrdreg s4  }
0xa7: {  	[dreg:$0x4] =	wrdreg $0xC0  }
0xa8: {  	s24 =	simm.s32 $execute1_lowered;
	_ =	task [dreg:s18], $0x5FFFF  }
0xa9: {  	s3 =	sshll.u32 s24, $0x1;
	[dreg:$0x1] =	wrdreg $0xFFFFFFFF  }
0xaa: {  	s1 =	sadd.s32 s1, s3;
	[dreg:$0x0] =	wrdreg $0x60  }
0xab: {  	[dreg:$0x2] =	wrdreg s1  }
0xac: {  	[dreg:$0x3] =	wrdreg s20  }
0xad: {  	[dreg:$0x4] =	wrdreg $0xB  }
0xae: {  	_ =	task.clear_ibuf [dreg:s18], $0x5FFFF;
	_ =	strace $0x9000005E  }
0xaf: {  	s25 =	simm.s32 $0xB;
	_ =	strace $0x80000060  }
0xb0: {  	_ =	swait.ge [sflag:s25], $0x1  }
0xb1: {  	[sflag:s25] =	ssyncadd.s32 $0xFFFFFFFF  }
0xb2: {  	_ =	strace $0x90000060  }
0xb3: {  	_ =	strace $0x80000061;
	[dreg:$0x1] =	wrdreg $0xFFFFFFFF  }
0xb4: {  	[dreg:$0x0] =	wrdreg $0x2030  }
0xb5: {  	[dreg:$0x2] =	wrdreg s20  }
0xb6: {  	[dreg:$0x3] =	wrdreg $0xC  }
0xb7: {  	_ =	task.clear_ibuf [dreg:s18], $0x4FFFF;
	_ =	strace $0x90000061  }
0xb8: {  	s26 =	simm.s32 $0xC;
	_ =	strace $0x80000063  }
0xb9: {  	_ =	swait.ge [sflag:s26], $0x1  }
0xba: {  	[sflag:s26] =	ssyncadd.s32 $0xFFFFFFFF  }
0xbb: {  	_ =	strace $0x90000063  }
0xbc: {  	_ =	sfence  }
0xbd: {  	s28 =	sld [smem:$0x0];
	_ =	sdelay $0x1  }
0xbe: {  	s29 =	srdreg.scid  }
0xbf: {  	s30 =	sshll.u32 s29, $0xD;
	s31 =	sshrl.u32 s29, $0x2  }
0xc0: {  	s2 =	sand.u32 $0x1, s29;
	s3 =	sand.u32 $0x4000, s30;
	s1 =	sadd.s32 s31, s28  }
0xc1: {  	s2 =	sor.u32 s3, s2;
	s1 =	sshll.u32 s1, $0x11  }
0xc2: {  	s1 =	sor.u32 s1, s2  }
0xc3: {  	s1 =	sadd.s32 $0x8F2B, s1  }
0xc4: {  	[sflag:s1] =	ssyncadd.remote.s32 $0x1  }
0xc5: {  	_ =	sfence.sel $0xFFFF  }
0xc6: {  	[dreg:$0x0] =	wrdreg $0xFFFFFFFF;
	(pc) =	sbr.abs _section_cstart, $3  }
0xc7: {  	[dreg:$0x1] =	wrdreg $0xFFFFFFFF  }
0xc8: {  	_ =	task.clear_ibuf [dreg:s18], $0x2FFFF;
	_ =	strace $0x9FFFFFFF  }
0xc9: {  	(tm) =	ssettm $0x7FFFFFFF  }
tec
execute0_lowered:
.L_overlay_start_1:
0x0: {  	(tag) =	ssettag $0x1  }
0x1: {  	s2 =	rddreg [dreg:$0x0]  }
0x2: {  	s4 =	rddreg [dreg:$0x1]  }
0x3: {  	s0 =	rddreg [dreg:$0x2];
	s3 =	stileid.u32  }
0x4: {  	[bflag:$0x3] =	sbarrier.arrive $0xFFFF;
	s1 =	simm.s32 $_size_execute1_lowered;
	p0 =	sne.s32 s3, $0x0  }
0x5: {  	s1 =	sshll.u32 s1, $0x1;
	s5 =	simm.s32 @!p0 $0x1C3F;
	s6 =	simm.s32 @!p0 $0x4060  }
0x6: {  	[timem:s6], [sflag:s5] =	dma.local @!p0 [hbm:s2], s1  }
0x7: {  	s2 =	smul.u32 $0xC40, s3  }
.Ltmp0:
0x8: {  	s31 =	simm.s32 $0x2;
	s7 =	simm.s32 $0xC40;
	(pc) =	sbr.rel .LBB2_1-.Ltmp0, $4  }
0x9: {  	s8 =	simm.s32 $0x24C0;
	s10 =	simm.s32 $0x0;
	s9 =	simm.s32 $0x0  }
0xa: {  	s3 =	simm.s32 $0x1;
	_ =	strace $0x8000005F;
	s30 =	sshrl.u32 s2, $0x3  }
0xb: {  	s6 =	simm.s32 $0x0;
	[sflag:s3] =	ssyncpa.u1 $0x0;
	s5 =	sadd.s32 s30, s4  }
0xc: {  	s4 =	sadd.s32 $0x6F200, s4;
	[sflag:s31] =	ssyncpa.u1 $0x0;
	s5 =	sadd.s32 $0x6BE00, s5  }
.LBB2_9:
0xd: {  	p1 =	seq.s32 s9, $0x2  }
.Ltmp1:
0xe: {  	_ = 	snop;
	(pc) =	sbr.rel @p1 .LBB2_11-.Ltmp1, $1  }
0xf: {  	_ =	sdelay $0x3  }
.LBB2_10:
0x10: {  	s9 =	sadd.s32 $0x1, s9;
	s10 =	smov.u32 s2  }
.LBB2_1:
0x11: {  	p1 =	sne.s32 s9, $0x0  }
.Ltmp2:
0x12: {  	_ = 	snop;
	(pc) =	sbr.rel @!p1 .LBB2_2-.Ltmp2, $1  }
0x13: {  	_ =	sdelay $0x3  }
0x14: {  	s11 =	sand.u32 $0x1, s9  }
0x15: {  	p1 =	seq.s32 s11, $0x0  }
.Ltmp3:
0x16: {  	_ = 	snop;
	(pc) =	sbr.rel @p1 .LBB2_9-.Ltmp3, $1  }
0x17: {  	_ =	sdelay $0x3  }
0x18: {  	_ =	swait.ge [sflag:s3], $0xC40  }
0x19: {  	[sflag:s3] =	ssyncset.done $0x0  }
0x1a: {  	s16 =	simm.s32 $0xD30;
	[sflag:s3] =	ssyncadd.s32 $0xFFFFF3C0  }
0x1b: {  	v0 =	vld [tilespmem:s16+$0x0]  }
0x1c: {  	v1 =	vld [tilespmem:s16+$0xFFFFFF20]  }
0x1d: {  	v2 =	vld [tilespmem:s16+$0xFFFFFF30]  }
0x1e: {  	v3 =	vld [tilespmem:s16+$0xFFFFFF40]  }
0x1f: {  	s11 =	simm.s32 $0x25B0;
	v4 =	vld [tilespmem:s16+$0xFFFFFF50]  }
0x20: {  	v5 =	vld [tilespmem:s16+$0xFFFFFF60];
	[tilespmem:s11+$0x0] =	vst v0  }
0x21: {  	[tilespmem:s11+$0xFFFFFF20] =	vst v1;
	v0 =	vld [tilespmem:s16+$0xFFFFFF70]  }
0x22: {  	[tilespmem:s11+$0xFFFFFF30] =	vst v2;
	v1 =	vld [tilespmem:s16+$0xFFFFFF80]  }
0x23: {  	[tilespmem:s11+$0xFFFFFF40] =	vst v3;
	v2 =	vld [tilespmem:s16+$0xFFFFFF90]  }
0x24: {  	[tilespmem:s11+$0xFFFFFF50] =	vst v4;
	v3 =	vld [tilespmem:s16+$0xFFFFFFA0]  }
0x25: {  	[tilespmem:s11+$0xFFFFFF60] =	vst v5;
	v5 =	vld [tilespmem:s16+$0xFFFFFFB0]  }
0x26: {  	[tilespmem:s11+$0xFFFFFF70] =	vst v0;
	v0 =	vld [tilespmem:s16+$0xFFFFFFC0]  }
0x27: {  	[tilespmem:s11+$0xFFFFFF80] =	vst v1;
	v1 =	vld [tilespmem:s16+$0xFFFFFFD0]  }
0x28: {  	[tilespmem:s11+$0xFFFFFF90] =	vst v2;
	v2 =	vld [tilespmem:s16+$0xFFFFFFE0]  }
0x29: {  	s15 =	simm.s32 $0x0;
	s12 =	simm.s32 $0xBF0;
	[tilespmem:s11+$0xFFFFFFA0] =	vst v3;
	v3 =	vld [tilespmem:s16+$0xFFFFFFF0]  }
0x2a: {  	s13 =	simm.s32 $0x30C0;
	s14 =	simm.s32 $0x1840;
	v4 =	vld [tilespmem:s16+$0xFFFFFF10];
	[tilespmem:s11+$0xFFFFFFB0] =	vst v5;
	s16 =	simm.s32 $0xE30  }
.LBB2_5:
0x2b: {  	v5 =	vld [tilespmem:s16+$0x0];
	s15 =	sadd.s32 $0x100, s15;
	[tilespmem:s11+$0xFFFFFFC0] =	vst v0  }
0x2c: {  	v0 =	vld [tilespmem:s16+$0xFFFFFF20];
	p1 =	slt.u32 s15, $0xB00;
	[tilespmem:s11+$0xFFFFFFD0] =	vst v1  }
0x2d: {  	v1 =	vld [tilespmem:s16+$0xFFFFFF30];
	[tilespmem:s11+$0xFFFFFFE0] =	vst v2  }
0x2e: {  	v2 =	vld [tilespmem:s16+$0xFFFFFF40];
	[tilespmem:s11+$0xFFFFFFF0] =	vst v3  }
0x2f: {  	v3 =	vld [tilespmem:s16+$0xFFFFFF50];
	[tilespmem:s11+$0xFFFFFF10] =	vst v4;
	s11 =	sadd.s32 $0x100, s11  }
0x30: {  	v4 =	vld [tilespmem:s16+$0xFFFFFF60];
	[tilespmem:s11+$0x0] =	vst v5  }
0x31: {  	[tilespmem:s11+$0xFFFFFF20] =	vst v0;
	v0 =	vld [tilespmem:s16+$0xFFFFFF70]  }
0x32: {  	[tilespmem:s11+$0xFFFFFF30] =	vst v1;
	v1 =	vld [tilespmem:s16+$0xFFFFFF80]  }
0x33: {  	[tilespmem:s11+$0xFFFFFF40] =	vst v2;
	v2 =	vld [tilespmem:s16+$0xFFFFFF90]  }
0x34: {  	[tilespmem:s11+$0xFFFFFF50] =	vst v3;
	v3 =	vld [tilespmem:s16+$0xFFFFFFA0]  }
0x35: {  	[tilespmem:s11+$0xFFFFFF60] =	vst v4;
	v5 =	vld [tilespmem:s16+$0xFFFFFFB0]  }
.Ltmp4:
0x36: {  	[tilespmem:s11+$0xFFFFFF70] =	vst v0;
	v0 =	vld [tilespmem:s16+$0xFFFFFFC0];
	(pc) =	sbr.rel @p1 .LBB2_5-.Ltmp4, $4  }
0x37: {  	[tilespmem:s11+$0xFFFFFF80] =	vst v1;
	v1 =	vld [tilespmem:s16+$0xFFFFFFD0]  }
0x38: {  	[tilespmem:s11+$0xFFFFFF90] =	vst v2;
	v2 =	vld [tilespmem:s16+$0xFFFFFFE0]  }
0x39: {  	[tilespmem:s11+$0xFFFFFFA0] =	vst v3;
	v3 =	vld [tilespmem:s16+$0xFFFFFFF0]  }
0x3a: {  	v4 =	vld [tilespmem:s16+$0xFFFFFF10];
	[tilespmem:s11+$0xFFFFFFB0] =	vst v5;
	s16 =	sadd.s32 $0x100, s16  }
0x3b: {  	[tilespmem:s11+$0xFFFFFFC0] =	vst v0  }
0x3c: {  	[tilespmem:s11+$0xFFFFFFD0] =	vst v1  }
0x3d: {  	[tilespmem:s11+$0xFFFFFFE0] =	vst v2  }
0x3e: {  	[tilespmem:s11+$0xFFFFFFF0] =	vst v3  }
0x3f: {  	[tilespmem:s11+$0xFFFFFF10] =	vst v4  }
.LBB2_7:
0x40: {  	s12 =	sadd.s32 $0x10, s12  }
0x41: {  	v0 =	vld [tilespmem:s14+$0x0];
	p1 =	slt.u32 s12, $0xC30  }
.Ltmp5:
0x42: {  	_ = 	snop;
	(pc) =	sbr.rel @p1 .LBB2_7-.Ltmp5, $2  }
0x43: {  	_ =	sdelay $0x2  }
0x44: {  	s14 =	sadd.s32 $0x10, s14;
	[tilespmem:s13+$0x0] =	vst v0;
	s13 =	sadd.s32 $0x10, s13  }
.Ltmp6:
0x45: {  	(pc) =	sbr.rel .LBB2_9-.Ltmp6, $4  }
0x46: {  	_ = 	snop  }
0x47: {  	s10 =	sshrl.u32 s10, $0x3  }
0x48: {  	s10 =	sadd.s32 s4, s10  }
0x49: {  	[hbm4b:s10+s6] =	stream.linear.scatter [tilespmem:s8], [sflag:$0x2], $0xC40, $0x38;
	[tilespmem:$0x3100] =	vst v63  }
.LBB2_2:
.Ltmp7:
0x4a: {  	(pc) =	sbr.rel .LBB2_10-.Ltmp7, $2  }
0x4b: {  	_ =	sdelay $0x2  }
0x4c: {  	[tilespmem:s7], [sflag:$0x1] =	stream.linear.gather [hbm4b:s5+s6], $0xC40, $0x38;
	[tilespmem:$0x3100] =	vst v63  }
.LBB2_11:
0x4d: {  	s2 =	simm.s32 $0x2  }
0x4e: {  	_ =	swait.ge [sflag:s2], $0xC40  }
0x4f: {  	[sflag:s2] =	ssyncset.done $0x0  }
0x50: {  	[sflag:s2] =	ssyncadd.s32 $0xFFFFF3C0  }
0x51: {  	_ =	sfence.sel $0x180000  }
0x52: {  	s3 =	simm.s32 $0x1;
	[bflag:$0x0] =	sbarrier.arrive $0xFFFF  }
0x53: {  	[sflag:s3] =	ssyncpa.u1 $0x1  }
0x54: {  	[sflag:s2] =	ssyncpa.u1 $0x1  }
0x55: {  	_ =	strace $0x9000005F  }
0x56: {  	s0 =	sadd.s32 @!p0 $0x100000, s0;
	[bflag:$0x2] =	sbarrier.arrive $0xFFFF  }
0x57: {  	[sflag:s0] =	ssyncadd.tile.s32 @!p0 $0x1;
	s0 =	simm.s32 @!p0 $0x3F  }
0x58: {  	_ =	swait.ge @!p0 [sflag:s0], s1  }
0x59: {  	s1 =	ssub.s32 @!p0 $0x0, s1;
	[sflag:s0] =	ssyncset.done @!p0 $0x0  }
0x5a: {  	[sflag:s0] =	ssyncadd.s32 @!p0 s1  }
0x5b: {  	[bflag:$0x3] =	sbarrier.arrive $0xFFFF  }
0x5c: {  	_ =	shalt  }
.Lfunc_end2:
execute1_lowered:
.L_overlay_start_2:
0x5d: {  	(tag) =	ssettag $0x2  }
0x5e: {  	s0 =	rddreg [dreg:$0x0]  }
0x5f: {  	s6 =	stileid.u32;
	_ =	strace $0x80000062;
	s2 =	simm.s32 $0x1  }
0x60: {  	v1 =	vimm.s32 $0xFFFFFFFF;
	s1 =	smul.u32 $0x7, s6;
	[sflag:s2] =	ssyncpa.u1 $0x0  }
0x61: {  	s3 =	smin.u32 s6, $0xD;
	[tilespmem:$0x10] =	vst v1  }
0x62: {  	v0 =	vimm.f32 $0.0e+00;
	[tilespmem:$0x20] =	vst v1;
	s1 =	sadd.s32 s3, s1  }
0x63: {  	p0 =	slt.u32 s6, $0xD;
	[tilespmem:$0x30] =	vst v0;
	s3 =	smul.u32 $0x1A90, s1;
	s1 =	simm.s32 $0xD480  }
0x64: {  	[tilespmem:$0x40] =	vst v0;
	s1 =	simm.s32 @!p0 $0xB9F0  }
0x65: {  	[tilespmem:$0x50] =	vst v0;
	s1 =	sadd.s32 s1, s3  }
0x66: {  	[tilespmem:$0x60] =	vst v1;
	s4 =	smin.u32 s1, $0xCF850  }
0x67: {  	s7 =	simm.s32 $0x2;
	[tilespmem:$0x70] =	vst v1;
	s9 =	ssub.s32 s4, s3  }
0x68: {  	s8 =	simm.s32 $0x8;
	s31 =	simm.s32 $0x9;
	[tilespmem:$0x80] =	vst v1;
	p0 =	sgt.s32 s9, $0x0  }
0x69: {  	s16 =	simm.s32 $0x0;
	s17 =	simm.s32 $0xF0;
	v1 =	vimm.s32 $0x0;
	[tilespmem:$0xB0] =	vst v0;
	s9 =	simm.s32 @!p0 $0x0  }
0x6a: {  	s18 =	simm.s32 $0xFFFFFFFF;
	s19 =	simm.s32 $0xFFFFCBE0;
	[tilespmem:$0x90] =	vst v1;
	s5 =	smulhi.u32 $0x134679AD, s9  }
0x6b: {  	s20 =	simm.s32 $0xFFFFFFFE;
	[tilespmem:$0xA0] =	vst v1;
	[sflag:s7] =	ssyncpa.u1 $0x0;
	s7 =	simm.s32 $0x7  }
0x6c: {  	s21 =	simm.s32 $0xF;
	[sflag:s7] =	ssyncpa.u1 $0x0;
	s10 =	sshrl.u32 s5, $0x9  }
0x6d: {  	s25 =	simm.s32 $0x0;
	[sflag:s8] =	ssyncpa.u1 $0x0;
	s11 =	smul.u32 $0x1A90, s10  }
0x6e: {  	s24 =	simm.s32 $0x0;
	s14 =	sshllo.u32 s6, $0x1;
	[sflag:s31] =	ssyncpa.u1 $0x0  }
.Ltmp8:
0x6f: {  	s1 =	sadd.s32 $0x6F200, s0;
	p0 =	sne.s32 s9, s11;
	(pc) =	sbr.rel .LBB3_1-.Ltmp8, $4  }
0x70: {  	s5 =	sadd.s32 $0x3C00, s0;
	s0 =	sadd.s32 $0x1DC00, s0;
	s2 =	simm.s32 @!p0 $0x0  }
0x71: {  	s23 =	smov.u32 s3;
	[dreg:$0x2] =	wrdreg s0;
	s9 =	sadd.s32 s2, s10  }
0x72: {  	vm0 =	vmmov $0xffff;
	v2 =	vlaneseq.u32;
	p0 =	por $0x0, $0x0;
	s10 =	sshll.u32 s6, $0x1;
	s11 =	sadd.s32 $0x1, s9  }
0x73: {  	vm1 =	vmxor vm1, vm1;
	vm2 =	vmmov $0x1;
	vm3 =	vcmask $0x3F3C;
	s12 =	sadd.s32 $0x2, s9;
	s13 =	sor.u32 $0x81, s10;
	s15 =	sor.u32 $0x80, s10  }
.LBB3_9:
0x74: {  	p1 =	slt.u32 s24, $0x3  }
0x75: {  	s0 =	simm.s32 @!p1 $0x2  }
0x76: {  	_ =	swait.ge @!p1 [sflag:s0], $0x1A90  }
0x77: {  	[sflag:s0] =	ssyncset.done @!p1 $0x0  }
0x78: {  	[sflag:s0] =	ssyncadd.s32 @!p1 $0xFFFFE570;
	s0 =	simm.s32 @!p1 $0x9  }
0x79: {  	_ =	swait.ge @!p1 [sflag:s0], $0x10  }
0x7a: {  	[sflag:s0] =	ssyncset.done @!p1 $0x0  }
0x7b: {  	[sflag:s0] =	ssyncadd.s32 @!p1 $0xFFFFFFF0;
	p1 =	sne.s32 s24, s12  }
.Ltmp9:
0x7c: {  	s2 =	sadd.s32 $0x1A90, s23;
	(pc) =	sbr.rel @!p1 .LBB3_10-.Ltmp9, $4  }
0x7d: {  	s6 =	smov.u32 s3;
	s31 =	sadd.s32 $0x1, s24;
	s17 =	sadd.s32 $0x1A90, s17  }
0x7e: {  	s18 =	sadd.s32 $0x1, s18;
	s25 =	smov.u32 s23;
	p2 =	slt.s32 s2, s4  }
0x7f: {  	p0 =	por !p0, !p0;
	s19 =	sadd.s32 $0x1A90, s19;
	s6 =	smov.u32 @p2 s2  }
0x80: {  	s20 =	sadd.s32 $0x1, s20;
	s23 =	smov.u32 s6;
	s24 =	smov.u32 s31  }
.LBB3_1:
0x81: {  	p1 =	sge.u32 s24, s9  }
0x82: {  	s0 =	smulhi.u32 @!p1 $0xAAAAAAAB, s24;
	_ =	sdelay $0x1  }
0x83: {  	s0 =	sshrl.u32 @!p1 s0, $0x1  }
0x84: {  	s0 =	smul.u32 @!p1 $0x3, s0;
	_ =	sdelay $0x1  }
0x85: {  	s0 =	ssub.s32 @!p1 s24, s0  }
0x86: {  	s0 =	smul.u32 @!p1 $0x6A40, s0;
	_ =	sdelay $0x1  }
0x87: {  	s2 =	sshrl.u32 @!p1 s23, $0x3;
	s0 =	sshrl.u32 @!p1 s0, $0x2  }
0x88: {  	s22 =	sand.u32 @!p1 $0x7, s23;
	s2 =	sadd.s32 @!p1 s5, s2;
	s0 =	sadd.s32 @!p1 $0x100, s0  }
0x89: {  	[tilespmem:s0], [sflag:$0x7] =	stream.linear.gather @!p1 [hbm4b:s2+s22], $0x1A90, $0x38;
	[tilespmem:$0xF030] =	vst v63  }
0x8a: {  	s0 =	sadd.s32 $0xFFFFFFFF, s24  }
0x8b: {  	p1 =	sge.u32 s0, s9  }
.Ltmp10:
0x8c: {  	_ = 	snop;
	(pc) =	sbr.rel @p1 .LBB3_5-.Ltmp10, $1  }
0x8d: {  	_ =	sdelay $0x3  }
0x8e: {  	s2 =	smulhi.u32 $0xAAAAAAAB, s0;
	_ =	sdelay $0x1  }
0x8f: {  	s2 =	sshrl.u32 s2, $0x1  }
0x90: {  	s2 =	smul.u32 $0x3, s2;
	_ =	sdelay $0x1  }
0x91: {  	s2 =	ssub.s32 s0, s2  }
0x92: {  	s2 =	smul.u32 $0x6A40, s2  }
0x93: {  	_ =	swait.ge [sflag:s7], $0x1A90  }
0x94: {  	[sflag:s7] =	ssyncset.done $0x0;
	s2 =	sshrl.u32 s2, $0x2  }
0x95: {  	[sflag:s7] =	ssyncadd.s32 $0xFFFFE570;
	(ifvalue) =	ssetifvalue $0xFFFFFFFF;
	v3 =	vld.msk [tilespmem:s2+$0x100 ss:$0x1], $0xffff;
	_ =	sdelay $0x2  }
0x96: {  	s30 =	smulhi.u32 $0xAAAAAAAB, s18;
	p1 =	sne.s32 s24, $0x1  }
0x97: {  	v4 =	vimm.s32 @!p1 $0x0  }
0x98: {  	s2 =	sshrl.u32 s30, $0x1;
	v4 =	vperm.xlane @!p1 v3, v4  }
0x99: {  	s22 =	sshll.u32 s24, $0x4;
	s2 =	smul.u32 $0xFFFEC140, s2;
	vm4 =	vlt.u32 v3, $0xC400  }
0x9a: {  	s22 =	sand.u32 $0x10, s22;
	v3 =	vnsel vm4, $0xFFFFFFFE, v3;
	vm4 =	vlt.u32 @!p1 v4, $0xC400  }
0x9b: {  	s2 =	sshra.s32 s2, $0x2;
	[tilespmem:s22+$0x60] =	vst v3;
	v3 =	vnsel @!p1 vm4, $0xFFFFFFFE, v4  }
0x9c: {  	s28 =	sadd.s32 s2, s17;
	[tilespmem:$0x80] =	vst @!p1 v3  }
0x9d: {  	v3 =	vld.msk [tilespmem:s28+$0x0 ss:$0x1], $0xffff;
	_ =	sdelay $0x4  }
0x9e: {  	(xrf1) =	vunique.msk.u32 $0xffff, v3;
	_ =	sdelay $0xd  }
0x9f: {  	v4 =	vimm.s32 $0xFFFFFFFF;
	v5, _, _ =	vpop (xrf1)  }
0xa0: {  	vm5 =	vne.s32 v3, v4;
	vm4 =	veq.s32 v5, v2  }
0xa1: {  	vm6 =	vlt.u32 v3, $0xC400;
	vm4 =	vmand vm5, vm4  }
0xa2: {  	vm4 =	vmand vm6, vm4  }
0xa3: {  	v4 =	vnsel vm4, $0xFFFFFFFF, v3  }
0xa4: {  	s31 =	sand.u32 $0x1, s0  }
0xa5: {  	s0 =	simm.s32 $0x1A90;
	p1 =	seq.s32 s31, $0x1  }
0xa6: {  	s0 =	simm.s32 @!p1 $0x0  }
0xa7: {  	s26 =	sadd.s32 $0x6B30, s0;
	(ifvalue) =	ssetifvalue $0xFFFFFFFF  }
0xa8: {  	v3 =	vperm.xlane v3, v1;
	[tilespmem:s26], [sflag:$0x8] =	stream.indirect_vreg.gather [hbm4b:s1+s16], $0x1, v4, vm0, $0x4038;
	v4 =	vnsel vm6, $0xFFFFFFFE, v4;
	[tilespmem:$0xF030] =	vst v63  }
0xa9: {  	s2 =	simm.s32 $0x0;
	s22 =	sadd.s32 $0xFFFFFFF0, s28;
	[tilespmem:s28+$0x0] =	vst v4  }
.LBB3_3:
0xaa: {  	v4 =	vld.msk [tilespmem:s22+$0x0 ss:$0x1], $0xffff;
	s2 =	sadd.s32 $0x10, s2;
	v5 =	vmov v3;
	s28 =	smov.u32 s22  }
0xab: {  	p1 =	slt.u32 s2, $0x1A80;
	_ =	sdelay $0x4  }
0xac: {  	v3 =	vperm.xlane v4, v1;
	(xrf1) =	vunique.msk.u32 $0xffff, v4;
	_ =	sdelay $0xd  }
0xad: {  	v6, _, _ =	vpop (xrf1)  }
0xae: {  	vm5 =	vne.s32 v4, v5;
	vm4 =	veq.s32 v6, v2  }
0xaf: {  	vm6 =	vlt.u32 v4, $0xC400;
	vm4 =	vmand vm5, vm4  }
0xb0: {  	vm4 =	vmand vm6, vm4  }
0xb1: {  	v4 =	vnsel vm4, $0xFFFFFFFF, v4  }
.Ltmp11:
0xb2: {  	v5 =	vnsel vm6, $0xFFFFFFFE, v4;
	(pc) =	sbr.rel @p1 .LBB3_3-.Ltmp11, $3  }
0xb3: {  	_ =	sdelay $0x1  }
0xb4: {  	s22 =	sadd.s32 $0xFFFFFFF0, s22;
	s26 =	sadd.s32 $0xFFFFFFF0, s26;
	(ifvalue) =	ssetifvalue $0xFFFFFFFF  }
0xb5: {  	[tilespmem:s26], [sflag:$0x8] =	stream.indirect_vreg.gather [hbm4b:s1+s16], $0x1, v4, vm0, $0x4038;
	[tilespmem:s28+$0x0] =	vst v5  }
0xb6: {  	s2 =	sshrl.u32 s25, $0x3;
	s6 =	rddreg [dreg:$0x2]  }
0xb7: {  	s0 =	sadd.s32 $0x85D0, s0;
	s2 =	sadd.s32 s6, s2  }
0xb8: {  	[tilespmem:s0], [sflag:$0x8] =	stream.linear.gather [hbm:s2], $0x1A90, $0x38;
	[tilespmem:$0xF030] =	vst v63  }
.LBB3_5:
0xb9: {  	p1 =	slt.u32 s24, $0x2  }
0xba: {  	p2 =	sge.u32 @!p1 s24, s12  }
0xbb: {  	p1 =	por p1, p2  }
.Ltmp12:
0xbc: {  	_ = 	snop;
	(pc) =	sbr.rel @p1 .LBB3_9-.Ltmp12, $1  }
0xbd: {  	_ =	sdelay $0x3  }
0xbe: {  	s0 =	sadd.s32 $0xFFFFFFFE, s24  }
0xbf: {  	s2 =	smulhi.u32 $0xAAAAAAAB, s0;
	_ =	sdelay $0x1  }
0xc0: {  	s2 =	sshrl.u32 s2, $0x1  }
0xc1: {  	s2 =	smul.u32 $0x3, s2;
	_ =	sdelay $0x1  }
0xc2: {  	s0 =	ssub.s32 s0, s2  }
0xc3: {  	_ =	swait.ge [sflag:s8], $0x3520;
	s0 =	smul.u32 $0x1A90, s0  }
0xc4: {  	p1 =	sne.s32 s24, s11;
	[sflag:s8] =	ssyncset.done $0x0  }
0xc5: {  	[sflag:s8] =	ssyncadd.s32 $0xFFFFCAE0;
	s2 =	sadd.s32 @!p1 $0x1B8F, s0  }
0xc6: {  	[spmem:s13] =	stream.linear.scatter @!p1 [tilespmem:s2], [sflag:$0x1], $0x1, $0x38;
	[tilespmem:$0xF030] =	vst v63  }
0xc7: {  	s2 =	simm.s32 @!p1 $0x1  }
0xc8: {  	_ =	swait.ge @!p1 [sflag:s2], $0x1  }
0xc9: {  	s22 =	sshll.u32 s24, $0x4;
	[sflag:s2] =	ssyncset.done @!p1 $0x0  }
0xca: {  	s25 =	sand.u32 $0x10, s22;
	[sflag:s2] =	ssyncadd.s32 @!p1 $0xFFFFFFFF  }
0xcb: {  	s2 =	sxor.u32 $0x10, s25;
	v4 =	vld [tilespmem:s25+$0x10]  }
0xcc: {  	v5 =	vld [tilespmem:s2+$0x60]  }
0xcd: {  	v3 =	vld [tilespmem:$0x80];
	_ =	sdelay $0x2  }
0xce: {  	(v2sf) =	vpush v4, $0x0  }
0xcf: {  	(v2sf) =	vpush v5, $0x0  }
0xd0: {  	(v2sf) =	vpush v3, $0x0;
	_ =	sdelay $0xc  }
0xd1: {  	s6 =	spop (v2sf)  }
0xd2: {  	s28 =	spop (v2sf)  }
0xd3: {  	s26 =	spop (v2sf)  }
0xd4: {  	p2 =	seq.s32 s6, s28;
	p3 =	seq.s32 s26, s6  }
0xd5: {  	p3 =	por p2, p3  }
0xd6: {  	s6 =	sand.u32 $0x1, s24;
	v4 =	vpsel p3, $0xFFFFFFFF, v4  }
0xd7: {  	s28 =	smul.u32 $0x1A90, s6;
	[tilespmem:s25+$0x10] =	vst.msk $0x1, v4  }
0xd8: {  	v4 =	vld [tilespmem:$0x30]  }
0xd9: {  	v5 =	vld [tilespmem:s28+$0x85D0]  }
0xda: {  	v6 =	vld [tilespmem:s25+$0x40];
	_ =	sdelay $0x3  }
0xdb: {  	vm4 =	vmmov vm1;
	v5 =	vadd.f32 v5, v4  }
0xdc: {  	vm5 =	vmmov vm2;
	vm4 =	vmmov @p2 vm2;
	v4 =	vadd.f32 v6, v4  }
0xdd: {  	s22 =	sshll.u32 s6, $0x4;
	vm5 =	vmmov @p3 vm1;
	[tilespmem:s28+$0x85D0] =	vst.msk vm4, v5  }
0xde: {  	[tilespmem:s22+$0xF010] =	vst.msk vm5, v4  }
0xdf: {  	v4 =	vld [tilespmem:s28+$0x6B30];
	_ =	sdelay $0x3  }
0xe0: {  	v5 =	vimm.f32 $0.0e+00  }
0xe1: {  	v4 =	vshift.insert v4, v5, s21  }
0xe2: {  	s29 =	sor.u32 $0x40, s2  }
0xe3: {  	[tilespmem:s29+$0x0] =	vst.msk $0x1, v4  }
0xe4: {  	[tilespmem:s28+$0x6B3F] =	vst.msk $0x1, v5  }
0xe5: {  	v4 =	vld [tilespmem:s0+$0x1B80];
	_ =	sdelay $0x1  }
0xe6: {  	s29 =	smulhi.u32 $0xAAAAAAAB, s20;
	s0 =	simm.s32 $0x1  }
0xe7: {  	s0 =	simm.s32 @!p0 $0x0  }
0xe8: {  	s29 =	sshrl.u32 s29, $0x1;
	s0 =	smul.u32 $0x6A40, s0  }
0xe9: {  	s29 =	smul.u32 $0xFFFEC140, s29;
	v4 =	vshift.insert v4, v1, s21  }
0xea: {  	s0 =	sshrl.u32 s0, $0x2  }
0xeb: {  	s29 =	sshra.s32 s29, $0x2;
	s30 =	sadd.s32 $0x85D0, s0;
	[tilespmem:s2+$0x10] =	vst.msk $0x1, v4  }
0xec: {  	s6 =	sadd.s32 s29, s19;
	v6 =	vld [tilespmem:s30+$0x0]  }
0xed: {  	v7 =	vld [tilespmem:s6+$0x0];
	_ =	sdelay $0x3  }
0xee: {  	v5 =	vadd.f32 v6, v5  }
0xef: {  	vm4 =	vne.s32 v7, $0xFFFFFFFF  }
0xf0: {  	(xrf2) =	vadd.seg.scan.f32 vm4, v5;
	_ =	sdelay $0x3  }
0xf1: {  	s31 =	sadd.s32 $0x50B0, s0;
	v5 =	vperm.xlane v4, v1  }
0xf2: {  	v6 =	vld [tilespmem:s31+$0x0]  }
0xf3: {  	vm5 =	veq.s32 v7, v3;
	vm6 =	veq.s32 v7, v5  }
0xf4: {  	vm7 =	vgt.u32 v7, $0xFFFFFFFD;
	vm6 =	vmor vm6, vm5  }
0xf5: {  	vm6 =	vmor vm6, vm7  }
0xf6: {  	v9 =	vld [tilespmem:$0xA0];
	v7 =	vsel vm6, $0xFFFFFFFF, v7  }
0xf7: {  	v10 =	vld [tilespmem:$0x90];
	v6 =	vsel vm5, $0x0, v6;
	v8, _, _ =	vpop (xrf2)  }
0xf8: {  	v6 =	vadd.f32 v8, v6  }
0xf9: {  	s0 =	sadd.s32 $0xBAF0, s0  }
0xfa: {  	vm4 =	vmand vm4, vm3;
	[tilespmem:s0+$0x0] =	vst v6;
	(ifvalue) =	ssetifvalue $0xFFFFFFFF  }
0xfb: {  	vm6 =	veq.s32 v9, $0x1;
	[hbm4b:s1+s16] =	stream.indirect_vreg.scatter [tilespmem:s0], [sflag:$0x2], $0x1, v7, vm0, $0x4038;
	v7 =	vsel vm4, $0x0, v8;
	[tilespmem:$0xF030] =	vst v63  }
0xfc: {  	s29 =	sadd.s32 $0xF010, s22;
	s22 =	sadd.s32 $0x10, s6;
	s2 =	simm.s32 $0x0;
	vm4 =	vmor vm6, vm5;
	v6 =	vsel vm5, v8, v10;
	v7 =	vshift.insert v7, v0, s21  }
.LBB3_7:
0xfd: {  	v8 =	vld [tilespmem:s22+$0x0];
	s30 =	sadd.s32 $0x10, s30  }
0xfe: {  	s31 =	sadd.s32 $0x10, s31;
	v9 =	vld [tilespmem:s30+$0x0]  }
0xff: {  	s2 =	sadd.s32 $0x10, s2;
	v10 =	vld [tilespmem:s31+$0x0]  }
0x100: {  	p2 =	slt.u32 s2, $0x1A80;
	_ =	sdelay $0x2  }
0x101: {  	v7 =	vadd.f32 v9, v7  }
0x102: {  	vm5 =	vne.s32 v8, $0xFFFFFFFF  }
0x103: {  	vm6 =	vmand vm5, vm3;
	(xrf2) =	vadd.seg.scan.f32 vm5, v7;
	_ =	sdelay $0x5  }
0x104: {  	vm7 =	veq.s32 v8, v5;
	vm5 =	veq.s32 v8, v3  }
0x105: {  	vm8 =	vgt.u32 v8, $0xFFFFFFFD;
	vm4 =	vmor vm4, vm5;
	vm7 =	vmor vm7, vm5  }
0x106: {  	vm7 =	vmor vm7, vm8  }
0x107: {  	v8 =	vsel vm7, $0xFFFFFFFF, v8  }
.Ltmp13:
0x108: {  	v7 =	vsel vm5, $0x0, v10;
	v9, _, _ =	vpop (xrf2);
	(pc) =	sbr.rel @p2 .LBB3_7-.Ltmp13, $4  }
0x109: {  	v6 =	vsel vm5, v9, v6;
	v10 =	vadd.f32 v9, v7;
	v7 =	vsel vm6, $0x0, v9  }
0x10a: {  	s0 =	sadd.s32 $0x10, s0;
	v7 =	vshift.insert v7, v0, s21  }
0x10b: {  	s22 =	sadd.s32 $0x10, s22;
	[tilespmem:s0+$0x0] =	vst v10;
	(ifvalue) =	ssetifvalue $0xFFFFFFFF  }
0x10c: {  	[hbm4b:s1+s16] =	stream.indirect_vreg.scatter [tilespmem:s0], [sflag:$0x2], $0x1, v8, vm0, $0x4038;
	[tilespmem:$0xF030] =	vst v63  }
0x10d: {  	v3 =	vld [tilespmem:s28+$0xD570];
	_ =	sdelay $0x4  }
0x10e: {  	v3 =	vshift.insert v3, v0, s21  }
0x10f: {  	s0 =	simm.s32 $0x30  }
0x110: {  	[tilespmem:s0+$0x0] =	vst.msk $0x1, v3  }
0x111: {  	v3 =	vsel vm4, $0x1, v1;
	[tilespmem:$0x90] =	vst v6  }
0x112: {  	s0 =	sadd.s32 @!p1 $0xD57F, s28;
	[tilespmem:$0xA0] =	vst v3  }
0x113: {  	[spmem:s14] =	stream.linear.scatter @!p1 [tilespmem:s0], [sflag:$0x1], $0x1, $0x38;
	[tilespmem:$0xF030] =	vst v63  }
0x114: {  	s0 =	simm.s32 @!p1 $0x1  }
0x115: {  	v3 =	vmctz.xlane @!p1 vm4;
	_ =	swait.ge @!p1 [sflag:s0], $0x1  }
0x116: {  	(v2sf) =	vpush @!p1 v4, $0x0  }
0x117: {  	(v2sf) =	vpush @!p1 v3, $0x0;
	_ =	sdelay $0xd  }
0x118: {  	s2 =	spop @!p1 (v2sf)  }
0x119: {  	s6 =	spop @!p1 (v2sf)  }
0x11a: {  	p2 =	sne.s32 @!p1 s26, s2;
	p3 =	slt.s32 @!p1 s6, $0xF  }
0x11b: {  	[sflag:s0] =	ssyncset.done @!p1 $0x0;
	p2 =	por p2, p1;
	p3 =	por !p3, p1  }
0x11c: {  	[sflag:s0] =	ssyncadd.s32 @!p1 $0xFFFFFFFF;
	v3 =	vimm.s32 @!p2 $0xFFFFFFFF;
	s6 =	simm.s32 @p3 $0xF  }
0x11d: {  	[tilespmem:$0x80] =	vst @!p2 v3;
	s2 =	sadd.s32 @!p1 $0x90, s6  }
0x11e: {  	[spmem:s10] =	stream.linear.scatter @!p1 [tilespmem:s2], [sflag:$0x1], $0x1, $0x38;
	[tilespmem:$0xF030] =	vst v63  }
0x11f: {  	_ =	swait.ge @!p1 [sflag:s0], $0x1  }
0x120: {  	[sflag:s0] =	ssyncset.done @!p1 $0x0  }
0x121: {  	s2 =	simm.s32 @!p1 $0x80;
	[sflag:s0] =	ssyncadd.s32 @!p1 $0xFFFFFFFF  }
0x122: {  	[spmem:s15] =	stream.linear.scatter @!p1 [tilespmem:s2], [sflag:$0x1], $0x1, $0x38;
	[tilespmem:$0xF030] =	vst v63  }
0x123: {  	_ =	swait.ge @!p1 [sflag:s0], $0x1  }
0x124: {  	[sflag:s0] =	ssyncset.done @!p1 $0x0  }
0x125: {  	[sflag:s0] =	ssyncadd.s32 @!p1 $0xFFFFFFFF;
	(ifvalue) =	ssetifvalue $0xFFFFFFFF;
	v3 =	vld [tilespmem:s25+$0x10];
	_ =	sdelay $0x3  }
.Ltmp14:
0x126: {  	_ = 	snop;
	(pc) =	sbr.rel .LBB3_9-.Ltmp14, $3  }
0x127: {  	_ =	sdelay $0x1  }
0x128: {  	(ifvalue) =	ssetifvalue $0xFFFFFFFF  }
0x129: {  	[hbm4b:s1+s16] =	stream.indirect_vreg.scatter [tilespmem:s29], [sflag:$0x9], $0x1, v3, vm0, $0x4038;
	[tilespmem:$0xF030] =	vst v63  }
.LBB3_10:
0x12a: {  	_ =	sfence.sel $0x180000  }
0x12b: {  	s0 =	simm.s32 $0x7;
	[bflag:$0x0] =	sbarrier.arrive $0xFFFF  }
0x12c: {  	s26 =	simm.s32 $0x8;
	[sflag:s0] =	ssyncpa.u1 $0x1  }
0x12d: {  	s28 =	simm.s32 $0x9;
	[sflag:s26] =	ssyncpa.u1 $0x1  }
0x12e: {  	[sflag:s28] =	ssyncpa.u1 $0x1  }
0x12f: {  	_ =	sfence.stream.spmem  }
0x130: {  	s29 =	simm.s32 $0x3;
	[bflag:$0x0] =	sbarrier.arrive $0xFFFF  }
0x131: {  	s30 =	simm.s32 $0x4;
	[sflag:s29] =	ssyncpa.u1 $0x1  }
0x132: {  	s31 =	simm.s32 $0x3C;
	s2 =	stileid.u32;
	[sflag:s30] =	ssyncpa.u1 $0x1  }
0x133: {  	p0 =	sne.s32 s2, $0x0;
	[sflag:s31] =	ssyncpa.u1 $0x1  }
0x134: {  	s0 =	simm.s32 @p0 $0x1;
	_ =	sfence @p0  }
0x135: {  	[sflag:s0] =	ssyncpa.u1 @p0 $0x1;
	s0 =	simm.s32 @p0 $0x2  }
0x136: {  	[sflag:s0] =	ssyncpa.u1 @p0 $0x1  }
0x137: {  	_ =	strace @p0 $0x90000062  }
0x138: {  	[bflag:$0x2] =	sbarrier.arrive @p0 $0xFFFF  }
0x139: {  	_ =	shalt @p0  }
.LBB3_11:
0x13a: {  	_ =	sfence.stream.spmem;
	s0 =	simm.s32 $0x5  }
0x13b: {  	s2 =	simm.s32 $0x80;
	s3 =	simm.s32 $0xC0;
	[sflag:s0] =	ssyncpa.u1 $0x0  }
0x13c: {  	[tilespmem:s3], [sflag:$0x5] =	stream.linear.gather [spmem:s2], $0x20, $0x38;
	[tilespmem:$0xF030] =	vst v63  }
0x13d: {  	s2 =	simm.s32 $0x0;
	s3 =	simm.s32 $0xE0  }
0x13e: {  	[tilespmem:s3], [sflag:$0x5] =	stream.linear.gather [spmem:s2], $0x20, $0x38;
	[tilespmem:$0xF030] =	vst v63  }
.Ltmp15:
0x13f: {  	_ = 	snop;
	(pc) =	sbr.rel .LBB3_12-.Ltmp15, $4  }
0x140: {  	_ =	swait.ge [sflag:s0], $0x40  }
0x141: {  	[sflag:s0] =	ssyncset.done $0x0  }
0x142: {  	s31 =	simm.s32 $0x6;
	[sflag:s0] =	ssyncadd.s32 $0xFFFFFFC0  }
0x143: {  	s4 =	simm.s32 $0x0;
	[sflag:s31] =	ssyncpa.u1 $0x0  }
.LBB3_17:
0x144: {  	p0 =	sgt.u32 s5, $0xC3FF  }
0x145: {  	s0 =	sshrl.u32 @!p0 s5, $0x3  }
0x146: {  	s5 =	sand.u32 @!p0 $0x7, s5;
	s6 =	simm.s32 @!p0 $0xB0;
	s0 =	sadd.s32 @!p0 s1, s0  }
0x147: {  	[tilespmem:s6], [sflag:$0x6] =	stream.linear.gather @!p0 [hbm4b:s0+s5], $0x1, $0x38;
	[tilespmem:$0xF030] =	vst v63  }
0x148: {  	s0 =	simm.s32 @!p0 $0x6  }
0x149: {  	_ =	swait.ge @!p0 [sflag:s0], $0x1  }
0x14a: {  	[sflag:s0] =	ssyncset.done @!p0 $0x0  }
0x14b: {  	[sflag:s0] =	ssyncadd.s32 @!p0 $0xFFFFFFFF  }
0x14c: {  	v2 =	vmov @!p0 s4;
	v1 =	vld.msk @!p0 [tilespmem:$0xB0], $0x1;
	_ =	sdelay $0x3  }
0x14d: {  	s0 =	simm.s32 @!p0 $0xE0  }
0x14e: {  	[tilespmem:v2+s0+$0x0], v1 =	vst.idx.ret.add.f32.msk @!p0 $0x1, v1  }
0x14f: {  	[tilespmem:s2+$0xC0] =	vst.msk $0x1, v0  }
0x150: {  	v0 =	vld.msk [tilespmem:s4+$0xE0], $0x1;
	_ =	sdelay $0x4  }
0x151: {  	[tilespmem:s2+$0xE0] =	vst.msk $0x1, v0;
	s2 =	sadd.s32 $0x1, s2  }
.LBB3_19:
0x152: {  	s4 =	sadd.s32 $0x1, s4  }
0x153: {  	p0 =	sne.s32 s4, $0x20  }
.Ltmp16:
0x154: {  	_ = 	snop;
	(pc) =	sbr.rel @!p0 .LBB3_20-.Ltmp16, $1  }
0x155: {  	_ =	sdelay $0x3  }
.LBB3_12:
0x156: {  	v0 =	vld.msk [tilespmem:s4+$0xC0], $0x1;
	_ =	sdelay $0x4  }
0x157: {  	(v2sf) =	vpush v0, $0x0;
	_ =	sdelay $0xe  }
0x158: {  	s5 =	spop (v2sf)  }
0x159: {  	p0 =	seq.s32 s5, $0xFFFFFFFF  }
.Ltmp17:
0x15a: {  	_ = 	snop;
	(pc) =	sbr.rel @p0 .LBB3_19-.Ltmp17, $1  }
0x15b: {  	_ =	sdelay $0x3  }
0x15c: {  	p0 =	slt.s32 s2, $0x1  }
.Ltmp18:
0x15d: {  	_ = 	snop;
	(pc) =	sbr.rel @p0 .LBB3_17-.Ltmp18, $1  }
0x15e: {  	_ =	sdelay $0x3  }
0x15f: {  	s0 =	simm.s32 $0xC0;
	p0 =	por $0x0, $0x0  }
0x160: {  	v1 =	vld.msk @!p0 [tilespmem:s0+$0x0], $0x1;
	_ =	sdelay $0x4  }
0x161: {  	(v2sf) =	vpush @!p0 v1, $0x0;
	_ =	sdelay $0xd  }
0x162: {  	p2 =	sne.s32 s2, $0x1  }
.Ltmp19:
0x163: {  	s6 =	spop @!p0 (v2sf);
	(pc) =	sbr.rel @!p2 .LBB3_16-.Ltmp19, $4  }
0x164: {  	p1 =	seq.s32 @!p0 s5, s6  }
0x165: {  	s6 =	simm.s32 $0x0;
	p1 =	por !p1, p0  }
0x166: {  	s8 =	simm.s32 $0xFFFFFFFF;
	s6 =	simm.s32 @p1 $0xFFFFFFFF  }
0x167: {  	s7 =	simm.s32 $0x1;
	s6 =	smov.u32 @p0 s8  }
.LBB3_15:
0x168: {  	s8 =	smov.u32 s6;
	p0 =	sne.s32 s6, $0xFFFFFFFF  }
0x169: {  	s0 =	sadd.s32 $0x1, s0;
	s6 =	smov.u32 s7;
	s7 =	sadd.s32 $0x1, s7  }
0x16a: {  	p1 =	sne.s32 s2, s7;
	v1 =	vld.msk @!p0 [tilespmem:s0+$0x0], $0x1;
	_ =	sdelay $0x4  }
0x16b: {  	(v2sf) =	vpush @!p0 v1, $0x0;
	_ =	sdelay $0xe  }
.Ltmp20:
0x16c: {  	s9 =	spop @!p0 (v2sf);
	(pc) =	sbr.rel @p1 .LBB3_15-.Ltmp20, $4  }
0x16d: {  	p2 =	seq.s32 @!p0 s5, s9  }
0x16e: {  	p2 =	por !p2, p0  }
0x16f: {  	s6 =	simm.s32 @p2 $0xFFFFFFFF  }
0x170: {  	s6 =	smov.u32 @p0 s8  }
.LBB3_16:
0x171: {  	p0 =	sne.s32 s6, $0xFFFFFFFF  }
.Ltmp21:
0x172: {  	_ = 	snop;
	(pc) =	sbr.rel @!p0 .LBB3_17-.Ltmp21, $1  }
0x173: {  	_ =	sdelay $0x3  }
0x174: {  	v0 =	vld.msk [tilespmem:s4+$0xE0], $0x1;
	v1 =	vmov s6  }
.Ltmp22:
0x175: {  	_ = 	snop;
	(pc) =	sbr.rel .LBB3_19-.Ltmp22, $2  }
0x176: {  	_ =	sdelay $0x2  }
0x177: {  	[tilespmem:v1+s3+$0x0], v0 =	vst.idx.ret.add.f32.msk $0x1, v0  }
.LBB3_20:
0x178: {  	p0 =	slt.s32 s2, $0x1  }
.Ltmp23:
0x179: {  	_ = 	snop;
	(pc) =	sbr.rel @p0 .LBB3_24-.Ltmp23, $3  }
0x17a: {  	_ =	sdelay $0x1  }
0x17b: {  	s0 =	simm.s32 $0x6  }
0x17c: {  	s3 =	simm.s32 $0x0;
	[sflag:s0] =	ssyncpa.u1 $0x1  }
0x17d: {  	s0 =	simm.s32 $0xC0  }
0x17e: {  	v0 =	vld.msk [tilespmem:s0+$0x0], $0x1;
	_ =	sdelay $0x4  }
0x17f: {  	(v2sf) =	vpush v0, $0x0;
	_ =	sdelay $0xe  }
0x180: {  	s2 =	sadd.s32 $0xFFFFFFFF, s2;
	s4 =	spop (v2sf)  }
0x181: {  	p1 =	sne.s32 s2, $0x0;
	p0 =	sgt.u32 s4, $0xC3FF  }
.Ltmp24:
0x182: {  	s5 =	sshrl.u32 @!p0 s4, $0x3;
	(pc) =	sbr.rel @!p1 .LBB3_23-.Ltmp24, $4  }
0x183: {  	s0 =	simm.s32 $0xE0;
	s4 =	sand.u32 @!p0 $0x7, s4;
	s5 =	sadd.s32 @!p0 s1, s5  }
0x184: {  	[hbm4b:s5+s4] =	stream.linear.scatter @!p0 [tilespmem:s0], [sflag:$0x5], $0x1, $0x38;
	[tilespmem:$0xF030] =	vst v63  }
0x185: {  	s5 =	simm.s32 $0x0  }
0x186: {  	s4 =	simm.s32 $0xC1;
	s5 =	simm.s32 @!p0 $0x4  }
.LBB3_22:
0x187: {  	v0 =	vld.msk [tilespmem:s4+$0x0], $0x1;
	s2 =	sadd.s32 $0xFFFFFFFF, s2;
	s3 =	sadd.s32 s3, s5  }
0x188: {  	p0 =	sne.s32 s2, $0x0;
	_ =	sdelay $0x3  }
0x189: {  	(v2sf) =	vpush v0, $0x0;
	_ =	sdelay $0xe  }
.Ltmp25:
0x18a: {  	s6 =	spop (v2sf);
	(pc) =	sbr.rel @p0 .LBB3_22-.Ltmp25, $4  }
0x18b: {  	s5 =	simm.s32 $0x0;
	p1 =	sgt.u32 s6, $0xC3FF  }
0x18c: {  	s0 =	sadd.s32 $0x1, s0;
	s5 =	simm.s32 @!p1 $0x4;
	s7 =	sshrl.u32 @!p1 s6, $0x3  }
0x18d: {  	s4 =	sadd.s32 $0x1, s4;
	s6 =	sand.u32 @!p1 $0x7, s6;
	s7 =	sadd.s32 @!p1 s1, s7  }
0x18e: {  	[hbm4b:s7+s6] =	stream.linear.scatter @!p1 [tilespmem:s0], [sflag:$0x5], $0x1, $0x38;
	[tilespmem:$0xF030] =	vst v63  }
.LBB3_23:
0x18f: {  	s0 =	sadd.s32 s3, s5  }
0x190: {  	s3 =	sshrl.u32 s0, $0x2  }
.LBB3_24:
0x191: {  	s0 =	simm.s32 $0x5  }
0x192: {  	_ =	swait.ge [sflag:s0], s3  }
0x193: {  	s1 =	ssub.s32 $0x0, s3;
	[sflag:s0] =	ssyncset.done $0x0  }
0x194: {  	[sflag:s0] =	ssyncadd.s32 s1  }
0x195: {  	[sflag:s0] =	ssyncpa.u1 $0x1  }
0x196: {  	s29 =	simm.s32 $0x1;
	_ =	sfence  }
0x197: {  	s30 =	simm.s32 $0x2;
	[sflag:s29] =	ssyncpa.u1 $0x1  }
0x198: {  	[sflag:s30] =	ssyncpa.u1 $0x1  }
0x199: {  	_ =	strace $0x90000062  }
0x19a: {  	[bflag:$0x2] =	sbarrier.arrive $0xFFFF  }
0x19b: {  	s31 =	rddreg [dreg:$0x1]  }
0x19c: {  	s0 =	sadd.s32 $0x100000, s31  }
0x19d: {  	[sflag:s0] =	ssyncadd.tile.s32 $0x1;
	_ =	shalt  }
.Lfunc_end3:
_tile_overlayer_lowered:
.L_overlay_start_3:
0x19e: {  	(tag) =	ssettag $0x3  }
0x19f: {  	s0 =	rddreg [dreg:$0x0];
	s2 =	stileid.u32  }
0x1a0: {  	s1 =	rddreg [dreg:$0x1];
	p0 =	sne.s32 s2, $0x0  }
0x1a1: {  	s3 =	rddreg [dreg:$0x2];
	[bflag:$0x3] =	sbarrier.arrive $0xFFFF;
	s2 =	simm.s32 @!p0 $0x1C01  }
0x1a2: {  	[timem:s3], [sflag:s2] =	dma.local @!p0 [hbm:s0], s1  }
0x1a3: {  	s0 =	simm.s32 @!p0 $0x1  }
0x1a4: {  	_ =	swait.ge @!p0 [sflag:s0], s1  }
0x1a5: {  	s1 =	ssub.s32 @!p0 $0x0, s1;
	[sflag:s0] =	ssyncset.done @!p0 $0x0  }
0x1a6: {  	[sflag:s0] =	ssyncadd.s32 @!p0 s1  }
0x1a7: {  	[bflag:$0x3] =	sbarrier.arrive $0xFFFF  }
0x1a8: {  	_ =	shalt  }

// kernel: scatter_offload_async_start
scs
__scs_entry_jumppad:
0x0: {  	(pc) =	sbr.rel $0x88, $3  }
0x1: {  	(tag) =	ssettag $0x0;
	lr =	simm.s32 $0x1  }
0x2: {  	[smem:$0x3F8C] =	sst lr;
	_ =	strace $0xD0000000  }
0x3: {  	_ = 	snop  }
0x4: {  	_ = 	snop  }
0x5: {  	_ = 	snop  }
0x6: {  	_ = 	snop  }
0x7: {  	_ = 	snop  }
__scs_overlays_trampoline_lowered:
0x8: {  	[smem:$0x3F9B] =	sst s0  }
0x9: {  	[smem:$0x3F9C] =	sst s1  }
0xa: {  	[smem:$0x3F9D] =	sst s2  }
0xb: {  	[smem:$0x3F9E] =	sst s3  }
0xc: {  	[smem:$0x3F9F] =	sst s4  }
0xd: {  	[smem:$0x3FA0] =	sst s5  }
0xe: {  	[smem:$0x3FA1] =	sst s6  }
0xf: {  	[smem:$0x3FA2] =	sst s7  }
0x10: {  	[smem:$0x3FA3] =	sst s8  }
0x11: {  	[smem:$0x3FA4] =	sst s9;
	s0 =	simm.s32 @!p0 $0x0  }
0x12: {  	s1 =	sld [smem:$0x3F8A];
	s0 =	simm.s32 @p0 $0x1  }
0x13: {  	[smem:$0x3FA5] =	sst s0;
	s0 =	simm.s32 @!p1 $0x0  }
0x14: {  	s2 =	sld [smem:$0x3F89];
	s0 =	simm.s32 @p1 $0x1  }
0x15: {  	[smem:$0x3FA6] =	sst s0;
	s0 =	simm.s32 @!p2 $0x0  }
0x16: {  	s3 =	sld [smem:$0x3FDB];
	s0 =	simm.s32 @p2 $0x1  }
0x17: {  	s4 =	simm.s32 $0x1BF5;
	[smem:$0x3FA8] =	sst s0  }
0x18: {  	s0 =	sld [smem:$0x3F8B];
	_ =	swait.ge [sflag:s4], $0x0  }
0x19: {  	s7 =	sld [smem:$0x3F8C]  }
0x1a: {  	s8 =	sadd.s32 $0xFFFFE003, lr  }
0x1b: {  	s9 =	sadd.s32 $0xFFFFFEF7, lr;
	s5 =	simm.s32 $0xFFFFFFFF;
	p2 =	slt.u32 s8, $0xFFFFF086  }
0x1c: {  	p1 =	slt.u32 s9, $0xF7A;
	s5 =	simm.s32 @!p2 $0x0  }
0x1d: {  	s5 =	simm.s32 @p1 $0x1;
	p0 =	seq.s32 s7, s2  }
0x1e: {  	s7 =	smul.u32 @!p0 $0xF7A, s2;
	p2 =	seq.s32 @!p0 s5, $0x0  }
0x1f: {  	s9 =	smul.u32 $0xF7A, s1;
	s8 =	simm.s32 @!p0 $0x1BF5;
	p2 =	por !p2, p0  }
0x20: {  	[sflag:s8] =	ssyncset.s32 @!p0 $0xFFFFF086;
	s6 =	sadd.s32 @!p0 s3, s7;
	s7 =	simm.s32 @!p0 $0x108  }
0x21: {  	s3 =	sadd.s32 s3, s9;
	s6 =	sadd.s32 @!p0 $0x88, s6;
	s7 =	simm.s32 @p2 $0x1082  }
0x22: {  	[simem:s7], [sflag:s8] =	dma.local @!p0 [hbm:s6], $0xF7A  }
0x23: {  	s9 =	sor.u32 $0xD0000000, s2;
	s6 =	simm.s32 $0x108;
	_ =	swait.ge @!p0 [sflag:s8], $0x0  }
0x24: {  	s3 =	sadd.s32 $0x88, s3;
	s6 =	simm.s32 @!p1 $0x1082;
	[sflag:s4] =	ssyncset.s32 $0xFFFFF086  }
0x25: {  	[simem:s6], [sflag:s4] =	dma.local [hbm:s3], $0xF7A  }
0x26: {  	[smem:$0x3F8C] =	sst s1;
	(tag) =	ssettag s2;
	_ =	strace s9  }
0x27: {  	s1 =	sld [smem:$0x3F9C]  }
0x28: {  	s2 =	sld [smem:$0x3F9D]  }
0x29: {  	s4 =	sld [smem:$0x3F9F]  }
0x2a: {  	p0 =	seq.s32 s5, $0x0;
	s5 =	sld [smem:$0x3FA0]  }
0x2b: {  	s6 =	sld [smem:$0x3FA1]  }
0x2c: {  	s7 =	sld [smem:$0x3FA2]  }
0x2d: {  	s3 =	simm.s32 $0x108;
	s8 =	sld [smem:$0x3FA3]  }
0x2e: {  	s3 =	simm.s32 @!p0 $0x1082;
	s9 =	sld [smem:$0x3FA4]  }
0x2f: {  	lr =	sadd.s32 s0, s3;
	s0 =	sld [smem:$0x3F9B]  }
0x30: {  	s3 =	sld [smem:$0x3F9E]  }
0x31: {  	[smem:$0x3FA7] =	sst s10  }
0x32: {  	s10 =	sld [smem:$0x3FA5];
	_ =	sdelay $0x3  }
0x33: {  	p0 =	seq.s32 s10, $0x1;
	s10 =	sld [smem:$0x3FA7];
	_ =	sdelay $0x3  }
0x34: {  	[smem:$0x3FA7] =	sst s10  }
0x35: {  	s10 =	sld [smem:$0x3FA6];
	_ =	sdelay $0x3  }
0x36: {  	p1 =	seq.s32 s10, $0x1;
	s10 =	sld [smem:$0x3FA7];
	_ =	sdelay $0x3  }
0x37: {  	[smem:$0x3FA7] =	sst s10  }
0x38: {  	s10 =	sld [smem:$0x3FA8]  }
0x39: {  	_ = 	snop;
	(pc) =	sbr.ind lr, $3  }
0x3a: {  	_ = 	snop  }
0x3b: {  	_ = 	snop  }
0x3c: {  	p2 =	seq.s32 s10, $0x1;
	s10 =	sld [smem:$0x3FA7]  }
0x3d: {  	_ =	shalt  }
0x3e: {  	_ =	shalt  }
0x3f: {  	_ =	shalt  }
0x40: {  	_ =	shalt  }
0x41: {  	_ =	shalt  }
0x42: {  	_ =	shalt  }
0x43: {  	_ =	shalt  }
0x44: {  	_ =	shalt  }
0x45: {  	_ =	shalt  }
0x46: {  	_ =	shalt  }
0x47: {  	_ =	shalt  }
0x48: {  	_ =	shalt  }
0x49: {  	_ =	shalt  }
0x4a: {  	_ =	shalt  }
0x4b: {  	_ =	shalt  }
0x4c: {  	_ =	shalt  }
0x4d: {  	_ =	shalt  }
0x4e: {  	_ =	shalt  }
0x4f: {  	_ =	shalt  }
0x50: {  	_ =	shalt  }
0x51: {  	_ =	shalt  }
0x52: {  	_ =	shalt  }
0x53: {  	_ =	shalt  }
0x54: {  	_ =	shalt  }
0x55: {  	_ =	shalt  }
0x56: {  	_ =	shalt  }
0x57: {  	_ =	shalt  }
0x58: {  	_ =	shalt  }
0x59: {  	_ =	shalt  }
0x5a: {  	_ =	shalt  }
0x5b: {  	_ =	shalt  }
0x5c: {  	_ =	shalt  }
0x5d: {  	_ =	shalt  }
0x5e: {  	_ =	shalt  }
0x5f: {  	_ =	shalt  }
0x60: {  	_ =	shalt  }
0x61: {  	_ =	shalt  }
0x62: {  	_ =	shalt  }
0x63: {  	_ =	shalt  }
0x64: {  	_ =	shalt  }
0x65: {  	_ =	shalt  }
0x66: {  	_ =	shalt  }
0x67: {  	_ =	shalt  }
0x68: {  	_ =	shalt  }
0x69: {  	_ =	shalt  }
0x6a: {  	_ =	shalt  }
0x6b: {  	_ =	shalt  }
0x6c: {  	_ =	shalt  }
0x6d: {  	_ =	shalt  }
0x6e: {  	_ =	shalt  }
0x6f: {  	_ =	shalt  }
0x70: {  	_ =	shalt  }
0x71: {  	_ =	shalt  }
0x72: {  	_ =	shalt  }
0x73: {  	_ =	shalt  }
0x74: {  	_ =	shalt  }
0x75: {  	_ =	shalt  }
0x76: {  	_ =	shalt  }
0x77: {  	_ =	shalt  }
0x78: {  	_ =	shalt  }
0x79: {  	_ =	shalt  }
0x7a: {  	_ =	shalt  }
0x7b: {  	_ =	shalt  }
0x7c: {  	_ =	shalt  }
0x7d: {  	_ =	shalt  }
0x7e: {  	_ =	shalt  }
0x7f: {  	_ =	shalt  }
0x80: {  	_ =	shalt  }
0x81: {  	_ =	shalt  }
0x82: {  	_ =	shalt  }
0x83: {  	_ =	shalt  }
0x84: {  	_ =	shalt  }
0x85: {  	_ =	shalt  }
0x86: {  	_ =	shalt  }
0x87: {  	_ =	shalt  }
.Lfunc_end0:
.L_simem_size_0:
called_computation_lowered:
.L_overlay_start_0:
0x88: {  	s0 =	sld [smem:$0x3FD9]  }
0x89: {  	s1 =	sld [smem:$0x3FFE];
	_ =	sdelay $0x3  }
0x8a: {  	s0 =	sadd.s32 s1, s0  }
0x8b: {  	[smem:$0x3FB3] =	sst s0  }
0x8c: {  	_ = 	snop  }
0x8d: {  	(tm) =	ssettm $0x1  }
0x8e: {  	s14 =	sld [smem:$0x3FFB];
	_ =	sdelay $0x3  }
0x8f: {  	_ =	strace s14  }
0x90: {  	s0 =	sld [smem:$0x3FFC];
	_ =	sdelay $0x3  }
0x91: {  	_ =	strace s0  }
0x92: {  	s0 =	sld [smem:$0x3FFD];
	_ =	sdelay $0x3  }
0x93: {  	_ =	strace s0  }
0x94: {  	_ =	strace $0x8FFFFFFF  }
0x95: {  	s15 =	sld [smem:$0x3FDB];
	_ =	sdelay $0x1  }
0x96: {  	s16 =	simm.s32 $_scs_section_size  }
0x97: {  	s2 =	simm.s32 $_size__tile_overlayer_lowered;
	s3 =	simm.s32 $_tile_overlayer_lowered  }
0x98: {  	s4 =	simm.s32 $0x1BFF;
	s17 =	sshll.u32 s3, $0x1;
	s1 =	sadd.s32 s16, s15  }
0x99: {  	s18 =	simm.s32 $0x0;
	s2 =	sshll.u32 s2, $0x1;
	s3 =	sadd.s32 s17, s1  }
0x9a: {  	[timem:s18], [sflag:s4] =	dma.local [hbm:s3], s2  }
0x9b: {  	_ =	swait.ge [sflag:s4], s2  }
0x9c: {  	s2 =	ssub.s32 $0x0, s2;
	[sflag:s4] =	ssyncset.done $0x0  }
0x9d: {  	[sflag:s4] =	ssyncadd.s32 s2;
	_ =	sdelay $0x1  }
0x9e: {  	s19 =	simm.s32 $0x1B8B  }
0x9f: {  	_ =	swait.ge [sflag:s19], $0x1  }
0xa0: {  	[sflag:s19] =	ssyncset.done $0x0  }
0xa1: {  	s21 =	simm.s32 $0x1B8E;
	s20 =	sld [smem:$0x3FFE];
	[sflag:s19] =	ssyncadd.s32 $0xFFFFFFFF  }
0xa2: {  	s22 =	simm.s32 $execute0_lowered;
	[smem:$0x3FD2] =	sst s21  }
0xa3: {  	s3 =	sshll.u32 s22, $0x1;
	_ =	strace $0x80000046;
	[dreg:$0x1] =	wrdreg $0xFFFFFFFF  }
0xa4: {  	s23 =	simm.s32 $_size_execute0_lowered;
	s3 =	sadd.s32 s1, s3;
	[dreg:$0x0] =	wrdreg $0x0  }
0xa5: {  	s4 =	sshll.u32 s23, $0x1;
	[dreg:$0x2] =	wrdreg s3  }
0xa6: {  	[dreg:$0x3] =	wrdreg s4  }
0xa7: {  	[dreg:$0x4] =	wrdreg $0xC0  }
0xa8: {  	s24 =	simm.s32 $execute1_lowered;
	_ =	task [dreg:s18], $0x5FFFF  }
0xa9: {  	s3 =	sshll.u32 s24, $0x1;
	[dreg:$0x1] =	wrdreg $0xFFFFFFFF  }
0xaa: {  	s1 =	sadd.s32 s1, s3;
	[dreg:$0x0] =	wrdreg $0x60  }
0xab: {  	[dreg:$0x2] =	wrdreg s1  }
0xac: {  	[dreg:$0x3] =	wrdreg s20  }
0xad: {  	[dreg:$0x4] =	wrdreg $0x9  }
0xae: {  	_ =	task.clear_ibuf [dreg:s18], $0x5FFFF;
	_ =	strace $0x90000046  }
0xaf: {  	s25 =	simm.s32 $0x9;
	_ =	strace $0x80000048  }
0xb0: {  	_ =	swait.ge [sflag:s25], $0x1  }
0xb1: {  	[sflag:s25] =	ssyncadd.s32 $0xFFFFFFFF  }
0xb2: {  	_ =	strace $0x90000048  }
0xb3: {  	_ =	strace $0x80000049;
	[dreg:$0x1] =	wrdreg $0xFFFFFFFF  }
0xb4: {  	[dreg:$0x0] =	wrdreg $0x2030  }
0xb5: {  	[dreg:$0x2] =	wrdreg s20  }
0xb6: {  	[dreg:$0x3] =	wrdreg $0xA  }
0xb7: {  	_ =	task.clear_ibuf [dreg:s18], $0x4FFFF;
	_ =	strace $0x90000049  }
0xb8: {  	s26 =	simm.s32 $0xA;
	_ =	strace $0x8000004B  }
0xb9: {  	_ =	swait.ge [sflag:s26], $0x1  }
0xba: {  	[sflag:s26] =	ssyncadd.s32 $0xFFFFFFFF  }
0xbb: {  	_ =	strace $0x9000004B  }
0xbc: {  	_ =	sfence  }
0xbd: {  	s28 =	sld [smem:$0x0];
	_ =	sdelay $0x1  }
0xbe: {  	s29 =	srdreg.scid  }
0xbf: {  	s30 =	sshll.u32 s29, $0xD;
	s31 =	sshrl.u32 s29, $0x2  }
0xc0: {  	s2 =	sand.u32 $0x1, s29;
	s3 =	sand.u32 $0x4000, s30;
	s1 =	sadd.s32 s31, s28  }
0xc1: {  	s2 =	sor.u32 s3, s2;
	s1 =	sshll.u32 s1, $0x11  }
0xc2: {  	s1 =	sor.u32 s1, s2  }
0xc3: {  	s1 =	sadd.s32 $0x8F2B, s1  }
0xc4: {  	[sflag:s1] =	ssyncadd.remote.s32 $0x1  }
0xc5: {  	_ =	sfence.sel $0xFFFF  }
0xc6: {  	[dreg:$0x0] =	wrdreg $0xFFFFFFFF;
	(pc) =	sbr.abs _section_cstart, $3  }
0xc7: {  	[dreg:$0x1] =	wrdreg $0xFFFFFFFF  }
0xc8: {  	_ =	task.clear_ibuf [dreg:s18], $0x2FFFF;
	_ =	strace $0x9FFFFFFF  }
0xc9: {  	(tm) =	ssettm $0x7FFFFFFF  }
tec
execute0_lowered:
.L_overlay_start_1:
0x0: {  	(tag) =	ssettag $0x1  }
0x1: {  	s2 =	rddreg [dreg:$0x0]  }
0x2: {  	s5 =	rddreg [dreg:$0x1]  }
0x3: {  	s0 =	rddreg [dreg:$0x2];
	s3 =	stileid.u32  }
0x4: {  	[bflag:$0x3] =	sbarrier.arrive $0xFFFF;
	s1 =	simm.s32 $_size_execute1_lowered;
	s31 =	simm.s32 $0x2  }
0x5: {  	s13 =	simm.s32 $0x0;
	s8 =	simm.s32 $0x20;
	s9 =	simm.s32 $0x80  }
0x6: {  	s11 =	simm.s32 $0x0;
	s12 =	simm.s32 $0x0;
	p0 =	sne.s32 s3, $0x0  }
0x7: {  	s1 =	sshll.u32 s1, $0x1;
	s3 =	sshll.u32 s3, $0x9;
	s4 =	simm.s32 @!p0 $0x1C3F  }
.Ltmp0:
0x8: {  	s6 =	simm.s32 @!p0 $0x4060;
	s7 =	ssub.s32 $0xC200, s3;
	(pc) =	sbr.rel .LBB2_1-.Ltmp0, $4  }
0x9: {  	[timem:s6], [sflag:s4] =	dma.local @!p0 [hbm:s2], s1  }
0xa: {  	s10 =	smov.u32 s3;
	s4 =	simm.s32 $0x1;
	_ =	strace $0x80000047  }
0xb: {  	s2 =	sadd.s32 $0xE01200, s5;
	s6 =	sshrl.u32 s7, $0xD;
	[sflag:s4] =	ssyncpa.u1 $0x0  }
0xc: {  	s5 =	sadd.s32 $0xEC4800, s5;
	s7 =	sadd.s32 $0x2, s6;
	[sflag:s31] =	ssyncpa.u1 $0x0  }
.LBB2_5:
0xd: {  	_ =	sdelay $0x3  }
0xe: {  	[tilespmem:v1+s16+$0x0 ss:$0x1] =	vst.idx.msk $0xffff, v2  }
.LBB2_6:
0xf: {  	s16 =	sand.u32 $0x1FFFFFF, s11  }
0x10: {  	s17 =	smulhi.u32 $0x14F8B59, s16;
	_ =	sdelay $0x1  }
0x11: {  	s17 =	sshrl.u32 s17, $0x8  }
0x12: {  	s17 =	smul.u32 $0xC350, s17;
	_ =	sdelay $0x1  }
0x13: {  	s16 =	ssub.s32 s16, s17  }
0x14: {  	s16 =	sshll.u32 s16, $0x4  }
0x15: {  	s16 =	sadd.s32 s5, s16  }
0x16: {  	[hbm4b:s16+s8] =	stream.strided.scatter [tilespmem:s15], [sflag:$0x2], s14, s9, s8, $0x38;
	[tilespmem:$0x10000] =	vst v63  }
.LBB2_7:
0x17: {  	p1 =	slt.u32 s12, $0x2  }
0x18: {  	p2 =	sgt.s32 @!p1 s13, $0xC150  }
0x19: {  	s14 =	smov.u32 s13;
	s15 =	sshra.s32 @!p1 s13, $0x1F;
	p2 =	por !p2, p1  }
0x1a: {  	s13 =	sand.u32 @!p1 s15, s13;
	s14 =	simm.s32 @p2 $0xC150  }
0x1b: {  	s13 =	ssub.s32 @!p1 s14, s13  }
0x1c: {  	s13 =	sadd.s32 @!p1 $0xFFFF3EB0, s13  }
0x1d: {  	s14 =	sshll.u32 @!p1 s13, $0x7  }
0x1e: {  	p2 =	sgt.s32 @!p1 s13, $0x1FF;
	s13 =	ssub.s32 @!p1 $0x10000, s14  }
0x1f: {  	s15 =	sadd.s32 $0x2000, s10;
	p2 =	por !p2, p1;
	s13 =	sshrl.u32 @!p1 s13, $0x2  }
0x20: {  	s13 =	simm.s32 @!p2 $0x0;
	p2 =	sgt.s32 s15, $0xC34F  }
0x21: {  	s15 =	smov.u32 @p2 s3;
	p2 =	sne.s32 s12, s7  }
.Ltmp1:
0x22: {  	_ = 	snop;
	(pc) =	sbr.rel @!p2 .LBB2_8-.Ltmp1, $4  }
0x23: {  	s14 =	simm.s32 @!p1 $0x2  }
0x24: {  	_ =	swait.ge @!p1 [sflag:s14], s13;
	s16 =	ssub.s32 @!p1 $0x0, s13  }
0x25: {  	s13 =	smov.u32 s11;
	s12 =	sadd.s32 $0x1, s12;
	[sflag:s14] =	ssyncset.done @!p1 $0x0  }
0x26: {  	s11 =	smov.u32 s10;
	s10 =	smov.u32 s15;
	[sflag:s14] =	ssyncadd.s32 @!p1 s16  }
.LBB2_1:
0x27: {  	p1 =	sgt.u32 s12, s6  }
0x28: {  	s15 =	smov.u32 s10;
	p2 =	sgt.s32 @!p1 s10, $0xC150  }
0x29: {  	s14 =	sand.u32 @!p1 $0x1FFFFFF, s10;
	s16 =	sshra.s32 @!p1 s10, $0x1F;
	p2 =	por !p2, p1  }
0x2a: {  	s17 =	smulhi.u32 @!p1 $0x14F8B59, s14;
	s16 =	sand.u32 @!p1 s16, s10;
	s15 =	simm.s32 @p2 $0xC150  }
0x2b: {  	s15 =	ssub.s32 @!p1 s15, s16  }
0x2c: {  	s16 =	sshrl.u32 @!p1 s17, $0x8;
	s15 =	sadd.s32 @!p1 $0xFFFF3EB0, s15  }
0x2d: {  	s17 =	sxor.u32 @!p1 $0xFFFFFFFF, s12;
	s16 =	smul.u32 @!p1 $0xC350, s16;
	s18 =	sshll.u32 @!p1 s15, $0x7  }
0x2e: {  	s17 =	sshll.u32 @!p1 s17, $0xE;
	p2 =	sgt.s32 @!p1 s15, $0x1FF;
	s15 =	ssub.s32 @!p1 $0x10000, s18  }
0x2f: {  	s14 =	ssub.s32 @!p1 s14, s16;
	p2 =	por !p2, p1;
	s16 =	sand.u32 @!p1 $0x4000, s17  }
0x30: {  	s17 =	simm.s32 @!p1 $0x20;
	s15 =	sshrl.u32 @!p1 s15, $0x2;
	s14 =	sshll.u32 @!p1 s14, $0x4  }
0x31: {  	s18 =	simm.s32 @!p1 $0x80;
	s15 =	simm.s32 @!p2 $0x0;
	s14 =	sadd.s32 @!p1 s2, s14  }
0x32: {  	[tilespmem:s16], [sflag:$0x1] =	stream.strided.gather @!p1 [hbm4b:s14+s17], s15, s18, s17, $0x38;
	[tilespmem:$0x10000] =	vst v63  }
0x33: {  	p1 =	seq.s32 s12, $0x0  }
0x34: {  	p2 =	sge.u32 @!p1 s12, s7  }
0x35: {  	p1 =	por p1, p2  }
.Ltmp2:
0x36: {  	_ = 	snop;
	(pc) =	sbr.rel @p1 .LBB2_7-.Ltmp2, $1  }
0x37: {  	_ =	sdelay $0x3  }
0x38: {  	p1 =	sgt.s32 s11, $0xC150;
	s14 =	smov.u32 s11;
	s15 =	sshra.s32 s11, $0x1F  }
0x39: {  	s14 =	simm.s32 @!p1 $0xC150;
	s15 =	sand.u32 s15, s11  }
0x3a: {  	s14 =	ssub.s32 s14, s15  }
0x3b: {  	s14 =	sadd.s32 $0xFFFF3EB0, s14  }
0x3c: {  	s31 =	sshll.u32 s14, $0x7  }
0x3d: {  	s15 =	ssub.s32 $0x10000, s31  }
0x3e: {  	p1 =	sgt.s32 s14, $0x1FF;
	s14 =	sshrl.u32 s15, $0x2;
	s15 =	sadd.s32 $0x200, s11  }
0x3f: {  	s14 =	simm.s32 @p1 $0x0;
	p1 =	slt.s32 s15, $0xC350  }
0x40: {  	s15 =	simm.s32 @!p1 $0xC350  }
0x41: {  	s17 =	ssub.s32 s15, s11  }
0x42: {  	p1 =	slt.s32 s17, $0x1  }
.Ltmp3:
0x43: {  	_ = 	snop;
	(pc) =	sbr.rel @p1 .LBB2_6-.Ltmp3, $4  }
0x44: {  	_ = 	snop  }
0x45: {  	s16 =	sshll.u32 s12, $0xE;
	_ =	swait.ge [sflag:s4], s14  }
0x46: {  	s16 =	sand.u32 $0x4000, s16;
	s18 =	ssub.s32 $0x0, s14;
	[sflag:s4] =	ssyncset.done $0x0  }
0x47: {  	s15 =	sor.u32 $0x8000, s16;
	[sflag:s4] =	ssyncadd.s32 s18  }
0x48: {  	v0 =	vmov s16;
	_ =	sdelay $0x2  }
0x49: {  	s31 =	simm.s32 $0x0;
	p1 =	sne.s32 s17, $0x1  }
.Ltmp4:
0x4a: {  	s16 =	sand.u32 $0x3FE0, s31;
	(pc) =	sbr.rel @!p1 .LBB2_5-.Ltmp4, $2  }
0x4b: {  	v1 =	vmov s15;
	v2 =	vld.idx.msk [tilespmem:v0+s16+$0x0 ss:$0x1], $0xffff;
	_ =	sdelay $0x2  }
0x4c: {  	s17 =	sadd.s32 $0xFFFFFFFF, s17;
	s18 =	simm.s32 $0x20  }
.LBB2_4:
0x4d: {  	s19 =	sand.u32 $0x3FE0, s18;
	p1 =	sne.s32 s17, $0x1;
	s17 =	sadd.s32 $0xFFFFFFFF, s17  }
.Ltmp5:
0x4e: {  	[tilespmem:v1+s16+$0x0 ss:$0x1] =	vst.idx.msk $0xffff, v2;
	v2 =	vld.idx.msk [tilespmem:v0+s19+$0x0 ss:$0x1], $0xffff;
	s16 =	smov.u32 s19;
	(pc) =	sbr.rel @p1 .LBB2_4-.Ltmp5, $2  }
0x4f: {  	_ =	sdelay $0x2  }
0x50: {  	s18 =	sadd.s32 $0x20, s18  }
.Ltmp6:
0x51: {  	_ = 	snop;
	(pc) =	sbr.rel .LBB2_5-.Ltmp6, $1  }
0x52: {  	_ =	sdelay $0x3  }
.LBB2_8:
0x53: {  	_ =	sfence.sel $0x180000  }
0x54: {  	s2 =	simm.s32 $0x1;
	[bflag:$0x0] =	sbarrier.arrive $0xFFFF  }
0x55: {  	s31 =	simm.s32 $0x2;
	[sflag:s2] =	ssyncpa.u1 $0x1  }
0x56: {  	[sflag:s31] =	ssyncpa.u1 $0x1  }
0x57: {  	_ =	strace $0x90000047  }
0x58: {  	s0 =	sadd.s32 @!p0 $0x100000, s0;
	[bflag:$0x2] =	sbarrier.arrive $0xFFFF  }
0x59: {  	[sflag:s0] =	ssyncadd.tile.s32 @!p0 $0x1;
	s0 =	simm.s32 @!p0 $0x3F  }
0x5a: {  	_ =	swait.ge @!p0 [sflag:s0], s1  }
0x5b: {  	s1 =	ssub.s32 @!p0 $0x0, s1;
	[sflag:s0] =	ssyncset.done @!p0 $0x0  }
0x5c: {  	[sflag:s0] =	ssyncadd.s32 @!p0 s1  }
0x5d: {  	[bflag:$0x3] =	sbarrier.arrive $0xFFFF  }
0x5e: {  	_ =	shalt  }
.Lfunc_end2:
execute1_lowered:
.L_overlay_start_2:
0x5f: {  	(tag) =	ssettag $0x2  }
0x60: {  	s8 =	rddreg [dreg:$0x0];
	_ =	strace $0x8000004A;
	s11 =	simm.s32 $0x1  }
0x61: {  	v0 =	vimm.s32 $0x0;
	[sflag:s11] =	ssyncpa.u1 $0x0  }
0x62: {  	[tilespmem:$0x28] =	vst v0  }
0x63: {  	[tilespmem:$0x38] =	vst v0  }
0x64: {  	[tilespmem:$0x48] =	vst v0  }
0x65: {  	[tilespmem:$0x58] =	vst v0  }
0x66: {  	[tilespmem:$0x68] =	vst v0  }
0x67: {  	[tilespmem:$0x78] =	vst v0  }
0x68: {  	[tilespmem:$0x88] =	vst v0  }
0x69: {  	[tilespmem:$0x98] =	vst v0  }
0x6a: {  	[tilespmem:$0xA8] =	vst v0  }
0x6b: {  	[tilespmem:$0xB8] =	vst v0  }
0x6c: {  	[tilespmem:$0xC8] =	vst v0  }
0x6d: {  	[tilespmem:$0xD8] =	vst v0  }
0x6e: {  	[tilespmem:$0xE8] =	vst v0  }
0x6f: {  	[tilespmem:$0xF8] =	vst v0  }
0x70: {  	[tilespmem:$0x108] =	vst v0  }
0x71: {  	[tilespmem:$0x118] =	vst v0  }
0x72: {  	[tilespmem:$0x128] =	vst v0  }
0x73: {  	[tilespmem:$0x138] =	vst v0  }
0x74: {  	[tilespmem:$0x148] =	vst v0  }
0x75: {  	[tilespmem:$0x158] =	vst v0  }
0x76: {  	[tilespmem:$0x168] =	vst v0  }
0x77: {  	[tilespmem:$0x178] =	vst v0  }
0x78: {  	[tilespmem:$0x188] =	vst v0  }
0x79: {  	[tilespmem:$0x198] =	vst v0  }
0x7a: {  	[tilespmem:$0x1A8] =	vst v0  }
0x7b: {  	[tilespmem:$0x1B8] =	vst v0  }
0x7c: {  	[tilespmem:$0x1C8] =	vst v0  }
0x7d: {  	[tilespmem:$0x1D8] =	vst v0  }
0x7e: {  	[tilespmem:$0x1E8] =	vst v0  }
0x7f: {  	[tilespmem:$0x1F8] =	vst v0  }
0x80: {  	[tilespmem:$0x208] =	vst v0  }
0x81: {  	[tilespmem:$0x218] =	vst v0  }
0x82: {  	[tilespmem:$0x228] =	vst v0  }
0x83: {  	[tilespmem:$0x238] =	vst v0  }
0x84: {  	[tilespmem:$0x248] =	vst v0  }
0x85: {  	[tilespmem:$0x258] =	vst v0  }
0x86: {  	[tilespmem:$0x268] =	vst v0  }
0x87: {  	[tilespmem:$0x278] =	vst v0  }
0x88: {  	[tilespmem:$0x288] =	vst v0  }
0x89: {  	[tilespmem:$0x298] =	vst v0  }
0x8a: {  	[tilespmem:$0x2A8] =	vst v0  }
0x8b: {  	[tilespmem:$0x2B8] =	vst v0  }
0x8c: {  	[tilespmem:$0x2C8] =	vst v0  }
0x8d: {  	[tilespmem:$0x2D8] =	vst v0  }
0x8e: {  	[tilespmem:$0x2E8] =	vst v0  }
0x8f: {  	[tilespmem:$0x2F8] =	vst v0  }
0x90: {  	[tilespmem:$0x308] =	vst v0  }
0x91: {  	[tilespmem:$0x318] =	vst v0  }
0x92: {  	[tilespmem:$0x328] =	vst v0  }
0x93: {  	[tilespmem:$0x338] =	vst v0  }
0x94: {  	[tilespmem:$0x348] =	vst v0  }
0x95: {  	[tilespmem:$0x358] =	vst v0  }
0x96: {  	[tilespmem:$0x368] =	vst v0  }
0x97: {  	[tilespmem:$0x378] =	vst v0  }
0x98: {  	[tilespmem:$0x388] =	vst v0  }
0x99: {  	[tilespmem:$0x398] =	vst v0  }
0x9a: {  	[tilespmem:$0x3A8] =	vst v0  }
0x9b: {  	[tilespmem:$0x3B8] =	vst v0  }
0x9c: {  	[tilespmem:$0x3C8] =	vst v0  }
0x9d: {  	[tilespmem:$0x3D8] =	vst v0  }
0x9e: {  	[tilespmem:$0x3E8] =	vst v0  }
0x9f: {  	[tilespmem:$0x3F8] =	vst v0  }
0xa0: {  	[tilespmem:$0x408] =	vst v0  }
0xa1: {  	[tilespmem:$0x418] =	vst v0  }
0xa2: {  	[tilespmem:$0x428] =	vst v0  }
0xa3: {  	[tilespmem:$0x438] =	vst v0  }
0xa4: {  	[tilespmem:$0x448] =	vst v0  }
0xa5: {  	[tilespmem:$0x458] =	vst v0  }
0xa6: {  	[tilespmem:$0x468] =	vst v0  }
0xa7: {  	[tilespmem:$0x478] =	vst v0  }
0xa8: {  	[tilespmem:$0x488] =	vst v0  }
0xa9: {  	[tilespmem:$0x498] =	vst v0  }
0xaa: {  	[tilespmem:$0x4A8] =	vst v0  }
0xab: {  	[tilespmem:$0x4B8] =	vst v0  }
0xac: {  	[tilespmem:$0x4C8] =	vst v0  }
0xad: {  	[tilespmem:$0x4D8] =	vst v0  }
0xae: {  	[tilespmem:$0x4E8] =	vst v0  }
0xaf: {  	[tilespmem:$0x4F8] =	vst v0  }
0xb0: {  	[tilespmem:$0x508] =	vst v0  }
0xb1: {  	[tilespmem:$0x518] =	vst v0  }
0xb2: {  	[tilespmem:$0x528] =	vst v0  }
0xb3: {  	[tilespmem:$0x538] =	vst v0  }
0xb4: {  	[tilespmem:$0x548] =	vst v0  }
0xb5: {  	[tilespmem:$0x558] =	vst v0  }
0xb6: {  	[tilespmem:$0x568] =	vst v0  }
0xb7: {  	[tilespmem:$0x578] =	vst v0  }
0xb8: {  	[tilespmem:$0x588] =	vst v0  }
0xb9: {  	[tilespmem:$0x598] =	vst v0  }
0xba: {  	[tilespmem:$0x5A8] =	vst v0  }
0xbb: {  	[tilespmem:$0x5B8] =	vst v0  }
0xbc: {  	[tilespmem:$0x5C8] =	vst v0  }
0xbd: {  	[tilespmem:$0x5D8] =	vst v0  }
0xbe: {  	[tilespmem:$0x5E8] =	vst v0  }
0xbf: {  	[tilespmem:$0x5F8] =	vst v0  }
0xc0: {  	[tilespmem:$0x608] =	vst v0  }
0xc1: {  	[tilespmem:$0x618] =	vst v0  }
0xc2: {  	[tilespmem:$0x628] =	vst v0  }
0xc3: {  	[tilespmem:$0x638] =	vst v0  }
0xc4: {  	[tilespmem:$0x648] =	vst v0  }
0xc5: {  	[tilespmem:$0x658] =	vst v0  }
0xc6: {  	[tilespmem:$0x668] =	vst v0  }
0xc7: {  	[tilespmem:$0x678] =	vst v0  }
0xc8: {  	[tilespmem:$0x688] =	vst v0  }
0xc9: {  	[tilespmem:$0x698] =	vst v0  }
0xca: {  	[tilespmem:$0x6A8] =	vst v0  }
0xcb: {  	[tilespmem:$0x6B8] =	vst v0  }
0xcc: {  	[tilespmem:$0x6C8] =	vst v0  }
0xcd: {  	[tilespmem:$0x6D8] =	vst v0  }
0xce: {  	[tilespmem:$0x6E8] =	vst v0  }
0xcf: {  	[tilespmem:$0x6F8] =	vst v0  }
0xd0: {  	[tilespmem:$0x708] =	vst v0  }
0xd1: {  	[tilespmem:$0x718] =	vst v0  }
0xd2: {  	[tilespmem:$0x728] =	vst v0  }
0xd3: {  	[tilespmem:$0x738] =	vst v0  }
0xd4: {  	[tilespmem:$0x748] =	vst v0  }
0xd5: {  	[tilespmem:$0x758] =	vst v0  }
0xd6: {  	[tilespmem:$0x768] =	vst v0  }
0xd7: {  	[tilespmem:$0x778] =	vst v0  }
0xd8: {  	[tilespmem:$0x788] =	vst v0  }
0xd9: {  	[tilespmem:$0x798] =	vst v0  }
0xda: {  	[tilespmem:$0x7A8] =	vst v0  }
0xdb: {  	[tilespmem:$0x7B8] =	vst v0  }
0xdc: {  	[tilespmem:$0x7C8] =	vst v0  }
0xdd: {  	[tilespmem:$0x7D8] =	vst v0  }
0xde: {  	[tilespmem:$0x7E8] =	vst v0  }
0xdf: {  	[tilespmem:$0x7F8] =	vst v0  }
0xe0: {  	[tilespmem:$0x808] =	vst v0  }
0xe1: {  	[tilespmem:$0x818] =	vst v0  }
0xe2: {  	[tilespmem:$0x828] =	vst v0  }
0xe3: {  	[tilespmem:$0x838] =	vst v0  }
0xe4: {  	[tilespmem:$0x848] =	vst v0  }
0xe5: {  	[tilespmem:$0x858] =	vst v0  }
0xe6: {  	[tilespmem:$0x868] =	vst v0  }
0xe7: {  	[tilespmem:$0x878] =	vst v0  }
0xe8: {  	[tilespmem:$0x888] =	vst v0  }
0xe9: {  	[tilespmem:$0x898] =	vst v0  }
0xea: {  	[tilespmem:$0x8A8] =	vst v0  }
0xeb: {  	[tilespmem:$0x8B8] =	vst v0  }
0xec: {  	[tilespmem:$0x8C8] =	vst v0  }
0xed: {  	[tilespmem:$0x8D8] =	vst v0  }
0xee: {  	[tilespmem:$0x8E8] =	vst v0  }
0xef: {  	[tilespmem:$0x8F8] =	vst v0  }
0xf0: {  	[tilespmem:$0x908] =	vst v0  }
0xf1: {  	[tilespmem:$0x918] =	vst v0  }
0xf2: {  	[tilespmem:$0x928] =	vst v0  }
0xf3: {  	[tilespmem:$0x938] =	vst v0  }
0xf4: {  	[tilespmem:$0x948] =	vst v0  }
0xf5: {  	[tilespmem:$0x958] =	vst v0  }
0xf6: {  	[tilespmem:$0x968] =	vst v0  }
0xf7: {  	[tilespmem:$0x978] =	vst v0  }
0xf8: {  	[tilespmem:$0x988] =	vst v0  }
0xf9: {  	[tilespmem:$0x998] =	vst v0  }
0xfa: {  	[tilespmem:$0x9A8] =	vst v0  }
0xfb: {  	[tilespmem:$0x9B8] =	vst v0  }
0xfc: {  	[tilespmem:$0x9C8] =	vst v0  }
0xfd: {  	[tilespmem:$0x9D8] =	vst v0  }
0xfe: {  	[tilespmem:$0x9E8] =	vst v0  }
0xff: {  	[tilespmem:$0x9F8] =	vst v0  }
0x100: {  	[tilespmem:$0xA08] =	vst v0  }
0x101: {  	[tilespmem:$0xA18] =	vst v0  }
0x102: {  	[tilespmem:$0xA28] =	vst v0  }
0x103: {  	[tilespmem:$0xA38] =	vst v0  }
0x104: {  	[tilespmem:$0xA48] =	vst v0  }
0x105: {  	[tilespmem:$0xA58] =	vst v0  }
0x106: {  	[tilespmem:$0xA68] =	vst v0  }
0x107: {  	[tilespmem:$0xA78] =	vst v0  }
0x108: {  	[tilespmem:$0xA88] =	vst v0  }
0x109: {  	[tilespmem:$0xA98] =	vst v0  }
0x10a: {  	[tilespmem:$0xAA8] =	vst v0  }
0x10b: {  	[tilespmem:$0xAB8] =	vst v0  }
0x10c: {  	[tilespmem:$0xAC8] =	vst v0  }
0x10d: {  	[tilespmem:$0xAD8] =	vst v0  }
0x10e: {  	[tilespmem:$0xAE8] =	vst v0  }
0x10f: {  	[tilespmem:$0xAF8] =	vst v0  }
0x110: {  	[tilespmem:$0xB08] =	vst v0  }
0x111: {  	[tilespmem:$0xB18] =	vst v0  }
0x112: {  	[tilespmem:$0xB28] =	vst v0  }
0x113: {  	[tilespmem:$0xB38] =	vst v0  }
0x114: {  	[tilespmem:$0xB48] =	vst v0  }
0x115: {  	[tilespmem:$0xB58] =	vst v0  }
0x116: {  	[tilespmem:$0xB68] =	vst v0  }
0x117: {  	[tilespmem:$0xB78] =	vst v0  }
0x118: {  	[tilespmem:$0xB88] =	vst v0  }
0x119: {  	[tilespmem:$0xB98] =	vst v0  }
0x11a: {  	[tilespmem:$0xBA8] =	vst v0  }
0x11b: {  	[tilespmem:$0xBB8] =	vst v0  }
0x11c: {  	[tilespmem:$0xBC8] =	vst v0  }
0x11d: {  	[tilespmem:$0xBD8] =	vst v0  }
0x11e: {  	[tilespmem:$0xBE8] =	vst v0  }
0x11f: {  	[tilespmem:$0xBF8] =	vst v0  }
0x120: {  	[tilespmem:$0xC08] =	vst v0  }
0x121: {  	[tilespmem:$0xC18] =	vst v0  }
0x122: {  	[tilespmem:$0xC28] =	vst v0  }
0x123: {  	[tilespmem:$0xC38] =	vst v0  }
0x124: {  	[tilespmem:$0xC48] =	vst v0  }
0x125: {  	[tilespmem:$0xC58] =	vst v0  }
0x126: {  	[tilespmem:$0xC68] =	vst v0  }
0x127: {  	[tilespmem:$0xC78] =	vst v0  }
0x128: {  	[tilespmem:$0xC88] =	vst v0  }
0x129: {  	[tilespmem:$0xC98] =	vst v0  }
0x12a: {  	[tilespmem:$0xCA8] =	vst v0  }
0x12b: {  	[tilespmem:$0xCB8] =	vst v0  }
0x12c: {  	[tilespmem:$0xCC8] =	vst v0  }
0x12d: {  	[tilespmem:$0xCD8] =	vst v0  }
0x12e: {  	[tilespmem:$0xCE8] =	vst v0  }
0x12f: {  	[tilespmem:$0xCF8] =	vst v0  }
0x130: {  	[tilespmem:$0xD08] =	vst v0  }
0x131: {  	[tilespmem:$0xD18] =	vst v0  }
0x132: {  	[tilespmem:$0xD28] =	vst v0  }
0x133: {  	[tilespmem:$0xD38] =	vst v0  }
0x134: {  	[tilespmem:$0xD48] =	vst v0  }
0x135: {  	[tilespmem:$0xD58] =	vst v0  }
0x136: {  	[tilespmem:$0xD68] =	vst v0  }
0x137: {  	[tilespmem:$0xD78] =	vst v0  }
0x138: {  	[tilespmem:$0xD88] =	vst v0  }
0x139: {  	[tilespmem:$0xD98] =	vst v0  }
0x13a: {  	[tilespmem:$0xDA8] =	vst v0  }
0x13b: {  	[tilespmem:$0xDB8] =	vst v0  }
0x13c: {  	[tilespmem:$0xDC8] =	vst v0  }
0x13d: {  	[tilespmem:$0xDD8] =	vst v0  }
0x13e: {  	[tilespmem:$0xDE8] =	vst v0  }
0x13f: {  	[tilespmem:$0xDF8] =	vst v0  }
0x140: {  	[tilespmem:$0xE08] =	vst v0  }
0x141: {  	[tilespmem:$0xE18] =	vst v0  }
0x142: {  	[tilespmem:$0xE28] =	vst v0  }
0x143: {  	[tilespmem:$0xE38] =	vst v0  }
0x144: {  	[tilespmem:$0xE48] =	vst v0  }
0x145: {  	[tilespmem:$0xE58] =	vst v0  }
0x146: {  	[tilespmem:$0xE68] =	vst v0  }
0x147: {  	[tilespmem:$0xE78] =	vst v0  }
0x148: {  	[tilespmem:$0xE88] =	vst v0  }
0x149: {  	[tilespmem:$0xE98] =	vst v0  }
0x14a: {  	[tilespmem:$0xEA8] =	vst v0  }
0x14b: {  	[tilespmem:$0xEB8] =	vst v0  }
0x14c: {  	[tilespmem:$0xEC8] =	vst v0  }
0x14d: {  	[tilespmem:$0xED8] =	vst v0  }
0x14e: {  	[tilespmem:$0xEE8] =	vst v0  }
0x14f: {  	[tilespmem:$0xEF8] =	vst v0  }
0x150: {  	[tilespmem:$0xF08] =	vst v0  }
0x151: {  	[tilespmem:$0xF18] =	vst v0  }
0x152: {  	[tilespmem:$0xF28] =	vst v0  }
0x153: {  	[tilespmem:$0xF38] =	vst v0  }
0x154: {  	[tilespmem:$0xF48] =	vst v0  }
0x155: {  	[tilespmem:$0xF58] =	vst v0  }
0x156: {  	[tilespmem:$0xF68] =	vst v0  }
0x157: {  	[tilespmem:$0xF78] =	vst v0  }
0x158: {  	[tilespmem:$0xF88] =	vst v0  }
0x159: {  	[tilespmem:$0xF98] =	vst v0  }
0x15a: {  	[tilespmem:$0xFA8] =	vst v0  }
0x15b: {  	[tilespmem:$0xFB8] =	vst v0  }
0x15c: {  	[tilespmem:$0xFC8] =	vst v0  }
0x15d: {  	[tilespmem:$0xFD8] =	vst v0  }
0x15e: {  	[tilespmem:$0xFE8] =	vst v0  }
0x15f: {  	[tilespmem:$0xFF8] =	vst v0  }
0x160: {  	[tilespmem:$0x1018] =	vst v0  }
0x161: {  	[tilespmem:$0x1098] =	vst v0  }
0x162: {  	[tilespmem:$0x1B28] =	vst v0  }
0x163: {  	[tilespmem:$0x1B18] =	vst v0  }
0x164: {  	[tilespmem:$0x1B08] =	vst v0  }
0x165: {  	[tilespmem:$0x1AF8] =	vst v0  }
0x166: {  	[tilespmem:$0x1AE8] =	vst v0  }
0x167: {  	[tilespmem:$0x1AD8] =	vst v0  }
0x168: {  	[tilespmem:$0x1AC8] =	vst v0  }
0x169: {  	[tilespmem:$0x1AB8] =	vst v0  }
0x16a: {  	[tilespmem:$0x1AA8] =	vst v0  }
0x16b: {  	[tilespmem:$0x1A98] =	vst v0  }
0x16c: {  	[tilespmem:$0x1A88] =	vst v0  }
0x16d: {  	[tilespmem:$0x1A78] =	vst v0  }
0x16e: {  	[tilespmem:$0x1A68] =	vst v0  }
0x16f: {  	[tilespmem:$0x1A58] =	vst v0  }
0x170: {  	[tilespmem:$0x1A48] =	vst v0  }
0x171: {  	[tilespmem:$0x1A38] =	vst v0  }
0x172: {  	[tilespmem:$0x1A28] =	vst v0  }
0x173: {  	[tilespmem:$0x1A18] =	vst v0  }
0x174: {  	[tilespmem:$0x1A08] =	vst v0  }
0x175: {  	[tilespmem:$0x19F8] =	vst v0  }
0x176: {  	[tilespmem:$0x19E8] =	vst v0  }
0x177: {  	[tilespmem:$0x19D8] =	vst v0  }
0x178: {  	[tilespmem:$0x19C8] =	vst v0  }
0x179: {  	[tilespmem:$0x19B8] =	vst v0  }
0x17a: {  	[tilespmem:$0x19A8] =	vst v0  }
0x17b: {  	[tilespmem:$0x1998] =	vst v0  }
0x17c: {  	[tilespmem:$0x1988] =	vst v0  }
0x17d: {  	[tilespmem:$0x1978] =	vst v0  }
0x17e: {  	[tilespmem:$0x1968] =	vst v0  }
0x17f: {  	[tilespmem:$0x1958] =	vst v0  }
0x180: {  	[tilespmem:$0x1948] =	vst v0  }
0x181: {  	[tilespmem:$0x1938] =	vst v0  }
0x182: {  	[tilespmem:$0x1928] =	vst v0  }
0x183: {  	[tilespmem:$0x1918] =	vst v0  }
0x184: {  	[tilespmem:$0x1908] =	vst v0  }
0x185: {  	[tilespmem:$0x18F8] =	vst v0  }
0x186: {  	[tilespmem:$0x18E8] =	vst v0  }
0x187: {  	[tilespmem:$0x18D8] =	vst v0  }
0x188: {  	[tilespmem:$0x18C8] =	vst v0  }
0x189: {  	[tilespmem:$0x18B8] =	vst v0  }
0x18a: {  	[tilespmem:$0x18A8] =	vst v0  }
0x18b: {  	[tilespmem:$0x1898] =	vst v0  }
0x18c: {  	[tilespmem:$0x1888] =	vst v0  }
0x18d: {  	[tilespmem:$0x1878] =	vst v0  }
0x18e: {  	[tilespmem:$0x1868] =	vst v0  }
0x18f: {  	[tilespmem:$0x1858] =	vst v0  }
0x190: {  	[tilespmem:$0x1848] =	vst v0  }
0x191: {  	[tilespmem:$0x1838] =	vst v0  }
0x192: {  	[tilespmem:$0x1828] =	vst v0  }
0x193: {  	[tilespmem:$0x1818] =	vst v0  }
0x194: {  	[tilespmem:$0x1808] =	vst v0  }
0x195: {  	[tilespmem:$0x17F8] =	vst v0  }
0x196: {  	[tilespmem:$0x17E8] =	vst v0  }
0x197: {  	[tilespmem:$0x17D8] =	vst v0  }
0x198: {  	[tilespmem:$0x17C8] =	vst v0  }
0x199: {  	[tilespmem:$0x17B8] =	vst v0  }
0x19a: {  	[tilespmem:$0x17A8] =	vst v0  }
0x19b: {  	[tilespmem:$0x1798] =	vst v0  }
0x19c: {  	[tilespmem:$0x1788] =	vst v0  }
0x19d: {  	[tilespmem:$0x1778] =	vst v0  }
0x19e: {  	[tilespmem:$0x1768] =	vst v0  }
0x19f: {  	[tilespmem:$0x1758] =	vst v0  }
0x1a0: {  	[tilespmem:$0x1748] =	vst v0  }
0x1a1: {  	[tilespmem:$0x1738] =	vst v0  }
0x1a2: {  	[tilespmem:$0x1728] =	vst v0  }
0x1a3: {  	[tilespmem:$0x1718] =	vst v0  }
0x1a4: {  	[tilespmem:$0x1708] =	vst v0  }
0x1a5: {  	[tilespmem:$0x16F8] =	vst v0  }
0x1a6: {  	[tilespmem:$0x16E8] =	vst v0  }
0x1a7: {  	[tilespmem:$0x16D8] =	vst v0  }
0x1a8: {  	[tilespmem:$0x16C8] =	vst v0  }
0x1a9: {  	[tilespmem:$0x16B8] =	vst v0  }
0x1aa: {  	[tilespmem:$0x16A8] =	vst v0  }
0x1ab: {  	[tilespmem:$0x1698] =	vst v0  }
0x1ac: {  	[tilespmem:$0x1688] =	vst v0  }
0x1ad: {  	[tilespmem:$0x1678] =	vst v0  }
0x1ae: {  	[tilespmem:$0x1668] =	vst v0  }
0x1af: {  	[tilespmem:$0x1658] =	vst v0  }
0x1b0: {  	[tilespmem:$0x1648] =	vst v0  }
0x1b1: {  	[tilespmem:$0x1638] =	vst v0  }
0x1b2: {  	[tilespmem:$0x1628] =	vst v0  }
0x1b3: {  	[tilespmem:$0x1618] =	vst v0  }
0x1b4: {  	[tilespmem:$0x1608] =	vst v0  }
0x1b5: {  	[tilespmem:$0x15F8] =	vst v0  }
0x1b6: {  	[tilespmem:$0x15E8] =	vst v0  }
0x1b7: {  	[tilespmem:$0x15D8] =	vst v0  }
0x1b8: {  	[tilespmem:$0x15C8] =	vst v0  }
0x1b9: {  	[tilespmem:$0x15B8] =	vst v0  }
0x1ba: {  	[tilespmem:$0x15A8] =	vst v0  }
0x1bb: {  	[tilespmem:$0x1598] =	vst v0  }
0x1bc: {  	[tilespmem:$0x1588] =	vst v0  }
0x1bd: {  	[tilespmem:$0x1578] =	vst v0  }
0x1be: {  	[tilespmem:$0x1568] =	vst v0  }
0x1bf: {  	[tilespmem:$0x1558] =	vst v0  }
0x1c0: {  	[tilespmem:$0x1548] =	vst v0  }
0x1c1: {  	[tilespmem:$0x1538] =	vst v0  }
0x1c2: {  	[tilespmem:$0x1528] =	vst v0  }
0x1c3: {  	[tilespmem:$0x1518] =	vst v0  }
0x1c4: {  	[tilespmem:$0x1508] =	vst v0  }
0x1c5: {  	[tilespmem:$0x14F8] =	vst v0  }
0x1c6: {  	[tilespmem:$0x14E8] =	vst v0  }
0x1c7: {  	[tilespmem:$0x14D8] =	vst v0  }
0x1c8: {  	[tilespmem:$0x14C8] =	vst v0  }
0x1c9: {  	[tilespmem:$0x14B8] =	vst v0  }
0x1ca: {  	[tilespmem:$0x14A8] =	vst v0  }
0x1cb: {  	[tilespmem:$0x1498] =	vst v0  }
0x1cc: {  	[tilespmem:$0x1488] =	vst v0  }
0x1cd: {  	[tilespmem:$0x1478] =	vst v0  }
0x1ce: {  	[tilespmem:$0x1468] =	vst v0  }
0x1cf: {  	[tilespmem:$0x1458] =	vst v0  }
0x1d0: {  	[tilespmem:$0x1448] =	vst v0  }
0x1d1: {  	[tilespmem:$0x1438] =	vst v0  }
0x1d2: {  	[tilespmem:$0x1428] =	vst v0  }
0x1d3: {  	[tilespmem:$0x1418] =	vst v0  }
0x1d4: {  	[tilespmem:$0x1408] =	vst v0  }
0x1d5: {  	[tilespmem:$0x13F8] =	vst v0  }
0x1d6: {  	[tilespmem:$0x13E8] =	vst v0  }
0x1d7: {  	[tilespmem:$0x13D8] =	vst v0  }
0x1d8: {  	[tilespmem:$0x13C8] =	vst v0  }
0x1d9: {  	[tilespmem:$0x13B8] =	vst v0  }
0x1da: {  	[tilespmem:$0x13A8] =	vst v0  }
0x1db: {  	[tilespmem:$0x1398] =	vst v0  }
0x1dc: {  	[tilespmem:$0x1388] =	vst v0  }
0x1dd: {  	[tilespmem:$0x1378] =	vst v0  }
0x1de: {  	[tilespmem:$0x1368] =	vst v0  }
0x1df: {  	[tilespmem:$0x1358] =	vst v0  }
0x1e0: {  	[tilespmem:$0x1348] =	vst v0  }
0x1e1: {  	[tilespmem:$0x1338] =	vst v0  }
0x1e2: {  	[tilespmem:$0x1328] =	vst v0  }
0x1e3: {  	[tilespmem:$0x1318] =	vst v0  }
0x1e4: {  	[tilespmem:$0x1308] =	vst v0  }
0x1e5: {  	[tilespmem:$0x12F8] =	vst v0  }
0x1e6: {  	[tilespmem:$0x12E8] =	vst v0  }
0x1e7: {  	[tilespmem:$0x12D8] =	vst v0  }
0x1e8: {  	[tilespmem:$0x12C8] =	vst v0  }
0x1e9: {  	[tilespmem:$0x12B8] =	vst v0  }
0x1ea: {  	[tilespmem:$0x12A8] =	vst v0  }
0x1eb: {  	[tilespmem:$0x1298] =	vst v0  }
0x1ec: {  	[tilespmem:$0x1288] =	vst v0  }
0x1ed: {  	[tilespmem:$0x1278] =	vst v0  }
0x1ee: {  	[tilespmem:$0x1268] =	vst v0  }
0x1ef: {  	[tilespmem:$0x1258] =	vst v0  }
0x1f0: {  	[tilespmem:$0x1248] =	vst v0  }
0x1f1: {  	[tilespmem:$0x1238] =	vst v0  }
0x1f2: {  	[tilespmem:$0x1228] =	vst v0  }
0x1f3: {  	[tilespmem:$0x1218] =	vst v0  }
0x1f4: {  	[tilespmem:$0x1208] =	vst v0  }
0x1f5: {  	[tilespmem:$0x11F8] =	vst v0  }
0x1f6: {  	[tilespmem:$0x11E8] =	vst v0  }
0x1f7: {  	[tilespmem:$0x11D8] =	vst v0  }
0x1f8: {  	[tilespmem:$0x11C8] =	vst v0  }
0x1f9: {  	[tilespmem:$0x11B8] =	vst v0  }
0x1fa: {  	[tilespmem:$0x11A8] =	vst v0  }
0x1fb: {  	[tilespmem:$0x1198] =	vst v0  }
0x1fc: {  	[tilespmem:$0x1188] =	vst v0  }
0x1fd: {  	[tilespmem:$0x1178] =	vst v0  }
0x1fe: {  	[tilespmem:$0x1168] =	vst v0  }
0x1ff: {  	[tilespmem:$0x1158] =	vst v0  }
0x200: {  	[tilespmem:$0x1148] =	vst v0  }
0x201: {  	[tilespmem:$0x1138] =	vst v0  }
0x202: {  	[tilespmem:$0x1128] =	vst v0  }
0x203: {  	[tilespmem:$0x1118] =	vst v0  }
0x204: {  	[tilespmem:$0x1108] =	vst v0  }
0x205: {  	[tilespmem:$0x10F8] =	vst v0  }
0x206: {  	[tilespmem:$0x10E8] =	vst v0  }
0x207: {  	s2 =	stileid.u32;
	[tilespmem:$0x10D8] =	vst v0  }
0x208: {  	s3 =	smul.u32 $0xCF90, s2;
	[tilespmem:$0x10C8] =	vst v0  }
0x209: {  	[tilespmem:$0x10B8] =	vst v0  }
0x20a: {  	[tilespmem:$0x10A8] =	vst v0;
	s0 =	smin.u32 s3, $0xC28C0  }
0x20b: {  	[tilespmem:$0x1028] =	vst v0;
	s4 =	sadd.s32 $0xCF90, s0  }
0x20c: {  	s5 =	simm.s32 $0x2;
	s29 =	simm.s32 $0x7;
	[tilespmem:$0x1088] =	vst v0;
	s0 =	ssub.s32 s4, s3  }
0x20d: {  	s13 =	simm.s32 $0x8;
	s30 =	simm.s32 $0x9;
	[tilespmem:$0x1078] =	vst v0;
	p0 =	sgt.s32 s0, $0x0  }
0x20e: {  	p4 =	por $0x0, $0x0;
	s14 =	simm.s32 $0xA;
	[tilespmem:$0x1068] =	vst v0;
	s0 =	simm.s32 @!p0 $0x0  }
0x20f: {  	s18 =	simm.s32 $0x0;
	s15 =	simm.s32 $0x0;
	[tilespmem:$0x1058] =	vst v0;
	s12 =	smulhi.u32 $0x97B426, s0  }
0x210: {  	s17 =	simm.s32 $0x0;
	s1 =	sadd.s32 $0xEC4800, s8;
	s6 =	sadd.s32 $0x5F400, s8;
	[tilespmem:$0x1048] =	vst v0  }
0x211: {  	s7 =	sadd.s32 $0x108C00, s8;
	s31 =	sshll.u32 s2, $0x5;
	[tilespmem:$0x1038] =	vst v0;
	s10 =	smul.u32 $0x1B0, s12  }
.Ltmp7:
0x212: {  	[tilespmem:$0x1008] =	vst v0;
	[sflag:s5] =	ssyncpa.u1 $0x0;
	v0 =	vimm.s32 $0xFFFFFFFF;
	s5 =	sadd.s32 $0x79400, s8;
	(pc) =	sbr.rel .LBB3_1-.Ltmp7, $4  }
0x213: {  	[dreg:$0x2] =	wrdreg s31;
	[tilespmem:$0x3648] =	vst v0;
	[sflag:s29] =	ssyncpa.u1 $0x0;
	p0 =	sne.s32 s0, s10  }
0x214: {  	s16 =	smov.u32 s3;
	[dreg:$0x3] =	wrdreg s3;
	s11 =	simm.s32 @!p0 $0x0  }
0x215: {  	[sflag:s13] =	ssyncpa.u1 $0x0;
	s13 =	simm.s32 $0x0;
	s11 =	sadd.s32 s11, s12  }
0x216: {  	v0 =	vlaneseq.u32;
	[sflag:s30] =	ssyncpa.u1 $0x0;
	p0 =	por $0x1, $0x1;
	s8 =	sadd.s32 $0x1, s11  }
.LBB3_18:
0x217: {  	s0 =	simm.s32 $0x2  }
0x218: {  	_ =	swait.ge [sflag:s0], $0x0  }
0x219: {  	[sflag:s0] =	ssyncset.done $0x0;
	s0 =	simm.s32 $0x0  }
.LBB3_19:
0x21a: {  	_ =	swait.ge [sflag:s14], s0  }
0x21b: {  	s31 =	ssub.s32 $0x0, s0;
	v1 =	vmov s20;
	vm0 =	veq.s32 v0, $0x0;
	[sflag:s14] =	ssyncset.done $0x0  }
0x21c: {  	vm15 =	veq.s32 v0, $0x2;
	v1 =	vsel vm0, s24, v1;
	[sflag:s14] =	ssyncadd.s32 s31  }
0x21d: {  	v1 =	vsel vm15, s18, v1;
	[sflag:s14] =	ssyncpa.u1 $0x1  }
0x21e: {  	[tilespmem:$0x3648] =	vst v1  }
.LBB3_20:
0x21f: {  	s0 =	sadd.s32 $0x1B0, s16  }
0x220: {  	s2 =	smov.u32 s3;
	p1 =	slt.s32 s0, s4  }
0x221: {  	s2 =	smov.u32 @p1 s0;
	p1 =	sne.s32 s17, s8  }
.Ltmp8:
0x222: {  	_ = 	snop;
	(pc) =	sbr.rel @!p1 .LBB3_21-.Ltmp8, $4  }
0x223: {  	_ = 	snop  }
0x224: {  	s18 =	smov.u32 s15  }
0x225: {  	s31 =	sadd.s32 $0x1, s17;
	s15 =	smov.u32 s16;
	p0 =	por !p0, !p0  }
0x226: {  	p4 =	por !p4, !p4;
	s17 =	smov.u32 s31;
	s16 =	smov.u32 s2  }
.LBB3_1:
0x227: {  	p2 =	sge.u32 s17, s11  }
0x228: {  	s0 =	smulhi.u32 @!p2 $0xAAAAAAAB, s17  }
0x229: {  	s19 =	smov.u32 s16;
	p3 =	sgt.s32 @!p2 s16, $0xCF6A0  }
0x22a: {  	s20 =	sshra.s32 @!p2 s16, $0x1F;
	p3 =	por !p3, p2;
	s0 =	sshrl.u32 @!p2 s0, $0x1  }
0x22b: {  	s20 =	sand.u32 @!p2 s20, s16;
	s19 =	simm.s32 @p3 $0xCF6A0;
	s0 =	smul.u32 @!p2 $0x3, s0  }
0x22c: {  	s19 =	ssub.s32 @!p2 s19, s20  }
0x22d: {  	s19 =	sadd.s32 @!p2 $0xFFF30960, s19;
	s0 =	ssub.s32 @!p2 s17, s0  }
0x22e: {  	s20 =	sshll.u32 @!p2 s19, $0x2;
	p3 =	sgt.s32 @!p2 s19, $0x1AF;
	s0 =	smul.u32 @!p2 $0x6C0, s0  }
0x22f: {  	s21 =	sand.u32 @!p2 $0x7, s16;
	s19 =	ssub.s32 @!p2 $0x6C0, s20;
	p3 =	por !p3, p2  }
0x230: {  	s20 =	sshrl.u32 @!p2 s16, $0x3;
	s19 =	sshrl.u32 @!p2 s19, $0x2;
	s0 =	sshrl.u32 @!p2 s0, $0x2  }
0x231: {  	s20 =	sadd.s32 @!p2 s5, s20;
	s19 =	simm.s32 @!p3 $0x0;
	s0 =	sadd.s32 @!p2 $0x3878, s0  }
0x232: {  	[tilespmem:s0], [sflag:$0x8] =	stream.linear.gather @!p2 [hbm4b:s20+s21], s19, $0x38;
	[tilespmem:$0x1F0E8] =	vst v63  }
0x233: {  	s20 =	sadd.s32 $0xFFFFFFFF, s17  }
0x234: {  	p2 =	sge.u32 s20, s11  }
0x235: {  	p3 =	sgt.s32 @!p2 s15, $0xCF6A0  }
0x236: {  	s0 =	smov.u32 s15;
	s19 =	sshra.s32 @!p2 s15, $0x1F;
	p3 =	por !p3, p2  }
0x237: {  	s19 =	sand.u32 @!p2 s19, s15;
	s0 =	simm.s32 @p3 $0xCF6A0  }
0x238: {  	s0 =	ssub.s32 @!p2 s0, s19  }
0x239: {  	s0 =	sadd.s32 @!p2 $0xFFF30960, s0  }
0x23a: {  	s19 =	sshll.u32 @!p2 s0, $0x2  }
0x23b: {  	p3 =	sgt.s32 @!p2 s0, $0x1AF;
	s0 =	ssub.s32 @!p2 $0x6C0, s19  }
0x23c: {  	p3 =	por !p3, p2;
	s0 =	sshrl.u32 @!p2 s0, $0x2  }
0x23d: {  	s21 =	simm.s32 @!p2 $0x8;
	s19 =	sand.u32 @!p2 $0x1, s20;
	s0 =	simm.s32 @!p3 $0x0  }
0x23e: {  	s19 =	smul.u32 @!p2 $0x6C0, s19;
	_ =	swait.ge @!p2 [sflag:s21], s0  }
0x23f: {  	s22 =	ssub.s32 @!p2 $0x0, s0;
	[sflag:s21] =	ssyncset.done @!p2 $0x0  }
0x240: {  	s19 =	sshrl.u32 @!p2 s19, $0x2;
	[sflag:s21] =	ssyncadd.s32 @!p2 s22;
	s21 =	sshrl.u32 @!p2 s15, $0x3  }
0x241: {  	s19 =	sadd.s32 @!p2 $0x3D88, s19;
	s22 =	sand.u32 @!p2 $0x7, s15;
	s21 =	sadd.s32 @!p2 s6, s21  }
0x242: {  	[tilespmem:s19], [sflag:$0x9] =	stream.linear.gather @!p2 [hbm4b:s21+s22], s0, $0x38;
	[tilespmem:$0x1F0E8] =	vst v63  }
0x243: {  	s19 =	ssub.s32 @!p2 $0xCF850, s15  }
0x244: {  	p3 =	slt.s32 @!p2 s19, $0x1  }
0x245: {  	p3 =	por p2, p3  }
.Ltmp9:
0x246: {  	_ = 	snop;
	(pc) =	sbr.rel @p3 .LBB3_7-.Ltmp9, $1  }
0x247: {  	_ =	sdelay $0x3  }
0x248: {  	s0 =	smulhi.u32 $0xAAAAAAAB, s20;
	_ =	sdelay $0x1  }
0x249: {  	s0 =	sshrl.u32 s0, $0x1  }
0x24a: {  	s0 =	smul.u32 $0x3, s0;
	_ =	sdelay $0x1  }
0x24b: {  	s0 =	ssub.s32 s20, s0  }
0x24c: {  	s21 =	simm.s32 $0x1;
	s0 =	smul.u32 $0x6C0, s0  }
.Ltmp10:
0x24d: {  	s21 =	simm.s32 @!p0 $0x0;
	(pc) =	sbr.rel .LBB3_4-.Ltmp10, $4  }
0x24e: {  	s31 =	smul.u32 $0x36000, s21  }
0x24f: {  	p3 =	slt.s32 @!p2 s19, $0x1B0;
	s0 =	sshrl.u32 s0, $0x2  }
0x250: {  	p2 =	por !p3, p2;
	s20 =	sshrl.u32 s31, $0x2;
	s0 =	sadd.s32 $0x3878, s0  }
0x251: {  	s19 =	simm.s32 @p2 $0x1B0;
	s21 =	simm.s32 $0x0;
	s20 =	sadd.s32 $0x40E8, s20;
	v1 =	vmov s0  }
.LBB3_3:
0x252: {  	p2 =	sge.s32 s21, s19  }
.Ltmp11:
0x253: {  	_ = 	snop;
	(pc) =	sbr.rel @p2 .LBB3_7-.Ltmp11, $2  }
0x254: {  	_ =	sdelay $0x2  }
0x255: {  	s20 =	sadd.s32 $0x800, s20  }
.LBB3_4:
0x256: {  	p2 =	sle.s32 s19, s21  }
.Ltmp12:
0x257: {  	_ = 	snop;
	(pc) =	sbr.rel @p2 .LBB3_3-.Ltmp12, $2  }
0x258: {  	_ =	sdelay $0x2  }
0x259: {  	s22 =	smov.u32 s21;
	s21 =	sadd.s32 $0x10, s21  }
0x25a: {  	s0 =	ssub.s32 s19, s22  }
0x25b: {  	p2 =	slt.s32 s0, $0x10  }
0x25c: {  	s0 =	simm.s32 @!p2 $0x10  }
0x25d: {  	v2 =	vmov s0  }
0x25e: {  	vm0 =	vgt.s32 v2, v0;
	_ =	sdelay $0x5  }
0x25f: {  	v2 =	vld.idx.msk [tilespmem:v1+s22+$0x0 ss:$0x1], vm0;
	_ =	sdelay $0x2  }
0x260: {  	s23 =	smov.u32 s19;
	p2 =	slt.s32 s21, s19  }
0x261: {  	s24 =	smov.u32 s20;
	s25 =	simm.s32 $0x0;
	s23 =	smov.u32 @p2 s21  }
.LBB3_6:
0x262: {  	(v2sf) =	vpush v2, s25;
	_ =	sdelay $0xc  }
0x263: {  	s25 =	sadd.s32 $0x1, s25  }
0x264: {  	s31 =	sadd.s32 s25, s22  }
0x265: {  	p2 =	slt.s32 s31, s23;
	s0 =	spop (v2sf)  }
.Ltmp13:
0x266: {  	s0 =	sshll.u32 s0, $0x4;
	(pc) =	sbr.rel @p2 .LBB3_6-.Ltmp13, $4  }
0x267: {  	s0 =	sand.u32 $0x1FFFFFF0, s0  }
0x268: {  	s0 =	sadd.s32 s7, s0  }
0x269: {  	[tilespmem:s24], [sflag:$0x7] =	stream.linear.gather [hbm4b:s0+s13], $0x4, $0x38;
	[tilespmem:$0x1F0E8] =	vst v63  }
0x26a: {  	s24 =	sadd.s32 $0x80, s24  }
.Ltmp14:
0x26b: {  	_ = 	snop;
	(pc) =	sbr.rel .LBB3_3-.Ltmp14, $1  }
0x26c: {  	_ =	sdelay $0x3  }
.LBB3_7:
0x26d: {  	p2 =	slt.u32 s17, $0x2  }
.Ltmp15:
0x26e: {  	_ = 	snop;
	(pc) =	sbr.rel @p2 .LBB3_20-.Ltmp15, $1  }
0x26f: {  	_ =	sdelay $0x3  }
0x270: {  	p2 =	sgt.s32 s18, $0xCF6A0;
	s0 =	smov.u32 s18  }
0x271: {  	s19 =	sshra.s32 s18, $0x1F;
	s20 =	ssub.s32 $0xCF850, s18;
	s0 =	simm.s32 @!p2 $0xCF6A0  }
0x272: {  	s19 =	sand.u32 s19, s18;
	p2 =	slt.s32 s20, $0x1B0;
	s21 =	smov.u32 s20  }
0x273: {  	s0 =	ssub.s32 s0, s19;
	s21 =	simm.s32 @!p2 $0x1B0  }
0x274: {  	s0 =	sadd.s32 $0xFFF30960, s0;
	s26 =	sshll.u32 s21, $0x2  }
0x275: {  	s2 =	simm.s32 $0x7;
	s28 =	sshll.u32 s0, $0x2;
	s19 =	sand.u32 $0x3FFFFFFC, s26  }
0x276: {  	p2 =	sgt.s32 s0, $0x1AF;
	s29 =	ssub.s32 $0x6C0, s28;
	_ =	swait.ge [sflag:s2], s19  }
0x277: {  	s19 =	ssub.s32 $0x0, s19;
	[sflag:s2] =	ssyncset.done $0x0;
	s0 =	sshrl.u32 s29, $0x2  }
0x278: {  	s30 =	simm.s32 $0x9;
	[sflag:s2] =	ssyncadd.s32 s19;
	s0 =	simm.s32 @p2 $0x0  }
0x279: {  	_ =	swait.ge [sflag:s30], s0  }
0x27a: {  	s0 =	ssub.s32 $0x0, s0;
	[sflag:s30] =	ssyncset.done $0x0  }
0x27b: {  	[sflag:s30] =	ssyncadd.s32 s0  }
0x27c: {  	v1 =	vld [tilespmem:$0x3648];
	_ =	sdelay $0x4  }
0x27d: {  	(v2sf) =	vpush v1, $0x0  }
0x27e: {  	(v2sf) =	vpush v1, $0x1  }
0x27f: {  	(v2sf) =	vpush v1, $0x2;
	_ =	sdelay $0x3  }
0x280: {  	s0 =	sadd.s32 $0x1B0, s18  }
0x281: {  	p2 =	slt.s32 s4, s0  }
0x282: {  	s0 =	smov.u32 @p2 s4;
	p2 =	sgt.s32 s20, $0x0  }
0x283: {  	s22 =	ssub.s32 s0, s18;
	s20 =	simm.s32 @!p2 $0x0  }
0x284: {  	p2 =	slt.s32 s20, s22  }
0x285: {  	s22 =	smov.u32 @p2 s20  }
0x286: {  	s21 =	simm.s32 $0x1;
	p2 =	slt.s32 s22, $0x1  }
.Ltmp16:
0x287: {  	s21 =	simm.s32 @!p4 $0x0;
	(pc) =	sbr.rel @p2 .LBB3_12-.Ltmp16, $4  }
0x288: {  	s31 =	smul.u32 $0x6C0, s21  }
0x289: {  	s23 =	spop (v2sf)  }
0x28a: {  	s0 =	sshrl.u32 s31, $0x2;
	s25 =	spop (v2sf)  }
0x28b: {  	s19 =	sadd.s32 $0x3D88, s0;
	s18 =	spop (v2sf)  }
0x28c: {  	s0 =	smin.u32 s22, $0x10  }
0x28d: {  	v1 =	vmov s0  }
0x28e: {  	p3 =	sgt.s32 s22, $0x10;
	vm1 =	vgt.u32 v1, v0  }
.Ltmp17:
0x28f: {  	_ = 	snop;
	(pc) =	sbr.rel @!p3 .LBB3_11-.Ltmp17, $2  }
0x290: {  	_ =	sdelay $0x2  }
0x291: {  	s24 =	simm.s32 $0x10;
	s26 =	sadd.s32 $0xFFFFFFF0, s22;
	s20 =	smov.u32 s19;
	vm0 =	vmmov vm1  }
.LBB3_10:
0x292: {  	s0 =	smin.u32 s26, $0x10;
	s24 =	sadd.s32 $0x10, s24;
	v1 =	vld.msk [tilespmem:s20+$0x0 ss:$0x1], vm1  }
0x293: {  	v2 =	vmov s0;
	p3 =	slt.s32 s24, s22  }
0x294: {  	vm1 =	vgt.u32 v2, v0  }
.Ltmp18:
0x295: {  	(pc) =	sbr.rel @p3 .LBB3_10-.Ltmp18, $3  }
0x296: {  	_ =	sdelay $0x1  }
0x297: {  	v1 =	vshll.u32 v1, $0x4  }
0x298: {  	s26 =	sadd.s32 $0xFFFFFFF0, s26;
	[tilespmem:s20+$0x0] =	vst.msk vm0, v1;
	s20 =	sadd.s32 $0x10, s20;
	vm0 =	vmmov vm1  }
.LBB3_11:
0x299: {  	_ =	sdelay $0x4  }
0x29a: {  	v1 =	vld.msk [tilespmem:s20+$0x0 ss:$0x1], vm1;
	_ =	sdelay $0x4  }
0x29b: {  	v1 =	vshll.u32 v1, $0x4  }
0x29c: {  	[tilespmem:s20+$0x0] =	vst.msk vm0, v1  }
.LBB3_12:
0x29d: {  	s0 =	sand.u32 $0x1, s17  }
0x29e: {  	s0 =	smul.u32 $0x1B0, s0  }
0x29f: {  	p3 =	sne.s32 s25, $0xFFFFFFFF  }
0x2a0: {  	v1 =	vld.msk @!p3 [tilespmem:s0+$0x3D88], $0x1;
	_ =	sdelay $0x4  }
0x2a1: {  	(v2sf) =	vpush @!p3 v1, $0x0;
	_ =	sdelay $0xc  }
.Ltmp19:
0x2a2: {  	_ = 	snop;
	(pc) =	sbr.rel @p2 .LBB3_18-.Ltmp19, $4  }
0x2a3: {  	_ = 	snop  }
0x2a4: {  	s24 =	spop @!p3 (v2sf)  }
0x2a5: {  	s18 =	simm.s32 @!p3 $0x0;
	s20 =	smov.u32 s24  }
0x2a6: {  	[sflag:s14] =	ssyncpa.u1 $0x0;
	s24 =	smov.u32 @p3 s23;
	s20 =	smov.u32 @p3 s25  }
0x2a7: {  	v1 =	vld.msk [tilespmem:s19+$0x0], $0x1;
	_ =	sdelay $0x4  }
0x2a8: {  	(v2sf) =	vpush v1, $0x0;
	_ =	sdelay $0xd  }
0x2a9: {  	s0 =	simm.s32 @!p4 $0x0  }
0x2aa: {  	s26 =	smul.u32 $0x36000, s21;
	s25 =	ssub.s32 $0x0, s22;
	s28 =	spop (v2sf)  }
0x2ab: {  	s0 =	simm.s32 @p4 $0x1;
	s23 =	sadd.s32 $0x1, s25;
	p2 =	seq.s32 s24, s28  }
0x2ac: {  	[smem:$0x7FD] =	sst s0;
	s0 =	sshrl.u32 s26, $0x2;
	p3 =	sgt.s32 @!p2 s24, $0x0  }
0x2ad: {  	s21 =	sadd.s32 $0x40E8, s0;
	s0 =	smov.u32 s24;
	p3 =	por !p3, p2  }
0x2ae: {  	s0 =	simm.s32 @p3 $0x0;
	p3 =	seq.s32 s23, $0x0  }
.Ltmp20:
0x2af: {  	_ = 	snop;
	(pc) =	sbr.rel @p3 .LBB3_15-.Ltmp20, $4  }
0x2b0: {  	s3 =	smov.u32 s8;
	s12 =	smov.u32 s5;
	s8 =	smov.u32 s6  }
0x2b1: {  	s22 =	simm.s32 $0x0;
	s29 =	simm.s32 @!p2 $0x1;
	s0 =	smin.u32 @!p2 s0, $0xC34FF  }
0x2b2: {  	s30 =	simm.s32 @!p2 $0x1B38;
	s29 =	smov.u32 @p2 s22;
	s26 =	sand.u32 @!p2 $0xFFFF8, s0  }
0x2b3: {  	s31 =	sand.u32 @!p2 $0x7, s0;
	s0 =	sadd.s32 @!p2 s1, s26;
	s26 =	sadd.s32 $0x1, s19  }
.LBB3_14:
0x2b4: {  	s2 =	smov.u32 s29  }
0x2b5: {  	[tilespmem:s30], [sflag:$0x2] =	stream.linear.gather @!p2 [hbm4b:s0+s31], $0x4, $0x38;
	[tilespmem:$0x1F0E8] =	vst v63  }
0x2b6: {  	s23 =	sadd.s32 $0x1, s23;
	s0 =	smov.u32 s28;
	v1 =	vld.msk [tilespmem:s26+$0x0], $0x1  }
0x2b7: {  	p3 =	seq.s32 s23, $0x0;
	_ =	sdelay $0x3  }
0x2b8: {  	(v2sf) =	vpush v1, $0x0;
	_ =	sdelay $0xe  }
0x2b9: {  	s28 =	spop (v2sf)  }
0x2ba: {  	p2 =	seq.s32 s0, s28  }
0x2bb: {  	p4 =	sgt.s32 @!p2 s0, $0x0;
	s30 =	sshll.u32 @!p2 s29, $0x6;
	s29 =	sadd.s32 @!p2 $0x1, s29  }
.Ltmp21:
0x2bc: {  	p4 =	por !p4, p2;
	s30 =	sshra.s32 @!p2 s30, $0x2;
	(pc) =	sbr.rel @!p3 .LBB3_14-.Ltmp21, $4  }
0x2bd: {  	s29 =	smov.u32 @p2 s2;
	s0 =	simm.s32 @p4 $0x0;
	s30 =	sadd.s32 @!p2 $0x1B38, s30  }
0x2be: {  	s0 =	smin.u32 @!p2 s0, $0xC34FF  }
0x2bf: {  	s2 =	sand.u32 @!p2 $0xFFFF8, s0;
	s31 =	sand.u32 @!p2 $0x7, s0  }
0x2c0: {  	s26 =	sadd.s32 $0x1, s26;
	s0 =	sadd.s32 @!p2 s1, s2  }
.LBB3_15:
0x2c1: {  	[tilespmem:s30], [sflag:$0x2] =	stream.linear.gather @!p2 [hbm4b:s0+s31], $0x4, $0x38;
	[tilespmem:$0x1F0E8] =	vst v63  }
0x2c2: {  	s31 =	sshll.u32 s29, $0x2  }
0x2c3: {  	s2 =	simm.s32 $0x2;
	s0 =	sand.u32 $0x3FFFFFFC, s31  }
0x2c4: {  	_ =	swait.ge [sflag:s2], s0  }
0x2c5: {  	s0 =	ssub.s32 $0x0, s0;
	[sflag:s2] =	ssyncset.done $0x0  }
0x2c6: {  	[sflag:s2] =	ssyncadd.s32 s0  }
0x2c7: {  	v1 =	vld.msk [tilespmem:s19+$0x0], $0x1;
	_ =	sdelay $0x4  }
0x2c8: {  	(v2sf) =	vpush v1, $0x0;
	_ =	sdelay $0xe  }
0x2c9: {  	s23 =	spop (v2sf)  }
0x2ca: {  	p2 =	sne.s32 s24, s23  }
0x2cb: {  	p4 =	sne.s32 @p2 s24, s20  }
0x2cc: {  	p3 =	por !p4, !p2  }
0x2cd: {  	s0 =	simm.s32 @!p3 $0x0  }
0x2ce: {  	v1 =	vld.msk @!p3 [tilespmem:s0+$0x1B38], $0xf  }
0x2cf: {  	p5 =	sgt.u32 @!p3 s24, $0xC34FF  }
0x2d0: {  	s2 =	sshll.u32 @!p3 s18, $0x6;
	p6 =	por @p2 p5, !p4  }
0x2d1: {  	s2 =	sshra.s32 @!p3 s2, $0x2;
	p1 =	por p6, !p2;
	p6 =	por p4, !p2  }
0x2d2: {  	s26 =	sadd.s32 @!p3 $0x28, s2;
	s28 =	sand.u32 @!p1 $0xFFFF8, s24;
	s29 =	sshll.u32 @!p6 s18, $0x6  }
0x2d3: {  	s24 =	sand.u32 @!p1 $0x7, s24;
	[tilespmem:s2+$0x28] =	vst.add.f32.msk @!p3 $0xf, v1;
	s2 =	sadd.s32 @!p1 s1, s28;
	s28 =	sshra.s32 @!p6 s29, $0x2  }
0x2d4: {  	[hbm4b:s2+s24] =	stream.linear.scatter @!p1 [tilespmem:s26], [sflag:$0xA], $0x4, $0x38;
	[tilespmem:$0x1F0E8] =	vst v63  }
0x2d5: {  	s0 =	rddreg [dreg:$0x2];
	s2 =	sadd.s32 @!p6 $0x28, s28;
	s24 =	simm.s32 @!p6 $0x1  }
0x2d6: {  	[spmem:s0] =	stream.linear.scatter @!p6 [tilespmem:s2], [sflag:$0x1], $0x4, $0x38;
	[tilespmem:$0x1F0E8] =	vst v63  }
0x2d7: {  	s0 =	sadd.s32 @p2 $0x1, s18;
	_ =	swait.ge @!p6 [sflag:s24], $0x4  }
0x2d8: {  	s2 =	sshrl.u32 @p2 s0, $0x4;
	[sflag:s24] =	ssyncset.done @!p6 $0x0  }
0x2d9: {  	s2 =	smulhi.u32 @p2 $0x97B425F, s2;
	[sflag:s24] =	ssyncadd.s32 @!p6 $0xFFFFFFFC  }
0x2da: {  	s24 =	sadd.s32 $0x1, s25;
	v1 =	vld.msk @p2 [tilespmem:s21+$0x0], $0xf  }
0x2db: {  	p1 =	por @p2 !p5, !p4;
	s2 =	smul.u32 @p2 $0x1B0, s2;
	p4 =	seq.s32 s24, $0x0  }
.Ltmp22:
0x2dc: {  	p1 =	por !p1, !p2;
	s25 =	simm.s32 @!p3 $0x0;
	(pc) =	sbr.rel @p4 .LBB3_17-.Ltmp22, $4  }
0x2dd: {  	s26 =	sshll.u32 @!p2 s18, $0x6;
	s25 =	simm.s32 @!p1 $0x10;
	s0 =	ssub.s32 @p2 s0, s2  }
0x2de: {  	s26 =	sshra.s32 @!p2 s26, $0x2;
	s28 =	sadd.s32 @!p3 $0x0, s25;
	s29 =	sshll.u32 @p2 s0, $0x4  }
0x2df: {  	s25 =	simm.s32 $0x0;
	s2 =	simm.s32 @p2 $0x1;
	s28 =	smov.u32 @p3 s22;
	[tilespmem:s29+$0x28] =	vst.msk @p2 $0xf, v1  }
0x2e0: {  	s18 =	smov.u32 @p2 s0;
	s25 =	smov.u32 @p2 s28;
	s22 =	smov.u32 @p2 s2;
	v1 =	vld.msk @!p2 [tilespmem:s21+$0x0], $0xf  }
.LBB3_16:
0x2e1: {  	_ =	sdelay $0x3  }
0x2e2: {  	s19 =	sadd.s32 $0x1, s19;
	[tilespmem:s26+$0x28] =	vst.add.f32.msk @!p2 $0xf, v1  }
0x2e3: {  	v1 =	vld.msk [tilespmem:s19+$0x0], $0x1;
	_ =	sdelay $0x4  }
0x2e4: {  	(v2sf) =	vpush v1, $0x0;
	_ =	sdelay $0xe  }
0x2e5: {  	s0 =	smov.u32 s23;
	s23 =	spop (v2sf)  }
0x2e6: {  	p2 =	sne.s32 s0, s23  }
0x2e7: {  	p5 =	sne.s32 @p2 s0, s20  }
0x2e8: {  	p4 =	por !p5, !p2  }
0x2e9: {  	s30 =	sshll.u32 @!p4 s22, $0x6  }
0x2ea: {  	s30 =	sshra.s32 @!p4 s30, $0x2  }
0x2eb: {  	p1 =	sgt.u32 @!p4 s0, $0xC34FF;
	v1 =	vld.msk @!p4 [tilespmem:s30+$0x1B38], $0xf  }
0x2ec: {  	s31 =	sshll.u32 @!p4 s18, $0x6;
	p6 =	por @p2 p1, !p5;
	p1 =	por @p2 !p1, !p5  }
0x2ed: {  	s5 =	simm.s32 @!p4 $0x0;
	s31 =	sshra.s32 @!p4 s31, $0x2;
	p1 =	por !p1, !p2  }
0x2ee: {  	p5 =	por p5, !p2;
	s5 =	simm.s32 @!p1 $0x10;
	p1 =	por p6, !p2  }
0x2ef: {  	s30 =	sadd.s32 @!p4 $0x28, s31;
	s6 =	sshll.u32 @!p5 s18, $0x6;
	s10 =	sand.u32 @!p1 $0xFFFF8, s0  }
0x2f0: {  	s6 =	sshra.s32 @!p5 s6, $0x2;
	s0 =	sand.u32 @!p1 $0x7, s0;
	s10 =	sadd.s32 @!p1 s1, s10;
	[tilespmem:s31+$0x28] =	vst.add.f32.msk @!p4 $0xf, v1  }
0x2f1: {  	[hbm4b:s10+s0] =	stream.linear.scatter @!p1 [tilespmem:s30], [sflag:$0xA], $0x4, $0x38;
	[tilespmem:$0x1F0E8] =	vst v63  }
0x2f2: {  	s2 =	rddreg [dreg:$0x2];
	s0 =	sadd.s32 @!p5 $0x28, s6;
	s6 =	simm.s32 @!p5 $0x1  }
0x2f3: {  	[spmem:s2] =	stream.linear.scatter @!p5 [tilespmem:s0], [sflag:$0x1], $0x4, $0x38;
	[tilespmem:$0x1F0E8] =	vst v63  }
0x2f4: {  	s28 =	sadd.s32 @p2 $0x1, s18;
	_ =	swait.ge @!p5 [sflag:s6], $0x4  }
0x2f5: {  	s29 =	sshrl.u32 @p2 s28, $0x4;
	[sflag:s6] =	ssyncset.done @!p5 $0x0  }
0x2f6: {  	s21 =	sadd.s32 $0x80, s21;
	s29 =	smulhi.u32 @p2 $0x97B425F, s29;
	[sflag:s6] =	ssyncadd.s32 @!p5 $0xFFFFFFFC  }
0x2f7: {  	s24 =	sadd.s32 $0x1, s24;
	v1 =	vld.msk @p2 [tilespmem:s21+$0x0], $0xf  }
0x2f8: {  	p3 =	seq.s32 s24, $0x0;
	s29 =	smul.u32 @p2 $0x1B0, s29  }
.Ltmp23:
0x2f9: {  	_ = 	snop;
	(pc) =	sbr.rel @!p3 .LBB3_16-.Ltmp23, $4  }
0x2fa: {  	s28 =	ssub.s32 @p2 s28, s29  }
0x2fb: {  	s26 =	sshll.u32 @!p2 s18, $0x6;
	s5 =	sadd.s32 @!p4 s5, s25;
	s10 =	sshll.u32 @p2 s28, $0x4  }
0x2fc: {  	s9 =	sadd.s32 @p2 $0x1, s22;
	s26 =	sshra.s32 @!p2 s26, $0x2;
	s5 =	smov.u32 @p4 s25;
	[tilespmem:s10+$0x28] =	vst.msk @p2 $0xf, v1  }
0x2fd: {  	s22 =	smov.u32 @p2 s9;
	s18 =	smov.u32 @p2 s28;
	s25 =	smov.u32 @p2 s5;
	v1 =	vld.msk @!p2 [tilespmem:s21+$0x0], $0xf  }
.LBB3_17:
.Ltmp24:
0x2fe: {  	_ = 	snop;
	(pc) =	sbr.rel .LBB3_19-.Ltmp24, $4  }
0x2ff: {  	s2 =	sld [smem:$0x7FD]  }
0x300: {  	s0 =	sshrl.u32 s25, $0x2  }
0x301: {  	s24 =	smov.u32 s23;
	s6 =	smov.u32 s8;
	s5 =	smov.u32 s12  }
0x302: {  	s8 =	smov.u32 s3;
	s3 =	rddreg [dreg:$0x3];
	p4 =	seq.s32 s2, $0x1;
	[tilespmem:s26+$0x28] =	vst.add.f32.msk @!p2 $0xf, v1  }
.LBB3_21:
0x303: {  	_ =	sfence.sel $0x180000  }
0x304: {  	s0 =	simm.s32 $0x7;
	[bflag:$0x0] =	sbarrier.arrive $0xFFFF  }
0x305: {  	s25 =	simm.s32 $0x8;
	[sflag:s0] =	ssyncpa.u1 $0x1  }
0x306: {  	s26 =	simm.s32 $0x9;
	[sflag:s25] =	ssyncpa.u1 $0x1  }
0x307: {  	s28 =	simm.s32 $0x2;
	[sflag:s26] =	ssyncpa.u1 $0x1  }
0x308: {  	[sflag:s28] =	ssyncpa.u1 $0x1  }
0x309: {  	v0 =	vld [tilespmem:$0x3648];
	_ =	sdelay $0x4  }
0x30a: {  	(v2sf) =	vpush v0, $0x0  }
0x30b: {  	(v2sf) =	vpush v0, $0x1;
	_ =	sdelay $0x1  }
0x30c: {  	(v2sf) =	vpush v0, $0x2;
	_ =	sdelay $0xb  }
0x30d: {  	s0 =	spop (v2sf)  }
0x30e: {  	s2 =	spop (v2sf)  }
0x30f: {  	s3 =	smov.u32 s0;
	p0 =	sne.s32 s0, s2  }
0x310: {  	s4 =	spop (v2sf);
	s3 =	simm.s32 @!p0 $0xFFFFFFFF  }
0x311: {  	v2 =	vimm.s32 $0x1;
	v3 =	vlaneseq.u32;
	p0 =	seq.s32 s4, $0xFFFFFFFF;
	v1 =	vmov s3  }
0x312: {  	s7 =	stileid.u32;
	v0 =	vperm.xlane v0, v2;
	p1 =	sne.s32 @!p0 s0, s2;
	v1 =	vperm.xlane v1, v3  }
0x313: {  	vm0 =	vcmask $0x3F04;
	s6 =	simm.s32 $0x3648;
	s0 =	simm.s32 @!p0 $0x1;
	p1 =	por !p1, p0  }
0x314: {  	s3 =	sshll.u32 s7, $0x1;
	s2 =	sshll.u32 @!p0 s4, $0x6;
	s0 =	simm.s32 @p1 $0x0;
	v0 =	vsel vm0, v1, v0  }
0x315: {  	s5 =	sor.u32 $0x200, s3;
	s2 =	sshra.s32 @!p0 s2, $0x2;
	s0 =	sor.u32 @!p0 s0, s3;
	[tilespmem:$0x3648] =	vst v0  }
0x316: {  	[spmem:s5] =	stream.linear.scatter [tilespmem:s6], [sflag:$0x1], $0x2, $0x38;
	[tilespmem:$0x1F0E8] =	vst v63  }
0x317: {  	s2 =	sadd.s32 @!p0 $0x28, s2;
	s0 =	sshll.u32 @!p0 s0, $0x4  }
0x318: {  	[spmem:s0] =	stream.linear.scatter @!p0 [tilespmem:s2], [sflag:$0x1], $0x10, $0x38;
	[tilespmem:$0x1F0E8] =	vst v63  }
0x319: {  	s0 =	simm.s32 @!p0 $0x12  }
0x31a: {  	s3 =	simm.s32 $0x1;
	s0 =	simm.s32 @p0 $0x2  }
0x31b: {  	_ =	swait.ge [sflag:s3], s0  }
0x31c: {  	s0 =	ssub.s32 $0x0, s0;
	[sflag:s3] =	ssyncset.done $0x0  }
0x31d: {  	[sflag:s3] =	ssyncadd.s32 s0  }
0x31e: {  	_ =	sfence.stream.spmem  }
0x31f: {  	s29 =	simm.s32 $0x3;
	[bflag:$0x0] =	sbarrier.arrive $0xFFFF  }
0x320: {  	s30 =	simm.s32 $0x4;
	[sflag:s29] =	ssyncpa.u1 $0x1  }
0x321: {  	s31 =	simm.s32 $0x3C;
	[sflag:s30] =	ssyncpa.u1 $0x1  }
0x322: {  	p0 =	sne.s32 s7, $0x0;
	[sflag:s31] =	ssyncpa.u1 $0x1  }
0x323: {  	_ =	sfence @p0  }
0x324: {  	[sflag:s3] =	ssyncpa.u1 @p0 $0x1  }
0x325: {  	_ =	strace @p0 $0x9000004A  }
0x326: {  	[bflag:$0x2] =	sbarrier.arrive @p0 $0xFFFF  }
0x327: {  	_ =	shalt @p0  }
.LBB3_22:
0x328: {  	_ =	sfence.stream.spmem;
	s0 =	simm.s32 $0x5  }
0x329: {  	s2 =	simm.s32 $0x200;
	s3 =	simm.s32 $0x3658;
	[sflag:s0] =	ssyncpa.u1 $0x0  }
0x32a: {  	[tilespmem:s3], [sflag:$0x5] =	stream.linear.gather [spmem:s2], $0x20, $0x38;
	[tilespmem:$0x1F0E8] =	vst v63  }
0x32b: {  	s30 =	simm.s32 $0x3678;
	s2 =	simm.s32 $0x0  }
0x32c: {  	[tilespmem:s30], [sflag:$0x5] =	stream.linear.gather [spmem:s2], $0x200, $0x38;
	[tilespmem:$0x1F0E8] =	vst v63  }
.Ltmp25:
0x32d: {  	_ = 	snop;
	(pc) =	sbr.rel .LBB3_23-.Ltmp25, $4  }
0x32e: {  	_ =	swait.ge [sflag:s0], $0x220  }
0x32f: {  	[sflag:s0] =	ssyncset.done $0x0  }
0x330: {  	s31 =	simm.s32 $0x6;
	[sflag:s0] =	ssyncadd.s32 $0xFFFFFDE0  }
0x331: {  	s3 =	simm.s32 $0x0;
	[sflag:s31] =	ssyncpa.u1 $0x0  }
.LBB3_28:
0x332: {  	p0 =	slt.u32 s4, $0xC3500  }
0x333: {  	s0 =	sand.u32 @p0 $0xFFFF8, s4  }
0x334: {  	s4 =	sand.u32 @p0 $0x7, s4;
	s5 =	simm.s32 @p0 $0x3638;
	s0 =	sadd.s32 @p0 s1, s0  }
0x335: {  	[tilespmem:s5], [sflag:$0x6] =	stream.linear.gather @p0 [hbm4b:s0+s4], $0x4, $0x38;
	[tilespmem:$0x1F0E8] =	vst v63  }
0x336: {  	s0 =	simm.s32 @p0 $0x6  }
0x337: {  	_ =	swait.ge @p0 [sflag:s0], $0x4  }
0x338: {  	[sflag:s0] =	ssyncset.done @p0 $0x0  }
0x339: {  	[sflag:s0] =	ssyncadd.s32 @p0 $0xFFFFFFFC  }
0x33a: {  	v1 =	vld @p0 [tilespmem:$0x3638];
	_ =	sdelay $0x2  }
0x33b: {  	s0 =	sshll.u32 @p0 s3, $0x6  }
0x33c: {  	s5 =	sshll.u32 @!p0 s3, $0x6;
	s4 =	sshrl.u32 @p0 s0, $0x2  }
0x33d: {  	s5 =	smov.u32 @p0 s0;
	[tilespmem:s4+$0x3678] =	vst.add.f32.msk @p0 $0xffff, v1  }
0x33e: {  	s0 =	sshrl.u32 s5, $0x2;
	[tilespmem:s2+$0x3658] =	vst.msk $0x1, v0  }
0x33f: {  	v0 =	vld [tilespmem:s0+$0x3678];
	_ =	sdelay $0x2  }
0x340: {  	s31 =	sshll.u32 s2, $0x6  }
0x341: {  	s0 =	sshra.s32 s31, $0x2  }
0x342: {  	s2 =	sadd.s32 $0x1, s2;
	[tilespmem:s0+$0x3678] =	vst v0  }
.LBB3_30:
0x343: {  	s3 =	sadd.s32 $0x1, s3  }
0x344: {  	p0 =	sne.s32 s3, $0x20  }
.Ltmp26:
0x345: {  	_ = 	snop;
	(pc) =	sbr.rel @!p0 .LBB3_31-.Ltmp26, $1  }
0x346: {  	_ =	sdelay $0x3  }
.LBB3_23:
0x347: {  	v0 =	vld.msk [tilespmem:s3+$0x3658], $0x1;
	_ =	sdelay $0x4  }
0x348: {  	(v2sf) =	vpush v0, $0x0;
	_ =	sdelay $0xe  }
0x349: {  	s4 =	spop (v2sf)  }
0x34a: {  	p0 =	seq.s32 s4, $0xFFFFFFFF  }
.Ltmp27:
0x34b: {  	_ = 	snop;
	(pc) =	sbr.rel @p0 .LBB3_30-.Ltmp27, $1  }
0x34c: {  	_ =	sdelay $0x3  }
0x34d: {  	p0 =	slt.s32 s2, $0x1  }
.Ltmp28:
0x34e: {  	_ = 	snop;
	(pc) =	sbr.rel @p0 .LBB3_28-.Ltmp28, $1  }
0x34f: {  	_ =	sdelay $0x3  }
0x350: {  	s5 =	simm.s32 $0x3658;
	p0 =	por $0x0, $0x0  }
0x351: {  	v1 =	vld.msk @!p0 [tilespmem:s5+$0x0], $0x1;
	_ =	sdelay $0x4  }
0x352: {  	(v2sf) =	vpush @!p0 v1, $0x0;
	_ =	sdelay $0xd  }
0x353: {  	p2 =	sne.s32 s2, $0x1  }
.Ltmp29:
0x354: {  	s0 =	spop @!p0 (v2sf);
	(pc) =	sbr.rel @!p2 .LBB3_27-.Ltmp29, $4  }
0x355: {  	p1 =	seq.s32 @!p0 s4, s0  }
0x356: {  	s6 =	simm.s32 $0x0;
	p1 =	por !p1, p0  }
0x357: {  	s0 =	simm.s32 $0xFFFFFFFF;
	s6 =	simm.s32 @p1 $0xFFFFFFFF  }
0x358: {  	s7 =	simm.s32 $0x1;
	s6 =	smov.u32 @p0 s0  }
.LBB3_26:
0x359: {  	s0 =	smov.u32 s6;
	p0 =	sne.s32 s6, $0xFFFFFFFF  }
0x35a: {  	s5 =	sadd.s32 $0x1, s5;
	s6 =	smov.u32 s7;
	s7 =	sadd.s32 $0x1, s7  }
0x35b: {  	p1 =	sne.s32 s2, s7;
	v1 =	vld.msk @!p0 [tilespmem:s5+$0x0], $0x1;
	_ =	sdelay $0x4  }
0x35c: {  	(v2sf) =	vpush @!p0 v1, $0x0;
	_ =	sdelay $0xe  }
.Ltmp30:
0x35d: {  	s8 =	spop @!p0 (v2sf);
	(pc) =	sbr.rel @p1 .LBB3_26-.Ltmp30, $4  }
0x35e: {  	p2 =	seq.s32 @!p0 s4, s8  }
0x35f: {  	p2 =	por !p2, p0  }
0x360: {  	s6 =	simm.s32 @p2 $0xFFFFFFFF  }
0x361: {  	s6 =	smov.u32 @p0 s0  }
.LBB3_27:
0x362: {  	p0 =	sne.s32 s6, $0xFFFFFFFF  }
.Ltmp31:
0x363: {  	_ = 	snop;
	(pc) =	sbr.rel @!p0 .LBB3_28-.Ltmp31, $1  }
0x364: {  	_ =	sdelay $0x3  }
0x365: {  	s0 =	sshll.u32 s3, $0x4  }
0x366: {  	s0 =	sand.u32 $0x3FFFFFF0, s0  }
0x367: {  	v0 =	vld [tilespmem:s0+$0x3678]  }
.Ltmp32:
0x368: {  	_ = 	snop;
	(pc) =	sbr.rel .LBB3_30-.Ltmp32, $4  }
0x369: {  	_ = 	snop  }
0x36a: {  	s31 =	sshll.u32 s6, $0x6  }
0x36b: {  	s0 =	sshra.s32 s31, $0x2  }
0x36c: {  	[tilespmem:s0+$0x3678] =	vst.add.f32.msk $0xffff, v0  }
.LBB3_31:
0x36d: {  	p0 =	slt.s32 s2, $0x1  }
.Ltmp33:
0x36e: {  	_ = 	snop;
	(pc) =	sbr.rel @p0 .LBB3_35-.Ltmp33, $3  }
0x36f: {  	_ =	sdelay $0x1  }
0x370: {  	s0 =	simm.s32 $0x6  }
0x371: {  	s3 =	simm.s32 $0x0;
	[sflag:s0] =	ssyncpa.u1 $0x1  }
0x372: {  	s0 =	simm.s32 $0x3658  }
0x373: {  	v0 =	vld.msk [tilespmem:s0+$0x0], $0x1;
	_ =	sdelay $0x4  }
0x374: {  	(v2sf) =	vpush v0, $0x0;
	_ =	sdelay $0xd  }
0x375: {  	s2 =	sadd.s32 $0xFFFFFFFF, s2  }
0x376: {  	p1 =	sne.s32 s2, $0x0;
	s0 =	spop (v2sf)  }
.Ltmp34:
0x377: {  	p0 =	sgt.u32 s0, $0xC34FF;
	(pc) =	sbr.rel @!p1 .LBB3_34-.Ltmp34, $4  }
0x378: {  	s4 =	simm.s32 $0x3678;
	s5 =	sand.u32 @!p0 $0xFFFF8, s0  }
0x379: {  	s6 =	simm.s32 $0x0;
	s0 =	sand.u32 @!p0 $0x7, s0;
	s5 =	sadd.s32 @!p0 s1, s5  }
0x37a: {  	[hbm4b:s5+s0] =	stream.linear.scatter @!p0 [tilespmem:s4], [sflag:$0x5], $0x4, $0x38;
	[tilespmem:$0x1F0E8] =	vst v63  }
0x37b: {  	s6 =	simm.s32 @!p0 $0x10;
	s5 =	simm.s32 $0x3659  }
.LBB3_33:
0x37c: {  	v0 =	vld.msk [tilespmem:s5+$0x0], $0x1;
	s2 =	sadd.s32 $0xFFFFFFFF, s2;
	s3 =	sadd.s32 s3, s6  }
0x37d: {  	p0 =	sne.s32 s2, $0x0;
	_ =	sdelay $0x3  }
0x37e: {  	(v2sf) =	vpush v0, $0x0;
	_ =	sdelay $0xe  }
.Ltmp35:
0x37f: {  	s0 =	spop (v2sf);
	(pc) =	sbr.rel @p0 .LBB3_33-.Ltmp35, $4  }
0x380: {  	s6 =	simm.s32 $0x0;
	p1 =	sgt.u32 s0, $0xC34FF  }
0x381: {  	s4 =	sadd.s32 $0x10, s4;
	s6 =	simm.s32 @!p1 $0x10;
	s7 =	sand.u32 @!p1 $0xFFFF8, s0  }
0x382: {  	s5 =	sadd.s32 $0x1, s5;
	s0 =	sand.u32 @!p1 $0x7, s0;
	s7 =	sadd.s32 @!p1 s1, s7  }
0x383: {  	[hbm4b:s7+s0] =	stream.linear.scatter @!p1 [tilespmem:s4], [sflag:$0x5], $0x4, $0x38;
	[tilespmem:$0x1F0E8] =	vst v63  }
.LBB3_34:
0x384: {  	s0 =	sadd.s32 s3, s6  }
0x385: {  	s3 =	sshrl.u32 s0, $0x2  }
.LBB3_35:
0x386: {  	s0 =	simm.s32 $0x5  }
0x387: {  	_ =	swait.ge [sflag:s0], s3  }
0x388: {  	s1 =	ssub.s32 $0x0, s3;
	[sflag:s0] =	ssyncset.done $0x0  }
0x389: {  	[sflag:s0] =	ssyncadd.s32 s1  }
0x38a: {  	[sflag:s0] =	ssyncpa.u1 $0x1  }
0x38b: {  	s30 =	simm.s32 $0x1;
	_ =	sfence  }
0x38c: {  	[sflag:s30] =	ssyncpa.u1 $0x1  }
0x38d: {  	_ =	strace $0x9000004A  }
0x38e: {  	[bflag:$0x2] =	sbarrier.arrive $0xFFFF  }
0x38f: {  	s31 =	rddreg [dreg:$0x1]  }
0x390: {  	s0 =	sadd.s32 $0x100000, s31  }
0x391: {  	[sflag:s0] =	ssyncadd.tile.s32 $0x1;
	_ =	shalt  }
.Lfunc_end3:
_tile_overlayer_lowered:
.L_overlay_start_3:
0x392: {  	(tag) =	ssettag $0x3  }
0x393: {  	s0 =	rddreg [dreg:$0x0];
	s2 =	stileid.u32  }
0x394: {  	s1 =	rddreg [dreg:$0x1];
	p0 =	sne.s32 s2, $0x0  }
0x395: {  	s3 =	rddreg [dreg:$0x2];
	[bflag:$0x3] =	sbarrier.arrive $0xFFFF;
	s2 =	simm.s32 @!p0 $0x1C01  }
0x396: {  	[timem:s3], [sflag:s2] =	dma.local @!p0 [hbm:s0], s1  }
0x397: {  	s0 =	simm.s32 @!p0 $0x1  }
0x398: {  	_ =	swait.ge @!p0 [sflag:s0], s1  }
0x399: {  	s1 =	ssub.s32 @!p0 $0x0, s1;
	[sflag:s0] =	ssyncset.done @!p0 $0x0  }
0x39a: {  	[sflag:s0] =	ssyncadd.s32 @!p0 s1  }
0x39b: {  	[bflag:$0x3] =	sbarrier.arrive $0xFFFF  }
0x39c: {  	_ =	shalt  }

</sc_bundles>
